<compile_context>
chip_gen: v7x
topology: tpu7x:2x2x1
jax: 0.10.2.dev20260603
libtpu: 0.0.44.dev20260713+nightly
codegen_flags: <defaults>
</compile_context>

<pallas_src>
import functools

import jax
import jax.numpy as jnp
from jax import lax
from jax.experimental import pallas as pl
from jax.experimental.pallas import tpu as pltpu
from jax.experimental.pallas import tpu_sc as plsc

T = 2048
D = 1024
F = 512
E = 8
BT = 256
P = T * 2 + E * BT
NB = P // BT
NBPAD = 32

NC, NS = 2, 16
NW = NC * NS
TW = T // NW
NG = T // 16
GW = NG // NW
CCH = 16
NEG = -3.0e38

_mesh = plsc.VectorSubcoreMesh(core_axis_name="c", subcore_axis_name="s")
_sc_params = pltpu.CompilerParams(needs_layout_passes=False)


@functools.partial(
    pl.kernel,
    out_type=[
        jax.ShapeDtypeStruct((P, D), jnp.float32),
        jax.ShapeDtypeStruct((NBPAD,), jnp.int32),
        jax.ShapeDtypeStruct((T,), jnp.int32),
        jax.ShapeDtypeStruct((T,), jnp.int32),
        jax.ShapeDtypeStruct((T,), jnp.float32),
        jax.ShapeDtypeStruct((T,), jnp.float32),
    ],
    mesh=_mesh,
    scratch_types=[
        pltpu.VMEM((E * T,), jnp.float32),
        pltpu.VMEM((T,), jnp.int32),
        pltpu.VMEM((T,), jnp.int32),
        pltpu.VMEM((TW,), jnp.int32),
        pltpu.VMEM((TW,), jnp.int32),
        pltpu.VMEM((TW,), jnp.float32),
        pltpu.VMEM((TW,), jnp.float32),
        pltpu.VMEM((NBPAD,), jnp.int32),
        pltpu.VMEM((TW, D), jnp.float32),
        pltpu.SemaphoreType.DMA,
        pltpu.SemaphoreType.DMA,
    ],
    compiler_params=_sc_params,
)
def _route_dispatch(logits_hbm, hidden_hbm,
                    xg_hbm, be_hbm, pos1_hbm, pos2_hbm, w1_hbm, w2_hbm,
                    lt_v, e1_v, e2_v, p1s_v, p2s_v, w1s_v, w2s_v,
                    be_v, rows_v, sem, sem_h):
    cid = lax.axis_index("c")
    sid = lax.axis_index("s")
    wid = sid * NC + cid
    own_lo = wid * GW
    lanes = lax.broadcasted_iota(jnp.int32, (16,), 0)
    zeros16 = jnp.zeros((16,), jnp.int32)

    hid_cp = pltpu.async_copy(hidden_hbm.at[pl.ds(wid * TW, TW)], rows_v, sem_h)
    pltpu.sync_copy(logits_hbm, lt_v)

    def scan_a(g, carry):
        hist, pref = carry
        base = g * 16
        le = [lt_v[pl.ds(e * T + base, 16)] for e in range(E)]
        m1 = le[0]
        for e in range(1, E):
            m1 = jnp.maximum(m1, le[e])
        i1 = jnp.full((16,), -1, jnp.int32)
        for e in range(E):
            i1 = jnp.where((le[e] == m1) & (i1 < 0), e, i1)
        m2 = jnp.full((16,), NEG, jnp.float32)
        l2 = []
        for e in range(E):
            v = jnp.where(i1 == e, NEG, le[e])
            l2.append(v)
            m2 = jnp.maximum(m2, v)
        i2 = jnp.full((16,), -1, jnp.int32)
        for e in range(E):
            i2 = jnp.where((l2[e] == m2) & (i2 < 0), e, i2)
        e1_v[pl.ds(base, 16)] = i1
        e2_v[pl.ds(base, 16)] = i2
        delta = zeros16
        for e in range(E):
            c = (plsc.all_reduce_population_count(i1 == e)
                 + plsc.all_reduce_population_count(i2 == e))
            delta = delta + jnp.where(lanes == e, c, 0)
        hist = hist + delta
        pref = pref + jnp.where(g < own_lo, delta, zeros16)
        return hist, pref
    hist, pref = lax.fori_loop(0, NG, scan_a, (zeros16, zeros16))

    starts = []
    nexts = []
    acc = jnp.int32(0)
    for e in range(E):
        starts.append(acc)
        acc = (acc + hist[e] + (BT - 1)) & jnp.int32(~(BT - 1))
        nexts.append(acc)

    for vb in range(NBPAD // 16):
        bb = (vb * 16 + lanes) * BT
        bev = zeros16
        for e in range(E - 1):
            bev = bev + jnp.where(bb >= nexts[e], 1, 0)
        if vb == NBPAD // 16 - 1:
            bev = jnp.where(lanes == 15, acc, bev)
        be_v[pl.ds(vb * 16, 16)] = bev

    @pl.when(wid == 0)
    def _():
        pltpu.sync_copy(be_v, be_hbm)

    runs = [starts[e] + pref[e] + zeros16 for e in range(E)]
    for k in range(GW):
        base = (own_lo + k) * 16
        le = [lt_v[pl.ds(e * T + base, 16)] for e in range(E)]
        i1 = e1_v[pl.ds(base, 16)]
        i2 = e2_v[pl.ds(base, 16)]
        m1 = jnp.full((16,), NEG, jnp.float32)
        m2 = jnp.full((16,), NEG, jnp.float32)
        for e in range(E):
            m1 = jnp.where(i1 == e, le[e], m1)
            m2 = jnp.where(i2 == e, le[e], m2)
        wa = 1.0 / (1.0 + jnp.exp(m2 - m1))
        w1s_v[pl.ds(k * 16, 16)] = wa
        w2s_v[pl.ds(k * 16, 16)] = 1.0 - wa
        p1vec = zeros16
        p2vec = zeros16
        for e in range(E):
            m = i1 == e
            cs = plsc.cumsum(m.astype(jnp.int32))
            p1vec = jnp.where(m, runs[e] + cs - 1, p1vec)
            runs[e] = runs[e] + plsc.all_reduce_population_count(m)
            m = i2 == e
            cs = plsc.cumsum(m.astype(jnp.int32))
            p2vec = jnp.where(m, runs[e] + cs - 1, p2vec)
            runs[e] = runs[e] + plsc.all_reduce_population_count(m)
        p1s_v[pl.ds(k * 16, 16)] = p1vec
        p2s_v[pl.ds(k * 16, 16)] = p2vec

    tb = wid * TW
    pltpu.sync_copy(p1s_v, pos1_hbm.at[pl.ds(tb, TW)])
    pltpu.sync_copy(p2s_v, pos2_hbm.at[pl.ds(tb, TW)])
    pltpu.sync_copy(w1s_v, w1_hbm.at[pl.ds(tb, TW)])
    pltpu.sync_copy(w2s_v, w2_hbm.at[pl.ds(tb, TW)])

    hid_cp.wait()
    c1 = pltpu.async_copy(rows_v, xg_hbm.at[p1s_v], sem)
    c2 = pltpu.async_copy(rows_v, xg_hbm.at[p2s_v], sem)
    c1.wait()
    c2.wait()


def _ffn_body(be_ref, x_ref, wg_ref, wu_ref, wd_ref, y_ref,
              wgb_ref, wub_ref, wdb_ref, flag_ref):
    i = pl.program_id(0)
    e = be_ref[i]
    active = i * BT < be_ref[NBPAD - 1]

    @pl.when(active & ((i == 0) | (e != flag_ref[0])))
    def _():
        wgb_ref[...] = wg_ref[0].astype(jnp.bfloat16)
        wub_ref[...] = wu_ref[0].astype(jnp.bfloat16)
        wdb_ref[...] = wd_ref[0].astype(jnp.bfloat16)
        flag_ref[0] = e

    @pl.when(active)
    def _():
        x = x_ref[...].astype(jnp.bfloat16)
        g = lax.dot_general(x, wgb_ref[...], (((1,), (1,)), ((), ())),
                            preferred_element_type=jnp.float32)
        u = lax.dot_general(x, wub_ref[...], (((1,), (1,)), ((), ())),
                            preferred_element_type=jnp.float32)
        h = (g * jax.nn.sigmoid(g) * u).astype(jnp.bfloat16)
        y_ref[...] = lax.dot_general(
            h, wdb_ref[...], (((1,), (1,)), ((), ())),
            preferred_element_type=jnp.float32)


def _expert_ffn(be, xg, Wg, Wu, Wd):
    grid_spec = pltpu.PrefetchScalarGridSpec(
        num_scalar_prefetch=1,
        grid=(NB,),
        in_specs=[
            pl.BlockSpec((BT, D), lambda i, be: (i, 0)),
            pl.BlockSpec((1, F, D), lambda i, be: (be[i], 0, 0)),
            pl.BlockSpec((1, F, D), lambda i, be: (be[i], 0, 0)),
            pl.BlockSpec((1, D, F), lambda i, be: (be[i], 0, 0)),
        ],
        out_specs=pl.BlockSpec((BT, D), lambda i, be: (i, 0)),
        scratch_shapes=[
            pltpu.VMEM((F, D), jnp.bfloat16),
            pltpu.VMEM((F, D), jnp.bfloat16),
            pltpu.VMEM((D, F), jnp.bfloat16),
            pltpu.SMEM((1,), jnp.int32),
        ],
    )
    return pl.pallas_call(
        _ffn_body,
        grid_spec=grid_spec,
        out_shape=jax.ShapeDtypeStruct((P, D), jnp.float32),
    )(be, xg, Wg, Wu, Wd)


@functools.partial(
    pl.kernel,
    out_type=jax.ShapeDtypeStruct((T, D), jnp.float32),
    mesh=_mesh,
    scratch_types=[
        pltpu.VMEM((TW,), jnp.int32),
        pltpu.VMEM((TW,), jnp.int32),
        pltpu.VMEM((TW,), jnp.float32),
        pltpu.VMEM((TW,), jnp.float32),
        pltpu.VMEM((CCH, D), jnp.float32),
        pltpu.VMEM((CCH, D), jnp.float32),
        pltpu.VMEM((CCH, D), jnp.float32),
        pltpu.VMEM((CCH, D), jnp.float32),
        pltpu.VMEM((CCH, D), jnp.float32),
        pltpu.VMEM((CCH, D), jnp.float32),
        pltpu.SemaphoreType.DMA,
        pltpu.SemaphoreType.DMA,
        pltpu.SemaphoreType.DMA,
    ],
    compiler_params=_sc_params,
)
def _combine(y_hbm, pos1_hbm, pos2_hbm, w1_hbm, w2_hbm, out_hbm,
             p1_v, p2_v, w1_v, w2_v, r1a_v, r2a_v, r1b_v, r2b_v,
             outa_v, outb_v, sem0, sem1, sem_o):
    cid = lax.axis_index("c")
    sid = lax.axis_index("s")
    wid = sid * NC + cid
    tb = wid * TW
    pltpu.sync_copy(pos1_hbm.at[pl.ds(tb, TW)], p1_v)
    pltpu.sync_copy(pos2_hbm.at[pl.ds(tb, TW)], p2_v)
    pltpu.sync_copy(w1_hbm.at[pl.ds(tb, TW)], w1_v)
    pltpu.sync_copy(w2_hbm.at[pl.ds(tb, TW)], w2_v)

    nch = TW // CCH
    r1 = [r1a_v, r1b_v]
    r2 = [r2a_v, r2b_v]
    sems = [sem0, sem1]

    def fire(ch, slot):
        a = pltpu.async_copy(y_hbm.at[p1_v.at[pl.ds(ch * CCH, CCH)]],
                             r1[slot], sems[slot])
        b = pltpu.async_copy(y_hbm.at[p2_v.at[pl.ds(ch * CCH, CCH)]],
                             r2[slot], sems[slot])
        return a, b

    outs = [outa_v, outb_v]
    pend = fire(0, 0)
    pend_out = [None, None]
    for ch in range(nch):
        slot = ch % 2
        pend[0].wait()
        pend[1].wait()
        if ch + 1 < nch:
            pend = fire(ch + 1, (ch + 1) % 2)
        if pend_out[slot] is not None:
            pend_out[slot].wait()
        wa = w1_v[pl.ds(ch * CCH, CCH)]
        wb = w2_v[pl.ds(ch * CCH, CCH)]
        out_v = outs[slot]

        def strip(j, _):
            for t in range(CCH):
                out_v[t, pl.ds(j * 16, 16)] = (
                    wa[t] * r1[slot][t, pl.ds(j * 16, 16)]
                    + wb[t] * r2[slot][t, pl.ds(j * 16, 16)])
            return 0
        lax.fori_loop(0, D // 16, strip, 0)
        pend_out[slot] = pltpu.async_copy(
            out_v, out_hbm.at[pl.ds(tb + ch * CCH, CCH)], sem_o)
    pend_out[0].wait()
    pend_out[1].wait()


def kernel(hidden_states, router_logits, Wg, Wu, Wd):
    logits_t = router_logits.T.reshape(E * T)
    xg, be, pos1, pos2, w1, w2 = _route_dispatch(logits_t, hidden_states)
    y = _expert_ffn(be, xg, Wg, Wu, Wd)
    return _combine(y, pos1, pos2, w1, w2)

# --- scband reference (transcript-rebuilt; emitter-appended) ---
"""Pipeline reference for scband-hybrid-mo-e-86277303042216 (READ-ONLY COPY).

The authoritative reference and input builder live on the scoring server;
editing this copy changes nothing except your own understanding.
"""

import jax, jax.numpy as jnp
import numpy as np

T = 2048        # tokens = batch * seq_len
D = 1024        # hidden_size
F = 512         # moe_intermediate_size
E = 8           # num_experts
TOP_K = 2


def setup_inputs(seed: int = 0) -> dict:
    key = jax.random.key(seed)
    k1, k2, k3, k4, k5 = jax.random.split(key, 5)
    hidden_states = jax.random.normal(k1, (T, D), dtype=jnp.float32)
    router_logits = jax.random.normal(k2, (T, E), dtype=jnp.float32)
    # per-expert SwiGLU FFN weights (gate_proj, up_proj, down_proj), torch Linear layout [out, in]
    scale_in = 1.0 / np.sqrt(D)
    scale_f = 1.0 / np.sqrt(F)
    Wg = jax.random.normal(k3, (E, F, D), dtype=jnp.float32) * scale_in
    Wu = jax.random.normal(k4, (E, F, D), dtype=jnp.float32) * scale_in
    Wd = jax.random.normal(k5, (E, D, F), dtype=jnp.float32) * scale_f
    return {"hidden_states": hidden_states, "router_logits": router_logits,
            "Wg": Wg, "Wu": Wu, "Wd": Wd}


def _silu(x):
    return x * jax.nn.sigmoid(x)


def reference(hidden_states, router_logits, Wg, Wu, Wd):
    # Router: softmax over experts (router_use_softmax=True), pick top_k,
    # renormalize selected probs (normalize_topk_prob=True).
    probs = jax.nn.softmax(router_logits.astype(jnp.float32), axis=-1)      # [T, E]
    topk_w, topk_idx = jax.lax.top_k(probs, TOP_K)                           # [T, K]
    topk_w = topk_w / jnp.sum(topk_w, axis=-1, keepdims=True)                # normalize_topk_prob
    # Dense combine weights: [T, E]
    onehot = jax.nn.one_hot(topk_idx, E, dtype=topk_w.dtype)                 # [T, K, E]
    combine = jnp.einsum('tk,tke->te', topk_w, onehot)                       # [T, E]
    # Expert SwiGLU FFN computed for all experts, masked/weighted by combine.
    g = jnp.einsum('td,efd->tef', hidden_states, Wg)                         # [T, E, F]
    u = jnp.einsum('td,efd->tef', hidden_states, Wu)                         # [T, E, F]
    h = _silu(g) * u                                                          # [T, E, F]
    y = jnp.einsum('tef,edf->ted', h, Wd)                                    # [T, E, D]
    out = jnp.einsum('te,ted->td', combine, y)                               # [T, D]
    return out

if __name__ == "__main__":
    import jax
    _d = setup_inputs()
    print(jax.jit(kernel)(*tuple(_d.values())))

</pallas_src>

<mosaic_0001>
#map = affine_map<(d0, d1) -> (0, 0)>
#map1 = affine_map<(d0, d1) -> (0)>
module attributes {stable_mosaic.version = 14 : i64} {
  func.func @_combine(%arg0: i32, %arg1: i32, %arg2: memref<6144x1024xf32, #tpu.memory_space<hbm>>, %arg3: memref<2048xi32, #tpu.memory_space<hbm>>, %arg4: memref<2048xi32, #tpu.memory_space<hbm>>, %arg5: memref<2048xf32, #tpu.memory_space<hbm>>, %arg6: memref<2048xf32, #tpu.memory_space<hbm>>, %arg7: memref<2048x1024xf32, #tpu.memory_space<hbm>>, %arg8: memref<64xi32, #tpu.memory_space<vmem>>, %arg9: memref<64xi32, #tpu.memory_space<vmem>>, %arg10: memref<64xf32, #tpu.memory_space<vmem>>, %arg11: memref<64xf32, #tpu.memory_space<vmem>>, %arg12: memref<16x1024xf32, #tpu.memory_space<vmem>>, %arg13: memref<16x1024xf32, #tpu.memory_space<vmem>>, %arg14: memref<16x1024xf32, #tpu.memory_space<vmem>>, %arg15: memref<16x1024xf32, #tpu.memory_space<vmem>>, %arg16: memref<16x1024xf32, #tpu.memory_space<vmem>>, %arg17: memref<16x1024xf32, #tpu.memory_space<vmem>>, %arg18: memref<!tpu.dma_semaphore, #tpu.memory_space<semaphore_mem>>, %arg19: memref<!tpu.dma_semaphore, #tpu.memory_space<semaphore_mem>>, %arg20: memref<!tpu.dma_semaphore, #tpu.memory_space<semaphore_mem>>) attributes {dimension_semantics = [#tpu.dimension_semantics<core_parallel>, #tpu.dimension_semantics<subcore_parallel>], iteration_bounds = array<i64: 2, 16>, scalar_prefetch = 0 : i64, scratch_operands = 13 : i64, tpu.core_type = #tpu.core_type<sc_vector_subcore>, window_params = [{transform_indices = #map}, {transform_indices = #map1}, {transform_indices = #map1}, {transform_indices = #map1}, {transform_indices = #map1}, {transform_indices = #map}]} {
    %mul3A = arith.constant 2 : i32
    %mul3A_0 = arith.muli %arg1, %mul3A : i32
    %add3A = arith.addi %mul3A_0, %arg0 : i32
    %mul3A_1 = arith.constant 64 : i32
    %mul3A_2 = arith.muli %add3A, %mul3A_1 : i32
    "tpu.region"() ({
      %run_scoped3A = tpu.sem_alloc : memref<!tpu.dma_semaphore, #tpu.memory_space<semaphore_mem>>
      %dma_start3A_163 = tpu.memref_slice %arg3[%mul3A_2] : memref<2048xi32, #tpu.memory_space<hbm>> -> memref<64xi32, #tpu.memory_space<hbm>>
      %dma_start3A_164 = tpu.memref_slice %arg3[%mul3A_2] : memref<2048xi32, #tpu.memory_space<hbm>> -> memref<64xi32, #tpu.memory_space<hbm>>
      tpu.enqueue_dma source(%dma_start3A_164 : memref<64xi32, #tpu.memory_space<hbm>>) target(%arg8 : memref<64xi32, #tpu.memory_space<vmem>>) target_semaphore(%run_scoped3A : memref<!tpu.dma_semaphore, #tpu.memory_space<semaphore_mem>>)
      %dma_wait3A_165 = tpu.memref_slice %arg3[%mul3A_2] : memref<2048xi32, #tpu.memory_space<hbm>> -> memref<64xi32, #tpu.memory_space<hbm>>
      %dma_wait3A_166 = tpu.memref_slice %arg3[%mul3A_2] : memref<2048xi32, #tpu.memory_space<hbm>> -> memref<64xi32, #tpu.memory_space<hbm>>
      tpu.wait_dma2 semaphore(%run_scoped3A : memref<!tpu.dma_semaphore, #tpu.memory_space<semaphore_mem>>) src(%dma_wait3A_166 : memref<64xi32, #tpu.memory_space<hbm>>) dst(%arg8 : memref<64xi32, #tpu.memory_space<vmem>>)
      tpu.yield
    }) : () -> ()
    "tpu.region"() ({
      %run_scoped3A = tpu.sem_alloc : memref<!tpu.dma_semaphore, #tpu.memory_space<semaphore_mem>>
      %dma_start3A_163 = tpu.memref_slice %arg4[%mul3A_2] : memref<2048xi32, #tpu.memory_space<hbm>> -> memref<64xi32, #tpu.memory_space<hbm>>
      %dma_start3A_164 = tpu.memref_slice %arg4[%mul3A_2] : memref<2048xi32, #tpu.memory_space<hbm>> -> memref<64xi32, #tpu.memory_space<hbm>>
      tpu.enqueue_dma source(%dma_start3A_164 : memref<64xi32, #tpu.memory_space<hbm>>) target(%arg9 : memref<64xi32, #tpu.memory_space<vmem>>) target_semaphore(%run_scoped3A : memref<!tpu.dma_semaphore, #tpu.memory_space<semaphore_mem>>)
      %dma_wait3A_165 = tpu.memref_slice %arg4[%mul3A_2] : memref<2048xi32, #tpu.memory_space<hbm>> -> memref<64xi32, #tpu.memory_space<hbm>>
      %dma_wait3A_166 = tpu.memref_slice %arg4[%mul3A_2] : memref<2048xi32, #tpu.memory_space<hbm>> -> memref<64xi32, #tpu.memory_space<hbm>>
      tpu.wait_dma2 semaphore(%run_scoped3A : memref<!tpu.dma_semaphore, #tpu.memory_space<semaphore_mem>>) src(%dma_wait3A_166 : memref<64xi32, #tpu.memory_space<hbm>>) dst(%arg9 : memref<64xi32, #tpu.memory_space<vmem>>)
      tpu.yield
    }) : () -> ()
    "tpu.region"() ({
      %run_scoped3A = tpu.sem_alloc : memref<!tpu.dma_semaphore, #tpu.memory_space<semaphore_mem>>
      %dma_start3A_163 = tpu.memref_slice %arg5[%mul3A_2] : memref<2048xf32, #tpu.memory_space<hbm>> -> memref<64xf32, #tpu.memory_space<hbm>>
      %dma_start3A_164 = tpu.memref_slice %arg5[%mul3A_2] : memref<2048xf32, #tpu.memory_space<hbm>> -> memref<64xf32, #tpu.memory_space<hbm>>
      tpu.enqueue_dma source(%dma_start3A_164 : memref<64xf32, #tpu.memory_space<hbm>>) target(%arg10 : memref<64xf32, #tpu.memory_space<vmem>>) target_semaphore(%run_scoped3A : memref<!tpu.dma_semaphore, #tpu.memory_space<semaphore_mem>>)
      %dma_wait3A_165 = tpu.memref_slice %arg5[%mul3A_2] : memref<2048xf32, #tpu.memory_space<hbm>> -> memref<64xf32, #tpu.memory_space<hbm>>
      %dma_wait3A_166 = tpu.memref_slice %arg5[%mul3A_2] : memref<2048xf32, #tpu.memory_space<hbm>> -> memref<64xf32, #tpu.memory_space<hbm>>
      tpu.wait_dma2 semaphore(%run_scoped3A : memref<!tpu.dma_semaphore, #tpu.memory_space<semaphore_mem>>) src(%dma_wait3A_166 : memref<64xf32, #tpu.memory_space<hbm>>) dst(%arg10 : memref<64xf32, #tpu.memory_space<vmem>>)
      tpu.yield
    }) : () -> ()
    "tpu.region"() ({
      %run_scoped3A = tpu.sem_alloc : memref<!tpu.dma_semaphore, #tpu.memory_space<semaphore_mem>>
      %dma_start3A_163 = tpu.memref_slice %arg6[%mul3A_2] : memref<2048xf32, #tpu.memory_space<hbm>> -> memref<64xf32, #tpu.memory_space<hbm>>
      %dma_start3A_164 = tpu.memref_slice %arg6[%mul3A_2] : memref<2048xf32, #tpu.memory_space<hbm>> -> memref<64xf32, #tpu.memory_space<hbm>>
      tpu.enqueue_dma source(%dma_start3A_164 : memref<64xf32, #tpu.memory_space<hbm>>) target(%arg11 : memref<64xf32, #tpu.memory_space<vmem>>) target_semaphore(%run_scoped3A : memref<!tpu.dma_semaphore, #tpu.memory_space<semaphore_mem>>)
      %dma_wait3A_165 = tpu.memref_slice %arg6[%mul3A_2] : memref<2048xf32, #tpu.memory_space<hbm>> -> memref<64xf32, #tpu.memory_space<hbm>>
      %dma_wait3A_166 = tpu.memref_slice %arg6[%mul3A_2] : memref<2048xf32, #tpu.memory_space<hbm>> -> memref<64xf32, #tpu.memory_space<hbm>>
      tpu.wait_dma2 semaphore(%run_scoped3A : memref<!tpu.dma_semaphore, #tpu.memory_space<semaphore_mem>>) src(%dma_wait3A_166 : memref<64xf32, #tpu.memory_space<hbm>>) dst(%arg11 : memref<64xf32, #tpu.memory_space<vmem>>)
      tpu.yield
    }) : () -> ()
    %dma_start3A = arith.constant 0 : i32
    %dma_start3A_3 = tpu.memref_slice %arg8[%dma_start3A] : memref<64xi32, #tpu.memory_space<vmem>> -> memref<16xi32, #tpu.memory_space<vmem>>
    %dma_start3A_4 = arith.constant 0 : i32
    %dma_start3A_5 = arith.constant 0 : i32
    %dma_start3A_6 = tpu.memref_slice %arg2[%dma_start3A_4, %dma_start3A_5] : memref<6144x1024xf32, #tpu.memory_space<hbm>> -> memref<6144x1024xf32, #tpu.memory_space<hbm>>
    tpu.enqueue_indirect_dma source(%dma_start3A_6 : memref<6144x1024xf32, #tpu.memory_space<hbm>>) target(%arg12 : memref<16x1024xf32, #tpu.memory_space<vmem>>) offsets(%dma_start3A_3 : memref<16xi32, #tpu.memory_space<vmem>>) semaphore(%arg18 : memref<!tpu.dma_semaphore, #tpu.memory_space<semaphore_mem>>)
    %dma_start3A_7 = arith.constant 0 : i32
    %dma_start3A_8 = tpu.memref_slice %arg9[%dma_start3A_7] : memref<64xi32, #tpu.memory_space<vmem>> -> memref<16xi32, #tpu.memory_space<vmem>>
    %dma_start3A_9 = arith.constant 0 : i32
    %dma_start3A_10 = arith.constant 0 : i32
    %dma_start3A_11 = tpu.memref_slice %arg2[%dma_start3A_9, %dma_start3A_10] : memref<6144x1024xf32, #tpu.memory_space<hbm>> -> memref<6144x1024xf32, #tpu.memory_space<hbm>>
    tpu.enqueue_indirect_dma source(%dma_start3A_11 : memref<6144x1024xf32, #tpu.memory_space<hbm>>) target(%arg13 : memref<16x1024xf32, #tpu.memory_space<vmem>>) offsets(%dma_start3A_8 : memref<16xi32, #tpu.memory_space<vmem>>) semaphore(%arg18 : memref<!tpu.dma_semaphore, #tpu.memory_space<semaphore_mem>>)
    %dma_wait3A = arith.constant 0 : i32
    %dma_wait3A_12 = tpu.memref_slice %arg8[%dma_wait3A] : memref<64xi32, #tpu.memory_space<vmem>> -> memref<16xi32, #tpu.memory_space<vmem>>
    %dma_wait3A_13 = arith.constant 0 : i32
    %dma_wait3A_14 = arith.constant 0 : i32
    %dma_wait3A_15 = tpu.memref_slice %arg2[%dma_wait3A_13, %dma_wait3A_14] : memref<6144x1024xf32, #tpu.memory_space<hbm>> -> memref<6144x1024xf32, #tpu.memory_space<hbm>>
    tpu.wait_indirect_dma semaphore(%arg18 : memref<!tpu.dma_semaphore, #tpu.memory_space<semaphore_mem>>) src(%dma_wait3A_15 : memref<6144x1024xf32, #tpu.memory_space<hbm>>) dst(%arg12 : memref<16x1024xf32, #tpu.memory_space<vmem>>)
    %dma_wait3A_16 = arith.constant 0 : i32
    %dma_wait3A_17 = tpu.memref_slice %arg9[%dma_wait3A_16] : memref<64xi32, #tpu.memory_space<vmem>> -> memref<16xi32, #tpu.memory_space<vmem>>
    %dma_wait3A_18 = arith.constant 0 : i32
    %dma_wait3A_19 = arith.constant 0 : i32
    %dma_wait3A_20 = tpu.memref_slice %arg2[%dma_wait3A_18, %dma_wait3A_19] : memref<6144x1024xf32, #tpu.memory_space<hbm>> -> memref<6144x1024xf32, #tpu.memory_space<hbm>>
    tpu.wait_indirect_dma semaphore(%arg18 : memref<!tpu.dma_semaphore, #tpu.memory_space<semaphore_mem>>) src(%dma_wait3A_20 : memref<6144x1024xf32, #tpu.memory_space<hbm>>) dst(%arg13 : memref<16x1024xf32, #tpu.memory_space<vmem>>)
    %dma_start3A_21 = arith.constant 16 : i32
    %dma_start3A_22 = tpu.memref_slice %arg8[%dma_start3A_21] : memref<64xi32, #tpu.memory_space<vmem>> -> memref<16xi32, #tpu.memory_space<vmem>>
    %dma_start3A_23 = arith.constant 0 : i32
    %dma_start3A_24 = arith.constant 0 : i32
    %dma_start3A_25 = tpu.memref_slice %arg2[%dma_start3A_23, %dma_start3A_24] : memref<6144x1024xf32, #tpu.memory_space<hbm>> -> memref<6144x1024xf32, #tpu.memory_space<hbm>>
    tpu.enqueue_indirect_dma source(%dma_start3A_25 : memref<6144x1024xf32, #tpu.memory_space<hbm>>) target(%arg14 : memref<16x1024xf32, #tpu.memory_space<vmem>>) offsets(%dma_start3A_22 : memref<16xi32, #tpu.memory_space<vmem>>) semaphore(%arg19 : memref<!tpu.dma_semaphore, #tpu.memory_space<semaphore_mem>>)
    %dma_start3A_26 = arith.constant 16 : i32
    %dma_start3A_27 = tpu.memref_slice %arg9[%dma_start3A_26] : memref<64xi32, #tpu.memory_space<vmem>> -> memref<16xi32, #tpu.memory_space<vmem>>
    %dma_start3A_28 = arith.constant 0 : i32
    %dma_start3A_29 = arith.constant 0 : i32
    %dma_start3A_30 = tpu.memref_slice %arg2[%dma_start3A_28, %dma_start3A_29] : memref<6144x1024xf32, #tpu.memory_space<hbm>> -> memref<6144x1024xf32, #tpu.memory_space<hbm>>
    tpu.enqueue_indirect_dma source(%dma_start3A_30 : memref<6144x1024xf32, #tpu.memory_space<hbm>>) target(%arg15 : memref<16x1024xf32, #tpu.memory_space<vmem>>) offsets(%dma_start3A_27 : memref<16xi32, #tpu.memory_space<vmem>>) semaphore(%arg19 : memref<!tpu.dma_semaphore, #tpu.memory_space<semaphore_mem>>)
    %get3A = arith.constant 0 : index
    %get3A_31 = tpu.vector_load %arg10[%get3A] {strides = array<i32>} : memref<64xf32, #tpu.memory_space<vmem>>, vector<16xf32>,
    %get3A_32 = arith.constant 0 : index
    %get3A_33 = tpu.vector_load %arg11[%get3A_32] {strides = array<i32>} : memref<64xf32, #tpu.memory_space<vmem>>, vector<16xf32>,
    %scan3A = arith.constant 0 : i32
    %scan3A_34 = arith.constant 0 : i32
    %scan3A_35 = arith.constant 64 : i32
    %scan3A_36 = arith.addi %scan3A_34, %scan3A_35 : i32
    %scan3A_37 = arith.constant 1 : i32
    %scan3A_38 = scf.for %scan3A_163 = %scan3A_34 to %scan3A_36 step %scan3A_37 iter_args(%scan3A_164 = %scan3A) -> (i32)  : i32 {
      %slice3A = vector.extract_strided_slice %get3A_31 {offsets = [0], sizes = [1], strides = [1]} : vector<16xf32> to vector<1xf32>
      %squeeze3A = vector.extract %slice3A[0] : f32 from vector<1xf32>
      %mul3A_165 = arith.constant 16 : i32
      %mul3A_166 = arith.muli %scan3A_163, %mul3A_165 : i32
      %get3A_167 = arith.constant 0 : i32
      %get3A_168 = arith.index_cast %get3A_167 : i32 to index
      %get3A_169 = arith.index_cast %mul3A_166 : i32 to index
      %get3A_170 = tpu.vector_load %arg12[%get3A_168, %get3A_169] {strides = array<i32>} : memref<16x1024xf32, #tpu.memory_space<vmem>>, vector<16xf32>,
      %mul3A_171 = vector.broadcast %squeeze3A : f32 to vector<16xf32>
      %mul3A_172 = arith.mulf %mul3A_171, %get3A_170 : vector<16xf32>
      %slice3A_173 = vector.extract_strided_slice %get3A_33 {offsets = [0], sizes = [1], strides = [1]} : vector<16xf32> to vector<1xf32>
      %squeeze3A_174 = vector.extract %slice3A_173[0] : f32 from vector<1xf32>
      %mul3A_175 = arith.constant 16 : i32
      %mul3A_176 = arith.muli %scan3A_163, %mul3A_175 : i32
      %get3A_177 = arith.constant 0 : i32
      %get3A_178 = arith.index_cast %get3A_177 : i32 to index
      %get3A_179 = arith.index_cast %mul3A_176 : i32 to index
      %get3A_180 = tpu.vector_load %arg13[%get3A_178, %get3A_179] {strides = array<i32>} : memref<16x1024xf32, #tpu.memory_space<vmem>>, vector<16xf32>,
      %mul3A_181 = vector.broadcast %squeeze3A_174 : f32 to vector<16xf32>
      %mul3A_182 = arith.mulf %mul3A_181, %get3A_180 : vector<16xf32>
      %add3A_183 = arith.addf %mul3A_172, %mul3A_182 : vector<16xf32>
      %mul3A_184 = arith.constant 16 : i32
      %mul3A_185 = arith.muli %scan3A_163, %mul3A_184 : i32
      %swap3A = arith.constant 0 : i32
      %swap3A_186 = arith.index_cast %swap3A : i32 to index
      %swap3A_187 = arith.index_cast %mul3A_185 : i32 to index
      %swap3A_188 = tpu.vector_load %arg16[%swap3A_186, %swap3A_187] {strides = array<i32>} : memref<16x1024xf32, #tpu.memory_space<vmem>>, vector<16xf32>,
      tpu.vector_store %arg16[%swap3A_186, %swap3A_187], %add3A_183 {strides = array<i32>} : memref<16x1024xf32, #tpu.memory_space<vmem>>, vector<16xf32>,
      %slice3A_189 = vector.extract_strided_slice %get3A_31 {offsets = [1], sizes = [1], strides = [1]} : vector<16xf32> to vector<1xf32>
      %squeeze3A_190 = vector.extract %slice3A_189[0] : f32 from vector<1xf32>
      %mul3A_191 = arith.constant 16 : i32
      %mul3A_192 = arith.muli %scan3A_163, %mul3A_191 : i32
      %get3A_193 = arith.constant 1 : i32
      %get3A_194 = arith.index_cast %get3A_193 : i32 to index
      %get3A_195 = arith.index_cast %mul3A_192 : i32 to index
      %get3A_196 = tpu.vector_load %arg12[%get3A_194, %get3A_195] {strides = array<i32>} : memref<16x1024xf32, #tpu.memory_space<vmem>>, vector<16xf32>,
      %mul3A_197 = vector.broadcast %squeeze3A_190 : f32 to vector<16xf32>
      %mul3A_198 = arith.mulf %mul3A_197, %get3A_196 : vector<16xf32>
      %slice3A_199 = vector.extract_strided_slice %get3A_33 {offsets = [1], sizes = [1], strides = [1]} : vector<16xf32> to vector<1xf32>
      %squeeze3A_200 = vector.extract %slice3A_199[0] : f32 from vector<1xf32>
      %mul3A_201 = arith.constant 16 : i32
      %mul3A_202 = arith.muli %scan3A_163, %mul3A_201 : i32
      %get3A_203 = arith.constant 1 : i32
      %get3A_204 = arith.index_cast %get3A_203 : i32 to index
      %get3A_205 = arith.index_cast %mul3A_202 : i32 to index
      %get3A_206 = tpu.vector_load %arg13[%get3A_204, %get3A_205] {strides = array<i32>} : memref<16x1024xf32, #tpu.memory_space<vmem>>, vector<16xf32>,
      %mul3A_207 = vector.broadcast %squeeze3A_200 : f32 to vector<16xf32>
      %mul3A_208 = arith.mulf %mul3A_207, %get3A_206 : vector<16xf32>
      %add3A_209 = arith.addf %mul3A_198, %mul3A_208 : vector<16xf32>
      %mul3A_210 = arith.constant 16 : i32
      %mul3A_211 = arith.muli %scan3A_163, %mul3A_210 : i32
      %swap3A_212 = arith.constant 1 : i32
      %swap3A_213 = arith.index_cast %swap3A_212 : i32 to index
      %swap3A_214 = arith.index_cast %mul3A_211 : i32 to index
      %swap3A_215 = tpu.vector_load %arg16[%swap3A_213, %swap3A_214] {strides = array<i32>} : memref<16x1024xf32, #tpu.memory_space<vmem>>, vector<16xf32>,
      tpu.vector_store %arg16[%swap3A_213, %swap3A_214], %add3A_209 {strides = array<i32>} : memref<16x1024xf32, #tpu.memory_space<vmem>>, vector<16xf32>,
      %slice3A_216 = vector.extract_strided_slice %get3A_31 {offsets = [2], sizes = [1], strides = [1]} : vector<16xf32> to vector<1xf32>
      %squeeze3A_217 = vector.extract %slice3A_216[0] : f32 from vector<1xf32>
      %mul3A_218 = arith.constant 16 : i32
      %mul3A_219 = arith.muli %scan3A_163, %mul3A_218 : i32
      %get3A_220 = arith.constant 2 : i32
      %get3A_221 = arith.index_cast %get3A_220 : i32 to index
      %get3A_222 = arith.index_cast %mul3A_219 : i32 to index
      %get3A_223 = tpu.vector_load %arg12[%get3A_221, %get3A_222] {strides = array<i32>} : memref<16x1024xf32, #tpu.memory_space<vmem>>, vector<16xf32>,
      %mul3A_224 = vector.broadcast %squeeze3A_217 : f32 to vector<16xf32>
      %mul3A_225 = arith.mulf %mul3A_224, %get3A_223 : vector<16xf32>
      %slice3A_226 = vector.extract_strided_slice %get3A_33 {offsets = [2], sizes = [1], strides = [1]} : vector<16xf32> to vector<1xf32>
      %squeeze3A_227 = vector.extract %slice3A_226[0] : f32 from vector<1xf32>
      %mul3A_228 = arith.constant 16 : i32
      %mul3A_229 = arith.muli %scan3A_163, %mul3A_228 : i32
      %get3A_230 = arith.constant 2 : i32
      %get3A_231 = arith.index_cast %get3A_230 : i32 to index
      %get3A_232 = arith.index_cast %mul3A_229 : i32 to index
      %get3A_233 = tpu.vector_load %arg13[%get3A_231, %get3A_232] {strides = array<i32>} : memref<16x1024xf32, #tpu.memory_space<vmem>>, vector<16xf32>,
      %mul3A_234 = vector.broadcast %squeeze3A_227 : f32 to vector<16xf32>
      %mul3A_235 = arith.mulf %mul3A_234, %get3A_233 : vector<16xf32>
      %add3A_236 = arith.addf %mul3A_225, %mul3A_235 : vector<16xf32>
      %mul3A_237 = arith.constant 16 : i32
      %mul3A_238 = arith.muli %scan3A_163, %mul3A_237 : i32
      %swap3A_239 = arith.constant 2 : i32
      %swap3A_240 = arith.index_cast %swap3A_239 : i32 to index
      %swap3A_241 = arith.index_cast %mul3A_238 : i32 to index
      %swap3A_242 = tpu.vector_load %arg16[%swap3A_240, %swap3A_241] {strides = array<i32>} : memref<16x1024xf32, #tpu.memory_space<vmem>>, vector<16xf32>,
      tpu.vector_store %arg16[%swap3A_240, %swap3A_241], %add3A_236 {strides = array<i32>} : memref<16x1024xf32, #tpu.memory_space<vmem>>, vector<16xf32>,
      %slice3A_243 = vector.extract_strided_slice %get3A_31 {offsets = [3], sizes = [1], strides = [1]} : vector<16xf32> to vector<1xf32>
      %squeeze3A_244 = vector.extract %slice3A_243[0] : f32 from vector<1xf32>
      %mul3A_245 = arith.constant 16 : i32
      %mul3A_246 = arith.muli %scan3A_163, %mul3A_245 : i32
      %get3A_247 = arith.constant 3 : i32
      %get3A_248 = arith.index_cast %get3A_247 : i32 to index
      %get3A_249 = arith.index_cast %mul3A_246 : i32 to index
      %get3A_250 = tpu.vector_load %arg12[%get3A_248, %get3A_249] {strides = array<i32>} : memref<16x1024xf32, #tpu.memory_space<vmem>>, vector<16xf32>,
      %mul3A_251 = vector.broadcast %squeeze3A_244 : f32 to vector<16xf32>
      %mul3A_252 = arith.mulf %mul3A_251, %get3A_250 : vector<16xf32>
      %slice3A_253 = vector.extract_strided_slice %get3A_33 {offsets = [3], sizes = [1], strides = [1]} : vector<16xf32> to vector<1xf32>
      %squeeze3A_254 = vector.extract %slice3A_253[0] : f32 from vector<1xf32>
      %mul3A_255 = arith.constant 16 : i32
      %mul3A_256 = arith.muli %scan3A_163, %mul3A_255 : i32
      %get3A_257 = arith.constant 3 : i32
      %get3A_258 = arith.index_cast %get3A_257 : i32 to index
      %get3A_259 = arith.index_cast %mul3A_256 : i32 to index
      %get3A_260 = tpu.vector_load %arg13[%get3A_258, %get3A_259] {strides = array<i32>} : memref<16x1024xf32, #tpu.memory_space<vmem>>, vector<16xf32>,
      %mul3A_261 = vector.broadcast %squeeze3A_254 : f32 to vector<16xf32>
      %mul3A_262 = arith.mulf %mul3A_261, %get3A_260 : vector<16xf32>
      %add3A_263 = arith.addf %mul3A_252, %mul3A_262 : vector<16xf32>
      %mul3A_264 = arith.constant 16 : i32
      %mul3A_265 = arith.muli %scan3A_163, %mul3A_264 : i32
      %swap3A_266 = arith.constant 3 : i32
      %swap3A_267 = arith.index_cast %swap3A_266 : i32 to index
      %swap3A_268 = arith.index_cast %mul3A_265 : i32 to index
      %swap3A_269 = tpu.vector_load %arg16[%swap3A_267, %swap3A_268] {strides = array<i32>} : memref<16x1024xf32, #tpu.memory_space<vmem>>, vector<16xf32>,
      tpu.vector_store %arg16[%swap3A_267, %swap3A_268], %add3A_263 {strides = array<i32>} : memref<16x1024xf32, #tpu.memory_space<vmem>>, vector<16xf32>,
      %slice3A_270 = vector.extract_strided_slice %get3A_31 {offsets = [4], sizes = [1], strides = [1]} : vector<16xf32> to vector<1xf32>
      %squeeze3A_271 = vector.extract %slice3A_270[0] : f32 from vector<1xf32>
      %mul3A_272 = arith.constant 16 : i32
      %mul3A_273 = arith.muli %scan3A_163, %mul3A_272 : i32
      %get3A_274 = arith.constant 4 : i32
      %get3A_275 = arith.index_cast %get3A_274 : i32 to index
      %get3A_276 = arith.index_cast %mul3A_273 : i32 to index
      %get3A_277 = tpu.vector_load %arg12[%get3A_275, %get3A_276] {strides = array<i32>} : memref<16x1024xf32, #tpu.memory_space<vmem>>, vector<16xf32>,
      %mul3A_278 = vector.broadcast %squeeze3A_271 : f32 to vector<16xf32>
      %mul3A_279 = arith.mulf %mul3A_278, %get3A_277 : vector<16xf32>
      %slice3A_280 = vector.extract_strided_slice %get3A_33 {offsets = [4], sizes = [1], strides = [1]} : vector<16xf32> to vector<1xf32>
      %squeeze3A_281 = vector.extract %slice3A_280[0] : f32 from vector<1xf32>
      %mul3A_282 = arith.constant 16 : i32
      %mul3A_283 = arith.muli %scan3A_163, %mul3A_282 : i32
      %get3A_284 = arith.constant 4 : i32
      %get3A_285 = arith.index_cast %get3A_284 : i32 to index
      %get3A_286 = arith.index_cast %mul3A_283 : i32 to index
      %get3A_287 = tpu.vector_load %arg13[%get3A_285, %get3A_286] {strides = array<i32>} : memref<16x1024xf32, #tpu.memory_space<vmem>>, vector<16xf32>,
      %mul3A_288 = vector.broadcast %squeeze3A_281 : f32 to vector<16xf32>
      %mul3A_289 = arith.mulf %mul3A_288, %get3A_287 : vector<16xf32>
      %add3A_290 = arith.addf %mul3A_279, %mul3A_289 : vector<16xf32>
      %mul3A_291 = arith.constant 16 : i32
      %mul3A_292 = arith.muli %scan3A_163, %mul3A_291 : i32
      %swap3A_293 = arith.constant 4 : i32
      %swap3A_294 = arith.index_cast %swap3A_293 : i32 to index
      %swap3A_295 = arith.index_cast %mul3A_292 : i32 to index
      %swap3A_296 = tpu.vector_load %arg16[%swap3A_294, %swap3A_295] {strides = array<i32>} : memref<16x1024xf32, #tpu.memory_space<vmem>>, vector<16xf32>,
      tpu.vector_store %arg16[%swap3A_294, %swap3A_295], %add3A_290 {strides = array<i32>} : memref<16x1024xf32, #tpu.memory_space<vmem>>, vector<16xf32>,
      %slice3A_297 = vector.extract_strided_slice %get3A_31 {offsets = [5], sizes = [1], strides = [1]} : vector<16xf32> to vector<1xf32>
      %squeeze3A_298 = vector.extract %slice3A_297[0] : f32 from vector<1xf32>
      %mul3A_299 = arith.constant 16 : i32
      %mul3A_300 = arith.muli %scan3A_163, %mul3A_299 : i32
      %get3A_301 = arith.constant 5 : i32
      %get3A_302 = arith.index_cast %get3A_301 : i32 to index
      %get3A_303 = arith.index_cast %mul3A_300 : i32 to index
      %get3A_304 = tpu.vector_load %arg12[%get3A_302, %get3A_303] {strides = array<i32>} : memref<16x1024xf32, #tpu.memory_space<vmem>>, vector<16xf32>,
      %mul3A_305 = vector.broadcast %squeeze3A_298 : f32 to vector<16xf32>
      %mul3A_306 = arith.mulf %mul3A_305, %get3A_304 : vector<16xf32>
      %slice3A_307 = vector.extract_strided_slice %get3A_33 {offsets = [5], sizes = [1], strides = [1]} : vector<16xf32> to vector<1xf32>
      %squeeze3A_308 = vector.extract %slice3A_307[0] : f32 from vector<1xf32>
      %mul3A_309 = arith.constant 16 : i32
      %mul3A_310 = arith.muli %scan3A_163, %mul3A_309 : i32
      %get3A_311 = arith.constant 5 : i32
      %get3A_312 = arith.index_cast %get3A_311 : i32 to index
      %get3A_313 = arith.index_cast %mul3A_310 : i32 to index
      %get3A_314 = tpu.vector_load %arg13[%get3A_312, %get3A_313] {strides = array<i32>} : memref<16x1024xf32, #tpu.memory_space<vmem>>, vector<16xf32>,
      %mul3A_315 = vector.broadcast %squeeze3A_308 : f32 to vector<16xf32>
      %mul3A_316 = arith.mulf %mul3A_315, %get3A_314 : vector<16xf32>
      %add3A_317 = arith.addf %mul3A_306, %mul3A_316 : vector<16xf32>
      %mul3A_318 = arith.constant 16 : i32
      %mul3A_319 = arith.muli %scan3A_163, %mul3A_318 : i32
      %swap3A_320 = arith.constant 5 : i32
      %swap3A_321 = arith.index_cast %swap3A_320 : i32 to index
      %swap3A_322 = arith.index_cast %mul3A_319 : i32 to index
      %swap3A_323 = tpu.vector_load %arg16[%swap3A_321, %swap3A_322] {strides = array<i32>} : memref<16x1024xf32, #tpu.memory_space<vmem>>, vector<16xf32>,
      tpu.vector_store %arg16[%swap3A_321, %swap3A_322], %add3A_317 {strides = array<i32>} : memref<16x1024xf32, #tpu.memory_space<vmem>>, vector<16xf32>,
      %slice3A_324 = vector.extract_strided_slice %get3A_31 {offsets = [6], sizes = [1], strides = [1]} : vector<16xf32> to vector<1xf32>
      %squeeze3A_325 = vector.extract %slice3A_324[0] : f32 from vector<1xf32>
      %mul3A_326 = arith.constant 16 : i32
      %mul3A_327 = arith.muli %scan3A_163, %mul3A_326 : i32
      %get3A_328 = arith.constant 6 : i32
      %get3A_329 = arith.index_cast %get3A_328 : i32 to index
      %get3A_330 = arith.index_cast %mul3A_327 : i32 to index
      %get3A_331 = tpu.vector_load %arg12[%get3A_329, %get3A_330] {strides = array<i32>} : memref<16x1024xf32, #tpu.memory_space<vmem>>, vector<16xf32>,
      %mul3A_332 = vector.broadcast %squeeze3A_325 : f32 to vector<16xf32>
      %mul3A_333 = arith.mulf %mul3A_332, %get3A_331 : vector<16xf32>
      %slice3A_334 = vector.extract_strided_slice %get3A_33 {offsets = [6], sizes = [1], strides = [1]} : vector<16xf32> to vector<1xf32>
      %squeeze3A_335 = vector.extract %slice3A_334[0] : f32 from vector<1xf32>
      %mul3A_336 = arith.constant 16 : i32
      %mul3A_337 = arith.muli %scan3A_163, %mul3A_336 : i32
      %get3A_338 = arith.constant 6 : i32
      %get3A_339 = arith.index_cast %get3A_338 : i32 to index
      %get3A_340 = arith.index_cast %mul3A_337 : i32 to index
      %get3A_341 = tpu.vector_load %arg13[%get3A_339, %get3A_340] {strides = array<i32>} : memref<16x1024xf32, #tpu.memory_space<vmem>>, vector<16xf32>,
      %mul3A_342 = vector.broadcast %squeeze3A_335 : f32 to vector<16xf32>
      %mul3A_343 = arith.mulf %mul3A_342, %get3A_341 : vector<16xf32>
      %add3A_344 = arith.addf %mul3A_333, %mul3A_343 : vector<16xf32>
      %mul3A_345 = arith.constant 16 : i32
      %mul3A_346 = arith.muli %scan3A_163, %mul3A_345 : i32
      %swap3A_347 = arith.constant 6 : i32
      %swap3A_348 = arith.index_cast %swap3A_347 : i32 to index
      %swap3A_349 = arith.index_cast %mul3A_346 : i32 to index
      %swap3A_350 = tpu.vector_load %arg16[%swap3A_348, %swap3A_349] {strides = array<i32>} : memref<16x1024xf32, #tpu.memory_space<vmem>>, vector<16xf32>,
      tpu.vector_store %arg16[%swap3A_348, %swap3A_349], %add3A_344 {strides = array<i32>} : memref<16x1024xf32, #tpu.memory_space<vmem>>, vector<16xf32>,
      %slice3A_351 = vector.extract_strided_slice %get3A_31 {offsets = [7], sizes = [1], strides = [1]} : vector<16xf32> to vector<1xf32>
      %squeeze3A_352 = vector.extract %slice3A_351[0] : f32 from vector<1xf32>
      %mul3A_353 = arith.constant 16 : i32
      %mul3A_354 = arith.muli %scan3A_163, %mul3A_353 : i32
      %get3A_355 = arith.constant 7 : i32
      %get3A_356 = arith.index_cast %get3A_355 : i32 to index
      %get3A_357 = arith.index_cast %mul3A_354 : i32 to index
      %get3A_358 = tpu.vector_load %arg12[%get3A_356, %get3A_357] {strides = array<i32>} : memref<16x1024xf32, #tpu.memory_space<vmem>>, vector<16xf32>,
      %mul3A_359 = vector.broadcast %squeeze3A_352 : f32 to vector<16xf32>
      %mul3A_360 = arith.mulf %mul3A_359, %get3A_358 : vector<16xf32>
      %slice3A_361 = vector.extract_strided_slice %get3A_33 {offsets = [7], sizes = [1], strides = [1]} : vector<16xf32> to vector<1xf32>
      %squeeze3A_362 = vector.extract %slice3A_361[0] : f32 from vector<1xf32>
      %mul3A_363 = arith.constant 16 : i32
      %mul3A_364 = arith.muli %scan3A_163, %mul3A_363 : i32
      %get3A_365 = arith.constant 7 : i32
      %get3A_366 = arith.index_cast %get3A_365 : i32 to index
      %get3A_367 = arith.index_cast %mul3A_364 : i32 to index
      %get3A_368 = tpu.vector_load %arg13[%get3A_366, %get3A_367] {strides = array<i32>} : memref<16x1024xf32, #tpu.memory_space<vmem>>, vector<16xf32>,
      %mul3A_369 = vector.broadcast %squeeze3A_362 : f32 to vector<16xf32>
      %mul3A_370 = arith.mulf %mul3A_369, %get3A_368 : vector<16xf32>
      %add3A_371 = arith.addf %mul3A_360, %mul3A_370 : vector<16xf32>
      %mul3A_372 = arith.constant 16 : i32
      %mul3A_373 = arith.muli %scan3A_163, %mul3A_372 : i32
      %swap3A_374 = arith.constant 7 : i32
      %swap3A_375 = arith.index_cast %swap3A_374 : i32 to index
      %swap3A_376 = arith.index_cast %mul3A_373 : i32 to index
      %swap3A_377 = tpu.vector_load %arg16[%swap3A_375, %swap3A_376] {strides = array<i32>} : memref<16x1024xf32, #tpu.memory_space<vmem>>, vector<16xf32>,
      tpu.vector_store %arg16[%swap3A_375, %swap3A_376], %add3A_371 {strides = array<i32>} : memref<16x1024xf32, #tpu.memory_space<vmem>>, vector<16xf32>,
      %slice3A_378 = vector.extract_strided_slice %get3A_31 {offsets = [8], sizes = [1], strides = [1]} : vector<16xf32> to vector<1xf32>
      %squeeze3A_379 = vector.extract %slice3A_378[0] : f32 from vector<1xf32>
      %mul3A_380 = arith.constant 16 : i32
      %mul3A_381 = arith.muli %scan3A_163, %mul3A_380 : i32
      %get3A_382 = arith.constant 8 : i32
      %get3A_383 = arith.index_cast %get3A_382 : i32 to index
      %get3A_384 = arith.index_cast %mul3A_381 : i32 to index
      %get3A_385 = tpu.vector_load %arg12[%get3A_383, %get3A_384] {strides = array<i32>} : memref<16x1024xf32, #tpu.memory_space<vmem>>, vector<16xf32>,
      %mul3A_386 = vector.broadcast %squeeze3A_379 : f32 to vector<16xf32>
      %mul3A_387 = arith.mulf %mul3A_386, %get3A_385 : vector<16xf32>
      %slice3A_388 = vector.extract_strided_slice %get3A_33 {offsets = [8], sizes = [1], strides = [1]} : vector<16xf32> to vector<1xf32>
      %squeeze3A_389 = vector.extract %slice3A_388[0] : f32 from vector<1xf32>
      %mul3A_390 = arith.constant 16 : i32
      %mul3A_391 = arith.muli %scan3A_163, %mul3A_390 : i32
      %get3A_392 = arith.constant 8 : i32
      %get3A_393 = arith.index_cast %get3A_392 : i32 to index
      %get3A_394 = arith.index_cast %mul3A_391 : i32 to index
      %get3A_395 = tpu.vector_load %arg13[%get3A_393, %get3A_394] {strides = array<i32>} : memref<16x1024xf32, #tpu.memory_space<vmem>>, vector<16xf32>,
      %mul3A_396 = vector.broadcast %squeeze3A_389 : f32 to vector<16xf32>
      %mul3A_397 = arith.mulf %mul3A_396, %get3A_395 : vector<16xf32>
      %add3A_398 = arith.addf %mul3A_387, %mul3A_397 : vector<16xf32>
      %mul3A_399 = arith.constant 16 : i32
      %mul3A_400 = arith.muli %scan3A_163, %mul3A_399 : i32
      %swap3A_401 = arith.constant 8 : i32
      %swap3A_402 = arith.index_cast %swap3A_401 : i32 to index
      %swap3A_403 = arith.index_cast %mul3A_400 : i32 to index
      %swap3A_404 = tpu.vector_load %arg16[%swap3A_402, %swap3A_403] {strides = array<i32>} : memref<16x1024xf32, #tpu.memory_space<vmem>>, vector<16xf32>,
      tpu.vector_store %arg16[%swap3A_402, %swap3A_403], %add3A_398 {strides = array<i32>} : memref<16x1024xf32, #tpu.memory_space<vmem>>, vector<16xf32>,
      %slice3A_405 = vector.extract_strided_slice %get3A_31 {offsets = [9], sizes = [1], strides = [1]} : vector<16xf32> to vector<1xf32>
      %squeeze3A_406 = vector.extract %slice3A_405[0] : f32 from vector<1xf32>
      %mul3A_407 = arith.constant 16 : i32
      %mul3A_408 = arith.muli %scan3A_163, %mul3A_407 : i32
      %get3A_409 = arith.constant 9 : i32
      %get3A_410 = arith.index_cast %get3A_409 : i32 to index
      %get3A_411 = arith.index_cast %mul3A_408 : i32 to index
      %get3A_412 = tpu.vector_load %arg12[%get3A_410, %get3A_411] {strides = array<i32>} : memref<16x1024xf32, #tpu.memory_space<vmem>>, vector<16xf32>,
      %mul3A_413 = vector.broadcast %squeeze3A_406 : f32 to vector<16xf32>
      %mul3A_414 = arith.mulf %mul3A_413, %get3A_412 : vector<16xf32>
      %slice3A_415 = vector.extract_strided_slice %get3A_33 {offsets = [9], sizes = [1], strides = [1]} : vector<16xf32> to vector<1xf32>
      %squeeze3A_416 = vector.extract %slice3A_415[0] : f32 from vector<1xf32>
      %mul3A_417 = arith.constant 16 : i32
      %mul3A_418 = arith.muli %scan3A_163, %mul3A_417 : i32
      %get3A_419 = arith.constant 9 : i32
      %get3A_420 = arith.index_cast %get3A_419 : i32 to index
      %get3A_421 = arith.index_cast %mul3A_418 : i32 to index
      %get3A_422 = tpu.vector_load %arg13[%get3A_420, %get3A_421] {strides = array<i32>} : memref<16x1024xf32, #tpu.memory_space<vmem>>, vector<16xf32>,
      %mul3A_423 = vector.broadcast %squeeze3A_416 : f32 to vector<16xf32>
      %mul3A_424 = arith.mulf %mul3A_423, %get3A_422 : vector<16xf32>
      %add3A_425 = arith.addf %mul3A_414, %mul3A_424 : vector<16xf32>
      %mul3A_426 = arith.constant 16 : i32
      %mul3A_427 = arith.muli %scan3A_163, %mul3A_426 : i32
      %swap3A_428 = arith.constant 9 : i32
      %swap3A_429 = arith.index_cast %swap3A_428 : i32 to index
      %swap3A_430 = arith.index_cast %mul3A_427 : i32 to index
      %swap3A_431 = tpu.vector_load %arg16[%swap3A_429, %swap3A_430] {strides = array<i32>} : memref<16x1024xf32, #tpu.memory_space<vmem>>, vector<16xf32>,
      tpu.vector_store %arg16[%swap3A_429, %swap3A_430], %add3A_425 {strides = array<i32>} : memref<16x1024xf32, #tpu.memory_space<vmem>>, vector<16xf32>,
      %slice3A_432 = vector.extract_strided_slice %get3A_31 {offsets = [10], sizes = [1], strides = [1]} : vector<16xf32> to vector<1xf32>
      %squeeze3A_433 = vector.extract %slice3A_432[0] : f32 from vector<1xf32>
      %mul3A_434 = arith.constant 16 : i32
      %mul3A_435 = arith.muli %scan3A_163, %mul3A_434 : i32
      %get3A_436 = arith.constant 10 : i32
      %get3A_437 = arith.index_cast %get3A_436 : i32 to index
      %get3A_438 = arith.index_cast %mul3A_435 : i32 to index
      %get3A_439 = tpu.vector_load %arg12[%get3A_437, %get3A_438] {strides = array<i32>} : memref<16x1024xf32, #tpu.memory_space<vmem>>, vector<16xf32>,
      %mul3A_440 = vector.broadcast %squeeze3A_433 : f32 to vector<16xf32>
      %mul3A_441 = arith.mulf %mul3A_440, %get3A_439 : vector<16xf32>
      %slice3A_442 = vector.extract_strided_slice %get3A_33 {offsets = [10], sizes = [1], strides = [1]} : vector<16xf32> to vector<1xf32>
      %squeeze3A_443 = vector.extract %slice3A_442[0] : f32 from vector<1xf32>
      %mul3A_444 = arith.constant 16 : i32
      %mul3A_445 = arith.muli %scan3A_163, %mul3A_444 : i32
      %get3A_446 = arith.constant 10 : i32
      %get3A_447 = arith.index_cast %get3A_446 : i32 to index
      %get3A_448 = arith.index_cast %mul3A_445 : i32 to index
      %get3A_449 = tpu.vector_load %arg13[%get3A_447, %get3A_448] {strides = array<i32>} : memref<16x1024xf32, #tpu.memory_space<vmem>>, vector<16xf32>,
      %mul3A_450 = vector.broadcast %squeeze3A_443 : f32 to vector<16xf32>
      %mul3A_451 = arith.mulf %mul3A_450, %get3A_449 : vector<16xf32>
      %add3A_452 = arith.addf %mul3A_441, %mul3A_451 : vector<16xf32>
      %mul3A_453 = arith.constant 16 : i32
      %mul3A_454 = arith.muli %scan3A_163, %mul3A_453 : i32
      %swap3A_455 = arith.constant 10 : i32
      %swap3A_456 = arith.index_cast %swap3A_455 : i32 to index
      %swap3A_457 = arith.index_cast %mul3A_454 : i32 to index
      %swap3A_458 = tpu.vector_load %arg16[%swap3A_456, %swap3A_457] {strides = array<i32>} : memref<16x1024xf32, #tpu.memory_space<vmem>>, vector<16xf32>,
      tpu.vector_store %arg16[%swap3A_456, %swap3A_457], %add3A_452 {strides = array<i32>} : memref<16x1024xf32, #tpu.memory_space<vmem>>, vector<16xf32>,
      %slice3A_459 = vector.extract_strided_slice %get3A_31 {offsets = [11], sizes = [1], strides = [1]} : vector<16xf32> to vector<1xf32>
      %squeeze3A_460 = vector.extract %slice3A_459[0] : f32 from vector<1xf32>
      %mul3A_461 = arith.constant 16 : i32
      %mul3A_462 = arith.muli %scan3A_163, %mul3A_461 : i32
      %get3A_463 = arith.constant 11 : i32
      %get3A_464 = arith.index_cast %get3A_463 : i32 to index
      %get3A_465 = arith.index_cast %mul3A_462 : i32 to index
      %get3A_466 = tpu.vector_load %arg12[%get3A_464, %get3A_465] {strides = array<i32>} : memref<16x1024xf32, #tpu.memory_space<vmem>>, vector<16xf32>,
      %mul3A_467 = vector.broadcast %squeeze3A_460 : f32 to vector<16xf32>
      %mul3A_468 = arith.mulf %mul3A_467, %get3A_466 : vector<16xf32>
      %slice3A_469 = vector.extract_strided_slice %get3A_33 {offsets = [11], sizes = [1], strides = [1]} : vector<16xf32> to vector<1xf32>
      %squeeze3A_470 = vector.extract %slice3A_469[0] : f32 from vector<1xf32>
      %mul3A_471 = arith.constant 16 : i32
      %mul3A_472 = arith.muli %scan3A_163, %mul3A_471 : i32
      %get3A_473 = arith.constant 11 : i32
      %get3A_474 = arith.index_cast %get3A_473 : i32 to index
      %get3A_475 = arith.index_cast %mul3A_472 : i32 to index
      %get3A_476 = tpu.vector_load %arg13[%get3A_474, %get3A_475] {strides = array<i32>} : memref<16x1024xf32, #tpu.memory_space<vmem>>, vector<16xf32>,
      %mul3A_477 = vector.broadcast %squeeze3A_470 : f32 to vector<16xf32>
      %mul3A_478 = arith.mulf %mul3A_477, %get3A_476 : vector<16xf32>
      %add3A_479 = arith.addf %mul3A_468, %mul3A_478 : vector<16xf32>
      %mul3A_480 = arith.constant 16 : i32
      %mul3A_481 = arith.muli %scan3A_163, %mul3A_480 : i32
      %swap3A_482 = arith.constant 11 : i32
      %swap3A_483 = arith.index_cast %swap3A_482 : i32 to index
      %swap3A_484 = arith.index_cast %mul3A_481 : i32 to index
      %swap3A_485 = tpu.vector_load %arg16[%swap3A_483, %swap3A_484] {strides = array<i32>} : memref<16x1024xf32, #tpu.memory_space<vmem>>, vector<16xf32>,
      tpu.vector_store %arg16[%swap3A_483, %swap3A_484], %add3A_479 {strides = array<i32>} : memref<16x1024xf32, #tpu.memory_space<vmem>>, vector<16xf32>,
      %slice3A_486 = vector.extract_strided_slice %get3A_31 {offsets = [12], sizes = [1], strides = [1]} : vector<16xf32> to vector<1xf32>
      %squeeze3A_487 = vector.extract %slice3A_486[0] : f32 from vector<1xf32>
      %mul3A_488 = arith.constant 16 : i32
      %mul3A_489 = arith.muli %scan3A_163, %mul3A_488 : i32
      %get3A_490 = arith.constant 12 : i32
      %get3A_491 = arith.index_cast %get3A_490 : i32 to index
      %get3A_492 = arith.index_cast %mul3A_489 : i32 to index
      %get3A_493 = tpu.vector_load %arg12[%get3A_491, %get3A_492] {strides = array<i32>} : memref<16x1024xf32, #tpu.memory_space<vmem>>, vector<16xf32>,
      %mul3A_494 = vector.broadcast %squeeze3A_487 : f32 to vector<16xf32>
      %mul3A_495 = arith.mulf %mul3A_494, %get3A_493 : vector<16xf32>
      %slice3A_496 = vector.extract_strided_slice %get3A_33 {offsets = [12], sizes = [1], strides = [1]} : vector<16xf32> to vector<1xf32>
      %squeeze3A_497 = vector.extract %slice3A_496[0] : f32 from vector<1xf32>
      %mul3A_498 = arith.constant 16 : i32
      %mul3A_499 = arith.muli %scan3A_163, %mul3A_498 : i32
      %get3A_500 = arith.constant 12 : i32
      %get3A_501 = arith.index_cast %get3A_500 : i32 to index
      %get3A_502 = arith.index_cast %mul3A_499 : i32 to index
      %get3A_503 = tpu.vector_load %arg13[%get3A_501, %get3A_502] {strides = array<i32>} : memref<16x1024xf32, #tpu.memory_space<vmem>>, vector<16xf32>,
      %mul3A_504 = vector.broadcast %squeeze3A_497 : f32 to vector<16xf32>
      %mul3A_505 = arith.mulf %mul3A_504, %get3A_503 : vector<16xf32>
      %add3A_506 = arith.addf %mul3A_495, %mul3A_505 : vector<16xf32>
      %mul3A_507 = arith.constant 16 : i32
      %mul3A_508 = arith.muli %scan3A_163, %mul3A_507 : i32
      %swap3A_509 = arith.constant 12 : i32
      %swap3A_510 = arith.index_cast %swap3A_509 : i32 to index
      %swap3A_511 = arith.index_cast %mul3A_508 : i32 to index
      %swap3A_512 = tpu.vector_load %arg16[%swap3A_510, %swap3A_511] {strides = array<i32>} : memref<16x1024xf32, #tpu.memory_space<vmem>>, vector<16xf32>,
      tpu.vector_store %arg16[%swap3A_510, %swap3A_511], %add3A_506 {strides = array<i32>} : memref<16x1024xf32, #tpu.memory_space<vmem>>, vector<16xf32>,
      %slice3A_513 = vector.extract_strided_slice %get3A_31 {offsets = [13], sizes = [1], strides = [1]} : vector<16xf32> to vector<1xf32>
      %squeeze3A_514 = vector.extract %slice3A_513[0] : f32 from vector<1xf32>
      %mul3A_515 = arith.constant 16 : i32
      %mul3A_516 = arith.muli %scan3A_163, %mul3A_515 : i32
      %get3A_517 = arith.constant 13 : i32
      %get3A_518 = arith.index_cast %get3A_517 : i32 to index
      %get3A_519 = arith.index_cast %mul3A_516 : i32 to index
      %get3A_520 = tpu.vector_load %arg12[%get3A_518, %get3A_519] {strides = array<i32>} : memref<16x1024xf32, #tpu.memory_space<vmem>>, vector<16xf32>,
      %mul3A_521 = vector.broadcast %squeeze3A_514 : f32 to vector<16xf32>
      %mul3A_522 = arith.mulf %mul3A_521, %get3A_520 : vector<16xf32>
      %slice3A_523 = vector.extract_strided_slice %get3A_33 {offsets = [13], sizes = [1], strides = [1]} : vector<16xf32> to vector<1xf32>
      %squeeze3A_524 = vector.extract %slice3A_523[0] : f32 from vector<1xf32>
      %mul3A_525 = arith.constant 16 : i32
      %mul3A_526 = arith.muli %scan3A_163, %mul3A_525 : i32
      %get3A_527 = arith.constant 13 : i32
      %get3A_528 = arith.index_cast %get3A_527 : i32 to index
      %get3A_529 = arith.index_cast %mul3A_526 : i32 to index
      %get3A_530 = tpu.vector_load %arg13[%get3A_528, %get3A_529] {strides = array<i32>} : memref<16x1024xf32, #tpu.memory_space<vmem>>, vector<16xf32>,
      %mul3A_531 = vector.broadcast %squeeze3A_524 : f32 to vector<16xf32>
      %mul3A_532 = arith.mulf %mul3A_531, %get3A_530 : vector<16xf32>
      %add3A_533 = arith.addf %mul3A_522, %mul3A_532 : vector<16xf32>
      %mul3A_534 = arith.constant 16 : i32
      %mul3A_535 = arith.muli %scan3A_163, %mul3A_534 : i32
      %swap3A_536 = arith.constant 13 : i32
      %swap3A_537 = arith.index_cast %swap3A_536 : i32 to index
      %swap3A_538 = arith.index_cast %mul3A_535 : i32 to index
      %swap3A_539 = tpu.vector_load %arg16[%swap3A_537, %swap3A_538] {strides = array<i32>} : memref<16x1024xf32, #tpu.memory_space<vmem>>, vector<16xf32>,
      tpu.vector_store %arg16[%swap3A_537, %swap3A_538], %add3A_533 {strides = array<i32>} : memref<16x1024xf32, #tpu.memory_space<vmem>>, vector<16xf32>,
      %slice3A_540 = vector.extract_strided_slice %get3A_31 {offsets = [14], sizes = [1], strides = [1]} : vector<16xf32> to vector<1xf32>
      %squeeze3A_541 = vector.extract %slice3A_540[0] : f32 from vector<1xf32>
      %mul3A_542 = arith.constant 16 : i32
      %mul3A_543 = arith.muli %scan3A_163, %mul3A_542 : i32
      %get3A_544 = arith.constant 14 : i32
      %get3A_545 = arith.index_cast %get3A_544 : i32 to index
      %get3A_546 = arith.index_cast %mul3A_543 : i32 to index
      %get3A_547 = tpu.vector_load %arg12[%get3A_545, %get3A_546] {strides = array<i32>} : memref<16x1024xf32, #tpu.memory_space<vmem>>, vector<16xf32>,
      %mul3A_548 = vector.broadcast %squeeze3A_541 : f32 to vector<16xf32>
      %mul3A_549 = arith.mulf %mul3A_548, %get3A_547 : vector<16xf32>
      %slice3A_550 = vector.extract_strided_slice %get3A_33 {offsets = [14], sizes = [1], strides = [1]} : vector<16xf32> to vector<1xf32>
      %squeeze3A_551 = vector.extract %slice3A_550[0] : f32 from vector<1xf32>
      %mul3A_552 = arith.constant 16 : i32
      %mul3A_553 = arith.muli %scan3A_163, %mul3A_552 : i32
      %get3A_554 = arith.constant 14 : i32
      %get3A_555 = arith.index_cast %get3A_554 : i32 to index
      %get3A_556 = arith.index_cast %mul3A_553 : i32 to index
      %get3A_557 = tpu.vector_load %arg13[%get3A_555, %get3A_556] {strides = array<i32>} : memref<16x1024xf32, #tpu.memory_space<vmem>>, vector<16xf32>,
      %mul3A_558 = vector.broadcast %squeeze3A_551 : f32 to vector<16xf32>
      %mul3A_559 = arith.mulf %mul3A_558, %get3A_557 : vector<16xf32>
      %add3A_560 = arith.addf %mul3A_549, %mul3A_559 : vector<16xf32>
      %mul3A_561 = arith.constant 16 : i32
      %mul3A_562 = arith.muli %scan3A_163, %mul3A_561 : i32
      %swap3A_563 = arith.constant 14 : i32
      %swap3A_564 = arith.index_cast %swap3A_563 : i32 to index
      %swap3A_565 = arith.index_cast %mul3A_562 : i32 to index
      %swap3A_566 = tpu.vector_load %arg16[%swap3A_564, %swap3A_565] {strides = array<i32>} : memref<16x1024xf32, #tpu.memory_space<vmem>>, vector<16xf32>,
      tpu.vector_store %arg16[%swap3A_564, %swap3A_565], %add3A_560 {strides = array<i32>} : memref<16x1024xf32, #tpu.memory_space<vmem>>, vector<16xf32>,
      %slice3A_567 = vector.extract_strided_slice %get3A_31 {offsets = [15], sizes = [1], strides = [1]} : vector<16xf32> to vector<1xf32>
      %squeeze3A_568 = vector.extract %slice3A_567[0] : f32 from vector<1xf32>
      %mul3A_569 = arith.constant 16 : i32
      %mul3A_570 = arith.muli %scan3A_163, %mul3A_569 : i32
      %get3A_571 = arith.constant 15 : i32
      %get3A_572 = arith.index_cast %get3A_571 : i32 to index
      %get3A_573 = arith.index_cast %mul3A_570 : i32 to index
      %get3A_574 = tpu.vector_load %arg12[%get3A_572, %get3A_573] {strides = array<i32>} : memref<16x1024xf32, #tpu.memory_space<vmem>>, vector<16xf32>,
      %mul3A_575 = vector.broadcast %squeeze3A_568 : f32 to vector<16xf32>
      %mul3A_576 = arith.mulf %mul3A_575, %get3A_574 : vector<16xf32>
      %slice3A_577 = vector.extract_strided_slice %get3A_33 {offsets = [15], sizes = [1], strides = [1]} : vector<16xf32> to vector<1xf32>
      %squeeze3A_578 = vector.extract %slice3A_577[0] : f32 from vector<1xf32>
      %mul3A_579 = arith.constant 16 : i32
      %mul3A_580 = arith.muli %scan3A_163, %mul3A_579 : i32
      %get3A_581 = arith.constant 15 : i32
      %get3A_582 = arith.index_cast %get3A_581 : i32 to index
      %get3A_583 = arith.index_cast %mul3A_580 : i32 to index
      %get3A_584 = tpu.vector_load %arg13[%get3A_582, %get3A_583] {strides = array<i32>} : memref<16x1024xf32, #tpu.memory_space<vmem>>, vector<16xf32>,
      %mul3A_585 = vector.broadcast %squeeze3A_578 : f32 to vector<16xf32>
      %mul3A_586 = arith.mulf %mul3A_585, %get3A_584 : vector<16xf32>
      %add3A_587 = arith.addf %mul3A_576, %mul3A_586 : vector<16xf32>
      %mul3A_588 = arith.constant 16 : i32
      %mul3A_589 = arith.muli %scan3A_163, %mul3A_588 : i32
      %swap3A_590 = arith.constant 15 : i32
      %swap3A_591 = arith.index_cast %swap3A_590 : i32 to index
      %swap3A_592 = arith.index_cast %mul3A_589 : i32 to index
      %swap3A_593 = tpu.vector_load %arg16[%swap3A_591, %swap3A_592] {strides = array<i32>} : memref<16x1024xf32, #tpu.memory_space<vmem>>, vector<16xf32>,
      tpu.vector_store %arg16[%swap3A_591, %swap3A_592], %add3A_587 {strides = array<i32>} : memref<16x1024xf32, #tpu.memory_space<vmem>>, vector<16xf32>,
      %scan3A_594 = arith.constant 0 : i32
      scf.yield %scan3A_594 : i32
    }
    %scan3A_39 = arith.constant 64 : i32
    %add3A_40 = arith.constant 0 : i32
    %add3A_41 = arith.addi %mul3A_2, %add3A_40 : i32
    %dma_start3A_42 = arith.constant 0 : i32
    %dma_start3A_43 = tpu.memref_slice %arg7[%add3A_41, %dma_start3A_42] : memref<2048x1024xf32, #tpu.memory_space<hbm>> -> memref<16x1024xf32, #tpu.memory_space<hbm>>
    %dma_start3A_44 = arith.constant 0 : i32
    %dma_start3A_45 = tpu.memref_slice %arg7[%add3A_41, %dma_start3A_44] : memref<2048x1024xf32, #tpu.memory_space<hbm>> -> memref<16x1024xf32, #tpu.memory_space<hbm>>
    tpu.enqueue_dma source(%arg16 : memref<16x1024xf32, #tpu.memory_space<vmem>>) target(%dma_start3A_45 : memref<16x1024xf32, #tpu.memory_space<hbm>>) target_semaphore(%arg20 : memref<!tpu.dma_semaphore, #tpu.memory_space<semaphore_mem>>)
    %dma_wait3A_46 = arith.constant 16 : i32
    %dma_wait3A_47 = tpu.memref_slice %arg8[%dma_wait3A_46] : memref<64xi32, #tpu.memory_space<vmem>> -> memref<16xi32, #tpu.memory_space<vmem>>
    %dma_wait3A_48 = arith.constant 0 : i32
    %dma_wait3A_49 = arith.constant 0 : i32
    %dma_wait3A_50 = tpu.memref_slice %arg2[%dma_wait3A_48, %dma_wait3A_49] : memref<6144x1024xf32, #tpu.memory_space<hbm>> -> memref<6144x1024xf32, #tpu.memory_space<hbm>>
    tpu.wait_indirect_dma semaphore(%arg19 : memref<!tpu.dma_semaphore, #tpu.memory_space<semaphore_mem>>) src(%dma_wait3A_50 : memref<6144x1024xf32, #tpu.memory_space<hbm>>) dst(%arg14 : memref<16x1024xf32, #tpu.memory_space<vmem>>)
    %dma_wait3A_51 = arith.constant 16 : i32
    %dma_wait3A_52 = tpu.memref_slice %arg9[%dma_wait3A_51] : memref<64xi32, #tpu.memory_space<vmem>> -> memref<16xi32, #tpu.memory_space<vmem>>
    %dma_wait3A_53 = arith.constant 0 : i32
    %dma_wait3A_54 = arith.constant 0 : i32
    %dma_wait3A_55 = tpu.memref_slice %arg2[%dma_wait3A_53, %dma_wait3A_54] : memref<6144x1024xf32, #tpu.memory_space<hbm>> -> memref<6144x1024xf32, #tpu.memory_space<hbm>>
    tpu.wait_indirect_dma semaphore(%arg19 : memref<!tpu.dma_semaphore, #tpu.memory_space<semaphore_mem>>) src(%dma_wait3A_55 : memref<6144x1024xf32, #tpu.memory_space<hbm>>) dst(%arg15 : memref<16x1024xf32, #tpu.memory_space<vmem>>)
    %dma_start3A_56 = arith.constant 32 : i32
    %dma_start3A_57 = tpu.memref_slice %arg8[%dma_start3A_56] : memref<64xi32, #tpu.memory_space<vmem>> -> memref<16xi32, #tpu.memory_space<vmem>>
    %dma_start3A_58 = arith.constant 0 : i32
    %dma_start3A_59 = arith.constant 0 : i32
    %dma_start3A_60 = tpu.memref_slice %arg2[%dma_start3A_58, %dma_start3A_59] : memref<6144x1024xf32, #tpu.memory_space<hbm>> -> memref<6144x1024xf32, #tpu.memory_space<hbm>>
    tpu.enqueue_indirect_dma source(%dma_start3A_60 : memref<6144x1024xf32, #tpu.memory_space<hbm>>) target(%arg12 : memref<16x1024xf32, #tpu.memory_space<vmem>>) offsets(%dma_start3A_57 : memref<16xi32, #tpu.memory_space<vmem>>) semaphore(%arg18 : memref<!tpu.dma_semaphore, #tpu.memory_space<semaphore_mem>>)
    %dma_start3A_61 = arith.constant 32 : i32
    %dma_start3A_62 = tpu.memref_slice %arg9[%dma_start3A_61] : memref<64xi32, #tpu.memory_space<vmem>> -> memref<16xi32, #tpu.memory_space<vmem>>
    %dma_start3A_63 = arith.constant 0 : i32
    %dma_start3A_64 = arith.constant 0 : i32
    %dma_start3A_65 = tpu.memref_slice %arg2[%dma_start3A_63, %dma_start3A_64] : memref<6144x1024xf32, #tpu.memory_space<hbm>> -> memref<6144x1024xf32, #tpu.memory_space<hbm>>
    tpu.enqueue_indirect_dma source(%dma_start3A_65 : memref<6144x1024xf32, #tpu.memory_space<hbm>>) target(%arg13 : memref<16x1024xf32, #tpu.memory_space<vmem>>) offsets(%dma_start3A_62 : memref<16xi32, #tpu.memory_space<vmem>>) semaphore(%arg18 : memref<!tpu.dma_semaphore, #tpu.memory_space<semaphore_mem>>)
    %get3A_66 = arith.constant 16 : index
    %get3A_67 = tpu.vector_load %arg10[%get3A_66] {strides = array<i32>} : memref<64xf32, #tpu.memory_space<vmem>>, vector<16xf32>,
    %get3A_68 = arith.constant 16 : index
    %get3A_69 = tpu.vector_load %arg11[%get3A_68] {strides = array<i32>} : memref<64xf32, #tpu.memory_space<vmem>>, vector<16xf32>,
    %scan3A_70 = arith.constant 0 : i32
    %scan3A_71 = arith.constant 0 : i32
    %scan3A_72 = arith.constant 64 : i32
    %scan3A_73 = arith.addi %scan3A_71, %scan3A_72 : i32
    %scan3A_74 = arith.constant 1 : i32
    %scan3A_75 = scf.for %scan3A_163 = %scan3A_71 to %scan3A_73 step %scan3A_74 iter_args(%scan3A_164 = %scan3A_70) -> (i32)  : i32 {
      %slice3A = vector.extract_strided_slice %get3A_67 {offsets = [0], sizes = [1], strides = [1]} : vector<16xf32> to vector<1xf32>
      %squeeze3A = vector.extract %slice3A[0] : f32 from vector<1xf32>
      %mul3A_165 = arith.constant 16 : i32
      %mul3A_166 = arith.muli %scan3A_163, %mul3A_165 : i32
      %get3A_167 = arith.constant 0 : i32
      %get3A_168 = arith.index_cast %get3A_167 : i32 to index
      %get3A_169 = arith.index_cast %mul3A_166 : i32 to index
      %get3A_170 = tpu.vector_load %arg14[%get3A_168, %get3A_169] {strides = array<i32>} : memref<16x1024xf32, #tpu.memory_space<vmem>>, vector<16xf32>,
      %mul3A_171 = vector.broadcast %squeeze3A : f32 to vector<16xf32>
      %mul3A_172 = arith.mulf %mul3A_171, %get3A_170 : vector<16xf32>
      %slice3A_173 = vector.extract_strided_slice %get3A_69 {offsets = [0], sizes = [1], strides = [1]} : vector<16xf32> to vector<1xf32>
      %squeeze3A_174 = vector.extract %slice3A_173[0] : f32 from vector<1xf32>
      %mul3A_175 = arith.constant 16 : i32
      %mul3A_176 = arith.muli %scan3A_163, %mul3A_175 : i32
      %get3A_177 = arith.constant 0 : i32
      %get3A_178 = arith.index_cast %get3A_177 : i32 to index
      %get3A_179 = arith.index_cast %mul3A_176 : i32 to index
      %get3A_180 = tpu.vector_load %arg15[%get3A_178, %get3A_179] {strides = array<i32>} : memref<16x1024xf32, #tpu.memory_space<vmem>>, vector<16xf32>,
      %mul3A_181 = vector.broadcast %squeeze3A_174 : f32 to vector<16xf32>
      %mul3A_182 = arith.mulf %mul3A_181, %get3A_180 : vector<16xf32>
      %add3A_183 = arith.addf %mul3A_172, %mul3A_182 : vector<16xf32>
      %mul3A_184 = arith.constant 16 : i32
      %mul3A_185 = arith.muli %scan3A_163, %mul3A_184 : i32
      %swap3A = arith.constant 0 : i32
      %swap3A_186 = arith.index_cast %swap3A : i32 to index
      %swap3A_187 = arith.index_cast %mul3A_185 : i32 to index
      %swap3A_188 = tpu.vector_load %arg17[%swap3A_186, %swap3A_187] {strides = array<i32>} : memref<16x1024xf32, #tpu.memory_space<vmem>>, vector<16xf32>,
      tpu.vector_store %arg17[%swap3A_186, %swap3A_187], %add3A_183 {strides = array<i32>} : memref<16x1024xf32, #tpu.memory_space<vmem>>, vector<16xf32>,
      %slice3A_189 = vector.extract_strided_slice %get3A_67 {offsets = [1], sizes = [1], strides = [1]} : vector<16xf32> to vector<1xf32>
      %squeeze3A_190 = vector.extract %slice3A_189[0] : f32 from vector<1xf32>
      %mul3A_191 = arith.constant 16 : i32
      %mul3A_192 = arith.muli %scan3A_163, %mul3A_191 : i32
      %get3A_193 = arith.constant 1 : i32
      %get3A_194 = arith.index_cast %get3A_193 : i32 to index
      %get3A_195 = arith.index_cast %mul3A_192 : i32 to index
      %get3A_196 = tpu.vector_load %arg14[%get3A_194, %get3A_195] {strides = array<i32>} : memref<16x1024xf32, #tpu.memory_space<vmem>>, vector<16xf32>,
      %mul3A_197 = vector.broadcast %squeeze3A_190 : f32 to vector<16xf32>
      %mul3A_198 = arith.mulf %mul3A_197, %get3A_196 : vector<16xf32>
      %slice3A_199 = vector.extract_strided_slice %get3A_69 {offsets = [1], sizes = [1], strides = [1]} : vector<16xf32> to vector<1xf32>
      %squeeze3A_200 = vector.extract %slice3A_199[0] : f32 from vector<1xf32>
      %mul3A_201 = arith.constant 16 : i32
      %mul3A_202 = arith.muli %scan3A_163, %mul3A_201 : i32
      %get3A_203 = arith.constant 1 : i32
      %get3A_204 = arith.index_cast %get3A_203 : i32 to index
      %get3A_205 = arith.index_cast %mul3A_202 : i32 to index
      %get3A_206 = tpu.vector_load %arg15[%get3A_204, %get3A_205] {strides = array<i32>} : memref<16x1024xf32, #tpu.memory_space<vmem>>, vector<16xf32>,
      %mul3A_207 = vector.broadcast %squeeze3A_200 : f32 to vector<16xf32>
      %mul3A_208 = arith.mulf %mul3A_207, %get3A_206 : vector<16xf32>
      %add3A_209 = arith.addf %mul3A_198, %mul3A_208 : vector<16xf32>
      %mul3A_210 = arith.constant 16 : i32
      %mul3A_211 = arith.muli %scan3A_163, %mul3A_210 : i32
      %swap3A_212 = arith.constant 1 : i32
      %swap3A_213 = arith.index_cast %swap3A_212 : i32 to index
      %swap3A_214 = arith.index_cast %mul3A_211 : i32 to index
      %swap3A_215 = tpu.vector_load %arg17[%swap3A_213, %swap3A_214] {strides = array<i32>} : memref<16x1024xf32, #tpu.memory_space<vmem>>, vector<16xf32>,
      tpu.vector_store %arg17[%swap3A_213, %swap3A_214], %add3A_209 {strides = array<i32>} : memref<16x1024xf32, #tpu.memory_space<vmem>>, vector<16xf32>,
      %slice3A_216 = vector.extract_strided_slice %get3A_67 {offsets = [2], sizes = [1], strides = [1]} : vector<16xf32> to vector<1xf32>
      %squeeze3A_217 = vector.extract %slice3A_216[0] : f32 from vector<1xf32>
      %mul3A_218 = arith.constant 16 : i32
      %mul3A_219 = arith.muli %scan3A_163, %mul3A_218 : i32
      %get3A_220 = arith.constant 2 : i32
      %get3A_221 = arith.index_cast %get3A_220 : i32 to index
      %get3A_222 = arith.index_cast %mul3A_219 : i32 to index
      %get3A_223 = tpu.vector_load %arg14[%get3A_221, %get3A_222] {strides = array<i32>} : memref<16x1024xf32, #tpu.memory_space<vmem>>, vector<16xf32>,
      %mul3A_224 = vector.broadcast %squeeze3A_217 : f32 to vector<16xf32>
      %mul3A_225 = arith.mulf %mul3A_224, %get3A_223 : vector<16xf32>
      %slice3A_226 = vector.extract_strided_slice %get3A_69 {offsets = [2], sizes = [1], strides = [1]} : vector<16xf32> to vector<1xf32>
      %squeeze3A_227 = vector.extract %slice3A_226[0] : f32 from vector<1xf32>
      %mul3A_228 = arith.constant 16 : i32
      %mul3A_229 = arith.muli %scan3A_163, %mul3A_228 : i32
      %get3A_230 = arith.constant 2 : i32
      %get3A_231 = arith.index_cast %get3A_230 : i32 to index
      %get3A_232 = arith.index_cast %mul3A_229 : i32 to index
      %get3A_233 = tpu.vector_load %arg15[%get3A_231, %get3A_232] {strides = array<i32>} : memref<16x1024xf32, #tpu.memory_space<vmem>>, vector<16xf32>,
      %mul3A_234 = vector.broadcast %squeeze3A_227 : f32 to vector<16xf32>
      %mul3A_235 = arith.mulf %mul3A_234, %get3A_233 : vector<16xf32>
      %add3A_236 = arith.addf %mul3A_225, %mul3A_235 : vector<16xf32>
      %mul3A_237 = arith.constant 16 : i32
      %mul3A_238 = arith.muli %scan3A_163, %mul3A_237 : i32
      %swap3A_239 = arith.constant 2 : i32
      %swap3A_240 = arith.index_cast %swap3A_239 : i32 to index
      %swap3A_241 = arith.index_cast %mul3A_238 : i32 to index
      %swap3A_242 = tpu.vector_load %arg17[%swap3A_240, %swap3A_241] {strides = array<i32>} : memref<16x1024xf32, #tpu.memory_space<vmem>>, vector<16xf32>,
      tpu.vector_store %arg17[%swap3A_240, %swap3A_241], %add3A_236 {strides = array<i32>} : memref<16x1024xf32, #tpu.memory_space<vmem>>, vector<16xf32>,
      %slice3A_243 = vector.extract_strided_slice %get3A_67 {offsets = [3], sizes = [1], strides = [1]} : vector<16xf32> to vector<1xf32>
      %squeeze3A_244 = vector.extract %slice3A_243[0] : f32 from vector<1xf32>
      %mul3A_245 = arith.constant 16 : i32
      %mul3A_246 = arith.muli %scan3A_163, %mul3A_245 : i32
      %get3A_247 = arith.constant 3 : i32
      %get3A_248 = arith.index_cast %get3A_247 : i32 to index
      %get3A_249 = arith.index_cast %mul3A_246 : i32 to index
      %get3A_250 = tpu.vector_load %arg14[%get3A_248, %get3A_249] {strides = array<i32>} : memref<16x1024xf32, #tpu.memory_space<vmem>>, vector<16xf32>,
      %mul3A_251 = vector.broadcast %squeeze3A_244 : f32 to vector<16xf32>
      %mul3A_252 = arith.mulf %mul3A_251, %get3A_250 : vector<16xf32>
      %slice3A_253 = vector.extract_strided_slice %get3A_69 {offsets = [3], sizes = [1], strides = [1]} : vector<16xf32> to vector<1xf32>
      %squeeze3A_254 = vector.extract %slice3A_253[0] : f32 from vector<1xf32>
      %mul3A_255 = arith.constant 16 : i32
      %mul3A_256 = arith.muli %scan3A_163, %mul3A_255 : i32
      %get3A_257 = arith.constant 3 : i32
      %get3A_258 = arith.index_cast %get3A_257 : i32 to index
      %get3A_259 = arith.index_cast %mul3A_256 : i32 to index
      %get3A_260 = tpu.vector_load %arg15[%get3A_258, %get3A_259] {strides = array<i32>} : memref<16x1024xf32, #tpu.memory_space<vmem>>, vector<16xf32>,
      %mul3A_261 = vector.broadcast %squeeze3A_254 : f32 to vector<16xf32>
      %mul3A_262 = arith.mulf %mul3A_261, %get3A_260 : vector<16xf32>
      %add3A_263 = arith.addf %mul3A_252, %mul3A_262 : vector<16xf32>
      %mul3A_264 = arith.constant 16 : i32
      %mul3A_265 = arith.muli %scan3A_163, %mul3A_264 : i32
      %swap3A_266 = arith.constant 3 : i32
      %swap3A_267 = arith.index_cast %swap3A_266 : i32 to index
      %swap3A_268 = arith.index_cast %mul3A_265 : i32 to index
      %swap3A_269 = tpu.vector_load %arg17[%swap3A_267, %swap3A_268] {strides = array<i32>} : memref<16x1024xf32, #tpu.memory_space<vmem>>, vector<16xf32>,
      tpu.vector_store %arg17[%swap3A_267, %swap3A_268], %add3A_263 {strides = array<i32>} : memref<16x1024xf32, #tpu.memory_space<vmem>>, vector<16xf32>,
      %slice3A_270 = vector.extract_strided_slice %get3A_67 {offsets = [4], sizes = [1], strides = [1]} : vector<16xf32> to vector<1xf32>
      %squeeze3A_271 = vector.extract %slice3A_270[0] : f32 from vector<1xf32>
      %mul3A_272 = arith.constant 16 : i32
      %mul3A_273 = arith.muli %scan3A_163, %mul3A_272 : i32
      %get3A_274 = arith.constant 4 : i32
      %get3A_275 = arith.index_cast %get3A_274 : i32 to index
      %get3A_276 = arith.index_cast %mul3A_273 : i32 to index
      %get3A_277 = tpu.vector_load %arg14[%get3A_275, %get3A_276] {strides = array<i32>} : memref<16x1024xf32, #tpu.memory_space<vmem>>, vector<16xf32>,
      %mul3A_278 = vector.broadcast %squeeze3A_271 : f32 to vector<16xf32>
      %mul3A_279 = arith.mulf %mul3A_278, %get3A_277 : vector<16xf32>
      %slice3A_280 = vector.extract_strided_slice %get3A_69 {offsets = [4], sizes = [1], strides = [1]} : vector<16xf32> to vector<1xf32>
      %squeeze3A_281 = vector.extract %slice3A_280[0] : f32 from vector<1xf32>
      %mul3A_282 = arith.constant 16 : i32
      %mul3A_283 = arith.muli %scan3A_163, %mul3A_282 : i32
      %get3A_284 = arith.constant 4 : i32
      %get3A_285 = arith.index_cast %get3A_284 : i32 to index
      %get3A_286 = arith.index_cast %mul3A_283 : i32 to index
      %get3A_287 = tpu.vector_load %arg15[%get3A_285, %get3A_286] {strides = array<i32>} : memref<16x1024xf32, #tpu.memory_space<vmem>>, vector<16xf32>,
      %mul3A_288 = vector.broadcast %squeeze3A_281 : f32 to vector<16xf32>
      %mul3A_289 = arith.mulf %mul3A_288, %get3A_287 : vector<16xf32>
      %add3A_290 = arith.addf %mul3A_279, %mul3A_289 : vector<16xf32>
      %mul3A_291 = arith.constant 16 : i32
      %mul3A_292 = arith.muli %scan3A_163, %mul3A_291 : i32
      %swap3A_293 = arith.constant 4 : i32
      %swap3A_294 = arith.index_cast %swap3A_293 : i32 to index
      %swap3A_295 = arith.index_cast %mul3A_292 : i32 to index
      %swap3A_296 = tpu.vector_load %arg17[%swap3A_294, %swap3A_295] {strides = array<i32>} : memref<16x1024xf32, #tpu.memory_space<vmem>>, vector<16xf32>,
      tpu.vector_store %arg17[%swap3A_294, %swap3A_295], %add3A_290 {strides = array<i32>} : memref<16x1024xf32, #tpu.memory_space<vmem>>, vector<16xf32>,
      %slice3A_297 = vector.extract_strided_slice %get3A_67 {offsets = [5], sizes = [1], strides = [1]} : vector<16xf32> to vector<1xf32>
      %squeeze3A_298 = vector.extract %slice3A_297[0] : f32 from vector<1xf32>
      %mul3A_299 = arith.constant 16 : i32
      %mul3A_300 = arith.muli %scan3A_163, %mul3A_299 : i32
      %get3A_301 = arith.constant 5 : i32
      %get3A_302 = arith.index_cast %get3A_301 : i32 to index
      %get3A_303 = arith.index_cast %mul3A_300 : i32 to index
      %get3A_304 = tpu.vector_load %arg14[%get3A_302, %get3A_303] {strides = array<i32>} : memref<16x1024xf32, #tpu.memory_space<vmem>>, vector<16xf32>,
      %mul3A_305 = vector.broadcast %squeeze3A_298 : f32 to vector<16xf32>
      %mul3A_306 = arith.mulf %mul3A_305, %get3A_304 : vector<16xf32>
      %slice3A_307 = vector.extract_strided_slice %get3A_69 {offsets = [5], sizes = [1], strides = [1]} : vector<16xf32> to vector<1xf32>
      %squeeze3A_308 = vector.extract %slice3A_307[0] : f32 from vector<1xf32>
      %mul3A_309 = arith.constant 16 : i32
      %mul3A_310 = arith.muli %scan3A_163, %mul3A_309 : i32
      %get3A_311 = arith.constant 5 : i32
      %get3A_312 = arith.index_cast %get3A_311 : i32 to index
      %get3A_313 = arith.index_cast %mul3A_310 : i32 to index
      %get3A_314 = tpu.vector_load %arg15[%get3A_312, %get3A_313] {strides = array<i32>} : memref<16x1024xf32, #tpu.memory_space<vmem>>, vector<16xf32>,
      %mul3A_315 = vector.broadcast %squeeze3A_308 : f32 to vector<16xf32>
      %mul3A_316 = arith.mulf %mul3A_315, %get3A_314 : vector<16xf32>
      %add3A_317 = arith.addf %mul3A_306, %mul3A_316 : vector<16xf32>
      %mul3A_318 = arith.constant 16 : i32
      %mul3A_319 = arith.muli %scan3A_163, %mul3A_318 : i32
      %swap3A_320 = arith.constant 5 : i32
      %swap3A_321 = arith.index_cast %swap3A_320 : i32 to index
      %swap3A_322 = arith.index_cast %mul3A_319 : i32 to index
      %swap3A_323 = tpu.vector_load %arg17[%swap3A_321, %swap3A_322] {strides = array<i32>} : memref<16x1024xf32, #tpu.memory_space<vmem>>, vector<16xf32>,
      tpu.vector_store %arg17[%swap3A_321, %swap3A_322], %add3A_317 {strides = array<i32>} : memref<16x1024xf32, #tpu.memory_space<vmem>>, vector<16xf32>,
      %slice3A_324 = vector.extract_strided_slice %get3A_67 {offsets = [6], sizes = [1], strides = [1]} : vector<16xf32> to vector<1xf32>
      %squeeze3A_325 = vector.extract %slice3A_324[0] : f32 from vector<1xf32>
      %mul3A_326 = arith.constant 16 : i32
      %mul3A_327 = arith.muli %scan3A_163, %mul3A_326 : i32
      %get3A_328 = arith.constant 6 : i32
      %get3A_329 = arith.index_cast %get3A_328 : i32 to index
      %get3A_330 = arith.index_cast %mul3A_327 : i32 to index
      %get3A_331 = tpu.vector_load %arg14[%get3A_329, %get3A_330] {strides = array<i32>} : memref<16x1024xf32, #tpu.memory_space<vmem>>, vector<16xf32>,
      %mul3A_332 = vector.broadcast %squeeze3A_325 : f32 to vector<16xf32>
      %mul3A_333 = arith.mulf %mul3A_332, %get3A_331 : vector<16xf32>
      %slice3A_334 = vector.extract_strided_slice %get3A_69 {offsets = [6], sizes = [1], strides = [1]} : vector<16xf32> to vector<1xf32>
      %squeeze3A_335 = vector.extract %slice3A_334[0] : f32 from vector<1xf32>
      %mul3A_336 = arith.constant 16 : i32
      %mul3A_337 = arith.muli %scan3A_163, %mul3A_336 : i32
      %get3A_338 = arith.constant 6 : i32
      %get3A_339 = arith.index_cast %get3A_338 : i32 to index
      %get3A_340 = arith.index_cast %mul3A_337 : i32 to index
      %get3A_341 = tpu.vector_load %arg15[%get3A_339, %get3A_340] {strides = array<i32>} : memref<16x1024xf32, #tpu.memory_space<vmem>>, vector<16xf32>,
      %mul3A_342 = vector.broadcast %squeeze3A_335 : f32 to vector<16xf32>
      %mul3A_343 = arith.mulf %mul3A_342, %get3A_341 : vector<16xf32>
      %add3A_344 = arith.addf %mul3A_333, %mul3A_343 : vector<16xf32>
      %mul3A_345 = arith.constant 16 : i32
      %mul3A_346 = arith.muli %scan3A_163, %mul3A_345 : i32
      %swap3A_347 = arith.constant 6 : i32
      %swap3A_348 = arith.index_cast %swap3A_347 : i32 to index
      %swap3A_349 = arith.index_cast %mul3A_346 : i32 to index
      %swap3A_350 = tpu.vector_load %arg17[%swap3A_348, %swap3A_349] {strides = array<i32>} : memref<16x1024xf32, #tpu.memory_space<vmem>>, vector<16xf32>,
      tpu.vector_store %arg17[%swap3A_348, %swap3A_349], %add3A_344 {strides = array<i32>} : memref<16x1024xf32, #tpu.memory_space<vmem>>, vector<16xf32>,
      %slice3A_351 = vector.extract_strided_slice %get3A_67 {offsets = [7], sizes = [1], strides = [1]} : vector<16xf32> to vector<1xf32>
      %squeeze3A_352 = vector.extract %slice3A_351[0] : f32 from vector<1xf32>
      %mul3A_353 = arith.constant 16 : i32
      %mul3A_354 = arith.muli %scan3A_163, %mul3A_353 : i32
      %get3A_355 = arith.constant 7 : i32
      %get3A_356 = arith.index_cast %get3A_355 : i32 to index
      %get3A_357 = arith.index_cast %mul3A_354 : i32 to index
      %get3A_358 = tpu.vector_load %arg14[%get3A_356, %get3A_357] {strides = array<i32>} : memref<16x1024xf32, #tpu.memory_space<vmem>>, vector<16xf32>,
      %mul3A_359 = vector.broadcast %squeeze3A_352 : f32 to vector<16xf32>
      %mul3A_360 = arith.mulf %mul3A_359, %get3A_358 : vector<16xf32>
      %slice3A_361 = vector.extract_strided_slice %get3A_69 {offsets = [7], sizes = [1], strides = [1]} : vector<16xf32> to vector<1xf32>
      %squeeze3A_362 = vector.extract %slice3A_361[0] : f32 from vector<1xf32>
      %mul3A_363 = arith.constant 16 : i32
      %mul3A_364 = arith.muli %scan3A_163, %mul3A_363 : i32
      %get3A_365 = arith.constant 7 : i32
      %get3A_366 = arith.index_cast %get3A_365 : i32 to index
      %get3A_367 = arith.index_cast %mul3A_364 : i32 to index
      %get3A_368 = tpu.vector_load %arg15[%get3A_366, %get3A_367] {strides = array<i32>} : memref<16x1024xf32, #tpu.memory_space<vmem>>, vector<16xf32>,
      %mul3A_369 = vector.broadcast %squeeze3A_362 : f32 to vector<16xf32>
      %mul3A_370 = arith.mulf %mul3A_369, %get3A_368 : vector<16xf32>
      %add3A_371 = arith.addf %mul3A_360, %mul3A_370 : vector<16xf32>
      %mul3A_372 = arith.constant 16 : i32
      %mul3A_373 = arith.muli %scan3A_163, %mul3A_372 : i32
      %swap3A_374 = arith.constant 7 : i32
      %swap3A_375 = arith.index_cast %swap3A_374 : i32 to index
      %swap3A_376 = arith.index_cast %mul3A_373 : i32 to index
      %swap3A_377 = tpu.vector_load %arg17[%swap3A_375, %swap3A_376] {strides = array<i32>} : memref<16x1024xf32, #tpu.memory_space<vmem>>, vector<16xf32>,
      tpu.vector_store %arg17[%swap3A_375, %swap3A_376], %add3A_371 {strides = array<i32>} : memref<16x1024xf32, #tpu.memory_space<vmem>>, vector<16xf32>,
      %slice3A_378 = vector.extract_strided_slice %get3A_67 {offsets = [8], sizes = [1], strides = [1]} : vector<16xf32> to vector<1xf32>
      %squeeze3A_379 = vector.extract %slice3A_378[0] : f32 from vector<1xf32>
      %mul3A_380 = arith.constant 16 : i32
      %mul3A_381 = arith.muli %scan3A_163, %mul3A_380 : i32
      %get3A_382 = arith.constant 8 : i32
      %get3A_383 = arith.index_cast %get3A_382 : i32 to index
      %get3A_384 = arith.index_cast %mul3A_381 : i32 to index
      %get3A_385 = tpu.vector_load %arg14[%get3A_383, %get3A_384] {strides = array<i32>} : memref<16x1024xf32, #tpu.memory_space<vmem>>, vector<16xf32>,
      %mul3A_386 = vector.broadcast %squeeze3A_379 : f32 to vector<16xf32>
      %mul3A_387 = arith.mulf %mul3A_386, %get3A_385 : vector<16xf32>
      %slice3A_388 = vector.extract_strided_slice %get3A_69 {offsets = [8], sizes = [1], strides = [1]} : vector<16xf32> to vector<1xf32>
      %squeeze3A_389 = vector.extract %slice3A_388[0] : f32 from vector<1xf32>
      %mul3A_390 = arith.constant 16 : i32
      %mul3A_391 = arith.muli %scan3A_163, %mul3A_390 : i32
      %get3A_392 = arith.constant 8 : i32
      %get3A_393 = arith.index_cast %get3A_392 : i32 to index
      %get3A_394 = arith.index_cast %mul3A_391 : i32 to index
      %get3A_395 = tpu.vector_load %arg15[%get3A_393, %get3A_394] {strides = array<i32>} : memref<16x1024xf32, #tpu.memory_space<vmem>>, vector<16xf32>,
      %mul3A_396 = vector.broadcast %squeeze3A_389 : f32 to vector<16xf32>
      %mul3A_397 = arith.mulf %mul3A_396, %get3A_395 : vector<16xf32>
      %add3A_398 = arith.addf %mul3A_387, %mul3A_397 : vector<16xf32>
      %mul3A_399 = arith.constant 16 : i32
      %mul3A_400 = arith.muli %scan3A_163, %mul3A_399 : i32
      %swap3A_401 = arith.constant 8 : i32
      %swap3A_402 = arith.index_cast %swap3A_401 : i32 to index
      %swap3A_403 = arith.index_cast %mul3A_400 : i32 to index
      %swap3A_404 = tpu.vector_load %arg17[%swap3A_402, %swap3A_403] {strides = array<i32>} : memref<16x1024xf32, #tpu.memory_space<vmem>>, vector<16xf32>,
      tpu.vector_store %arg17[%swap3A_402, %swap3A_403], %add3A_398 {strides = array<i32>} : memref<16x1024xf32, #tpu.memory_space<vmem>>, vector<16xf32>,
      %slice3A_405 = vector.extract_strided_slice %get3A_67 {offsets = [9], sizes = [1], strides = [1]} : vector<16xf32> to vector<1xf32>
      %squeeze3A_406 = vector.extract %slice3A_405[0] : f32 from vector<1xf32>
      %mul3A_407 = arith.constant 16 : i32
      %mul3A_408 = arith.muli %scan3A_163, %mul3A_407 : i32
      %get3A_409 = arith.constant 9 : i32
      %get3A_410 = arith.index_cast %get3A_409 : i32 to index
      %get3A_411 = arith.index_cast %mul3A_408 : i32 to index
      %get3A_412 = tpu.vector_load %arg14[%get3A_410, %get3A_411] {strides = array<i32>} : memref<16x1024xf32, #tpu.memory_space<vmem>>, vector<16xf32>,
      %mul3A_413 = vector.broadcast %squeeze3A_406 : f32 to vector<16xf32>
      %mul3A_414 = arith.mulf %mul3A_413, %get3A_412 : vector<16xf32>
      %slice3A_415 = vector.extract_strided_slice %get3A_69 {offsets = [9], sizes = [1], strides = [1]} : vector<16xf32> to vector<1xf32>
      %squeeze3A_416 = vector.extract %slice3A_415[0] : f32 from vector<1xf32>
      %mul3A_417 = arith.constant 16 : i32
      %mul3A_418 = arith.muli %scan3A_163, %mul3A_417 : i32
      %get3A_419 = arith.constant 9 : i32
      %get3A_420 = arith.index_cast %get3A_419 : i32 to index
      %get3A_421 = arith.index_cast %mul3A_418 : i32 to index
      %get3A_422 = tpu.vector_load %arg15[%get3A_420, %get3A_421] {strides = array<i32>} : memref<16x1024xf32, #tpu.memory_space<vmem>>, vector<16xf32>,
      %mul3A_423 = vector.broadcast %squeeze3A_416 : f32 to vector<16xf32>
      %mul3A_424 = arith.mulf %mul3A_423, %get3A_422 : vector<16xf32>
      %add3A_425 = arith.addf %mul3A_414, %mul3A_424 : vector<16xf32>
      %mul3A_426 = arith.constant 16 : i32
      %mul3A_427 = arith.muli %scan3A_163, %mul3A_426 : i32
      %swap3A_428 = arith.constant 9 : i32
      %swap3A_429 = arith.index_cast %swap3A_428 : i32 to index
      %swap3A_430 = arith.index_cast %mul3A_427 : i32 to index
      %swap3A_431 = tpu.vector_load %arg17[%swap3A_429, %swap3A_430] {strides = array<i32>} : memref<16x1024xf32, #tpu.memory_space<vmem>>, vector<16xf32>,
      tpu.vector_store %arg17[%swap3A_429, %swap3A_430], %add3A_425 {strides = array<i32>} : memref<16x1024xf32, #tpu.memory_space<vmem>>, vector<16xf32>,
      %slice3A_432 = vector.extract_strided_slice %get3A_67 {offsets = [10], sizes = [1], strides = [1]} : vector<16xf32> to vector<1xf32>
      %squeeze3A_433 = vector.extract %slice3A_432[0] : f32 from vector<1xf32>
      %mul3A_434 = arith.constant 16 : i32
      %mul3A_435 = arith.muli %scan3A_163, %mul3A_434 : i32
      %get3A_436 = arith.constant 10 : i32
      %get3A_437 = arith.index_cast %get3A_436 : i32 to index
      %get3A_438 = arith.index_cast %mul3A_435 : i32 to index
      %get3A_439 = tpu.vector_load %arg14[%get3A_437, %get3A_438] {strides = array<i32>} : memref<16x1024xf32, #tpu.memory_space<vmem>>, vector<16xf32>,
      %mul3A_440 = vector.broadcast %squeeze3A_433 : f32 to vector<16xf32>
      %mul3A_441 = arith.mulf %mul3A_440, %get3A_439 : vector<16xf32>
      %slice3A_442 = vector.extract_strided_slice %get3A_69 {offsets = [10], sizes = [1], strides = [1]} : vector<16xf32> to vector<1xf32>
      %squeeze3A_443 = vector.extract %slice3A_442[0] : f32 from vector<1xf32>
      %mul3A_444 = arith.constant 16 : i32
      %mul3A_445 = arith.muli %scan3A_163, %mul3A_444 : i32
      %get3A_446 = arith.constant 10 : i32
      %get3A_447 = arith.index_cast %get3A_446 : i32 to index
      %get3A_448 = arith.index_cast %mul3A_445 : i32 to index
      %get3A_449 = tpu.vector_load %arg15[%get3A_447, %get3A_448] {strides = array<i32>} : memref<16x1024xf32, #tpu.memory_space<vmem>>, vector<16xf32>,
      %mul3A_450 = vector.broadcast %squeeze3A_443 : f32 to vector<16xf32>
      %mul3A_451 = arith.mulf %mul3A_450, %get3A_449 : vector<16xf32>
      %add3A_452 = arith.addf %mul3A_441, %mul3A_451 : vector<16xf32>
      %mul3A_453 = arith.constant 16 : i32
      %mul3A_454 = arith.muli %scan3A_163, %mul3A_453 : i32
      %swap3A_455 = arith.constant 10 : i32
      %swap3A_456 = arith.index_cast %swap3A_455 : i32 to index
      %swap3A_457 = arith.index_cast %mul3A_454 : i32 to index
      %swap3A_458 = tpu.vector_load %arg17[%swap3A_456, %swap3A_457] {strides = array<i32>} : memref<16x1024xf32, #tpu.memory_space<vmem>>, vector<16xf32>,
      tpu.vector_store %arg17[%swap3A_456, %swap3A_457], %add3A_452 {strides = array<i32>} : memref<16x1024xf32, #tpu.memory_space<vmem>>, vector<16xf32>,
      %slice3A_459 = vector.extract_strided_slice %get3A_67 {offsets = [11], sizes = [1], strides = [1]} : vector<16xf32> to vector<1xf32>
      %squeeze3A_460 = vector.extract %slice3A_459[0] : f32 from vector<1xf32>
      %mul3A_461 = arith.constant 16 : i32
      %mul3A_462 = arith.muli %scan3A_163, %mul3A_461 : i32
      %get3A_463 = arith.constant 11 : i32
      %get3A_464 = arith.index_cast %get3A_463 : i32 to index
      %get3A_465 = arith.index_cast %mul3A_462 : i32 to index
      %get3A_466 = tpu.vector_load %arg14[%get3A_464, %get3A_465] {strides = array<i32>} : memref<16x1024xf32, #tpu.memory_space<vmem>>, vector<16xf32>,
      %mul3A_467 = vector.broadcast %squeeze3A_460 : f32 to vector<16xf32>
      %mul3A_468 = arith.mulf %mul3A_467, %get3A_466 : vector<16xf32>
      %slice3A_469 = vector.extract_strided_slice %get3A_69 {offsets = [11], sizes = [1], strides = [1]} : vector<16xf32> to vector<1xf32>
      %squeeze3A_470 = vector.extract %slice3A_469[0] : f32 from vector<1xf32>
      %mul3A_471 = arith.constant 16 : i32
      %mul3A_472 = arith.muli %scan3A_163, %mul3A_471 : i32
      %get3A_473 = arith.constant 11 : i32
      %get3A_474 = arith.index_cast %get3A_473 : i32 to index
      %get3A_475 = arith.index_cast %mul3A_472 : i32 to index
      %get3A_476 = tpu.vector_load %arg15[%get3A_474, %get3A_475] {strides = array<i32>} : memref<16x1024xf32, #tpu.memory_space<vmem>>, vector<16xf32>,
      %mul3A_477 = vector.broadcast %squeeze3A_470 : f32 to vector<16xf32>
      %mul3A_478 = arith.mulf %mul3A_477, %get3A_476 : vector<16xf32>
      %add3A_479 = arith.addf %mul3A_468, %mul3A_478 : vector<16xf32>
      %mul3A_480 = arith.constant 16 : i32
      %mul3A_481 = arith.muli %scan3A_163, %mul3A_480 : i32
      %swap3A_482 = arith.constant 11 : i32
      %swap3A_483 = arith.index_cast %swap3A_482 : i32 to index
      %swap3A_484 = arith.index_cast %mul3A_481 : i32 to index
      %swap3A_485 = tpu.vector_load %arg17[%swap3A_483, %swap3A_484] {strides = array<i32>} : memref<16x1024xf32, #tpu.memory_space<vmem>>, vector<16xf32>,
      tpu.vector_store %arg17[%swap3A_483, %swap3A_484], %add3A_479 {strides = array<i32>} : memref<16x1024xf32, #tpu.memory_space<vmem>>, vector<16xf32>,
      %slice3A_486 = vector.extract_strided_slice %get3A_67 {offsets = [12], sizes = [1], strides = [1]} : vector<16xf32> to vector<1xf32>
      %squeeze3A_487 = vector.extract %slice3A_486[0] : f32 from vector<1xf32>
      %mul3A_488 = arith.constant 16 : i32
      %mul3A_489 = arith.muli %scan3A_163, %mul3A_488 : i32
      %get3A_490 = arith.constant 12 : i32
      %get3A_491 = arith.index_cast %get3A_490 : i32 to index
      %get3A_492 = arith.index_cast %mul3A_489 : i32 to index
      %get3A_493 = tpu.vector_load %arg14[%get3A_491, %get3A_492] {strides = array<i32>} : memref<16x1024xf32, #tpu.memory_space<vmem>>, vector<16xf32>,
      %mul3A_494 = vector.broadcast %squeeze3A_487 : f32 to vector<16xf32>
      %mul3A_495 = arith.mulf %mul3A_494, %get3A_493 : vector<16xf32>
      %slice3A_496 = vector.extract_strided_slice %get3A_69 {offsets = [12], sizes = [1], strides = [1]} : vector<16xf32> to vector<1xf32>
      %squeeze3A_497 = vector.extract %slice3A_496[0] : f32 from vector<1xf32>
      %mul3A_498 = arith.constant 16 : i32
      %mul3A_499 = arith.muli %scan3A_163, %mul3A_498 : i32
      %get3A_500 = arith.constant 12 : i32
      %get3A_501 = arith.index_cast %get3A_500 : i32 to index
      %get3A_502 = arith.index_cast %mul3A_499 : i32 to index
      %get3A_503 = tpu.vector_load %arg15[%get3A_501, %get3A_502] {strides = array<i32>} : memref<16x1024xf32, #tpu.memory_space<vmem>>, vector<16xf32>,
      %mul3A_504 = vector.broadcast %squeeze3A_497 : f32 to vector<16xf32>
      %mul3A_505 = arith.mulf %mul3A_504, %get3A_503 : vector<16xf32>
      %add3A_506 = arith.addf %mul3A_495, %mul3A_505 : vector<16xf32>
      %mul3A_507 = arith.constant 16 : i32
      %mul3A_508 = arith.muli %scan3A_163, %mul3A_507 : i32
      %swap3A_509 = arith.constant 12 : i32
      %swap3A_510 = arith.index_cast %swap3A_509 : i32 to index
      %swap3A_511 = arith.index_cast %mul3A_508 : i32 to index
      %swap3A_512 = tpu.vector_load %arg17[%swap3A_510, %swap3A_511] {strides = array<i32>} : memref<16x1024xf32, #tpu.memory_space<vmem>>, vector<16xf32>,
      tpu.vector_store %arg17[%swap3A_510, %swap3A_511], %add3A_506 {strides = array<i32>} : memref<16x1024xf32, #tpu.memory_space<vmem>>, vector<16xf32>,
      %slice3A_513 = vector.extract_strided_slice %get3A_67 {offsets = [13], sizes = [1], strides = [1]} : vector<16xf32> to vector<1xf32>
      %squeeze3A_514 = vector.extract %slice3A_513[0] : f32 from vector<1xf32>
      %mul3A_515 = arith.constant 16 : i32
      %mul3A_516 = arith.muli %scan3A_163, %mul3A_515 : i32
      %get3A_517 = arith.constant 13 : i32
      %get3A_518 = arith.index_cast %get3A_517 : i32 to index
      %get3A_519 = arith.index_cast %mul3A_516 : i32 to index
      %get3A_520 = tpu.vector_load %arg14[%get3A_518, %get3A_519] {strides = array<i32>} : memref<16x1024xf32, #tpu.memory_space<vmem>>, vector<16xf32>,
      %mul3A_521 = vector.broadcast %squeeze3A_514 : f32 to vector<16xf32>
      %mul3A_522 = arith.mulf %mul3A_521, %get3A_520 : vector<16xf32>
      %slice3A_523 = vector.extract_strided_slice %get3A_69 {offsets = [13], sizes = [1], strides = [1]} : vector<16xf32> to vector<1xf32>
      %squeeze3A_524 = vector.extract %slice3A_523[0] : f32 from vector<1xf32>
      %mul3A_525 = arith.constant 16 : i32
      %mul3A_526 = arith.muli %scan3A_163, %mul3A_525 : i32
      %get3A_527 = arith.constant 13 : i32
      %get3A_528 = arith.index_cast %get3A_527 : i32 to index
      %get3A_529 = arith.index_cast %mul3A_526 : i32 to index
      %get3A_530 = tpu.vector_load %arg15[%get3A_528, %get3A_529] {strides = array<i32>} : memref<16x1024xf32, #tpu.memory_space<vmem>>, vector<16xf32>,
      %mul3A_531 = vector.broadcast %squeeze3A_524 : f32 to vector<16xf32>
      %mul3A_532 = arith.mulf %mul3A_531, %get3A_530 : vector<16xf32>
      %add3A_533 = arith.addf %mul3A_522, %mul3A_532 : vector<16xf32>
      %mul3A_534 = arith.constant 16 : i32
      %mul3A_535 = arith.muli %scan3A_163, %mul3A_534 : i32
      %swap3A_536 = arith.constant 13 : i32
      %swap3A_537 = arith.index_cast %swap3A_536 : i32 to index
      %swap3A_538 = arith.index_cast %mul3A_535 : i32 to index
      %swap3A_539 = tpu.vector_load %arg17[%swap3A_537, %swap3A_538] {strides = array<i32>} : memref<16x1024xf32, #tpu.memory_space<vmem>>, vector<16xf32>,
      tpu.vector_store %arg17[%swap3A_537, %swap3A_538], %add3A_533 {strides = array<i32>} : memref<16x1024xf32, #tpu.memory_space<vmem>>, vector<16xf32>,
      %slice3A_540 = vector.extract_strided_slice %get3A_67 {offsets = [14], sizes = [1], strides = [1]} : vector<16xf32> to vector<1xf32>
      %squeeze3A_541 = vector.extract %slice3A_540[0] : f32 from vector<1xf32>
      %mul3A_542 = arith.constant 16 : i32
      %mul3A_543 = arith.muli %scan3A_163, %mul3A_542 : i32
      %get3A_544 = arith.constant 14 : i32
      %get3A_545 = arith.index_cast %get3A_544 : i32 to index
      %get3A_546 = arith.index_cast %mul3A_543 : i32 to index
      %get3A_547 = tpu.vector_load %arg14[%get3A_545, %get3A_546] {strides = array<i32>} : memref<16x1024xf32, #tpu.memory_space<vmem>>, vector<16xf32>,
      %mul3A_548 = vector.broadcast %squeeze3A_541 : f32 to vector<16xf32>
      %mul3A_549 = arith.mulf %mul3A_548, %get3A_547 : vector<16xf32>
      %slice3A_550 = vector.extract_strided_slice %get3A_69 {offsets = [14], sizes = [1], strides = [1]} : vector<16xf32> to vector<1xf32>
      %squeeze3A_551 = vector.extract %slice3A_550[0] : f32 from vector<1xf32>
      %mul3A_552 = arith.constant 16 : i32
      %mul3A_553 = arith.muli %scan3A_163, %mul3A_552 : i32
      %get3A_554 = arith.constant 14 : i32
      %get3A_555 = arith.index_cast %get3A_554 : i32 to index
      %get3A_556 = arith.index_cast %mul3A_553 : i32 to index
      %get3A_557 = tpu.vector_load %arg15[%get3A_555, %get3A_556] {strides = array<i32>} : memref<16x1024xf32, #tpu.memory_space<vmem>>, vector<16xf32>,
      %mul3A_558 = vector.broadcast %squeeze3A_551 : f32 to vector<16xf32>
      %mul3A_559 = arith.mulf %mul3A_558, %get3A_557 : vector<16xf32>
      %add3A_560 = arith.addf %mul3A_549, %mul3A_559 : vector<16xf32>
      %mul3A_561 = arith.constant 16 : i32
      %mul3A_562 = arith.muli %scan3A_163, %mul3A_561 : i32
      %swap3A_563 = arith.constant 14 : i32
      %swap3A_564 = arith.index_cast %swap3A_563 : i32 to index
      %swap3A_565 = arith.index_cast %mul3A_562 : i32 to index
      %swap3A_566 = tpu.vector_load %arg17[%swap3A_564, %swap3A_565] {strides = array<i32>} : memref<16x1024xf32, #tpu.memory_space<vmem>>, vector<16xf32>,
      tpu.vector_store %arg17[%swap3A_564, %swap3A_565], %add3A_560 {strides = array<i32>} : memref<16x1024xf32, #tpu.memory_space<vmem>>, vector<16xf32>,
      %slice3A_567 = vector.extract_strided_slice %get3A_67 {offsets = [15], sizes = [1], strides = [1]} : vector<16xf32> to vector<1xf32>
      %squeeze3A_568 = vector.extract %slice3A_567[0] : f32 from vector<1xf32>
      %mul3A_569 = arith.constant 16 : i32
      %mul3A_570 = arith.muli %scan3A_163, %mul3A_569 : i32
      %get3A_571 = arith.constant 15 : i32
      %get3A_572 = arith.index_cast %get3A_571 : i32 to index
      %get3A_573 = arith.index_cast %mul3A_570 : i32 to index
      %get3A_574 = tpu.vector_load %arg14[%get3A_572, %get3A_573] {strides = array<i32>} : memref<16x1024xf32, #tpu.memory_space<vmem>>, vector<16xf32>,
      %mul3A_575 = vector.broadcast %squeeze3A_568 : f32 to vector<16xf32>
      %mul3A_576 = arith.mulf %mul3A_575, %get3A_574 : vector<16xf32>
      %slice3A_577 = vector.extract_strided_slice %get3A_69 {offsets = [15], sizes = [1], strides = [1]} : vector<16xf32> to vector<1xf32>
      %squeeze3A_578 = vector.extract %slice3A_577[0] : f32 from vector<1xf32>
      %mul3A_579 = arith.constant 16 : i32
      %mul3A_580 = arith.muli %scan3A_163, %mul3A_579 : i32
      %get3A_581 = arith.constant 15 : i32
      %get3A_582 = arith.index_cast %get3A_581 : i32 to index
      %get3A_583 = arith.index_cast %mul3A_580 : i32 to index
      %get3A_584 = tpu.vector_load %arg15[%get3A_582, %get3A_583] {strides = array<i32>} : memref<16x1024xf32, #tpu.memory_space<vmem>>, vector<16xf32>,
      %mul3A_585 = vector.broadcast %squeeze3A_578 : f32 to vector<16xf32>
      %mul3A_586 = arith.mulf %mul3A_585, %get3A_584 : vector<16xf32>
      %add3A_587 = arith.addf %mul3A_576, %mul3A_586 : vector<16xf32>
      %mul3A_588 = arith.constant 16 : i32
      %mul3A_589 = arith.muli %scan3A_163, %mul3A_588 : i32
      %swap3A_590 = arith.constant 15 : i32
      %swap3A_591 = arith.index_cast %swap3A_590 : i32 to index
      %swap3A_592 = arith.index_cast %mul3A_589 : i32 to index
      %swap3A_593 = tpu.vector_load %arg17[%swap3A_591, %swap3A_592] {strides = array<i32>} : memref<16x1024xf32, #tpu.memory_space<vmem>>, vector<16xf32>,
      tpu.vector_store %arg17[%swap3A_591, %swap3A_592], %add3A_587 {strides = array<i32>} : memref<16x1024xf32, #tpu.memory_space<vmem>>, vector<16xf32>,
      %scan3A_594 = arith.constant 0 : i32
      scf.yield %scan3A_594 : i32
    }
    %scan3A_76 = arith.constant 64 : i32
    %add3A_77 = arith.constant 16 : i32
    %add3A_78 = arith.addi %mul3A_2, %add3A_77 : i32
    %dma_start3A_79 = arith.constant 0 : i32
    %dma_start3A_80 = tpu.memref_slice %arg7[%add3A_78, %dma_start3A_79] : memref<2048x1024xf32, #tpu.memory_space<hbm>> -> memref<16x1024xf32, #tpu.memory_space<hbm>>
    %dma_start3A_81 = arith.constant 0 : i32
    %dma_start3A_82 = tpu.memref_slice %arg7[%add3A_78, %dma_start3A_81] : memref<2048x1024xf32, #tpu.memory_space<hbm>> -> memref<16x1024xf32, #tpu.memory_space<hbm>>
    tpu.enqueue_dma source(%arg17 : memref<16x1024xf32, #tpu.memory_space<vmem>>) target(%dma_start3A_82 : memref<16x1024xf32, #tpu.memory_space<hbm>>) target_semaphore(%arg20 : memref<!tpu.dma_semaphore, #tpu.memory_space<semaphore_mem>>)
    %dma_wait3A_83 = arith.constant 32 : i32
    %dma_wait3A_84 = tpu.memref_slice %arg8[%dma_wait3A_83] : memref<64xi32, #tpu.memory_space<vmem>> -> memref<16xi32, #tpu.memory_space<vmem>>
    %dma_wait3A_85 = arith.constant 0 : i32
    %dma_wait3A_86 = arith.constant 0 : i32
    %dma_wait3A_87 = tpu.memref_slice %arg2[%dma_wait3A_85, %dma_wait3A_86] : memref<6144x1024xf32, #tpu.memory_space<hbm>> -> memref<6144x1024xf32, #tpu.memory_space<hbm>>
    tpu.wait_indirect_dma semaphore(%arg18 : memref<!tpu.dma_semaphore, #tpu.memory_space<semaphore_mem>>) src(%dma_wait3A_87 : memref<6144x1024xf32, #tpu.memory_space<hbm>>) dst(%arg12 : memref<16x1024xf32, #tpu.memory_space<vmem>>)
    %dma_wait3A_88 = arith.constant 32 : i32
    %dma_wait3A_89 = tpu.memref_slice %arg9[%dma_wait3A_88] : memref<64xi32, #tpu.memory_space<vmem>> -> memref<16xi32, #tpu.memory_space<vmem>>
    %dma_wait3A_90 = arith.constant 0 : i32
    %dma_wait3A_91 = arith.constant 0 : i32
    %dma_wait3A_92 = tpu.memref_slice %arg2[%dma_wait3A_90, %dma_wait3A_91] : memref<6144x1024xf32, #tpu.memory_space<hbm>> -> memref<6144x1024xf32, #tpu.memory_space<hbm>>
    tpu.wait_indirect_dma semaphore(%arg18 : memref<!tpu.dma_semaphore, #tpu.memory_space<semaphore_mem>>) src(%dma_wait3A_92 : memref<6144x1024xf32, #tpu.memory_space<hbm>>) dst(%arg13 : memref<16x1024xf32, #tpu.memory_space<vmem>>)
    %dma_start3A_93 = arith.constant 48 : i32
    %dma_start3A_94 = tpu.memref_slice %arg8[%dma_start3A_93] : memref<64xi32, #tpu.memory_space<vmem>> -> memref<16xi32, #tpu.memory_space<vmem>>
    %dma_start3A_95 = arith.constant 0 : i32
    %dma_start3A_96 = arith.constant 0 : i32
    %dma_start3A_97 = tpu.memref_slice %arg2[%dma_start3A_95, %dma_start3A_96] : memref<6144x1024xf32, #tpu.memory_space<hbm>> -> memref<6144x1024xf32, #tpu.memory_space<hbm>>
    tpu.enqueue_indirect_dma source(%dma_start3A_97 : memref<6144x1024xf32, #tpu.memory_space<hbm>>) target(%arg14 : memref<16x1024xf32, #tpu.memory_space<vmem>>) offsets(%dma_start3A_94 : memref<16xi32, #tpu.memory_space<vmem>>) semaphore(%arg19 : memref<!tpu.dma_semaphore, #tpu.memory_space<semaphore_mem>>)
    %dma_start3A_98 = arith.constant 48 : i32
    %dma_start3A_99 = tpu.memref_slice %arg9[%dma_start3A_98] : memref<64xi32, #tpu.memory_space<vmem>> -> memref<16xi32, #tpu.memory_space<vmem>>
    %dma_start3A_100 = arith.constant 0 : i32
    %dma_start3A_101 = arith.constant 0 : i32
    %dma_start3A_102 = tpu.memref_slice %arg2[%dma_start3A_100, %dma_start3A_101] : memref<6144x1024xf32, #tpu.memory_space<hbm>> -> memref<6144x1024xf32, #tpu.memory_space<hbm>>
    tpu.enqueue_indirect_dma source(%dma_start3A_102 : memref<6144x1024xf32, #tpu.memory_space<hbm>>) target(%arg15 : memref<16x1024xf32, #tpu.memory_space<vmem>>) offsets(%dma_start3A_99 : memref<16xi32, #tpu.memory_space<vmem>>) semaphore(%arg19 : memref<!tpu.dma_semaphore, #tpu.memory_space<semaphore_mem>>)
    %dma_wait3A_103 = arith.constant 0 : i32
    %dma_wait3A_104 = tpu.memref_slice %arg7[%add3A_41, %dma_wait3A_103] : memref<2048x1024xf32, #tpu.memory_space<hbm>> -> memref<16x1024xf32, #tpu.memory_space<hbm>>
    %dma_wait3A_105 = arith.constant 0 : i32
    %dma_wait3A_106 = tpu.memref_slice %arg7[%add3A_41, %dma_wait3A_105] : memref<2048x1024xf32, #tpu.memory_space<hbm>> -> memref<16x1024xf32, #tpu.memory_space<hbm>>
    tpu.wait_dma2 semaphore(%arg20 : memref<!tpu.dma_semaphore, #tpu.memory_space<semaphore_mem>>) src(%arg16 : memref<16x1024xf32, #tpu.memory_space<vmem>>) dst(%dma_wait3A_106 : memref<16x1024xf32, #tpu.memory_space<hbm>>)
    %get3A_107 = arith.constant 32 : index
    %get3A_108 = tpu.vector_load %arg10[%get3A_107] {strides = array<i32>} : memref<64xf32, #tpu.memory_space<vmem>>, vector<16xf32>,
    %get3A_109 = arith.constant 32 : index
    %get3A_110 = tpu.vector_load %arg11[%get3A_109] {strides = array<i32>} : memref<64xf32, #tpu.memory_space<vmem>>, vector<16xf32>,
    %scan3A_111 = arith.constant 0 : i32
    %scan3A_112 = arith.constant 0 : i32
    %scan3A_113 = arith.constant 64 : i32
    %scan3A_114 = arith.addi %scan3A_112, %scan3A_113 : i32
    %scan3A_115 = arith.constant 1 : i32
    %scan3A_116 = scf.for %scan3A_163 = %scan3A_112 to %scan3A_114 step %scan3A_115 iter_args(%scan3A_164 = %scan3A_111) -> (i32)  : i32 {
      %slice3A = vector.extract_strided_slice %get3A_108 {offsets = [0], sizes = [1], strides = [1]} : vector<16xf32> to vector<1xf32>
      %squeeze3A = vector.extract %slice3A[0] : f32 from vector<1xf32>
      %mul3A_165 = arith.constant 16 : i32
      %mul3A_166 = arith.muli %scan3A_163, %mul3A_165 : i32
      %get3A_167 = arith.constant 0 : i32
      %get3A_168 = arith.index_cast %get3A_167 : i32 to index
      %get3A_169 = arith.index_cast %mul3A_166 : i32 to index
      %get3A_170 = tpu.vector_load %arg12[%get3A_168, %get3A_169] {strides = array<i32>} : memref<16x1024xf32, #tpu.memory_space<vmem>>, vector<16xf32>,
      %mul3A_171 = vector.broadcast %squeeze3A : f32 to vector<16xf32>
      %mul3A_172 = arith.mulf %mul3A_171, %get3A_170 : vector<16xf32>
      %slice3A_173 = vector.extract_strided_slice %get3A_110 {offsets = [0], sizes = [1], strides = [1]} : vector<16xf32> to vector<1xf32>
      %squeeze3A_174 = vector.extract %slice3A_173[0] : f32 from vector<1xf32>
      %mul3A_175 = arith.constant 16 : i32
      %mul3A_176 = arith.muli %scan3A_163, %mul3A_175 : i32
      %get3A_177 = arith.constant 0 : i32
      %get3A_178 = arith.index_cast %get3A_177 : i32 to index
      %get3A_179 = arith.index_cast %mul3A_176 : i32 to index
      %get3A_180 = tpu.vector_load %arg13[%get3A_178, %get3A_179] {strides = array<i32>} : memref<16x1024xf32, #tpu.memory_space<vmem>>, vector<16xf32>,
      %mul3A_181 = vector.broadcast %squeeze3A_174 : f32 to vector<16xf32>
      %mul3A_182 = arith.mulf %mul3A_181, %get3A_180 : vector<16xf32>
      %add3A_183 = arith.addf %mul3A_172, %mul3A_182 : vector<16xf32>
      %mul3A_184 = arith.constant 16 : i32
      %mul3A_185 = arith.muli %scan3A_163, %mul3A_184 : i32
      %swap3A = arith.constant 0 : i32
      %swap3A_186 = arith.index_cast %swap3A : i32 to index
      %swap3A_187 = arith.index_cast %mul3A_185 : i32 to index
      %swap3A_188 = tpu.vector_load %arg16[%swap3A_186, %swap3A_187] {strides = array<i32>} : memref<16x1024xf32, #tpu.memory_space<vmem>>, vector<16xf32>,
      tpu.vector_store %arg16[%swap3A_186, %swap3A_187], %add3A_183 {strides = array<i32>} : memref<16x1024xf32, #tpu.memory_space<vmem>>, vector<16xf32>,
      %slice3A_189 = vector.extract_strided_slice %get3A_108 {offsets = [1], sizes = [1], strides = [1]} : vector<16xf32> to vector<1xf32>
      %squeeze3A_190 = vector.extract %slice3A_189[0] : f32 from vector<1xf32>
      %mul3A_191 = arith.constant 16 : i32
      %mul3A_192 = arith.muli %scan3A_163, %mul3A_191 : i32
      %get3A_193 = arith.constant 1 : i32
      %get3A_194 = arith.index_cast %get3A_193 : i32 to index
      %get3A_195 = arith.index_cast %mul3A_192 : i32 to index
      %get3A_196 = tpu.vector_load %arg12[%get3A_194, %get3A_195] {strides = array<i32>} : memref<16x1024xf32, #tpu.memory_space<vmem>>, vector<16xf32>,
      %mul3A_197 = vector.broadcast %squeeze3A_190 : f32 to vector<16xf32>
      %mul3A_198 = arith.mulf %mul3A_197, %get3A_196 : vector<16xf32>
      %slice3A_199 = vector.extract_strided_slice %get3A_110 {offsets = [1], sizes = [1], strides = [1]} : vector<16xf32> to vector<1xf32>
      %squeeze3A_200 = vector.extract %slice3A_199[0] : f32 from vector<1xf32>
      %mul3A_201 = arith.constant 16 : i32
      %mul3A_202 = arith.muli %scan3A_163, %mul3A_201 : i32
      %get3A_203 = arith.constant 1 : i32
      %get3A_204 = arith.index_cast %get3A_203 : i32 to index
      %get3A_205 = arith.index_cast %mul3A_202 : i32 to index
      %get3A_206 = tpu.vector_load %arg13[%get3A_204, %get3A_205] {strides = array<i32>} : memref<16x1024xf32, #tpu.memory_space<vmem>>, vector<16xf32>,
      %mul3A_207 = vector.broadcast %squeeze3A_200 : f32 to vector<16xf32>
      %mul3A_208 = arith.mulf %mul3A_207, %get3A_206 : vector<16xf32>
      %add3A_209 = arith.addf %mul3A_198, %mul3A_208 : vector<16xf32>
      %mul3A_210 = arith.constant 16 : i32
      %mul3A_211 = arith.muli %scan3A_163, %mul3A_210 : i32
      %swap3A_212 = arith.constant 1 : i32
      %swap3A_213 = arith.index_cast %swap3A_212 : i32 to index
      %swap3A_214 = arith.index_cast %mul3A_211 : i32 to index
      %swap3A_215 = tpu.vector_load %arg16[%swap3A_213, %swap3A_214] {strides = array<i32>} : memref<16x1024xf32, #tpu.memory_space<vmem>>, vector<16xf32>,
      tpu.vector_store %arg16[%swap3A_213, %swap3A_214], %add3A_209 {strides = array<i32>} : memref<16x1024xf32, #tpu.memory_space<vmem>>, vector<16xf32>,
      %slice3A_216 = vector.extract_strided_slice %get3A_108 {offsets = [2], sizes = [1], strides = [1]} : vector<16xf32> to vector<1xf32>
      %squeeze3A_217 = vector.extract %slice3A_216[0] : f32 from vector<1xf32>
      %mul3A_218 = arith.constant 16 : i32
      %mul3A_219 = arith.muli %scan3A_163, %mul3A_218 : i32
      %get3A_220 = arith.constant 2 : i32
      %get3A_221 = arith.index_cast %get3A_220 : i32 to index
      %get3A_222 = arith.index_cast %mul3A_219 : i32 to index
      %get3A_223 = tpu.vector_load %arg12[%get3A_221, %get3A_222] {strides = array<i32>} : memref<16x1024xf32, #tpu.memory_space<vmem>>, vector<16xf32>,
      %mul3A_224 = vector.broadcast %squeeze3A_217 : f32 to vector<16xf32>
      %mul3A_225 = arith.mulf %mul3A_224, %get3A_223 : vector<16xf32>
      %slice3A_226 = vector.extract_strided_slice %get3A_110 {offsets = [2], sizes = [1], strides = [1]} : vector<16xf32> to vector<1xf32>
      %squeeze3A_227 = vector.extract %slice3A_226[0] : f32 from vector<1xf32>
      %mul3A_228 = arith.constant 16 : i32
      %mul3A_229 = arith.muli %scan3A_163, %mul3A_228 : i32
      %get3A_230 = arith.constant 2 : i32
      %get3A_231 = arith.index_cast %get3A_230 : i32 to index
      %get3A_232 = arith.index_cast %mul3A_229 : i32 to index
      %get3A_233 = tpu.vector_load %arg13[%get3A_231, %get3A_232] {strides = array<i32>} : memref<16x1024xf32, #tpu.memory_space<vmem>>, vector<16xf32>,
      %mul3A_234 = vector.broadcast %squeeze3A_227 : f32 to vector<16xf32>
      %mul3A_235 = arith.mulf %mul3A_234, %get3A_233 : vector<16xf32>
      %add3A_236 = arith.addf %mul3A_225, %mul3A_235 : vector<16xf32>
      %mul3A_237 = arith.constant 16 : i32
      %mul3A_238 = arith.muli %scan3A_163, %mul3A_237 : i32
      %swap3A_239 = arith.constant 2 : i32
      %swap3A_240 = arith.index_cast %swap3A_239 : i32 to index
      %swap3A_241 = arith.index_cast %mul3A_238 : i32 to index
      %swap3A_242 = tpu.vector_load %arg16[%swap3A_240, %swap3A_241] {strides = array<i32>} : memref<16x1024xf32, #tpu.memory_space<vmem>>, vector<16xf32>,
      tpu.vector_store %arg16[%swap3A_240, %swap3A_241], %add3A_236 {strides = array<i32>} : memref<16x1024xf32, #tpu.memory_space<vmem>>, vector<16xf32>,
      %slice3A_243 = vector.extract_strided_slice %get3A_108 {offsets = [3], sizes = [1], strides = [1]} : vector<16xf32> to vector<1xf32>
      %squeeze3A_244 = vector.extract %slice3A_243[0] : f32 from vector<1xf32>
      %mul3A_245 = arith.constant 16 : i32
      %mul3A_246 = arith.muli %scan3A_163, %mul3A_245 : i32
      %get3A_247 = arith.constant 3 : i32
      %get3A_248 = arith.index_cast %get3A_247 : i32 to index
      %get3A_249 = arith.index_cast %mul3A_246 : i32 to index
      %get3A_250 = tpu.vector_load %arg12[%get3A_248, %get3A_249] {strides = array<i32>} : memref<16x1024xf32, #tpu.memory_space<vmem>>, vector<16xf32>,
      %mul3A_251 = vector.broadcast %squeeze3A_244 : f32 to vector<16xf32>
      %mul3A_252 = arith.mulf %mul3A_251, %get3A_250 : vector<16xf32>
      %slice3A_253 = vector.extract_strided_slice %get3A_110 {offsets = [3], sizes = [1], strides = [1]} : vector<16xf32> to vector<1xf32>
      %squeeze3A_254 = vector.extract %slice3A_253[0] : f32 from vector<1xf32>
      %mul3A_255 = arith.constant 16 : i32
      %mul3A_256 = arith.muli %scan3A_163, %mul3A_255 : i32
      %get3A_257 = arith.constant 3 : i32
      %get3A_258 = arith.index_cast %get3A_257 : i32 to index
      %get3A_259 = arith.index_cast %mul3A_256 : i32 to index
      %get3A_260 = tpu.vector_load %arg13[%get3A_258, %get3A_259] {strides = array<i32>} : memref<16x1024xf32, #tpu.memory_space<vmem>>, vector<16xf32>,
      %mul3A_261 = vector.broadcast %squeeze3A_254 : f32 to vector<16xf32>
      %mul3A_262 = arith.mulf %mul3A_261, %get3A_260 : vector<16xf32>
      %add3A_263 = arith.addf %mul3A_252, %mul3A_262 : vector<16xf32>
      %mul3A_264 = arith.constant 16 : i32
      %mul3A_265 = arith.muli %scan3A_163, %mul3A_264 : i32
      %swap3A_266 = arith.constant 3 : i32
      %swap3A_267 = arith.index_cast %swap3A_266 : i32 to index
      %swap3A_268 = arith.index_cast %mul3A_265 : i32 to index
      %swap3A_269 = tpu.vector_load %arg16[%swap3A_267, %swap3A_268] {strides = array<i32>} : memref<16x1024xf32, #tpu.memory_space<vmem>>, vector<16xf32>,
      tpu.vector_store %arg16[%swap3A_267, %swap3A_268], %add3A_263 {strides = array<i32>} : memref<16x1024xf32, #tpu.memory_space<vmem>>, vector<16xf32>,
      %slice3A_270 = vector.extract_strided_slice %get3A_108 {offsets = [4], sizes = [1], strides = [1]} : vector<16xf32> to vector<1xf32>
      %squeeze3A_271 = vector.extract %slice3A_270[0] : f32 from vector<1xf32>
      %mul3A_272 = arith.constant 16 : i32
      %mul3A_273 = arith.muli %scan3A_163, %mul3A_272 : i32
      %get3A_274 = arith.constant 4 : i32
      %get3A_275 = arith.index_cast %get3A_274 : i32 to index
      %get3A_276 = arith.index_cast %mul3A_273 : i32 to index
      %get3A_277 = tpu.vector_load %arg12[%get3A_275, %get3A_276] {strides = array<i32>} : memref<16x1024xf32, #tpu.memory_space<vmem>>, vector<16xf32>,
      %mul3A_278 = vector.broadcast %squeeze3A_271 : f32 to vector<16xf32>
      %mul3A_279 = arith.mulf %mul3A_278, %get3A_277 : vector<16xf32>
      %slice3A_280 = vector.extract_strided_slice %get3A_110 {offsets = [4], sizes = [1], strides = [1]} : vector<16xf32> to vector<1xf32>
      %squeeze3A_281 = vector.extract %slice3A_280[0] : f32 from vector<1xf32>
      %mul3A_282 = arith.constant 16 : i32
      %mul3A_283 = arith.muli %scan3A_163, %mul3A_282 : i32
      %get3A_284 = arith.constant 4 : i32
      %get3A_285 = arith.index_cast %get3A_284 : i32 to index
      %get3A_286 = arith.index_cast %mul3A_283 : i32 to index
      %get3A_287 = tpu.vector_load %arg13[%get3A_285, %get3A_286] {strides = array<i32>} : memref<16x1024xf32, #tpu.memory_space<vmem>>, vector<16xf32>,
      %mul3A_288 = vector.broadcast %squeeze3A_281 : f32 to vector<16xf32>
      %mul3A_289 = arith.mulf %mul3A_288, %get3A_287 : vector<16xf32>
      %add3A_290 = arith.addf %mul3A_279, %mul3A_289 : vector<16xf32>
      %mul3A_291 = arith.constant 16 : i32
      %mul3A_292 = arith.muli %scan3A_163, %mul3A_291 : i32
      %swap3A_293 = arith.constant 4 : i32
      %swap3A_294 = arith.index_cast %swap3A_293 : i32 to index
      %swap3A_295 = arith.index_cast %mul3A_292 : i32 to index
      %swap3A_296 = tpu.vector_load %arg16[%swap3A_294, %swap3A_295] {strides = array<i32>} : memref<16x1024xf32, #tpu.memory_space<vmem>>, vector<16xf32>,
      tpu.vector_store %arg16[%swap3A_294, %swap3A_295], %add3A_290 {strides = array<i32>} : memref<16x1024xf32, #tpu.memory_space<vmem>>, vector<16xf32>,
      %slice3A_297 = vector.extract_strided_slice %get3A_108 {offsets = [5], sizes = [1], strides = [1]} : vector<16xf32> to vector<1xf32>
      %squeeze3A_298 = vector.extract %slice3A_297[0] : f32 from vector<1xf32>
      %mul3A_299 = arith.constant 16 : i32
      %mul3A_300 = arith.muli %scan3A_163, %mul3A_299 : i32
      %get3A_301 = arith.constant 5 : i32
      %get3A_302 = arith.index_cast %get3A_301 : i32 to index
      %get3A_303 = arith.index_cast %mul3A_300 : i32 to index
      %get3A_304 = tpu.vector_load %arg12[%get3A_302, %get3A_303] {strides = array<i32>} : memref<16x1024xf32, #tpu.memory_space<vmem>>, vector<16xf32>,
      %mul3A_305 = vector.broadcast %squeeze3A_298 : f32 to vector<16xf32>
      %mul3A_306 = arith.mulf %mul3A_305, %get3A_304 : vector<16xf32>
      %slice3A_307 = vector.extract_strided_slice %get3A_110 {offsets = [5], sizes = [1], strides = [1]} : vector<16xf32> to vector<1xf32>
      %squeeze3A_308 = vector.extract %slice3A_307[0] : f32 from vector<1xf32>
      %mul3A_309 = arith.constant 16 : i32
      %mul3A_310 = arith.muli %scan3A_163, %mul3A_309 : i32
      %get3A_311 = arith.constant 5 : i32
      %get3A_312 = arith.index_cast %get3A_311 : i32 to index
      %get3A_313 = arith.index_cast %mul3A_310 : i32 to index
      %get3A_314 = tpu.vector_load %arg13[%get3A_312, %get3A_313] {strides = array<i32>} : memref<16x1024xf32, #tpu.memory_space<vmem>>, vector<16xf32>,
      %mul3A_315 = vector.broadcast %squeeze3A_308 : f32 to vector<16xf32>
      %mul3A_316 = arith.mulf %mul3A_315, %get3A_314 : vector<16xf32>
      %add3A_317 = arith.addf %mul3A_306, %mul3A_316 : vector<16xf32>
      %mul3A_318 = arith.constant 16 : i32
      %mul3A_319 = arith.muli %scan3A_163, %mul3A_318 : i32
      %swap3A_320 = arith.constant 5 : i32
      %swap3A_321 = arith.index_cast %swap3A_320 : i32 to index
      %swap3A_322 = arith.index_cast %mul3A_319 : i32 to index
      %swap3A_323 = tpu.vector_load %arg16[%swap3A_321, %swap3A_322] {strides = array<i32>} : memref<16x1024xf32, #tpu.memory_space<vmem>>, vector<16xf32>,
      tpu.vector_store %arg16[%swap3A_321, %swap3A_322], %add3A_317 {strides = array<i32>} : memref<16x1024xf32, #tpu.memory_space<vmem>>, vector<16xf32>,
      %slice3A_324 = vector.extract_strided_slice %get3A_108 {offsets = [6], sizes = [1], strides = [1]} : vector<16xf32> to vector<1xf32>
      %squeeze3A_325 = vector.extract %slice3A_324[0] : f32 from vector<1xf32>
      %mul3A_326 = arith.constant 16 : i32
      %mul3A_327 = arith.muli %scan3A_163, %mul3A_326 : i32
      %get3A_328 = arith.constant 6 : i32
      %get3A_329 = arith.index_cast %get3A_328 : i32 to index
      %get3A_330 = arith.index_cast %mul3A_327 : i32 to index
      %get3A_331 = tpu.vector_load %arg12[%get3A_329, %get3A_330] {strides = array<i32>} : memref<16x1024xf32, #tpu.memory_space<vmem>>, vector<16xf32>,
      %mul3A_332 = vector.broadcast %squeeze3A_325 : f32 to vector<16xf32>
      %mul3A_333 = arith.mulf %mul3A_332, %get3A_331 : vector<16xf32>
      %slice3A_334 = vector.extract_strided_slice %get3A_110 {offsets = [6], sizes = [1], strides = [1]} : vector<16xf32> to vector<1xf32>
      %squeeze3A_335 = vector.extract %slice3A_334[0] : f32 from vector<1xf32>
      %mul3A_336 = arith.constant 16 : i32
      %mul3A_337 = arith.muli %scan3A_163, %mul3A_336 : i32
      %get3A_338 = arith.constant 6 : i32
      %get3A_339 = arith.index_cast %get3A_338 : i32 to index
      %get3A_340 = arith.index_cast %mul3A_337 : i32 to index
      %get3A_341 = tpu.vector_load %arg13[%get3A_339, %get3A_340] {strides = array<i32>} : memref<16x1024xf32, #tpu.memory_space<vmem>>, vector<16xf32>,
      %mul3A_342 = vector.broadcast %squeeze3A_335 : f32 to vector<16xf32>
      %mul3A_343 = arith.mulf %mul3A_342, %get3A_341 : vector<16xf32>
      %add3A_344 = arith.addf %mul3A_333, %mul3A_343 : vector<16xf32>
      %mul3A_345 = arith.constant 16 : i32
      %mul3A_346 = arith.muli %scan3A_163, %mul3A_345 : i32
      %swap3A_347 = arith.constant 6 : i32
      %swap3A_348 = arith.index_cast %swap3A_347 : i32 to index
      %swap3A_349 = arith.index_cast %mul3A_346 : i32 to index
      %swap3A_350 = tpu.vector_load %arg16[%swap3A_348, %swap3A_349] {strides = array<i32>} : memref<16x1024xf32, #tpu.memory_space<vmem>>, vector<16xf32>,
      tpu.vector_store %arg16[%swap3A_348, %swap3A_349], %add3A_344 {strides = array<i32>} : memref<16x1024xf32, #tpu.memory_space<vmem>>, vector<16xf32>,
      %slice3A_351 = vector.extract_strided_slice %get3A_108 {offsets = [7], sizes = [1], strides = [1]} : vector<16xf32> to vector<1xf32>
      %squeeze3A_352 = vector.extract %slice3A_351[0] : f32 from vector<1xf32>
      %mul3A_353 = arith.constant 16 : i32
      %mul3A_354 = arith.muli %scan3A_163, %mul3A_353 : i32
      %get3A_355 = arith.constant 7 : i32
      %get3A_356 = arith.index_cast %get3A_355 : i32 to index
      %get3A_357 = arith.index_cast %mul3A_354 : i32 to index
      %get3A_358 = tpu.vector_load %arg12[%get3A_356, %get3A_357] {strides = array<i32>} : memref<16x1024xf32, #tpu.memory_space<vmem>>, vector<16xf32>,
      %mul3A_359 = vector.broadcast %squeeze3A_352 : f32 to vector<16xf32>
      %mul3A_360 = arith.mulf %mul3A_359, %get3A_358 : vector<16xf32>
      %slice3A_361 = vector.extract_strided_slice %get3A_110 {offsets = [7], sizes = [1], strides = [1]} : vector<16xf32> to vector<1xf32>
      %squeeze3A_362 = vector.extract %slice3A_361[0] : f32 from vector<1xf32>
      %mul3A_363 = arith.constant 16 : i32
      %mul3A_364 = arith.muli %scan3A_163, %mul3A_363 : i32
      %get3A_365 = arith.constant 7 : i32
      %get3A_366 = arith.index_cast %get3A_365 : i32 to index
      %get3A_367 = arith.index_cast %mul3A_364 : i32 to index
      %get3A_368 = tpu.vector_load %arg13[%get3A_366, %get3A_367] {strides = array<i32>} : memref<16x1024xf32, #tpu.memory_space<vmem>>, vector<16xf32>,
      %mul3A_369 = vector.broadcast %squeeze3A_362 : f32 to vector<16xf32>
      %mul3A_370 = arith.mulf %mul3A_369, %get3A_368 : vector<16xf32>
      %add3A_371 = arith.addf %mul3A_360, %mul3A_370 : vector<16xf32>
      %mul3A_372 = arith.constant 16 : i32
      %mul3A_373 = arith.muli %scan3A_163, %mul3A_372 : i32
      %swap3A_374 = arith.constant 7 : i32
      %swap3A_375 = arith.index_cast %swap3A_374 : i32 to index
      %swap3A_376 = arith.index_cast %mul3A_373 : i32 to index
      %swap3A_377 = tpu.vector_load %arg16[%swap3A_375, %swap3A_376] {strides = array<i32>} : memref<16x1024xf32, #tpu.memory_space<vmem>>, vector<16xf32>,
      tpu.vector_store %arg16[%swap3A_375, %swap3A_376], %add3A_371 {strides = array<i32>} : memref<16x1024xf32, #tpu.memory_space<vmem>>, vector<16xf32>,
      %slice3A_378 = vector.extract_strided_slice %get3A_108 {offsets = [8], sizes = [1], strides = [1]} : vector<16xf32> to vector<1xf32>
      %squeeze3A_379 = vector.extract %slice3A_378[0] : f32 from vector<1xf32>
      %mul3A_380 = arith.constant 16 : i32
      %mul3A_381 = arith.muli %scan3A_163, %mul3A_380 : i32
      %get3A_382 = arith.constant 8 : i32
      %get3A_383 = arith.index_cast %get3A_382 : i32 to index
      %get3A_384 = arith.index_cast %mul3A_381 : i32 to index
      %get3A_385 = tpu.vector_load %arg12[%get3A_383, %get3A_384] {strides = array<i32>} : memref<16x1024xf32, #tpu.memory_space<vmem>>, vector<16xf32>,
      %mul3A_386 = vector.broadcast %squeeze3A_379 : f32 to vector<16xf32>
      %mul3A_387 = arith.mulf %mul3A_386, %get3A_385 : vector<16xf32>
      %slice3A_388 = vector.extract_strided_slice %get3A_110 {offsets = [8], sizes = [1], strides = [1]} : vector<16xf32> to vector<1xf32>
      %squeeze3A_389 = vector.extract %slice3A_388[0] : f32 from vector<1xf32>
      %mul3A_390 = arith.constant 16 : i32
      %mul3A_391 = arith.muli %scan3A_163, %mul3A_390 : i32
      %get3A_392 = arith.constant 8 : i32
      %get3A_393 = arith.index_cast %get3A_392 : i32 to index
      %get3A_394 = arith.index_cast %mul3A_391 : i32 to index
      %get3A_395 = tpu.vector_load %arg13[%get3A_393, %get3A_394] {strides = array<i32>} : memref<16x1024xf32, #tpu.memory_space<vmem>>, vector<16xf32>,
      %mul3A_396 = vector.broadcast %squeeze3A_389 : f32 to vector<16xf32>
      %mul3A_397 = arith.mulf %mul3A_396, %get3A_395 : vector<16xf32>
      %add3A_398 = arith.addf %mul3A_387, %mul3A_397 : vector<16xf32>
      %mul3A_399 = arith.constant 16 : i32
      %mul3A_400 = arith.muli %scan3A_163, %mul3A_399 : i32
      %swap3A_401 = arith.constant 8 : i32
      %swap3A_402 = arith.index_cast %swap3A_401 : i32 to index
      %swap3A_403 = arith.index_cast %mul3A_400 : i32 to index
      %swap3A_404 = tpu.vector_load %arg16[%swap3A_402, %swap3A_403] {strides = array<i32>} : memref<16x1024xf32, #tpu.memory_space<vmem>>, vector<16xf32>,
      tpu.vector_store %arg16[%swap3A_402, %swap3A_403], %add3A_398 {strides = array<i32>} : memref<16x1024xf32, #tpu.memory_space<vmem>>, vector<16xf32>,
      %slice3A_405 = vector.extract_strided_slice %get3A_108 {offsets = [9], sizes = [1], strides = [1]} : vector<16xf32> to vector<1xf32>
      %squeeze3A_406 = vector.extract %slice3A_405[0] : f32 from vector<1xf32>
      %mul3A_407 = arith.constant 16 : i32
      %mul3A_408 = arith.muli %scan3A_163, %mul3A_407 : i32
      %get3A_409 = arith.constant 9 : i32
      %get3A_410 = arith.index_cast %get3A_409 : i32 to index
      %get3A_411 = arith.index_cast %mul3A_408 : i32 to index
      %get3A_412 = tpu.vector_load %arg12[%get3A_410, %get3A_411] {strides = array<i32>} : memref<16x1024xf32, #tpu.memory_space<vmem>>, vector<16xf32>,
      %mul3A_413 = vector.broadcast %squeeze3A_406 : f32 to vector<16xf32>
      %mul3A_414 = arith.mulf %mul3A_413, %get3A_412 : vector<16xf32>
      %slice3A_415 = vector.extract_strided_slice %get3A_110 {offsets = [9], sizes = [1], strides = [1]} : vector<16xf32> to vector<1xf32>
      %squeeze3A_416 = vector.extract %slice3A_415[0] : f32 from vector<1xf32>
      %mul3A_417 = arith.constant 16 : i32
      %mul3A_418 = arith.muli %scan3A_163, %mul3A_417 : i32
      %get3A_419 = arith.constant 9 : i32
      %get3A_420 = arith.index_cast %get3A_419 : i32 to index
      %get3A_421 = arith.index_cast %mul3A_418 : i32 to index
      %get3A_422 = tpu.vector_load %arg13[%get3A_420, %get3A_421] {strides = array<i32>} : memref<16x1024xf32, #tpu.memory_space<vmem>>, vector<16xf32>,
      %mul3A_423 = vector.broadcast %squeeze3A_416 : f32 to vector<16xf32>
      %mul3A_424 = arith.mulf %mul3A_423, %get3A_422 : vector<16xf32>
      %add3A_425 = arith.addf %mul3A_414, %mul3A_424 : vector<16xf32>
      %mul3A_426 = arith.constant 16 : i32
      %mul3A_427 = arith.muli %scan3A_163, %mul3A_426 : i32
      %swap3A_428 = arith.constant 9 : i32
      %swap3A_429 = arith.index_cast %swap3A_428 : i32 to index
      %swap3A_430 = arith.index_cast %mul3A_427 : i32 to index
      %swap3A_431 = tpu.vector_load %arg16[%swap3A_429, %swap3A_430] {strides = array<i32>} : memref<16x1024xf32, #tpu.memory_space<vmem>>, vector<16xf32>,
      tpu.vector_store %arg16[%swap3A_429, %swap3A_430], %add3A_425 {strides = array<i32>} : memref<16x1024xf32, #tpu.memory_space<vmem>>, vector<16xf32>,
      %slice3A_432 = vector.extract_strided_slice %get3A_108 {offsets = [10], sizes = [1], strides = [1]} : vector<16xf32> to vector<1xf32>
      %squeeze3A_433 = vector.extract %slice3A_432[0] : f32 from vector<1xf32>
      %mul3A_434 = arith.constant 16 : i32
      %mul3A_435 = arith.muli %scan3A_163, %mul3A_434 : i32
      %get3A_436 = arith.constant 10 : i32
      %get3A_437 = arith.index_cast %get3A_436 : i32 to index
      %get3A_438 = arith.index_cast %mul3A_435 : i32 to index
      %get3A_439 = tpu.vector_load %arg12[%get3A_437, %get3A_438] {strides = array<i32>} : memref<16x1024xf32, #tpu.memory_space<vmem>>, vector<16xf32>,
      %mul3A_440 = vector.broadcast %squeeze3A_433 : f32 to vector<16xf32>
      %mul3A_441 = arith.mulf %mul3A_440, %get3A_439 : vector<16xf32>
      %slice3A_442 = vector.extract_strided_slice %get3A_110 {offsets = [10], sizes = [1], strides = [1]} : vector<16xf32> to vector<1xf32>
      %squeeze3A_443 = vector.extract %slice3A_442[0] : f32 from vector<1xf32>
      %mul3A_444 = arith.constant 16 : i32
      %mul3A_445 = arith.muli %scan3A_163, %mul3A_444 : i32
      %get3A_446 = arith.constant 10 : i32
      %get3A_447 = arith.index_cast %get3A_446 : i32 to index
      %get3A_448 = arith.index_cast %mul3A_445 : i32 to index
      %get3A_449 = tpu.vector_load %arg13[%get3A_447, %get3A_448] {strides = array<i32>} : memref<16x1024xf32, #tpu.memory_space<vmem>>, vector<16xf32>,
      %mul3A_450 = vector.broadcast %squeeze3A_443 : f32 to vector<16xf32>
      %mul3A_451 = arith.mulf %mul3A_450, %get3A_449 : vector<16xf32>
      %add3A_452 = arith.addf %mul3A_441, %mul3A_451 : vector<16xf32>
      %mul3A_453 = arith.constant 16 : i32
      %mul3A_454 = arith.muli %scan3A_163, %mul3A_453 : i32
      %swap3A_455 = arith.constant 10 : i32
      %swap3A_456 = arith.index_cast %swap3A_455 : i32 to index
      %swap3A_457 = arith.index_cast %mul3A_454 : i32 to index
      %swap3A_458 = tpu.vector_load %arg16[%swap3A_456, %swap3A_457] {strides = array<i32>} : memref<16x1024xf32, #tpu.memory_space<vmem>>, vector<16xf32>,
      tpu.vector_store %arg16[%swap3A_456, %swap3A_457], %add3A_452 {strides = array<i32>} : memref<16x1024xf32, #tpu.memory_space<vmem>>, vector<16xf32>,
      %slice3A_459 = vector.extract_strided_slice %get3A_108 {offsets = [11], sizes = [1], strides = [1]} : vector<16xf32> to vector<1xf32>
      %squeeze3A_460 = vector.extract %slice3A_459[0] : f32 from vector<1xf32>
      %mul3A_461 = arith.constant 16 : i32
      %mul3A_462 = arith.muli %scan3A_163, %mul3A_461 : i32
      %get3A_463 = arith.constant 11 : i32
      %get3A_464 = arith.index_cast %get3A_463 : i32 to index
      %get3A_465 = arith.index_cast %mul3A_462 : i32 to index
      %get3A_466 = tpu.vector_load %arg12[%get3A_464, %get3A_465] {strides = array<i32>} : memref<16x1024xf32, #tpu.memory_space<vmem>>, vector<16xf32>,
      %mul3A_467 = vector.broadcast %squeeze3A_460 : f32 to vector<16xf32>
      %mul3A_468 = arith.mulf %mul3A_467, %get3A_466 : vector<16xf32>
      %slice3A_469 = vector.extract_strided_slice %get3A_110 {offsets = [11], sizes = [1], strides = [1]} : vector<16xf32> to vector<1xf32>
      %squeeze3A_470 = vector.extract %slice3A_469[0] : f32 from vector<1xf32>
      %mul3A_471 = arith.constant 16 : i32
      %mul3A_472 = arith.muli %scan3A_163, %mul3A_471 : i32
      %get3A_473 = arith.constant 11 : i32
      %get3A_474 = arith.index_cast %get3A_473 : i32 to index
      %get3A_475 = arith.index_cast %mul3A_472 : i32 to index
      %get3A_476 = tpu.vector_load %arg13[%get3A_474, %get3A_475] {strides = array<i32>} : memref<16x1024xf32, #tpu.memory_space<vmem>>, vector<16xf32>,
      %mul3A_477 = vector.broadcast %squeeze3A_470 : f32 to vector<16xf32>
      %mul3A_478 = arith.mulf %mul3A_477, %get3A_476 : vector<16xf32>
      %add3A_479 = arith.addf %mul3A_468, %mul3A_478 : vector<16xf32>
      %mul3A_480 = arith.constant 16 : i32
      %mul3A_481 = arith.muli %scan3A_163, %mul3A_480 : i32
      %swap3A_482 = arith.constant 11 : i32
      %swap3A_483 = arith.index_cast %swap3A_482 : i32 to index
      %swap3A_484 = arith.index_cast %mul3A_481 : i32 to index
      %swap3A_485 = tpu.vector_load %arg16[%swap3A_483, %swap3A_484] {strides = array<i32>} : memref<16x1024xf32, #tpu.memory_space<vmem>>, vector<16xf32>,
      tpu.vector_store %arg16[%swap3A_483, %swap3A_484], %add3A_479 {strides = array<i32>} : memref<16x1024xf32, #tpu.memory_space<vmem>>, vector<16xf32>,
      %slice3A_486 = vector.extract_strided_slice %get3A_108 {offsets = [12], sizes = [1], strides = [1]} : vector<16xf32> to vector<1xf32>
      %squeeze3A_487 = vector.extract %slice3A_486[0] : f32 from vector<1xf32>
      %mul3A_488 = arith.constant 16 : i32
      %mul3A_489 = arith.muli %scan3A_163, %mul3A_488 : i32
      %get3A_490 = arith.constant 12 : i32
      %get3A_491 = arith.index_cast %get3A_490 : i32 to index
      %get3A_492 = arith.index_cast %mul3A_489 : i32 to index
      %get3A_493 = tpu.vector_load %arg12[%get3A_491, %get3A_492] {strides = array<i32>} : memref<16x1024xf32, #tpu.memory_space<vmem>>, vector<16xf32>,
      %mul3A_494 = vector.broadcast %squeeze3A_487 : f32 to vector<16xf32>
      %mul3A_495 = arith.mulf %mul3A_494, %get3A_493 : vector<16xf32>
      %slice3A_496 = vector.extract_strided_slice %get3A_110 {offsets = [12], sizes = [1], strides = [1]} : vector<16xf32> to vector<1xf32>
      %squeeze3A_497 = vector.extract %slice3A_496[0] : f32 from vector<1xf32>
      %mul3A_498 = arith.constant 16 : i32
      %mul3A_499 = arith.muli %scan3A_163, %mul3A_498 : i32
      %get3A_500 = arith.constant 12 : i32
      %get3A_501 = arith.index_cast %get3A_500 : i32 to index
      %get3A_502 = arith.index_cast %mul3A_499 : i32 to index
      %get3A_503 = tpu.vector_load %arg13[%get3A_501, %get3A_502] {strides = array<i32>} : memref<16x1024xf32, #tpu.memory_space<vmem>>, vector<16xf32>,
      %mul3A_504 = vector.broadcast %squeeze3A_497 : f32 to vector<16xf32>
      %mul3A_505 = arith.mulf %mul3A_504, %get3A_503 : vector<16xf32>
      %add3A_506 = arith.addf %mul3A_495, %mul3A_505 : vector<16xf32>
      %mul3A_507 = arith.constant 16 : i32
      %mul3A_508 = arith.muli %scan3A_163, %mul3A_507 : i32
      %swap3A_509 = arith.constant 12 : i32
      %swap3A_510 = arith.index_cast %swap3A_509 : i32 to index
      %swap3A_511 = arith.index_cast %mul3A_508 : i32 to index
      %swap3A_512 = tpu.vector_load %arg16[%swap3A_510, %swap3A_511] {strides = array<i32>} : memref<16x1024xf32, #tpu.memory_space<vmem>>, vector<16xf32>,
      tpu.vector_store %arg16[%swap3A_510, %swap3A_511], %add3A_506 {strides = array<i32>} : memref<16x1024xf32, #tpu.memory_space<vmem>>, vector<16xf32>,
      %slice3A_513 = vector.extract_strided_slice %get3A_108 {offsets = [13], sizes = [1], strides = [1]} : vector<16xf32> to vector<1xf32>
      %squeeze3A_514 = vector.extract %slice3A_513[0] : f32 from vector<1xf32>
      %mul3A_515 = arith.constant 16 : i32
      %mul3A_516 = arith.muli %scan3A_163, %mul3A_515 : i32
      %get3A_517 = arith.constant 13 : i32
      %get3A_518 = arith.index_cast %get3A_517 : i32 to index
      %get3A_519 = arith.index_cast %mul3A_516 : i32 to index
      %get3A_520 = tpu.vector_load %arg12[%get3A_518, %get3A_519] {strides = array<i32>} : memref<16x1024xf32, #tpu.memory_space<vmem>>, vector<16xf32>,
      %mul3A_521 = vector.broadcast %squeeze3A_514 : f32 to vector<16xf32>
      %mul3A_522 = arith.mulf %mul3A_521, %get3A_520 : vector<16xf32>
      %slice3A_523 = vector.extract_strided_slice %get3A_110 {offsets = [13], sizes = [1], strides = [1]} : vector<16xf32> to vector<1xf32>
      %squeeze3A_524 = vector.extract %slice3A_523[0] : f32 from vector<1xf32>
      %mul3A_525 = arith.constant 16 : i32
      %mul3A_526 = arith.muli %scan3A_163, %mul3A_525 : i32
      %get3A_527 = arith.constant 13 : i32
      %get3A_528 = arith.index_cast %get3A_527 : i32 to index
      %get3A_529 = arith.index_cast %mul3A_526 : i32 to index
      %get3A_530 = tpu.vector_load %arg13[%get3A_528, %get3A_529] {strides = array<i32>} : memref<16x1024xf32, #tpu.memory_space<vmem>>, vector<16xf32>,
      %mul3A_531 = vector.broadcast %squeeze3A_524 : f32 to vector<16xf32>
      %mul3A_532 = arith.mulf %mul3A_531, %get3A_530 : vector<16xf32>
      %add3A_533 = arith.addf %mul3A_522, %mul3A_532 : vector<16xf32>
      %mul3A_534 = arith.constant 16 : i32
      %mul3A_535 = arith.muli %scan3A_163, %mul3A_534 : i32
      %swap3A_536 = arith.constant 13 : i32
      %swap3A_537 = arith.index_cast %swap3A_536 : i32 to index
      %swap3A_538 = arith.index_cast %mul3A_535 : i32 to index
      %swap3A_539 = tpu.vector_load %arg16[%swap3A_537, %swap3A_538] {strides = array<i32>} : memref<16x1024xf32, #tpu.memory_space<vmem>>, vector<16xf32>,
      tpu.vector_store %arg16[%swap3A_537, %swap3A_538], %add3A_533 {strides = array<i32>} : memref<16x1024xf32, #tpu.memory_space<vmem>>, vector<16xf32>,
      %slice3A_540 = vector.extract_strided_slice %get3A_108 {offsets = [14], sizes = [1], strides = [1]} : vector<16xf32> to vector<1xf32>
      %squeeze3A_541 = vector.extract %slice3A_540[0] : f32 from vector<1xf32>
      %mul3A_542 = arith.constant 16 : i32
      %mul3A_543 = arith.muli %scan3A_163, %mul3A_542 : i32
      %get3A_544 = arith.constant 14 : i32
      %get3A_545 = arith.index_cast %get3A_544 : i32 to index
      %get3A_546 = arith.index_cast %mul3A_543 : i32 to index
      %get3A_547 = tpu.vector_load %arg12[%get3A_545, %get3A_546] {strides = array<i32>} : memref<16x1024xf32, #tpu.memory_space<vmem>>, vector<16xf32>,
      %mul3A_548 = vector.broadcast %squeeze3A_541 : f32 to vector<16xf32>
      %mul3A_549 = arith.mulf %mul3A_548, %get3A_547 : vector<16xf32>
      %slice3A_550 = vector.extract_strided_slice %get3A_110 {offsets = [14], sizes = [1], strides = [1]} : vector<16xf32> to vector<1xf32>
      %squeeze3A_551 = vector.extract %slice3A_550[0] : f32 from vector<1xf32>
      %mul3A_552 = arith.constant 16 : i32
      %mul3A_553 = arith.muli %scan3A_163, %mul3A_552 : i32
      %get3A_554 = arith.constant 14 : i32
      %get3A_555 = arith.index_cast %get3A_554 : i32 to index
      %get3A_556 = arith.index_cast %mul3A_553 : i32 to index
      %get3A_557 = tpu.vector_load %arg13[%get3A_555, %get3A_556] {strides = array<i32>} : memref<16x1024xf32, #tpu.memory_space<vmem>>, vector<16xf32>,
      %mul3A_558 = vector.broadcast %squeeze3A_551 : f32 to vector<16xf32>
      %mul3A_559 = arith.mulf %mul3A_558, %get3A_557 : vector<16xf32>
      %add3A_560 = arith.addf %mul3A_549, %mul3A_559 : vector<16xf32>
      %mul3A_561 = arith.constant 16 : i32
      %mul3A_562 = arith.muli %scan3A_163, %mul3A_561 : i32
      %swap3A_563 = arith.constant 14 : i32
      %swap3A_564 = arith.index_cast %swap3A_563 : i32 to index
      %swap3A_565 = arith.index_cast %mul3A_562 : i32 to index
      %swap3A_566 = tpu.vector_load %arg16[%swap3A_564, %swap3A_565] {strides = array<i32>} : memref<16x1024xf32, #tpu.memory_space<vmem>>, vector<16xf32>,
      tpu.vector_store %arg16[%swap3A_564, %swap3A_565], %add3A_560 {strides = array<i32>} : memref<16x1024xf32, #tpu.memory_space<vmem>>, vector<16xf32>,
      %slice3A_567 = vector.extract_strided_slice %get3A_108 {offsets = [15], sizes = [1], strides = [1]} : vector<16xf32> to vector<1xf32>
      %squeeze3A_568 = vector.extract %slice3A_567[0] : f32 from vector<1xf32>
      %mul3A_569 = arith.constant 16 : i32
      %mul3A_570 = arith.muli %scan3A_163, %mul3A_569 : i32
      %get3A_571 = arith.constant 15 : i32
      %get3A_572 = arith.index_cast %get3A_571 : i32 to index
      %get3A_573 = arith.index_cast %mul3A_570 : i32 to index
      %get3A_574 = tpu.vector_load %arg12[%get3A_572, %get3A_573] {strides = array<i32>} : memref<16x1024xf32, #tpu.memory_space<vmem>>, vector<16xf32>,
      %mul3A_575 = vector.broadcast %squeeze3A_568 : f32 to vector<16xf32>
      %mul3A_576 = arith.mulf %mul3A_575, %get3A_574 : vector<16xf32>
      %slice3A_577 = vector.extract_strided_slice %get3A_110 {offsets = [15], sizes = [1], strides = [1]} : vector<16xf32> to vector<1xf32>
      %squeeze3A_578 = vector.extract %slice3A_577[0] : f32 from vector<1xf32>
      %mul3A_579 = arith.constant 16 : i32
      %mul3A_580 = arith.muli %scan3A_163, %mul3A_579 : i32
      %get3A_581 = arith.constant 15 : i32
      %get3A_582 = arith.index_cast %get3A_581 : i32 to index
      %get3A_583 = arith.index_cast %mul3A_580 : i32 to index
      %get3A_584 = tpu.vector_load %arg13[%get3A_582, %get3A_583] {strides = array<i32>} : memref<16x1024xf32, #tpu.memory_space<vmem>>, vector<16xf32>,
      %mul3A_585 = vector.broadcast %squeeze3A_578 : f32 to vector<16xf32>
      %mul3A_586 = arith.mulf %mul3A_585, %get3A_584 : vector<16xf32>
      %add3A_587 = arith.addf %mul3A_576, %mul3A_586 : vector<16xf32>
      %mul3A_588 = arith.constant 16 : i32
      %mul3A_589 = arith.muli %scan3A_163, %mul3A_588 : i32
      %swap3A_590 = arith.constant 15 : i32
      %swap3A_591 = arith.index_cast %swap3A_590 : i32 to index
      %swap3A_592 = arith.index_cast %mul3A_589 : i32 to index
      %swap3A_593 = tpu.vector_load %arg16[%swap3A_591, %swap3A_592] {strides = array<i32>} : memref<16x1024xf32, #tpu.memory_space<vmem>>, vector<16xf32>,
      tpu.vector_store %arg16[%swap3A_591, %swap3A_592], %add3A_587 {strides = array<i32>} : memref<16x1024xf32, #tpu.memory_space<vmem>>, vector<16xf32>,
      %scan3A_594 = arith.constant 0 : i32
      scf.yield %scan3A_594 : i32
    }
    %scan3A_117 = arith.constant 64 : i32
    %add3A_118 = arith.constant 32 : i32
    %add3A_119 = arith.addi %mul3A_2, %add3A_118 : i32
    %dma_start3A_120 = arith.constant 0 : i32
    %dma_start3A_121 = tpu.memref_slice %arg7[%add3A_119, %dma_start3A_120] : memref<2048x1024xf32, #tpu.memory_space<hbm>> -> memref<16x1024xf32, #tpu.memory_space<hbm>>
    %dma_start3A_122 = arith.constant 0 : i32
    %dma_start3A_123 = tpu.memref_slice %arg7[%add3A_119, %dma_start3A_122] : memref<2048x1024xf32, #tpu.memory_space<hbm>> -> memref<16x1024xf32, #tpu.memory_space<hbm>>
    tpu.enqueue_dma source(%arg16 : memref<16x1024xf32, #tpu.memory_space<vmem>>) target(%dma_start3A_123 : memref<16x1024xf32, #tpu.memory_space<hbm>>) target_semaphore(%arg20 : memref<!tpu.dma_semaphore, #tpu.memory_space<semaphore_mem>>)
    %dma_wait3A_124 = arith.constant 48 : i32
    %dma_wait3A_125 = tpu.memref_slice %arg8[%dma_wait3A_124] : memref<64xi32, #tpu.memory_space<vmem>> -> memref<16xi32, #tpu.memory_space<vmem>>
    %dma_wait3A_126 = arith.constant 0 : i32
    %dma_wait3A_127 = arith.constant 0 : i32
    %dma_wait3A_128 = tpu.memref_slice %arg2[%dma_wait3A_126, %dma_wait3A_127] : memref<6144x1024xf32, #tpu.memory_space<hbm>> -> memref<6144x1024xf32, #tpu.memory_space<hbm>>
    tpu.wait_indirect_dma semaphore(%arg19 : memref<!tpu.dma_semaphore, #tpu.memory_space<semaphore_mem>>) src(%dma_wait3A_128 : memref<6144x1024xf32, #tpu.memory_space<hbm>>) dst(%arg14 : memref<16x1024xf32, #tpu.memory_space<vmem>>)
    %dma_wait3A_129 = arith.constant 48 : i32
    %dma_wait3A_130 = tpu.memref_slice %arg9[%dma_wait3A_129] : memref<64xi32, #tpu.memory_space<vmem>> -> memref<16xi32, #tpu.memory_space<vmem>>
    %dma_wait3A_131 = arith.constant 0 : i32
    %dma_wait3A_132 = arith.constant 0 : i32
    %dma_wait3A_133 = tpu.memref_slice %arg2[%dma_wait3A_131, %dma_wait3A_132] : memref<6144x1024xf32, #tpu.memory_space<hbm>> -> memref<6144x1024xf32, #tpu.memory_space<hbm>>
    tpu.wait_indirect_dma semaphore(%arg19 : memref<!tpu.dma_semaphore, #tpu.memory_space<semaphore_mem>>) src(%dma_wait3A_133 : memref<6144x1024xf32, #tpu.memory_space<hbm>>) dst(%arg15 : memref<16x1024xf32, #tpu.memory_space<vmem>>)
    %dma_wait3A_134 = arith.constant 0 : i32
    %dma_wait3A_135 = tpu.memref_slice %arg7[%add3A_78, %dma_wait3A_134] : memref<2048x1024xf32, #tpu.memory_space<hbm>> -> memref<16x1024xf32, #tpu.memory_space<hbm>>
    %dma_wait3A_136 = arith.constant 0 : i32
    %dma_wait3A_137 = tpu.memref_slice %arg7[%add3A_78, %dma_wait3A_136] : memref<2048x1024xf32, #tpu.memory_space<hbm>> -> memref<16x1024xf32, #tpu.memory_space<hbm>>
    tpu.wait_dma2 semaphore(%arg20 : memref<!tpu.dma_semaphore, #tpu.memory_space<semaphore_mem>>) src(%arg17 : memref<16x1024xf32, #tpu.memory_space<vmem>>) dst(%dma_wait3A_137 : memref<16x1024xf32, #tpu.memory_space<hbm>>)
    %get3A_138 = arith.constant 48 : index
    %get3A_139 = tpu.vector_load %arg10[%get3A_138] {strides = array<i32>} : memref<64xf32, #tpu.memory_space<vmem>>, vector<16xf32>,
    %get3A_140 = arith.constant 48 : index
    %get3A_141 = tpu.vector_load %arg11[%get3A_140] {strides = array<i32>} : memref<64xf32, #tpu.memory_space<vmem>>, vector<16xf32>,
    %scan3A_142 = arith.constant 0 : i32
    %scan3A_143 = arith.constant 0 : i32
    %scan3A_144 = arith.constant 64 : i32
    %scan3A_145 = arith.addi %scan3A_143, %scan3A_144 : i32
    %scan3A_146 = arith.constant 1 : i32
    %scan3A_147 = scf.for %scan3A_163 = %scan3A_143 to %scan3A_145 step %scan3A_146 iter_args(%scan3A_164 = %scan3A_142) -> (i32)  : i32 {
      %slice3A = vector.extract_strided_slice %get3A_139 {offsets = [0], sizes = [1], strides = [1]} : vector<16xf32> to vector<1xf32>
      %squeeze3A = vector.extract %slice3A[0] : f32 from vector<1xf32>
      %mul3A_165 = arith.constant 16 : i32
      %mul3A_166 = arith.muli %scan3A_163, %mul3A_165 : i32
      %get3A_167 = arith.constant 0 : i32
      %get3A_168 = arith.index_cast %get3A_167 : i32 to index
      %get3A_169 = arith.index_cast %mul3A_166 : i32 to index
      %get3A_170 = tpu.vector_load %arg14[%get3A_168, %get3A_169] {strides = array<i32>} : memref<16x1024xf32, #tpu.memory_space<vmem>>, vector<16xf32>,
      %mul3A_171 = vector.broadcast %squeeze3A : f32 to vector<16xf32>
      %mul3A_172 = arith.mulf %mul3A_171, %get3A_170 : vector<16xf32>
      %slice3A_173 = vector.extract_strided_slice %get3A_141 {offsets = [0], sizes = [1], strides = [1]} : vector<16xf32> to vector<1xf32>
      %squeeze3A_174 = vector.extract %slice3A_173[0] : f32 from vector<1xf32>
      %mul3A_175 = arith.constant 16 : i32
      %mul3A_176 = arith.muli %scan3A_163, %mul3A_175 : i32
      %get3A_177 = arith.constant 0 : i32
      %get3A_178 = arith.index_cast %get3A_177 : i32 to index
      %get3A_179 = arith.index_cast %mul3A_176 : i32 to index
      %get3A_180 = tpu.vector_load %arg15[%get3A_178, %get3A_179] {strides = array<i32>} : memref<16x1024xf32, #tpu.memory_space<vmem>>, vector<16xf32>,
      %mul3A_181 = vector.broadcast %squeeze3A_174 : f32 to vector<16xf32>
      %mul3A_182 = arith.mulf %mul3A_181, %get3A_180 : vector<16xf32>
      %add3A_183 = arith.addf %mul3A_172, %mul3A_182 : vector<16xf32>
      %mul3A_184 = arith.constant 16 : i32
      %mul3A_185 = arith.muli %scan3A_163, %mul3A_184 : i32
      %swap3A = arith.constant 0 : i32
      %swap3A_186 = arith.index_cast %swap3A : i32 to index
      %swap3A_187 = arith.index_cast %mul3A_185 : i32 to index
      %swap3A_188 = tpu.vector_load %arg17[%swap3A_186, %swap3A_187] {strides = array<i32>} : memref<16x1024xf32, #tpu.memory_space<vmem>>, vector<16xf32>,
      tpu.vector_store %arg17[%swap3A_186, %swap3A_187], %add3A_183 {strides = array<i32>} : memref<16x1024xf32, #tpu.memory_space<vmem>>, vector<16xf32>,
      %slice3A_189 = vector.extract_strided_slice %get3A_139 {offsets = [1], sizes = [1], strides = [1]} : vector<16xf32> to vector<1xf32>
      %squeeze3A_190 = vector.extract %slice3A_189[0] : f32 from vector<1xf32>
      %mul3A_191 = arith.constant 16 : i32
      %mul3A_192 = arith.muli %scan3A_163, %mul3A_191 : i32
      %get3A_193 = arith.constant 1 : i32
      %get3A_194 = arith.index_cast %get3A_193 : i32 to index
      %get3A_195 = arith.index_cast %mul3A_192 : i32 to index
      %get3A_196 = tpu.vector_load %arg14[%get3A_194, %get3A_195] {strides = array<i32>} : memref<16x1024xf32, #tpu.memory_space<vmem>>, vector<16xf32>,
      %mul3A_197 = vector.broadcast %squeeze3A_190 : f32 to vector<16xf32>
      %mul3A_198 = arith.mulf %mul3A_197, %get3A_196 : vector<16xf32>
      %slice3A_199 = vector.extract_strided_slice %get3A_141 {offsets = [1], sizes = [1], strides = [1]} : vector<16xf32> to vector<1xf32>
      %squeeze3A_200 = vector.extract %slice3A_199[0] : f32 from vector<1xf32>
      %mul3A_201 = arith.constant 16 : i32
      %mul3A_202 = arith.muli %scan3A_163, %mul3A_201 : i32
      %get3A_203 = arith.constant 1 : i32
      %get3A_204 = arith.index_cast %get3A_203 : i32 to index
      %get3A_205 = arith.index_cast %mul3A_202 : i32 to index
      %get3A_206 = tpu.vector_load %arg15[%get3A_204, %get3A_205] {strides = array<i32>} : memref<16x1024xf32, #tpu.memory_space<vmem>>, vector<16xf32>,
      %mul3A_207 = vector.broadcast %squeeze3A_200 : f32 to vector<16xf32>
      %mul3A_208 = arith.mulf %mul3A_207, %get3A_206 : vector<16xf32>
      %add3A_209 = arith.addf %mul3A_198, %mul3A_208 : vector<16xf32>
      %mul3A_210 = arith.constant 16 : i32
      %mul3A_211 = arith.muli %scan3A_163, %mul3A_210 : i32
      %swap3A_212 = arith.constant 1 : i32
      %swap3A_213 = arith.index_cast %swap3A_212 : i32 to index
      %swap3A_214 = arith.index_cast %mul3A_211 : i32 to index
      %swap3A_215 = tpu.vector_load %arg17[%swap3A_213, %swap3A_214] {strides = array<i32>} : memref<16x1024xf32, #tpu.memory_space<vmem>>, vector<16xf32>,
      tpu.vector_store %arg17[%swap3A_213, %swap3A_214], %add3A_209 {strides = array<i32>} : memref<16x1024xf32, #tpu.memory_space<vmem>>, vector<16xf32>,
      %slice3A_216 = vector.extract_strided_slice %get3A_139 {offsets = [2], sizes = [1], strides = [1]} : vector<16xf32> to vector<1xf32>
      %squeeze3A_217 = vector.extract %slice3A_216[0] : f32 from vector<1xf32>
      %mul3A_218 = arith.constant 16 : i32
      %mul3A_219 = arith.muli %scan3A_163, %mul3A_218 : i32
      %get3A_220 = arith.constant 2 : i32
      %get3A_221 = arith.index_cast %get3A_220 : i32 to index
      %get3A_222 = arith.index_cast %mul3A_219 : i32 to index
      %get3A_223 = tpu.vector_load %arg14[%get3A_221, %get3A_222] {strides = array<i32>} : memref<16x1024xf32, #tpu.memory_space<vmem>>, vector<16xf32>,
      %mul3A_224 = vector.broadcast %squeeze3A_217 : f32 to vector<16xf32>
      %mul3A_225 = arith.mulf %mul3A_224, %get3A_223 : vector<16xf32>
      %slice3A_226 = vector.extract_strided_slice %get3A_141 {offsets = [2], sizes = [1], strides = [1]} : vector<16xf32> to vector<1xf32>
      %squeeze3A_227 = vector.extract %slice3A_226[0] : f32 from vector<1xf32>
      %mul3A_228 = arith.constant 16 : i32
      %mul3A_229 = arith.muli %scan3A_163, %mul3A_228 : i32
      %get3A_230 = arith.constant 2 : i32
      %get3A_231 = arith.index_cast %get3A_230 : i32 to index
      %get3A_232 = arith.index_cast %mul3A_229 : i32 to index
      %get3A_233 = tpu.vector_load %arg15[%get3A_231, %get3A_232] {strides = array<i32>} : memref<16x1024xf32, #tpu.memory_space<vmem>>, vector<16xf32>,
      %mul3A_234 = vector.broadcast %squeeze3A_227 : f32 to vector<16xf32>
      %mul3A_235 = arith.mulf %mul3A_234, %get3A_233 : vector<16xf32>
      %add3A_236 = arith.addf %mul3A_225, %mul3A_235 : vector<16xf32>
      %mul3A_237 = arith.constant 16 : i32
      %mul3A_238 = arith.muli %scan3A_163, %mul3A_237 : i32
      %swap3A_239 = arith.constant 2 : i32
      %swap3A_240 = arith.index_cast %swap3A_239 : i32 to index
      %swap3A_241 = arith.index_cast %mul3A_238 : i32 to index
      %swap3A_242 = tpu.vector_load %arg17[%swap3A_240, %swap3A_241] {strides = array<i32>} : memref<16x1024xf32, #tpu.memory_space<vmem>>, vector<16xf32>,
      tpu.vector_store %arg17[%swap3A_240, %swap3A_241], %add3A_236 {strides = array<i32>} : memref<16x1024xf32, #tpu.memory_space<vmem>>, vector<16xf32>,
      %slice3A_243 = vector.extract_strided_slice %get3A_139 {offsets = [3], sizes = [1], strides = [1]} : vector<16xf32> to vector<1xf32>
      %squeeze3A_244 = vector.extract %slice3A_243[0] : f32 from vector<1xf32>
      %mul3A_245 = arith.constant 16 : i32
      %mul3A_246 = arith.muli %scan3A_163, %mul3A_245 : i32
      %get3A_247 = arith.constant 3 : i32
      %get3A_248 = arith.index_cast %get3A_247 : i32 to index
      %get3A_249 = arith.index_cast %mul3A_246 : i32 to index
      %get3A_250 = tpu.vector_load %arg14[%get3A_248, %get3A_249] {strides = array<i32>} : memref<16x1024xf32, #tpu.memory_space<vmem>>, vector<16xf32>,
      %mul3A_251 = vector.broadcast %squeeze3A_244 : f32 to vector<16xf32>
      %mul3A_252 = arith.mulf %mul3A_251, %get3A_250 : vector<16xf32>
      %slice3A_253 = vector.extract_strided_slice %get3A_141 {offsets = [3], sizes = [1], strides = [1]} : vector<16xf32> to vector<1xf32>
      %squeeze3A_254 = vector.extract %slice3A_253[0] : f32 from vector<1xf32>
      %mul3A_255 = arith.constant 16 : i32
      %mul3A_256 = arith.muli %scan3A_163, %mul3A_255 : i32
      %get3A_257 = arith.constant 3 : i32
      %get3A_258 = arith.index_cast %get3A_257 : i32 to index
      %get3A_259 = arith.index_cast %mul3A_256 : i32 to index
      %get3A_260 = tpu.vector_load %arg15[%get3A_258, %get3A_259] {strides = array<i32>} : memref<16x1024xf32, #tpu.memory_space<vmem>>, vector<16xf32>,
      %mul3A_261 = vector.broadcast %squeeze3A_254 : f32 to vector<16xf32>
      %mul3A_262 = arith.mulf %mul3A_261, %get3A_260 : vector<16xf32>
      %add3A_263 = arith.addf %mul3A_252, %mul3A_262 : vector<16xf32>
      %mul3A_264 = arith.constant 16 : i32
      %mul3A_265 = arith.muli %scan3A_163, %mul3A_264 : i32
      %swap3A_266 = arith.constant 3 : i32
      %swap3A_267 = arith.index_cast %swap3A_266 : i32 to index
      %swap3A_268 = arith.index_cast %mul3A_265 : i32 to index
      %swap3A_269 = tpu.vector_load %arg17[%swap3A_267, %swap3A_268] {strides = array<i32>} : memref<16x1024xf32, #tpu.memory_space<vmem>>, vector<16xf32>,
      tpu.vector_store %arg17[%swap3A_267, %swap3A_268], %add3A_263 {strides = array<i32>} : memref<16x1024xf32, #tpu.memory_space<vmem>>, vector<16xf32>,
      %slice3A_270 = vector.extract_strided_slice %get3A_139 {offsets = [4], sizes = [1], strides = [1]} : vector<16xf32> to vector<1xf32>
      %squeeze3A_271 = vector.extract %slice3A_270[0] : f32 from vector<1xf32>
      %mul3A_272 = arith.constant 16 : i32
      %mul3A_273 = arith.muli %scan3A_163, %mul3A_272 : i32
      %get3A_274 = arith.constant 4 : i32
      %get3A_275 = arith.index_cast %get3A_274 : i32 to index
      %get3A_276 = arith.index_cast %mul3A_273 : i32 to index
      %get3A_277 = tpu.vector_load %arg14[%get3A_275, %get3A_276] {strides = array<i32>} : memref<16x1024xf32, #tpu.memory_space<vmem>>, vector<16xf32>,
      %mul3A_278 = vector.broadcast %squeeze3A_271 : f32 to vector<16xf32>
      %mul3A_279 = arith.mulf %mul3A_278, %get3A_277 : vector<16xf32>
      %slice3A_280 = vector.extract_strided_slice %get3A_141 {offsets = [4], sizes = [1], strides = [1]} : vector<16xf32> to vector<1xf32>
      %squeeze3A_281 = vector.extract %slice3A_280[0] : f32 from vector<1xf32>
      %mul3A_282 = arith.constant 16 : i32
      %mul3A_283 = arith.muli %scan3A_163, %mul3A_282 : i32
      %get3A_284 = arith.constant 4 : i32
      %get3A_285 = arith.index_cast %get3A_284 : i32 to index
      %get3A_286 = arith.index_cast %mul3A_283 : i32 to index
      %get3A_287 = tpu.vector_load %arg15[%get3A_285, %get3A_286] {strides = array<i32>} : memref<16x1024xf32, #tpu.memory_space<vmem>>, vector<16xf32>,
      %mul3A_288 = vector.broadcast %squeeze3A_281 : f32 to vector<16xf32>
      %mul3A_289 = arith.mulf %mul3A_288, %get3A_287 : vector<16xf32>
      %add3A_290 = arith.addf %mul3A_279, %mul3A_289 : vector<16xf32>
      %mul3A_291 = arith.constant 16 : i32
      %mul3A_292 = arith.muli %scan3A_163, %mul3A_291 : i32
      %swap3A_293 = arith.constant 4 : i32
      %swap3A_294 = arith.index_cast %swap3A_293 : i32 to index
      %swap3A_295 = arith.index_cast %mul3A_292 : i32 to index
      %swap3A_296 = tpu.vector_load %arg17[%swap3A_294, %swap3A_295] {strides = array<i32>} : memref<16x1024xf32, #tpu.memory_space<vmem>>, vector<16xf32>,
      tpu.vector_store %arg17[%swap3A_294, %swap3A_295], %add3A_290 {strides = array<i32>} : memref<16x1024xf32, #tpu.memory_space<vmem>>, vector<16xf32>,
      %slice3A_297 = vector.extract_strided_slice %get3A_139 {offsets = [5], sizes = [1], strides = [1]} : vector<16xf32> to vector<1xf32>
      %squeeze3A_298 = vector.extract %slice3A_297[0] : f32 from vector<1xf32>
      %mul3A_299 = arith.constant 16 : i32
      %mul3A_300 = arith.muli %scan3A_163, %mul3A_299 : i32
      %get3A_301 = arith.constant 5 : i32
      %get3A_302 = arith.index_cast %get3A_301 : i32 to index
      %get3A_303 = arith.index_cast %mul3A_300 : i32 to index
      %get3A_304 = tpu.vector_load %arg14[%get3A_302, %get3A_303] {strides = array<i32>} : memref<16x1024xf32, #tpu.memory_space<vmem>>, vector<16xf32>,
      %mul3A_305 = vector.broadcast %squeeze3A_298 : f32 to vector<16xf32>
      %mul3A_306 = arith.mulf %mul3A_305, %get3A_304 : vector<16xf32>
      %slice3A_307 = vector.extract_strided_slice %get3A_141 {offsets = [5], sizes = [1], strides = [1]} : vector<16xf32> to vector<1xf32>
      %squeeze3A_308 = vector.extract %slice3A_307[0] : f32 from vector<1xf32>
      %mul3A_309 = arith.constant 16 : i32
      %mul3A_310 = arith.muli %scan3A_163, %mul3A_309 : i32
      %get3A_311 = arith.constant 5 : i32
      %get3A_312 = arith.index_cast %get3A_311 : i32 to index
      %get3A_313 = arith.index_cast %mul3A_310 : i32 to index
      %get3A_314 = tpu.vector_load %arg15[%get3A_312, %get3A_313] {strides = array<i32>} : memref<16x1024xf32, #tpu.memory_space<vmem>>, vector<16xf32>,
      %mul3A_315 = vector.broadcast %squeeze3A_308 : f32 to vector<16xf32>
      %mul3A_316 = arith.mulf %mul3A_315, %get3A_314 : vector<16xf32>
      %add3A_317 = arith.addf %mul3A_306, %mul3A_316 : vector<16xf32>
      %mul3A_318 = arith.constant 16 : i32
      %mul3A_319 = arith.muli %scan3A_163, %mul3A_318 : i32
      %swap3A_320 = arith.constant 5 : i32
      %swap3A_321 = arith.index_cast %swap3A_320 : i32 to index
      %swap3A_322 = arith.index_cast %mul3A_319 : i32 to index
      %swap3A_323 = tpu.vector_load %arg17[%swap3A_321, %swap3A_322] {strides = array<i32>} : memref<16x1024xf32, #tpu.memory_space<vmem>>, vector<16xf32>,
      tpu.vector_store %arg17[%swap3A_321, %swap3A_322], %add3A_317 {strides = array<i32>} : memref<16x1024xf32, #tpu.memory_space<vmem>>, vector<16xf32>,
      %slice3A_324 = vector.extract_strided_slice %get3A_139 {offsets = [6], sizes = [1], strides = [1]} : vector<16xf32> to vector<1xf32>
      %squeeze3A_325 = vector.extract %slice3A_324[0] : f32 from vector<1xf32>
      %mul3A_326 = arith.constant 16 : i32
      %mul3A_327 = arith.muli %scan3A_163, %mul3A_326 : i32
      %get3A_328 = arith.constant 6 : i32
      %get3A_329 = arith.index_cast %get3A_328 : i32 to index
      %get3A_330 = arith.index_cast %mul3A_327 : i32 to index
      %get3A_331 = tpu.vector_load %arg14[%get3A_329, %get3A_330] {strides = array<i32>} : memref<16x1024xf32, #tpu.memory_space<vmem>>, vector<16xf32>,
      %mul3A_332 = vector.broadcast %squeeze3A_325 : f32 to vector<16xf32>
      %mul3A_333 = arith.mulf %mul3A_332, %get3A_331 : vector<16xf32>
      %slice3A_334 = vector.extract_strided_slice %get3A_141 {offsets = [6], sizes = [1], strides = [1]} : vector<16xf32> to vector<1xf32>
      %squeeze3A_335 = vector.extract %slice3A_334[0] : f32 from vector<1xf32>
      %mul3A_336 = arith.constant 16 : i32
      %mul3A_337 = arith.muli %scan3A_163, %mul3A_336 : i32
      %get3A_338 = arith.constant 6 : i32
      %get3A_339 = arith.index_cast %get3A_338 : i32 to index
      %get3A_340 = arith.index_cast %mul3A_337 : i32 to index
      %get3A_341 = tpu.vector_load %arg15[%get3A_339, %get3A_340] {strides = array<i32>} : memref<16x1024xf32, #tpu.memory_space<vmem>>, vector<16xf32>,
      %mul3A_342 = vector.broadcast %squeeze3A_335 : f32 to vector<16xf32>
      %mul3A_343 = arith.mulf %mul3A_342, %get3A_341 : vector<16xf32>
      %add3A_344 = arith.addf %mul3A_333, %mul3A_343 : vector<16xf32>
      %mul3A_345 = arith.constant 16 : i32
      %mul3A_346 = arith.muli %scan3A_163, %mul3A_345 : i32
      %swap3A_347 = arith.constant 6 : i32
      %swap3A_348 = arith.index_cast %swap3A_347 : i32 to index
      %swap3A_349 = arith.index_cast %mul3A_346 : i32 to index
      %swap3A_350 = tpu.vector_load %arg17[%swap3A_348, %swap3A_349] {strides = array<i32>} : memref<16x1024xf32, #tpu.memory_space<vmem>>, vector<16xf32>,
      tpu.vector_store %arg17[%swap3A_348, %swap3A_349], %add3A_344 {strides = array<i32>} : memref<16x1024xf32, #tpu.memory_space<vmem>>, vector<16xf32>,
      %slice3A_351 = vector.extract_strided_slice %get3A_139 {offsets = [7], sizes = [1], strides = [1]} : vector<16xf32> to vector<1xf32>
      %squeeze3A_352 = vector.extract %slice3A_351[0] : f32 from vector<1xf32>
      %mul3A_353 = arith.constant 16 : i32
      %mul3A_354 = arith.muli %scan3A_163, %mul3A_353 : i32
      %get3A_355 = arith.constant 7 : i32
      %get3A_356 = arith.index_cast %get3A_355 : i32 to index
      %get3A_357 = arith.index_cast %mul3A_354 : i32 to index
      %get3A_358 = tpu.vector_load %arg14[%get3A_356, %get3A_357] {strides = array<i32>} : memref<16x1024xf32, #tpu.memory_space<vmem>>, vector<16xf32>,
      %mul3A_359 = vector.broadcast %squeeze3A_352 : f32 to vector<16xf32>
      %mul3A_360 = arith.mulf %mul3A_359, %get3A_358 : vector<16xf32>
      %slice3A_361 = vector.extract_strided_slice %get3A_141 {offsets = [7], sizes = [1], strides = [1]} : vector<16xf32> to vector<1xf32>
      %squeeze3A_362 = vector.extract %slice3A_361[0] : f32 from vector<1xf32>
      %mul3A_363 = arith.constant 16 : i32
      %mul3A_364 = arith.muli %scan3A_163, %mul3A_363 : i32
      %get3A_365 = arith.constant 7 : i32
      %get3A_366 = arith.index_cast %get3A_365 : i32 to index
      %get3A_367 = arith.index_cast %mul3A_364 : i32 to index
      %get3A_368 = tpu.vector_load %arg15[%get3A_366, %get3A_367] {strides = array<i32>} : memref<16x1024xf32, #tpu.memory_space<vmem>>, vector<16xf32>,
      %mul3A_369 = vector.broadcast %squeeze3A_362 : f32 to vector<16xf32>
      %mul3A_370 = arith.mulf %mul3A_369, %get3A_368 : vector<16xf32>
      %add3A_371 = arith.addf %mul3A_360, %mul3A_370 : vector<16xf32>
      %mul3A_372 = arith.constant 16 : i32
      %mul3A_373 = arith.muli %scan3A_163, %mul3A_372 : i32
      %swap3A_374 = arith.constant 7 : i32
      %swap3A_375 = arith.index_cast %swap3A_374 : i32 to index
      %swap3A_376 = arith.index_cast %mul3A_373 : i32 to index
      %swap3A_377 = tpu.vector_load %arg17[%swap3A_375, %swap3A_376] {strides = array<i32>} : memref<16x1024xf32, #tpu.memory_space<vmem>>, vector<16xf32>,
      tpu.vector_store %arg17[%swap3A_375, %swap3A_376], %add3A_371 {strides = array<i32>} : memref<16x1024xf32, #tpu.memory_space<vmem>>, vector<16xf32>,
      %slice3A_378 = vector.extract_strided_slice %get3A_139 {offsets = [8], sizes = [1], strides = [1]} : vector<16xf32> to vector<1xf32>
      %squeeze3A_379 = vector.extract %slice3A_378[0] : f32 from vector<1xf32>
      %mul3A_380 = arith.constant 16 : i32
      %mul3A_381 = arith.muli %scan3A_163, %mul3A_380 : i32
      %get3A_382 = arith.constant 8 : i32
      %get3A_383 = arith.index_cast %get3A_382 : i32 to index
      %get3A_384 = arith.index_cast %mul3A_381 : i32 to index
      %get3A_385 = tpu.vector_load %arg14[%get3A_383, %get3A_384] {strides = array<i32>} : memref<16x1024xf32, #tpu.memory_space<vmem>>, vector<16xf32>,
      %mul3A_386 = vector.broadcast %squeeze3A_379 : f32 to vector<16xf32>
      %mul3A_387 = arith.mulf %mul3A_386, %get3A_385 : vector<16xf32>
      %slice3A_388 = vector.extract_strided_slice %get3A_141 {offsets = [8], sizes = [1], strides = [1]} : vector<16xf32> to vector<1xf32>
      %squeeze3A_389 = vector.extract %slice3A_388[0] : f32 from vector<1xf32>
      %mul3A_390 = arith.constant 16 : i32
      %mul3A_391 = arith.muli %scan3A_163, %mul3A_390 : i32
      %get3A_392 = arith.constant 8 : i32
      %get3A_393 = arith.index_cast %get3A_392 : i32 to index
      %get3A_394 = arith.index_cast %mul3A_391 : i32 to index
      %get3A_395 = tpu.vector_load %arg15[%get3A_393, %get3A_394] {strides = array<i32>} : memref<16x1024xf32, #tpu.memory_space<vmem>>, vector<16xf32>,
      %mul3A_396 = vector.broadcast %squeeze3A_389 : f32 to vector<16xf32>
      %mul3A_397 = arith.mulf %mul3A_396, %get3A_395 : vector<16xf32>
      %add3A_398 = arith.addf %mul3A_387, %mul3A_397 : vector<16xf32>
      %mul3A_399 = arith.constant 16 : i32
      %mul3A_400 = arith.muli %scan3A_163, %mul3A_399 : i32
      %swap3A_401 = arith.constant 8 : i32
      %swap3A_402 = arith.index_cast %swap3A_401 : i32 to index
      %swap3A_403 = arith.index_cast %mul3A_400 : i32 to index
      %swap3A_404 = tpu.vector_load %arg17[%swap3A_402, %swap3A_403] {strides = array<i32>} : memref<16x1024xf32, #tpu.memory_space<vmem>>, vector<16xf32>,
      tpu.vector_store %arg17[%swap3A_402, %swap3A_403], %add3A_398 {strides = array<i32>} : memref<16x1024xf32, #tpu.memory_space<vmem>>, vector<16xf32>,
      %slice3A_405 = vector.extract_strided_slice %get3A_139 {offsets = [9], sizes = [1], strides = [1]} : vector<16xf32> to vector<1xf32>
      %squeeze3A_406 = vector.extract %slice3A_405[0] : f32 from vector<1xf32>
      %mul3A_407 = arith.constant 16 : i32
      %mul3A_408 = arith.muli %scan3A_163, %mul3A_407 : i32
      %get3A_409 = arith.constant 9 : i32
      %get3A_410 = arith.index_cast %get3A_409 : i32 to index
      %get3A_411 = arith.index_cast %mul3A_408 : i32 to index
      %get3A_412 = tpu.vector_load %arg14[%get3A_410, %get3A_411] {strides = array<i32>} : memref<16x1024xf32, #tpu.memory_space<vmem>>, vector<16xf32>,
      %mul3A_413 = vector.broadcast %squeeze3A_406 : f32 to vector<16xf32>
      %mul3A_414 = arith.mulf %mul3A_413, %get3A_412 : vector<16xf32>
      %slice3A_415 = vector.extract_strided_slice %get3A_141 {offsets = [9], sizes = [1], strides = [1]} : vector<16xf32> to vector<1xf32>
      %squeeze3A_416 = vector.extract %slice3A_415[0] : f32 from vector<1xf32>
      %mul3A_417 = arith.constant 16 : i32
      %mul3A_418 = arith.muli %scan3A_163, %mul3A_417 : i32
      %get3A_419 = arith.constant 9 : i32
      %get3A_420 = arith.index_cast %get3A_419 : i32 to index
      %get3A_421 = arith.index_cast %mul3A_418 : i32 to index
      %get3A_422 = tpu.vector_load %arg15[%get3A_420, %get3A_421] {strides = array<i32>} : memref<16x1024xf32, #tpu.memory_space<vmem>>, vector<16xf32>,
      %mul3A_423 = vector.broadcast %squeeze3A_416 : f32 to vector<16xf32>
      %mul3A_424 = arith.mulf %mul3A_423, %get3A_422 : vector<16xf32>
      %add3A_425 = arith.addf %mul3A_414, %mul3A_424 : vector<16xf32>
      %mul3A_426 = arith.constant 16 : i32
      %mul3A_427 = arith.muli %scan3A_163, %mul3A_426 : i32
      %swap3A_428 = arith.constant 9 : i32
      %swap3A_429 = arith.index_cast %swap3A_428 : i32 to index
      %swap3A_430 = arith.index_cast %mul3A_427 : i32 to index
      %swap3A_431 = tpu.vector_load %arg17[%swap3A_429, %swap3A_430] {strides = array<i32>} : memref<16x1024xf32, #tpu.memory_space<vmem>>, vector<16xf32>,
      tpu.vector_store %arg17[%swap3A_429, %swap3A_430], %add3A_425 {strides = array<i32>} : memref<16x1024xf32, #tpu.memory_space<vmem>>, vector<16xf32>,
      %slice3A_432 = vector.extract_strided_slice %get3A_139 {offsets = [10], sizes = [1], strides = [1]} : vector<16xf32> to vector<1xf32>
      %squeeze3A_433 = vector.extract %slice3A_432[0] : f32 from vector<1xf32>
      %mul3A_434 = arith.constant 16 : i32
      %mul3A_435 = arith.muli %scan3A_163, %mul3A_434 : i32
      %get3A_436 = arith.constant 10 : i32
      %get3A_437 = arith.index_cast %get3A_436 : i32 to index
      %get3A_438 = arith.index_cast %mul3A_435 : i32 to index
      %get3A_439 = tpu.vector_load %arg14[%get3A_437, %get3A_438] {strides = array<i32>} : memref<16x1024xf32, #tpu.memory_space<vmem>>, vector<16xf32>,
      %mul3A_440 = vector.broadcast %squeeze3A_433 : f32 to vector<16xf32>
      %mul3A_441 = arith.mulf %mul3A_440, %get3A_439 : vector<16xf32>
      %slice3A_442 = vector.extract_strided_slice %get3A_141 {offsets = [10], sizes = [1], strides = [1]} : vector<16xf32> to vector<1xf32>
      %squeeze3A_443 = vector.extract %slice3A_442[0] : f32 from vector<1xf32>
      %mul3A_444 = arith.constant 16 : i32
      %mul3A_445 = arith.muli %scan3A_163, %mul3A_444 : i32
      %get3A_446 = arith.constant 10 : i32
      %get3A_447 = arith.index_cast %get3A_446 : i32 to index
      %get3A_448 = arith.index_cast %mul3A_445 : i32 to index
      %get3A_449 = tpu.vector_load %arg15[%get3A_447, %get3A_448] {strides = array<i32>} : memref<16x1024xf32, #tpu.memory_space<vmem>>, vector<16xf32>,
      %mul3A_450 = vector.broadcast %squeeze3A_443 : f32 to vector<16xf32>
      %mul3A_451 = arith.mulf %mul3A_450, %get3A_449 : vector<16xf32>
      %add3A_452 = arith.addf %mul3A_441, %mul3A_451 : vector<16xf32>
      %mul3A_453 = arith.constant 16 : i32
      %mul3A_454 = arith.muli %scan3A_163, %mul3A_453 : i32
      %swap3A_455 = arith.constant 10 : i32
      %swap3A_456 = arith.index_cast %swap3A_455 : i32 to index
      %swap3A_457 = arith.index_cast %mul3A_454 : i32 to index
      %swap3A_458 = tpu.vector_load %arg17[%swap3A_456, %swap3A_457] {strides = array<i32>} : memref<16x1024xf32, #tpu.memory_space<vmem>>, vector<16xf32>,
      tpu.vector_store %arg17[%swap3A_456, %swap3A_457], %add3A_452 {strides = array<i32>} : memref<16x1024xf32, #tpu.memory_space<vmem>>, vector<16xf32>,
      %slice3A_459 = vector.extract_strided_slice %get3A_139 {offsets = [11], sizes = [1], strides = [1]} : vector<16xf32> to vector<1xf32>
      %squeeze3A_460 = vector.extract %slice3A_459[0] : f32 from vector<1xf32>
      %mul3A_461 = arith.constant 16 : i32
      %mul3A_462 = arith.muli %scan3A_163, %mul3A_461 : i32
      %get3A_463 = arith.constant 11 : i32
      %get3A_464 = arith.index_cast %get3A_463 : i32 to index
      %get3A_465 = arith.index_cast %mul3A_462 : i32 to index
      %get3A_466 = tpu.vector_load %arg14[%get3A_464, %get3A_465] {strides = array<i32>} : memref<16x1024xf32, #tpu.memory_space<vmem>>, vector<16xf32>,
      %mul3A_467 = vector.broadcast %squeeze3A_460 : f32 to vector<16xf32>
      %mul3A_468 = arith.mulf %mul3A_467, %get3A_466 : vector<16xf32>
      %slice3A_469 = vector.extract_strided_slice %get3A_141 {offsets = [11], sizes = [1], strides = [1]} : vector<16xf32> to vector<1xf32>
      %squeeze3A_470 = vector.extract %slice3A_469[0] : f32 from vector<1xf32>
      %mul3A_471 = arith.constant 16 : i32
      %mul3A_472 = arith.muli %scan3A_163, %mul3A_471 : i32
      %get3A_473 = arith.constant 11 : i32
      %get3A_474 = arith.index_cast %get3A_473 : i32 to index
      %get3A_475 = arith.index_cast %mul3A_472 : i32 to index
      %get3A_476 = tpu.vector_load %arg15[%get3A_474, %get3A_475] {strides = array<i32>} : memref<16x1024xf32, #tpu.memory_space<vmem>>, vector<16xf32>,
      %mul3A_477 = vector.broadcast %squeeze3A_470 : f32 to vector<16xf32>
      %mul3A_478 = arith.mulf %mul3A_477, %get3A_476 : vector<16xf32>
      %add3A_479 = arith.addf %mul3A_468, %mul3A_478 : vector<16xf32>
      %mul3A_480 = arith.constant 16 : i32
      %mul3A_481 = arith.muli %scan3A_163, %mul3A_480 : i32
      %swap3A_482 = arith.constant 11 : i32
      %swap3A_483 = arith.index_cast %swap3A_482 : i32 to index
      %swap3A_484 = arith.index_cast %mul3A_481 : i32 to index
      %swap3A_485 = tpu.vector_load %arg17[%swap3A_483, %swap3A_484] {strides = array<i32>} : memref<16x1024xf32, #tpu.memory_space<vmem>>, vector<16xf32>,
      tpu.vector_store %arg17[%swap3A_483, %swap3A_484], %add3A_479 {strides = array<i32>} : memref<16x1024xf32, #tpu.memory_space<vmem>>, vector<16xf32>,
      %slice3A_486 = vector.extract_strided_slice %get3A_139 {offsets = [12], sizes = [1], strides = [1]} : vector<16xf32> to vector<1xf32>
      %squeeze3A_487 = vector.extract %slice3A_486[0] : f32 from vector<1xf32>
      %mul3A_488 = arith.constant 16 : i32
      %mul3A_489 = arith.muli %scan3A_163, %mul3A_488 : i32
      %get3A_490 = arith.constant 12 : i32
      %get3A_491 = arith.index_cast %get3A_490 : i32 to index
      %get3A_492 = arith.index_cast %mul3A_489 : i32 to index
      %get3A_493 = tpu.vector_load %arg14[%get3A_491, %get3A_492] {strides = array<i32>} : memref<16x1024xf32, #tpu.memory_space<vmem>>, vector<16xf32>,
      %mul3A_494 = vector.broadcast %squeeze3A_487 : f32 to vector<16xf32>
      %mul3A_495 = arith.mulf %mul3A_494, %get3A_493 : vector<16xf32>
      %slice3A_496 = vector.extract_strided_slice %get3A_141 {offsets = [12], sizes = [1], strides = [1]} : vector<16xf32> to vector<1xf32>
      %squeeze3A_497 = vector.extract %slice3A_496[0] : f32 from vector<1xf32>
      %mul3A_498 = arith.constant 16 : i32
      %mul3A_499 = arith.muli %scan3A_163, %mul3A_498 : i32
      %get3A_500 = arith.constant 12 : i32
      %get3A_501 = arith.index_cast %get3A_500 : i32 to index
      %get3A_502 = arith.index_cast %mul3A_499 : i32 to index
      %get3A_503 = tpu.vector_load %arg15[%get3A_501, %get3A_502] {strides = array<i32>} : memref<16x1024xf32, #tpu.memory_space<vmem>>, vector<16xf32>,
      %mul3A_504 = vector.broadcast %squeeze3A_497 : f32 to vector<16xf32>
      %mul3A_505 = arith.mulf %mul3A_504, %get3A_503 : vector<16xf32>
      %add3A_506 = arith.addf %mul3A_495, %mul3A_505 : vector<16xf32>
      %mul3A_507 = arith.constant 16 : i32
      %mul3A_508 = arith.muli %scan3A_163, %mul3A_507 : i32
      %swap3A_509 = arith.constant 12 : i32
      %swap3A_510 = arith.index_cast %swap3A_509 : i32 to index
      %swap3A_511 = arith.index_cast %mul3A_508 : i32 to index
      %swap3A_512 = tpu.vector_load %arg17[%swap3A_510, %swap3A_511] {strides = array<i32>} : memref<16x1024xf32, #tpu.memory_space<vmem>>, vector<16xf32>,
      tpu.vector_store %arg17[%swap3A_510, %swap3A_511], %add3A_506 {strides = array<i32>} : memref<16x1024xf32, #tpu.memory_space<vmem>>, vector<16xf32>,
      %slice3A_513 = vector.extract_strided_slice %get3A_139 {offsets = [13], sizes = [1], strides = [1]} : vector<16xf32> to vector<1xf32>
      %squeeze3A_514 = vector.extract %slice3A_513[0] : f32 from vector<1xf32>
      %mul3A_515 = arith.constant 16 : i32
      %mul3A_516 = arith.muli %scan3A_163, %mul3A_515 : i32
      %get3A_517 = arith.constant 13 : i32
      %get3A_518 = arith.index_cast %get3A_517 : i32 to index
      %get3A_519 = arith.index_cast %mul3A_516 : i32 to index
      %get3A_520 = tpu.vector_load %arg14[%get3A_518, %get3A_519] {strides = array<i32>} : memref<16x1024xf32, #tpu.memory_space<vmem>>, vector<16xf32>,
      %mul3A_521 = vector.broadcast %squeeze3A_514 : f32 to vector<16xf32>
      %mul3A_522 = arith.mulf %mul3A_521, %get3A_520 : vector<16xf32>
      %slice3A_523 = vector.extract_strided_slice %get3A_141 {offsets = [13], sizes = [1], strides = [1]} : vector<16xf32> to vector<1xf32>
      %squeeze3A_524 = vector.extract %slice3A_523[0] : f32 from vector<1xf32>
      %mul3A_525 = arith.constant 16 : i32
      %mul3A_526 = arith.muli %scan3A_163, %mul3A_525 : i32
      %get3A_527 = arith.constant 13 : i32
      %get3A_528 = arith.index_cast %get3A_527 : i32 to index
      %get3A_529 = arith.index_cast %mul3A_526 : i32 to index
      %get3A_530 = tpu.vector_load %arg15[%get3A_528, %get3A_529] {strides = array<i32>} : memref<16x1024xf32, #tpu.memory_space<vmem>>, vector<16xf32>,
      %mul3A_531 = vector.broadcast %squeeze3A_524 : f32 to vector<16xf32>
      %mul3A_532 = arith.mulf %mul3A_531, %get3A_530 : vector<16xf32>
      %add3A_533 = arith.addf %mul3A_522, %mul3A_532 : vector<16xf32>
      %mul3A_534 = arith.constant 16 : i32
      %mul3A_535 = arith.muli %scan3A_163, %mul3A_534 : i32
      %swap3A_536 = arith.constant 13 : i32
      %swap3A_537 = arith.index_cast %swap3A_536 : i32 to index
      %swap3A_538 = arith.index_cast %mul3A_535 : i32 to index
      %swap3A_539 = tpu.vector_load %arg17[%swap3A_537, %swap3A_538] {strides = array<i32>} : memref<16x1024xf32, #tpu.memory_space<vmem>>, vector<16xf32>,
      tpu.vector_store %arg17[%swap3A_537, %swap3A_538], %add3A_533 {strides = array<i32>} : memref<16x1024xf32, #tpu.memory_space<vmem>>, vector<16xf32>,
      %slice3A_540 = vector.extract_strided_slice %get3A_139 {offsets = [14], sizes = [1], strides = [1]} : vector<16xf32> to vector<1xf32>
      %squeeze3A_541 = vector.extract %slice3A_540[0] : f32 from vector<1xf32>
      %mul3A_542 = arith.constant 16 : i32
      %mul3A_543 = arith.muli %scan3A_163, %mul3A_542 : i32
      %get3A_544 = arith.constant 14 : i32
      %get3A_545 = arith.index_cast %get3A_544 : i32 to index
      %get3A_546 = arith.index_cast %mul3A_543 : i32 to index
      %get3A_547 = tpu.vector_load %arg14[%get3A_545, %get3A_546] {strides = array<i32>} : memref<16x1024xf32, #tpu.memory_space<vmem>>, vector<16xf32>,
      %mul3A_548 = vector.broadcast %squeeze3A_541 : f32 to vector<16xf32>
      %mul3A_549 = arith.mulf %mul3A_548, %get3A_547 : vector<16xf32>
      %slice3A_550 = vector.extract_strided_slice %get3A_141 {offsets = [14], sizes = [1], strides = [1]} : vector<16xf32> to vector<1xf32>
      %squeeze3A_551 = vector.extract %slice3A_550[0] : f32 from vector<1xf32>
      %mul3A_552 = arith.constant 16 : i32
      %mul3A_553 = arith.muli %scan3A_163, %mul3A_552 : i32
      %get3A_554 = arith.constant 14 : i32
      %get3A_555 = arith.index_cast %get3A_554 : i32 to index
      %get3A_556 = arith.index_cast %mul3A_553 : i32 to index
      %get3A_557 = tpu.vector_load %arg15[%get3A_555, %get3A_556] {strides = array<i32>} : memref<16x1024xf32, #tpu.memory_space<vmem>>, vector<16xf32>,
      %mul3A_558 = vector.broadcast %squeeze3A_551 : f32 to vector<16xf32>
      %mul3A_559 = arith.mulf %mul3A_558, %get3A_557 : vector<16xf32>
      %add3A_560 = arith.addf %mul3A_549, %mul3A_559 : vector<16xf32>
      %mul3A_561 = arith.constant 16 : i32
      %mul3A_562 = arith.muli %scan3A_163, %mul3A_561 : i32
      %swap3A_563 = arith.constant 14 : i32
      %swap3A_564 = arith.index_cast %swap3A_563 : i32 to index
      %swap3A_565 = arith.index_cast %mul3A_562 : i32 to index
      %swap3A_566 = tpu.vector_load %arg17[%swap3A_564, %swap3A_565] {strides = array<i32>} : memref<16x1024xf32, #tpu.memory_space<vmem>>, vector<16xf32>,
      tpu.vector_store %arg17[%swap3A_564, %swap3A_565], %add3A_560 {strides = array<i32>} : memref<16x1024xf32, #tpu.memory_space<vmem>>, vector<16xf32>,
      %slice3A_567 = vector.extract_strided_slice %get3A_139 {offsets = [15], sizes = [1], strides = [1]} : vector<16xf32> to vector<1xf32>
      %squeeze3A_568 = vector.extract %slice3A_567[0] : f32 from vector<1xf32>
      %mul3A_569 = arith.constant 16 : i32
      %mul3A_570 = arith.muli %scan3A_163, %mul3A_569 : i32
      %get3A_571 = arith.constant 15 : i32
      %get3A_572 = arith.index_cast %get3A_571 : i32 to index
      %get3A_573 = arith.index_cast %mul3A_570 : i32 to index
      %get3A_574 = tpu.vector_load %arg14[%get3A_572, %get3A_573] {strides = array<i32>} : memref<16x1024xf32, #tpu.memory_space<vmem>>, vector<16xf32>,
      %mul3A_575 = vector.broadcast %squeeze3A_568 : f32 to vector<16xf32>
      %mul3A_576 = arith.mulf %mul3A_575, %get3A_574 : vector<16xf32>
      %slice3A_577 = vector.extract_strided_slice %get3A_141 {offsets = [15], sizes = [1], strides = [1]} : vector<16xf32> to vector<1xf32>
      %squeeze3A_578 = vector.extract %slice3A_577[0] : f32 from vector<1xf32>
      %mul3A_579 = arith.constant 16 : i32
      %mul3A_580 = arith.muli %scan3A_163, %mul3A_579 : i32
      %get3A_581 = arith.constant 15 : i32
      %get3A_582 = arith.index_cast %get3A_581 : i32 to index
      %get3A_583 = arith.index_cast %mul3A_580 : i32 to index
      %get3A_584 = tpu.vector_load %arg15[%get3A_582, %get3A_583] {strides = array<i32>} : memref<16x1024xf32, #tpu.memory_space<vmem>>, vector<16xf32>,
      %mul3A_585 = vector.broadcast %squeeze3A_578 : f32 to vector<16xf32>
      %mul3A_586 = arith.mulf %mul3A_585, %get3A_584 : vector<16xf32>
      %add3A_587 = arith.addf %mul3A_576, %mul3A_586 : vector<16xf32>
      %mul3A_588 = arith.constant 16 : i32
      %mul3A_589 = arith.muli %scan3A_163, %mul3A_588 : i32
      %swap3A_590 = arith.constant 15 : i32
      %swap3A_591 = arith.index_cast %swap3A_590 : i32 to index
      %swap3A_592 = arith.index_cast %mul3A_589 : i32 to index
      %swap3A_593 = tpu.vector_load %arg17[%swap3A_591, %swap3A_592] {strides = array<i32>} : memref<16x1024xf32, #tpu.memory_space<vmem>>, vector<16xf32>,
      tpu.vector_store %arg17[%swap3A_591, %swap3A_592], %add3A_587 {strides = array<i32>} : memref<16x1024xf32, #tpu.memory_space<vmem>>, vector<16xf32>,
      %scan3A_594 = arith.constant 0 : i32
      scf.yield %scan3A_594 : i32
    }
    %scan3A_148 = arith.constant 64 : i32
    %add3A_149 = arith.constant 48 : i32
    %add3A_150 = arith.addi %mul3A_2, %add3A_149 : i32
    %dma_start3A_151 = arith.constant 0 : i32
    %dma_start3A_152 = tpu.memref_slice %arg7[%add3A_150, %dma_start3A_151] : memref<2048x1024xf32, #tpu.memory_space<hbm>> -> memref<16x1024xf32, #tpu.memory_space<hbm>>
    %dma_start3A_153 = arith.constant 0 : i32
    %dma_start3A_154 = tpu.memref_slice %arg7[%add3A_150, %dma_start3A_153] : memref<2048x1024xf32, #tpu.memory_space<hbm>> -> memref<16x1024xf32, #tpu.memory_space<hbm>>
    tpu.enqueue_dma source(%arg17 : memref<16x1024xf32, #tpu.memory_space<vmem>>) target(%dma_start3A_154 : memref<16x1024xf32, #tpu.memory_space<hbm>>) target_semaphore(%arg20 : memref<!tpu.dma_semaphore, #tpu.memory_space<semaphore_mem>>)
    %dma_wait3A_155 = arith.constant 0 : i32
    %dma_wait3A_156 = tpu.memref_slice %arg7[%add3A_119, %dma_wait3A_155] : memref<2048x1024xf32, #tpu.memory_space<hbm>> -> memref<16x1024xf32, #tpu.memory_space<hbm>>
    %dma_wait3A_157 = arith.constant 0 : i32
    %dma_wait3A_158 = tpu.memref_slice %arg7[%add3A_119, %dma_wait3A_157] : memref<2048x1024xf32, #tpu.memory_space<hbm>> -> memref<16x1024xf32, #tpu.memory_space<hbm>>
    tpu.wait_dma2 semaphore(%arg20 : memref<!tpu.dma_semaphore, #tpu.memory_space<semaphore_mem>>) src(%arg16 : memref<16x1024xf32, #tpu.memory_space<vmem>>) dst(%dma_wait3A_158 : memref<16x1024xf32, #tpu.memory_space<hbm>>)
    %dma_wait3A_159 = arith.constant 0 : i32
    %dma_wait3A_160 = tpu.memref_slice %arg7[%add3A_150, %dma_wait3A_159] : memref<2048x1024xf32, #tpu.memory_space<hbm>> -> memref<16x1024xf32, #tpu.memory_space<hbm>>
    %dma_wait3A_161 = arith.constant 0 : i32
    %dma_wait3A_162 = tpu.memref_slice %arg7[%add3A_150, %dma_wait3A_161] : memref<2048x1024xf32, #tpu.memory_space<hbm>> -> memref<16x1024xf32, #tpu.memory_space<hbm>>
    tpu.wait_dma2 semaphore(%arg20 : memref<!tpu.dma_semaphore, #tpu.memory_space<semaphore_mem>>) src(%arg17 : memref<16x1024xf32, #tpu.memory_space<vmem>>) dst(%dma_wait3A_162 : memref<16x1024xf32, #tpu.memory_space<hbm>>)
    return
  }
}

#map = affine_map<(d0, d1) -> (0)>
#map1 = affine_map<(d0, d1) -> (0, 0)>
module attributes {stable_mosaic.version = 14 : i64} {
  func.func @_route_dispatch(%arg0: i32, %arg1: i32, %arg2: memref<16384xf32, #tpu.memory_space<hbm>>, %arg3: memref<2048x1024xf32, #tpu.memory_space<hbm>>, %arg4: memref<6144x1024xf32, #tpu.memory_space<hbm>>, %arg5: memref<32xi32, #tpu.memory_space<hbm>>, %arg6: memref<2048xi32, #tpu.memory_space<hbm>>, %arg7: memref<2048xi32, #tpu.memory_space<hbm>>, %arg8: memref<2048xf32, #tpu.memory_space<hbm>>, %arg9: memref<2048xf32, #tpu.memory_space<hbm>>, %arg10: memref<16384xf32, #tpu.memory_space<vmem>>, %arg11: memref<2048xi32, #tpu.memory_space<vmem>>, %arg12: memref<2048xi32, #tpu.memory_space<vmem>>, %arg13: memref<64xi32, #tpu.memory_space<vmem>>, %arg14: memref<64xi32, #tpu.memory_space<vmem>>, %arg15: memref<64xf32, #tpu.memory_space<vmem>>, %arg16: memref<64xf32, #tpu.memory_space<vmem>>, %arg17: memref<32xi32, #tpu.memory_space<vmem>>, %arg18: memref<64x1024xf32, #tpu.memory_space<vmem>>, %arg19: memref<!tpu.dma_semaphore, #tpu.memory_space<semaphore_mem>>, %arg20: memref<!tpu.dma_semaphore, #tpu.memory_space<semaphore_mem>>) attributes {dimension_semantics = [#tpu.dimension_semantics<core_parallel>, #tpu.dimension_semantics<subcore_parallel>], iteration_bounds = array<i64: 2, 16>, scalar_prefetch = 0 : i64, scratch_operands = 11 : i64, tpu.core_type = #tpu.core_type<sc_vector_subcore>, window_params = [{transform_indices = #map}, {transform_indices = #map1}, {transform_indices = #map1}, {transform_indices = #map}, {transform_indices = #map}, {transform_indices = #map}, {transform_indices = #map}, {transform_indices = #map}]} {
    %mul3A = arith.constant 2 : i32
    %mul3A_0 = arith.muli %arg1, %mul3A : i32
    %add3A = arith.addi %mul3A_0, %arg0 : i32
    %mul3A_1 = arith.constant 4 : i32
    %mul3A_2 = arith.muli %add3A, %mul3A_1 : i32
    %iota3A = tpu.iota {dimensions = array<i32: 0>} : vector<16xi32>
    %broadcast_in_dim3A = arith.constant 0 : i32
    %broadcast_in_dim3A_3 = vector.broadcast %broadcast_in_dim3A : i32 to vector<16xi32>
    %mul3A_4 = arith.constant 64 : i32
    %mul3A_5 = arith.muli %add3A, %mul3A_4 : i32
    %dma_start3A = arith.constant 0 : i32
    %dma_start3A_6 = tpu.memref_slice %arg3[%mul3A_5, %dma_start3A] : memref<2048x1024xf32, #tpu.memory_space<hbm>> -> memref<64x1024xf32, #tpu.memory_space<hbm>>
    %dma_start3A_7 = arith.constant 0 : i32
    %dma_start3A_8 = tpu.memref_slice %arg3[%mul3A_5, %dma_start3A_7] : memref<2048x1024xf32, #tpu.memory_space<hbm>> -> memref<64x1024xf32, #tpu.memory_space<hbm>>
    tpu.enqueue_dma source(%dma_start3A_8 : memref<64x1024xf32, #tpu.memory_space<hbm>>) target(%arg18 : memref<64x1024xf32, #tpu.memory_space<vmem>>) target_semaphore(%arg20 : memref<!tpu.dma_semaphore, #tpu.memory_space<semaphore_mem>>)
    "tpu.region"() ({
      %run_scoped3A = tpu.sem_alloc : memref<!tpu.dma_semaphore, #tpu.memory_space<semaphore_mem>>
      tpu.enqueue_dma source(%arg2 : memref<16384xf32, #tpu.memory_space<hbm>>) target(%arg10 : memref<16384xf32, #tpu.memory_space<vmem>>) target_semaphore(%run_scoped3A : memref<!tpu.dma_semaphore, #tpu.memory_space<semaphore_mem>>)
      tpu.wait_dma2 semaphore(%run_scoped3A : memref<!tpu.dma_semaphore, #tpu.memory_space<semaphore_mem>>) src(%arg2 : memref<16384xf32, #tpu.memory_space<hbm>>) dst(%arg10 : memref<16384xf32, #tpu.memory_space<vmem>>)
      tpu.yield
    }) : () -> ()
    %scan3A = arith.constant 0 : i32
    %scan3A_9 = arith.constant 128 : i32
    %scan3A_10 = arith.addi %scan3A, %scan3A_9 : i32
    %scan3A_11 = arith.constant 1 : i32
    %scan3A_12:2 = scf.for %scan3A_1655 = %scan3A to %scan3A_10 step %scan3A_11 iter_args(%scan3A_1656 = %broadcast_in_dim3A_3, %scan3A_1657 = %broadcast_in_dim3A_3) -> (vector<16xi32>, vector<16xi32>)  : i32 {
      %mul3A_1658 = arith.constant 16 : i32
      %mul3A_1659 = arith.muli %scan3A_1655, %mul3A_1658 : i32
      %add3A_1660 = arith.constant 0 : i32
      %add3A_1661 = arith.addi %add3A_1660, %mul3A_1659 : i32
      %get3A_1662 = arith.index_cast %add3A_1661 : i32 to index
      %get3A_1663 = tpu.vector_load %arg10[%get3A_1662] {strides = array<i32>} : memref<16384xf32, #tpu.memory_space<vmem>>, vector<16xf32>,
      %add3A_1664 = arith.constant 2048 : i32
      %add3A_1665 = arith.addi %add3A_1664, %mul3A_1659 : i32
      %get3A_1666 = arith.index_cast %add3A_1665 : i32 to index
      %get3A_1667 = tpu.vector_load %arg10[%get3A_1666] {strides = array<i32>} : memref<16384xf32, #tpu.memory_space<vmem>>, vector<16xf32>,
      %add3A_1668 = arith.constant 4096 : i32
      %add3A_1669 = arith.addi %add3A_1668, %mul3A_1659 : i32
      %get3A_1670 = arith.index_cast %add3A_1669 : i32 to index
      %get3A_1671 = tpu.vector_load %arg10[%get3A_1670] {strides = array<i32>} : memref<16384xf32, #tpu.memory_space<vmem>>, vector<16xf32>,
      %add3A_1672 = arith.constant 6144 : i32
      %add3A_1673 = arith.addi %add3A_1672, %mul3A_1659 : i32
      %get3A_1674 = arith.index_cast %add3A_1673 : i32 to index
      %get3A_1675 = tpu.vector_load %arg10[%get3A_1674] {strides = array<i32>} : memref<16384xf32, #tpu.memory_space<vmem>>, vector<16xf32>,
      %add3A_1676 = arith.constant 8192 : i32
      %add3A_1677 = arith.addi %add3A_1676, %mul3A_1659 : i32
      %get3A_1678 = arith.index_cast %add3A_1677 : i32 to index
      %get3A_1679 = tpu.vector_load %arg10[%get3A_1678] {strides = array<i32>} : memref<16384xf32, #tpu.memory_space<vmem>>, vector<16xf32>,
      %add3A_1680 = arith.constant 10240 : i32
      %add3A_1681 = arith.addi %add3A_1680, %mul3A_1659 : i32
      %get3A_1682 = arith.index_cast %add3A_1681 : i32 to index
      %get3A_1683 = tpu.vector_load %arg10[%get3A_1682] {strides = array<i32>} : memref<16384xf32, #tpu.memory_space<vmem>>, vector<16xf32>,
      %add3A_1684 = arith.constant 12288 : i32
      %add3A_1685 = arith.addi %add3A_1684, %mul3A_1659 : i32
      %get3A_1686 = arith.index_cast %add3A_1685 : i32 to index
      %get3A_1687 = tpu.vector_load %arg10[%get3A_1686] {strides = array<i32>} : memref<16384xf32, #tpu.memory_space<vmem>>, vector<16xf32>,
      %add3A_1688 = arith.constant 14336 : i32
      %add3A_1689 = arith.addi %add3A_1688, %mul3A_1659 : i32
      %get3A_1690 = arith.index_cast %add3A_1689 : i32 to index
      %get3A_1691 = tpu.vector_load %arg10[%get3A_1690] {strides = array<i32>} : memref<16384xf32, #tpu.memory_space<vmem>>, vector<16xf32>,
      %max3A = arith.maximumf %get3A_1663, %get3A_1667 : vector<16xf32>
      %max3A_1692 = arith.maximumf %max3A, %get3A_1671 : vector<16xf32>
      %max3A_1693 = arith.maximumf %max3A_1692, %get3A_1675 : vector<16xf32>
      %max3A_1694 = arith.maximumf %max3A_1693, %get3A_1679 : vector<16xf32>
      %max3A_1695 = arith.maximumf %max3A_1694, %get3A_1683 : vector<16xf32>
      %max3A_1696 = arith.maximumf %max3A_1695, %get3A_1687 : vector<16xf32>
      %max3A_1697 = arith.maximumf %max3A_1696, %get3A_1691 : vector<16xf32>
      %broadcast_in_dim3A_1698 = arith.constant -1 : i32
      %broadcast_in_dim3A_1699 = vector.broadcast %broadcast_in_dim3A_1698 : i32 to vector<16xi32>
      %eq3A_1700 = arith.cmpf oeq, %get3A_1663, %max3A_1697 : vector<16xf32>
      %lt3A = arith.constant 0 : i32
      %lt3A_1701 = vector.broadcast %lt3A : i32 to vector<16xi32>
      %lt3A_1702 = arith.cmpi slt, %broadcast_in_dim3A_1699, %lt3A_1701 : vector<16xi32>
      %and3A_1703 = arith.andi %eq3A_1700, %lt3A_1702 : vector<16xi1>
      %jit3A_1704 = arith.constant 0 : i32
      %broadcast_in_dim3A_1705 = vector.broadcast %jit3A_1704 : i32 to vector<16xi32>
      %select_n3A_1706 = arith.select %and3A_1703, %broadcast_in_dim3A_1705, %broadcast_in_dim3A_1699 : vector<16xi1>, vector<16xi32>
      %eq3A_1707 = arith.cmpf oeq, %get3A_1667, %max3A_1697 : vector<16xf32>
      %lt3A_1708 = arith.constant 0 : i32
      %lt3A_1709 = vector.broadcast %lt3A_1708 : i32 to vector<16xi32>
      %lt3A_1710 = arith.cmpi slt, %select_n3A_1706, %lt3A_1709 : vector<16xi32>
      %and3A_1711 = arith.andi %eq3A_1707, %lt3A_1710 : vector<16xi1>
      %jit3A_1712 = arith.constant 1 : i32
      %broadcast_in_dim3A_1713 = vector.broadcast %jit3A_1712 : i32 to vector<16xi32>
      %select_n3A_1714 = arith.select %and3A_1711, %broadcast_in_dim3A_1713, %select_n3A_1706 : vector<16xi1>, vector<16xi32>
      %eq3A_1715 = arith.cmpf oeq, %get3A_1671, %max3A_1697 : vector<16xf32>
      %lt3A_1716 = arith.constant 0 : i32
      %lt3A_1717 = vector.broadcast %lt3A_1716 : i32 to vector<16xi32>
      %lt3A_1718 = arith.cmpi slt, %select_n3A_1714, %lt3A_1717 : vector<16xi32>
      %and3A_1719 = arith.andi %eq3A_1715, %lt3A_1718 : vector<16xi1>
      %jit3A_1720 = arith.constant 2 : i32
      %broadcast_in_dim3A_1721 = vector.broadcast %jit3A_1720 : i32 to vector<16xi32>
      %select_n3A_1722 = arith.select %and3A_1719, %broadcast_in_dim3A_1721, %select_n3A_1714 : vector<16xi1>, vector<16xi32>
      %eq3A_1723 = arith.cmpf oeq, %get3A_1675, %max3A_1697 : vector<16xf32>
      %lt3A_1724 = arith.constant 0 : i32
      %lt3A_1725 = vector.broadcast %lt3A_1724 : i32 to vector<16xi32>
      %lt3A_1726 = arith.cmpi slt, %select_n3A_1722, %lt3A_1725 : vector<16xi32>
      %and3A_1727 = arith.andi %eq3A_1723, %lt3A_1726 : vector<16xi1>
      %jit3A_1728 = arith.constant 3 : i32
      %broadcast_in_dim3A_1729 = vector.broadcast %jit3A_1728 : i32 to vector<16xi32>
      %select_n3A_1730 = arith.select %and3A_1727, %broadcast_in_dim3A_1729, %select_n3A_1722 : vector<16xi1>, vector<16xi32>
      %eq3A_1731 = arith.cmpf oeq, %get3A_1679, %max3A_1697 : vector<16xf32>
      %lt3A_1732 = arith.constant 0 : i32
      %lt3A_1733 = vector.broadcast %lt3A_1732 : i32 to vector<16xi32>
      %lt3A_1734 = arith.cmpi slt, %select_n3A_1730, %lt3A_1733 : vector<16xi32>
      %and3A_1735 = arith.andi %eq3A_1731, %lt3A_1734 : vector<16xi1>
      %jit3A_1736 = arith.constant 4 : i32
      %broadcast_in_dim3A_1737 = vector.broadcast %jit3A_1736 : i32 to vector<16xi32>
      %select_n3A_1738 = arith.select %and3A_1735, %broadcast_in_dim3A_1737, %select_n3A_1730 : vector<16xi1>, vector<16xi32>
      %eq3A_1739 = arith.cmpf oeq, %get3A_1683, %max3A_1697 : vector<16xf32>
      %lt3A_1740 = arith.constant 0 : i32
      %lt3A_1741 = vector.broadcast %lt3A_1740 : i32 to vector<16xi32>
      %lt3A_1742 = arith.cmpi slt, %select_n3A_1738, %lt3A_1741 : vector<16xi32>
      %and3A_1743 = arith.andi %eq3A_1739, %lt3A_1742 : vector<16xi1>
      %jit3A_1744 = arith.constant 5 : i32
      %broadcast_in_dim3A_1745 = vector.broadcast %jit3A_1744 : i32 to vector<16xi32>
      %select_n3A_1746 = arith.select %and3A_1743, %broadcast_in_dim3A_1745, %select_n3A_1738 : vector<16xi1>, vector<16xi32>
      %eq3A_1747 = arith.cmpf oeq, %get3A_1687, %max3A_1697 : vector<16xf32>
      %lt3A_1748 = arith.constant 0 : i32
      %lt3A_1749 = vector.broadcast %lt3A_1748 : i32 to vector<16xi32>
      %lt3A_1750 = arith.cmpi slt, %select_n3A_1746, %lt3A_1749 : vector<16xi32>
      %and3A_1751 = arith.andi %eq3A_1747, %lt3A_1750 : vector<16xi1>
      %jit3A_1752 = arith.constant 6 : i32
      %broadcast_in_dim3A_1753 = vector.broadcast %jit3A_1752 : i32 to vector<16xi32>
      %select_n3A_1754 = arith.select %and3A_1751, %broadcast_in_dim3A_1753, %select_n3A_1746 : vector<16xi1>, vector<16xi32>
      %eq3A_1755 = arith.cmpf oeq, %get3A_1691, %max3A_1697 : vector<16xf32>
      %lt3A_1756 = arith.constant 0 : i32
      %lt3A_1757 = vector.broadcast %lt3A_1756 : i32 to vector<16xi32>
      %lt3A_1758 = arith.cmpi slt, %select_n3A_1754, %lt3A_1757 : vector<16xi32>
      %and3A_1759 = arith.andi %eq3A_1755, %lt3A_1758 : vector<16xi1>
      %jit3A_1760 = arith.constant 7 : i32
      %broadcast_in_dim3A_1761 = vector.broadcast %jit3A_1760 : i32 to vector<16xi32>
      %select_n3A_1762 = arith.select %and3A_1759, %broadcast_in_dim3A_1761, %select_n3A_1754 : vector<16xi1>, vector<16xi32>
      %broadcast_in_dim3A_1763 = arith.constant -3.000000e+38 : f32
      %broadcast_in_dim3A_1764 = vector.broadcast %broadcast_in_dim3A_1763 : f32 to vector<16xf32>
      %eq3A_1765 = arith.constant 0 : i32
      %eq3A_1766 = vector.broadcast %eq3A_1765 : i32 to vector<16xi32>
      %eq3A_1767 = arith.cmpi eq, %select_n3A_1762, %eq3A_1766 : vector<16xi32>
      %jit3A_1768 = arith.constant -3.000000e+38 : f32
      %broadcast_in_dim3A_1769 = vector.broadcast %jit3A_1768 : f32 to vector<16xf32>
      %select_n3A_1770 = arith.select %eq3A_1767, %broadcast_in_dim3A_1769, %get3A_1663 : vector<16xi1>, vector<16xf32>
      %max3A_1771 = arith.maximumf %broadcast_in_dim3A_1764, %select_n3A_1770 : vector<16xf32>
      %eq3A_1772 = arith.constant 1 : i32
      %eq3A_1773 = vector.broadcast %eq3A_1772 : i32 to vector<16xi32>
      %eq3A_1774 = arith.cmpi eq, %select_n3A_1762, %eq3A_1773 : vector<16xi32>
      %jit3A_1775 = arith.constant -3.000000e+38 : f32
      %broadcast_in_dim3A_1776 = vector.broadcast %jit3A_1775 : f32 to vector<16xf32>
      %select_n3A_1777 = arith.select %eq3A_1774, %broadcast_in_dim3A_1776, %get3A_1667 : vector<16xi1>, vector<16xf32>
      %max3A_1778 = arith.maximumf %max3A_1771, %select_n3A_1777 : vector<16xf32>
      %eq3A_1779 = arith.constant 2 : i32
      %eq3A_1780 = vector.broadcast %eq3A_1779 : i32 to vector<16xi32>
      %eq3A_1781 = arith.cmpi eq, %select_n3A_1762, %eq3A_1780 : vector<16xi32>
      %jit3A_1782 = arith.constant -3.000000e+38 : f32
      %broadcast_in_dim3A_1783 = vector.broadcast %jit3A_1782 : f32 to vector<16xf32>
      %select_n3A_1784 = arith.select %eq3A_1781, %broadcast_in_dim3A_1783, %get3A_1671 : vector<16xi1>, vector<16xf32>
      %max3A_1785 = arith.maximumf %max3A_1778, %select_n3A_1784 : vector<16xf32>
      %eq3A_1786 = arith.constant 3 : i32
      %eq3A_1787 = vector.broadcast %eq3A_1786 : i32 to vector<16xi32>
      %eq3A_1788 = arith.cmpi eq, %select_n3A_1762, %eq3A_1787 : vector<16xi32>
      %jit3A_1789 = arith.constant -3.000000e+38 : f32
      %broadcast_in_dim3A_1790 = vector.broadcast %jit3A_1789 : f32 to vector<16xf32>
      %select_n3A_1791 = arith.select %eq3A_1788, %broadcast_in_dim3A_1790, %get3A_1675 : vector<16xi1>, vector<16xf32>
      %max3A_1792 = arith.maximumf %max3A_1785, %select_n3A_1791 : vector<16xf32>
      %eq3A_1793 = arith.constant 4 : i32
      %eq3A_1794 = vector.broadcast %eq3A_1793 : i32 to vector<16xi32>
      %eq3A_1795 = arith.cmpi eq, %select_n3A_1762, %eq3A_1794 : vector<16xi32>
      %jit3A_1796 = arith.constant -3.000000e+38 : f32
      %broadcast_in_dim3A_1797 = vector.broadcast %jit3A_1796 : f32 to vector<16xf32>
      %select_n3A_1798 = arith.select %eq3A_1795, %broadcast_in_dim3A_1797, %get3A_1679 : vector<16xi1>, vector<16xf32>
      %max3A_1799 = arith.maximumf %max3A_1792, %select_n3A_1798 : vector<16xf32>
      %eq3A_1800 = arith.constant 5 : i32
      %eq3A_1801 = vector.broadcast %eq3A_1800 : i32 to vector<16xi32>
      %eq3A_1802 = arith.cmpi eq, %select_n3A_1762, %eq3A_1801 : vector<16xi32>
      %jit3A_1803 = arith.constant -3.000000e+38 : f32
      %broadcast_in_dim3A_1804 = vector.broadcast %jit3A_1803 : f32 to vector<16xf32>
      %select_n3A_1805 = arith.select %eq3A_1802, %broadcast_in_dim3A_1804, %get3A_1683 : vector<16xi1>, vector<16xf32>
      %max3A_1806 = arith.maximumf %max3A_1799, %select_n3A_1805 : vector<16xf32>
      %eq3A_1807 = arith.constant 6 : i32
      %eq3A_1808 = vector.broadcast %eq3A_1807 : i32 to vector<16xi32>
      %eq3A_1809 = arith.cmpi eq, %select_n3A_1762, %eq3A_1808 : vector<16xi32>
      %jit3A_1810 = arith.constant -3.000000e+38 : f32
      %broadcast_in_dim3A_1811 = vector.broadcast %jit3A_1810 : f32 to vector<16xf32>
      %select_n3A_1812 = arith.select %eq3A_1809, %broadcast_in_dim3A_1811, %get3A_1687 : vector<16xi1>, vector<16xf32>
      %max3A_1813 = arith.maximumf %max3A_1806, %select_n3A_1812 : vector<16xf32>
      %eq3A_1814 = arith.constant 7 : i32
      %eq3A_1815 = vector.broadcast %eq3A_1814 : i32 to vector<16xi32>
      %eq3A_1816 = arith.cmpi eq, %select_n3A_1762, %eq3A_1815 : vector<16xi32>
      %jit3A_1817 = arith.constant -3.000000e+38 : f32
      %broadcast_in_dim3A_1818 = vector.broadcast %jit3A_1817 : f32 to vector<16xf32>
      %select_n3A_1819 = arith.select %eq3A_1816, %broadcast_in_dim3A_1818, %get3A_1691 : vector<16xi1>, vector<16xf32>
      %max3A_1820 = arith.maximumf %max3A_1813, %select_n3A_1819 : vector<16xf32>
      %broadcast_in_dim3A_1821 = arith.constant -1 : i32
      %broadcast_in_dim3A_1822 = vector.broadcast %broadcast_in_dim3A_1821 : i32 to vector<16xi32>
      %eq3A_1823 = arith.cmpf oeq, %select_n3A_1770, %max3A_1820 : vector<16xf32>
      %lt3A_1824 = arith.constant 0 : i32
      %lt3A_1825 = vector.broadcast %lt3A_1824 : i32 to vector<16xi32>
      %lt3A_1826 = arith.cmpi slt, %broadcast_in_dim3A_1822, %lt3A_1825 : vector<16xi32>
      %and3A_1827 = arith.andi %eq3A_1823, %lt3A_1826 : vector<16xi1>
      %jit3A_1828 = arith.constant 0 : i32
      %broadcast_in_dim3A_1829 = vector.broadcast %jit3A_1828 : i32 to vector<16xi32>
      %select_n3A_1830 = arith.select %and3A_1827, %broadcast_in_dim3A_1829, %broadcast_in_dim3A_1822 : vector<16xi1>, vector<16xi32>
      %eq3A_1831 = arith.cmpf oeq, %select_n3A_1777, %max3A_1820 : vector<16xf32>
      %lt3A_1832 = arith.constant 0 : i32
      %lt3A_1833 = vector.broadcast %lt3A_1832 : i32 to vector<16xi32>
      %lt3A_1834 = arith.cmpi slt, %select_n3A_1830, %lt3A_1833 : vector<16xi32>
      %and3A_1835 = arith.andi %eq3A_1831, %lt3A_1834 : vector<16xi1>
      %jit3A_1836 = arith.constant 1 : i32
      %broadcast_in_dim3A_1837 = vector.broadcast %jit3A_1836 : i32 to vector<16xi32>
      %select_n3A_1838 = arith.select %and3A_1835, %broadcast_in_dim3A_1837, %select_n3A_1830 : vector<16xi1>, vector<16xi32>
      %eq3A_1839 = arith.cmpf oeq, %select_n3A_1784, %max3A_1820 : vector<16xf32>
      %lt3A_1840 = arith.constant 0 : i32
      %lt3A_1841 = vector.broadcast %lt3A_1840 : i32 to vector<16xi32>
      %lt3A_1842 = arith.cmpi slt, %select_n3A_1838, %lt3A_1841 : vector<16xi32>
      %and3A_1843 = arith.andi %eq3A_1839, %lt3A_1842 : vector<16xi1>
      %jit3A_1844 = arith.constant 2 : i32
      %broadcast_in_dim3A_1845 = vector.broadcast %jit3A_1844 : i32 to vector<16xi32>
      %select_n3A_1846 = arith.select %and3A_1843, %broadcast_in_dim3A_1845, %select_n3A_1838 : vector<16xi1>, vector<16xi32>
      %eq3A_1847 = arith.cmpf oeq, %select_n3A_1791, %max3A_1820 : vector<16xf32>
      %lt3A_1848 = arith.constant 0 : i32
      %lt3A_1849 = vector.broadcast %lt3A_1848 : i32 to vector<16xi32>
      %lt3A_1850 = arith.cmpi slt, %select_n3A_1846, %lt3A_1849 : vector<16xi32>
      %and3A_1851 = arith.andi %eq3A_1847, %lt3A_1850 : vector<16xi1>
      %jit3A_1852 = arith.constant 3 : i32
      %broadcast_in_dim3A_1853 = vector.broadcast %jit3A_1852 : i32 to vector<16xi32>
      %select_n3A_1854 = arith.select %and3A_1851, %broadcast_in_dim3A_1853, %select_n3A_1846 : vector<16xi1>, vector<16xi32>
      %eq3A_1855 = arith.cmpf oeq, %select_n3A_1798, %max3A_1820 : vector<16xf32>
      %lt3A_1856 = arith.constant 0 : i32
      %lt3A_1857 = vector.broadcast %lt3A_1856 : i32 to vector<16xi32>
      %lt3A_1858 = arith.cmpi slt, %select_n3A_1854, %lt3A_1857 : vector<16xi32>
      %and3A_1859 = arith.andi %eq3A_1855, %lt3A_1858 : vector<16xi1>
      %jit3A_1860 = arith.constant 4 : i32
      %broadcast_in_dim3A_1861 = vector.broadcast %jit3A_1860 : i32 to vector<16xi32>
      %select_n3A_1862 = arith.select %and3A_1859, %broadcast_in_dim3A_1861, %select_n3A_1854 : vector<16xi1>, vector<16xi32>
      %eq3A_1863 = arith.cmpf oeq, %select_n3A_1805, %max3A_1820 : vector<16xf32>
      %lt3A_1864 = arith.constant 0 : i32
      %lt3A_1865 = vector.broadcast %lt3A_1864 : i32 to vector<16xi32>
      %lt3A_1866 = arith.cmpi slt, %select_n3A_1862, %lt3A_1865 : vector<16xi32>
      %and3A_1867 = arith.andi %eq3A_1863, %lt3A_1866 : vector<16xi1>
      %jit3A_1868 = arith.constant 5 : i32
      %broadcast_in_dim3A_1869 = vector.broadcast %jit3A_1868 : i32 to vector<16xi32>
      %select_n3A_1870 = arith.select %and3A_1867, %broadcast_in_dim3A_1869, %select_n3A_1862 : vector<16xi1>, vector<16xi32>
      %eq3A_1871 = arith.cmpf oeq, %select_n3A_1812, %max3A_1820 : vector<16xf32>
      %lt3A_1872 = arith.constant 0 : i32
      %lt3A_1873 = vector.broadcast %lt3A_1872 : i32 to vector<16xi32>
      %lt3A_1874 = arith.cmpi slt, %select_n3A_1870, %lt3A_1873 : vector<16xi32>
      %and3A_1875 = arith.andi %eq3A_1871, %lt3A_1874 : vector<16xi1>
      %jit3A_1876 = arith.constant 6 : i32
      %broadcast_in_dim3A_1877 = vector.broadcast %jit3A_1876 : i32 to vector<16xi32>
      %select_n3A_1878 = arith.select %and3A_1875, %broadcast_in_dim3A_1877, %select_n3A_1870 : vector<16xi1>, vector<16xi32>
      %eq3A_1879 = arith.cmpf oeq, %select_n3A_1819, %max3A_1820 : vector<16xf32>
      %lt3A_1880 = arith.constant 0 : i32
      %lt3A_1881 = vector.broadcast %lt3A_1880 : i32 to vector<16xi32>
      %lt3A_1882 = arith.cmpi slt, %select_n3A_1878, %lt3A_1881 : vector<16xi32>
      %and3A_1883 = arith.andi %eq3A_1879, %lt3A_1882 : vector<16xi1>
      %jit3A_1884 = arith.constant 7 : i32
      %broadcast_in_dim3A_1885 = vector.broadcast %jit3A_1884 : i32 to vector<16xi32>
      %select_n3A_1886 = arith.select %and3A_1883, %broadcast_in_dim3A_1885, %select_n3A_1878 : vector<16xi1>, vector<16xi32>
      %swap3A_1887 = arith.index_cast %mul3A_1659 : i32 to index
      %swap3A_1888 = tpu.vector_load %arg11[%swap3A_1887] {strides = array<i32>} : memref<2048xi32, #tpu.memory_space<vmem>>, vector<16xi32>,
      tpu.vector_store %arg11[%swap3A_1887], %select_n3A_1762 {strides = array<i32>} : memref<2048xi32, #tpu.memory_space<vmem>>, vector<16xi32>,
      %swap3A_1889 = arith.index_cast %mul3A_1659 : i32 to index
      %swap3A_1890 = tpu.vector_load %arg12[%swap3A_1889] {strides = array<i32>} : memref<2048xi32, #tpu.memory_space<vmem>>, vector<16xi32>,
      tpu.vector_store %arg12[%swap3A_1889], %select_n3A_1886 {strides = array<i32>} : memref<2048xi32, #tpu.memory_space<vmem>>, vector<16xi32>,
      %eq3A_1891 = arith.constant 0 : i32
      %eq3A_1892 = vector.broadcast %eq3A_1891 : i32 to vector<16xi32>
      %eq3A_1893 = arith.cmpi eq, %select_n3A_1762, %eq3A_1892 : vector<16xi32>
      %all_reduce_population_count3A_1894 = tpu.all_reduce %eq3A_1893 {dim = 0 : i64, kind = #tpu.reduction_kind<sum>} : vector<16xi1> -> vector<16xi32>
      %eq3A_1895 = arith.constant 0 : i32
      %eq3A_1896 = vector.broadcast %eq3A_1895 : i32 to vector<16xi32>
      %eq3A_1897 = arith.cmpi eq, %select_n3A_1886, %eq3A_1896 : vector<16xi32>
      %all_reduce_population_count3A_1898 = tpu.all_reduce %eq3A_1897 {dim = 0 : i64, kind = #tpu.reduction_kind<sum>} : vector<16xi1> -> vector<16xi32>
      %add3A_1899 = arith.addi %all_reduce_population_count3A_1894, %all_reduce_population_count3A_1898 : vector<16xi32>
      %eq3A_1900 = arith.constant 0 : i32
      %eq3A_1901 = vector.broadcast %eq3A_1900 : i32 to vector<16xi32>
      %eq3A_1902 = arith.cmpi eq, %iota3A, %eq3A_1901 : vector<16xi32>
      %jit3A_1903 = arith.constant 0 : i32
      %broadcast_in_dim3A_1904 = vector.broadcast %jit3A_1903 : i32 to vector<16xi32>
      %select_n3A_1905 = arith.select %eq3A_1902, %add3A_1899, %broadcast_in_dim3A_1904 : vector<16xi1>, vector<16xi32>
      %add3A_1906 = arith.addi %broadcast_in_dim3A_3, %select_n3A_1905 : vector<16xi32>
      %eq3A_1907 = arith.constant 1 : i32
      %eq3A_1908 = vector.broadcast %eq3A_1907 : i32 to vector<16xi32>
      %eq3A_1909 = arith.cmpi eq, %select_n3A_1762, %eq3A_1908 : vector<16xi32>
      %all_reduce_population_count3A_1910 = tpu.all_reduce %eq3A_1909 {dim = 0 : i64, kind = #tpu.reduction_kind<sum>} : vector<16xi1> -> vector<16xi32>
      %eq3A_1911 = arith.constant 1 : i32
      %eq3A_1912 = vector.broadcast %eq3A_1911 : i32 to vector<16xi32>
      %eq3A_1913 = arith.cmpi eq, %select_n3A_1886, %eq3A_1912 : vector<16xi32>
      %all_reduce_population_count3A_1914 = tpu.all_reduce %eq3A_1913 {dim = 0 : i64, kind = #tpu.reduction_kind<sum>} : vector<16xi1> -> vector<16xi32>
      %add3A_1915 = arith.addi %all_reduce_population_count3A_1910, %all_reduce_population_count3A_1914 : vector<16xi32>
      %eq3A_1916 = arith.constant 1 : i32
      %eq3A_1917 = vector.broadcast %eq3A_1916 : i32 to vector<16xi32>
      %eq3A_1918 = arith.cmpi eq, %iota3A, %eq3A_1917 : vector<16xi32>
      %jit3A_1919 = arith.constant 0 : i32
      %broadcast_in_dim3A_1920 = vector.broadcast %jit3A_1919 : i32 to vector<16xi32>
      %select_n3A_1921 = arith.select %eq3A_1918, %add3A_1915, %broadcast_in_dim3A_1920 : vector<16xi1>, vector<16xi32>
      %add3A_1922 = arith.addi %add3A_1906, %select_n3A_1921 : vector<16xi32>
      %eq3A_1923 = arith.constant 2 : i32
      %eq3A_1924 = vector.broadcast %eq3A_1923 : i32 to vector<16xi32>
      %eq3A_1925 = arith.cmpi eq, %select_n3A_1762, %eq3A_1924 : vector<16xi32>
      %all_reduce_population_count3A_1926 = tpu.all_reduce %eq3A_1925 {dim = 0 : i64, kind = #tpu.reduction_kind<sum>} : vector<16xi1> -> vector<16xi32>
      %eq3A_1927 = arith.constant 2 : i32
      %eq3A_1928 = vector.broadcast %eq3A_1927 : i32 to vector<16xi32>
      %eq3A_1929 = arith.cmpi eq, %select_n3A_1886, %eq3A_1928 : vector<16xi32>
      %all_reduce_population_count3A_1930 = tpu.all_reduce %eq3A_1929 {dim = 0 : i64, kind = #tpu.reduction_kind<sum>} : vector<16xi1> -> vector<16xi32>
      %add3A_1931 = arith.addi %all_reduce_population_count3A_1926, %all_reduce_population_count3A_1930 : vector<16xi32>
      %eq3A_1932 = arith.constant 2 : i32
      %eq3A_1933 = vector.broadcast %eq3A_1932 : i32 to vector<16xi32>
      %eq3A_1934 = arith.cmpi eq, %iota3A, %eq3A_1933 : vector<16xi32>
      %jit3A_1935 = arith.constant 0 : i32
      %broadcast_in_dim3A_1936 = vector.broadcast %jit3A_1935 : i32 to vector<16xi32>
      %select_n3A_1937 = arith.select %eq3A_1934, %add3A_1931, %broadcast_in_dim3A_1936 : vector<16xi1>, vector<16xi32>
      %add3A_1938 = arith.addi %add3A_1922, %select_n3A_1937 : vector<16xi32>
      %eq3A_1939 = arith.constant 3 : i32
      %eq3A_1940 = vector.broadcast %eq3A_1939 : i32 to vector<16xi32>
      %eq3A_1941 = arith.cmpi eq, %select_n3A_1762, %eq3A_1940 : vector<16xi32>
      %all_reduce_population_count3A_1942 = tpu.all_reduce %eq3A_1941 {dim = 0 : i64, kind = #tpu.reduction_kind<sum>} : vector<16xi1> -> vector<16xi32>
      %eq3A_1943 = arith.constant 3 : i32
      %eq3A_1944 = vector.broadcast %eq3A_1943 : i32 to vector<16xi32>
      %eq3A_1945 = arith.cmpi eq, %select_n3A_1886, %eq3A_1944 : vector<16xi32>
      %all_reduce_population_count3A_1946 = tpu.all_reduce %eq3A_1945 {dim = 0 : i64, kind = #tpu.reduction_kind<sum>} : vector<16xi1> -> vector<16xi32>
      %add3A_1947 = arith.addi %all_reduce_population_count3A_1942, %all_reduce_population_count3A_1946 : vector<16xi32>
      %eq3A_1948 = arith.constant 3 : i32
      %eq3A_1949 = vector.broadcast %eq3A_1948 : i32 to vector<16xi32>
      %eq3A_1950 = arith.cmpi eq, %iota3A, %eq3A_1949 : vector<16xi32>
      %jit3A_1951 = arith.constant 0 : i32
      %broadcast_in_dim3A_1952 = vector.broadcast %jit3A_1951 : i32 to vector<16xi32>
      %select_n3A_1953 = arith.select %eq3A_1950, %add3A_1947, %broadcast_in_dim3A_1952 : vector<16xi1>, vector<16xi32>
      %add3A_1954 = arith.addi %add3A_1938, %select_n3A_1953 : vector<16xi32>
      %eq3A_1955 = arith.constant 4 : i32
      %eq3A_1956 = vector.broadcast %eq3A_1955 : i32 to vector<16xi32>
      %eq3A_1957 = arith.cmpi eq, %select_n3A_1762, %eq3A_1956 : vector<16xi32>
      %all_reduce_population_count3A_1958 = tpu.all_reduce %eq3A_1957 {dim = 0 : i64, kind = #tpu.reduction_kind<sum>} : vector<16xi1> -> vector<16xi32>
      %eq3A_1959 = arith.constant 4 : i32
      %eq3A_1960 = vector.broadcast %eq3A_1959 : i32 to vector<16xi32>
      %eq3A_1961 = arith.cmpi eq, %select_n3A_1886, %eq3A_1960 : vector<16xi32>
      %all_reduce_population_count3A_1962 = tpu.all_reduce %eq3A_1961 {dim = 0 : i64, kind = #tpu.reduction_kind<sum>} : vector<16xi1> -> vector<16xi32>
      %add3A_1963 = arith.addi %all_reduce_population_count3A_1958, %all_reduce_population_count3A_1962 : vector<16xi32>
      %eq3A_1964 = arith.constant 4 : i32
      %eq3A_1965 = vector.broadcast %eq3A_1964 : i32 to vector<16xi32>
      %eq3A_1966 = arith.cmpi eq, %iota3A, %eq3A_1965 : vector<16xi32>
      %jit3A_1967 = arith.constant 0 : i32
      %broadcast_in_dim3A_1968 = vector.broadcast %jit3A_1967 : i32 to vector<16xi32>
      %select_n3A_1969 = arith.select %eq3A_1966, %add3A_1963, %broadcast_in_dim3A_1968 : vector<16xi1>, vector<16xi32>
      %add3A_1970 = arith.addi %add3A_1954, %select_n3A_1969 : vector<16xi32>
      %eq3A_1971 = arith.constant 5 : i32
      %eq3A_1972 = vector.broadcast %eq3A_1971 : i32 to vector<16xi32>
      %eq3A_1973 = arith.cmpi eq, %select_n3A_1762, %eq3A_1972 : vector<16xi32>
      %all_reduce_population_count3A_1974 = tpu.all_reduce %eq3A_1973 {dim = 0 : i64, kind = #tpu.reduction_kind<sum>} : vector<16xi1> -> vector<16xi32>
      %eq3A_1975 = arith.constant 5 : i32
      %eq3A_1976 = vector.broadcast %eq3A_1975 : i32 to vector<16xi32>
      %eq3A_1977 = arith.cmpi eq, %select_n3A_1886, %eq3A_1976 : vector<16xi32>
      %all_reduce_population_count3A_1978 = tpu.all_reduce %eq3A_1977 {dim = 0 : i64, kind = #tpu.reduction_kind<sum>} : vector<16xi1> -> vector<16xi32>
      %add3A_1979 = arith.addi %all_reduce_population_count3A_1974, %all_reduce_population_count3A_1978 : vector<16xi32>
      %eq3A_1980 = arith.constant 5 : i32
      %eq3A_1981 = vector.broadcast %eq3A_1980 : i32 to vector<16xi32>
      %eq3A_1982 = arith.cmpi eq, %iota3A, %eq3A_1981 : vector<16xi32>
      %jit3A_1983 = arith.constant 0 : i32
      %broadcast_in_dim3A_1984 = vector.broadcast %jit3A_1983 : i32 to vector<16xi32>
      %select_n3A_1985 = arith.select %eq3A_1982, %add3A_1979, %broadcast_in_dim3A_1984 : vector<16xi1>, vector<16xi32>
      %add3A_1986 = arith.addi %add3A_1970, %select_n3A_1985 : vector<16xi32>
      %eq3A_1987 = arith.constant 6 : i32
      %eq3A_1988 = vector.broadcast %eq3A_1987 : i32 to vector<16xi32>
      %eq3A_1989 = arith.cmpi eq, %select_n3A_1762, %eq3A_1988 : vector<16xi32>
      %all_reduce_population_count3A_1990 = tpu.all_reduce %eq3A_1989 {dim = 0 : i64, kind = #tpu.reduction_kind<sum>} : vector<16xi1> -> vector<16xi32>
      %eq3A_1991 = arith.constant 6 : i32
      %eq3A_1992 = vector.broadcast %eq3A_1991 : i32 to vector<16xi32>
      %eq3A_1993 = arith.cmpi eq, %select_n3A_1886, %eq3A_1992 : vector<16xi32>
      %all_reduce_population_count3A_1994 = tpu.all_reduce %eq3A_1993 {dim = 0 : i64, kind = #tpu.reduction_kind<sum>} : vector<16xi1> -> vector<16xi32>
      %add3A_1995 = arith.addi %all_reduce_population_count3A_1990, %all_reduce_population_count3A_1994 : vector<16xi32>
      %eq3A_1996 = arith.constant 6 : i32
      %eq3A_1997 = vector.broadcast %eq3A_1996 : i32 to vector<16xi32>
      %eq3A_1998 = arith.cmpi eq, %iota3A, %eq3A_1997 : vector<16xi32>
      %jit3A_1999 = arith.constant 0 : i32
      %broadcast_in_dim3A_2000 = vector.broadcast %jit3A_1999 : i32 to vector<16xi32>
      %select_n3A_2001 = arith.select %eq3A_1998, %add3A_1995, %broadcast_in_dim3A_2000 : vector<16xi1>, vector<16xi32>
      %add3A_2002 = arith.addi %add3A_1986, %select_n3A_2001 : vector<16xi32>
      %eq3A_2003 = arith.constant 7 : i32
      %eq3A_2004 = vector.broadcast %eq3A_2003 : i32 to vector<16xi32>
      %eq3A_2005 = arith.cmpi eq, %select_n3A_1762, %eq3A_2004 : vector<16xi32>
      %all_reduce_population_count3A_2006 = tpu.all_reduce %eq3A_2005 {dim = 0 : i64, kind = #tpu.reduction_kind<sum>} : vector<16xi1> -> vector<16xi32>
      %eq3A_2007 = arith.constant 7 : i32
      %eq3A_2008 = vector.broadcast %eq3A_2007 : i32 to vector<16xi32>
      %eq3A_2009 = arith.cmpi eq, %select_n3A_1886, %eq3A_2008 : vector<16xi32>
      %all_reduce_population_count3A_2010 = tpu.all_reduce %eq3A_2009 {dim = 0 : i64, kind = #tpu.reduction_kind<sum>} : vector<16xi1> -> vector<16xi32>
      %add3A_2011 = arith.addi %all_reduce_population_count3A_2006, %all_reduce_population_count3A_2010 : vector<16xi32>
      %eq3A_2012 = arith.constant 7 : i32
      %eq3A_2013 = vector.broadcast %eq3A_2012 : i32 to vector<16xi32>
      %eq3A_2014 = arith.cmpi eq, %iota3A, %eq3A_2013 : vector<16xi32>
      %jit3A_2015 = arith.constant 0 : i32
      %broadcast_in_dim3A_2016 = vector.broadcast %jit3A_2015 : i32 to vector<16xi32>
      %select_n3A_2017 = arith.select %eq3A_2014, %add3A_2011, %broadcast_in_dim3A_2016 : vector<16xi1>, vector<16xi32>
      %add3A_2018 = arith.addi %add3A_2002, %select_n3A_2017 : vector<16xi32>
      %add3A_2019 = arith.addi %scan3A_1656, %add3A_2018 : vector<16xi32>
      %lt3A_2020 = arith.cmpi slt, %scan3A_1655, %mul3A_2 : i32
      %select_n3A_2021 = arith.select %lt3A_2020, %add3A_2018, %broadcast_in_dim3A_3 : vector<16xi32>
      %add3A_2022 = arith.addi %scan3A_1657, %select_n3A_2021 : vector<16xi32>
      scf.yield %add3A_2019, %add3A_2022 : vector<16xi32>, vector<16xi32>
    }
    %scan3A_13 = arith.constant 128 : i32
    %slice3A = vector.extract_strided_slice %scan3A_12#0 {offsets = [0], sizes = [1], strides = [1]} : vector<16xi32> to vector<1xi32>
    %squeeze3A = vector.extract %slice3A[0] : i32 from vector<1xi32>
    %add3A_14 = arith.constant 0 : i32
    %add3A_15 = arith.addi %add3A_14, %squeeze3A : i32
    %add3A_16 = arith.constant 255 : i32
    %add3A_17 = arith.addi %add3A_15, %add3A_16 : i32
    %and3A = arith.constant -256 : i32
    %and3A_18 = arith.andi %add3A_17, %and3A : i32
    %slice3A_19 = vector.extract_strided_slice %scan3A_12#0 {offsets = [1], sizes = [1], strides = [1]} : vector<16xi32> to vector<1xi32>
    %squeeze3A_20 = vector.extract %slice3A_19[0] : i32 from vector<1xi32>
    %add3A_21 = arith.addi %and3A_18, %squeeze3A_20 : i32
    %add3A_22 = arith.constant 255 : i32
    %add3A_23 = arith.addi %add3A_21, %add3A_22 : i32
    %and3A_24 = arith.constant -256 : i32
    %and3A_25 = arith.andi %add3A_23, %and3A_24 : i32
    %slice3A_26 = vector.extract_strided_slice %scan3A_12#0 {offsets = [2], sizes = [1], strides = [1]} : vector<16xi32> to vector<1xi32>
    %squeeze3A_27 = vector.extract %slice3A_26[0] : i32 from vector<1xi32>
    %add3A_28 = arith.addi %and3A_25, %squeeze3A_27 : i32
    %add3A_29 = arith.constant 255 : i32
    %add3A_30 = arith.addi %add3A_28, %add3A_29 : i32
    %and3A_31 = arith.constant -256 : i32
    %and3A_32 = arith.andi %add3A_30, %and3A_31 : i32
    %slice3A_33 = vector.extract_strided_slice %scan3A_12#0 {offsets = [3], sizes = [1], strides = [1]} : vector<16xi32> to vector<1xi32>
    %squeeze3A_34 = vector.extract %slice3A_33[0] : i32 from vector<1xi32>
    %add3A_35 = arith.addi %and3A_32, %squeeze3A_34 : i32
    %add3A_36 = arith.constant 255 : i32
    %add3A_37 = arith.addi %add3A_35, %add3A_36 : i32
    %and3A_38 = arith.constant -256 : i32
    %and3A_39 = arith.andi %add3A_37, %and3A_38 : i32
    %slice3A_40 = vector.extract_strided_slice %scan3A_12#0 {offsets = [4], sizes = [1], strides = [1]} : vector<16xi32> to vector<1xi32>
    %squeeze3A_41 = vector.extract %slice3A_40[0] : i32 from vector<1xi32>
    %add3A_42 = arith.addi %and3A_39, %squeeze3A_41 : i32
    %add3A_43 = arith.constant 255 : i32
    %add3A_44 = arith.addi %add3A_42, %add3A_43 : i32
    %and3A_45 = arith.constant -256 : i32
    %and3A_46 = arith.andi %add3A_44, %and3A_45 : i32
    %slice3A_47 = vector.extract_strided_slice %scan3A_12#0 {offsets = [5], sizes = [1], strides = [1]} : vector<16xi32> to vector<1xi32>
    %squeeze3A_48 = vector.extract %slice3A_47[0] : i32 from vector<1xi32>
    %add3A_49 = arith.addi %and3A_46, %squeeze3A_48 : i32
    %add3A_50 = arith.constant 255 : i32
    %add3A_51 = arith.addi %add3A_49, %add3A_50 : i32
    %and3A_52 = arith.constant -256 : i32
    %and3A_53 = arith.andi %add3A_51, %and3A_52 : i32
    %slice3A_54 = vector.extract_strided_slice %scan3A_12#0 {offsets = [6], sizes = [1], strides = [1]} : vector<16xi32> to vector<1xi32>
    %squeeze3A_55 = vector.extract %slice3A_54[0] : i32 from vector<1xi32>
    %add3A_56 = arith.addi %and3A_53, %squeeze3A_55 : i32
    %add3A_57 = arith.constant 255 : i32
    %add3A_58 = arith.addi %add3A_56, %add3A_57 : i32
    %and3A_59 = arith.constant -256 : i32
    %and3A_60 = arith.andi %add3A_58, %and3A_59 : i32
    %slice3A_61 = vector.extract_strided_slice %scan3A_12#0 {offsets = [7], sizes = [1], strides = [1]} : vector<16xi32> to vector<1xi32>
    %squeeze3A_62 = vector.extract %slice3A_61[0] : i32 from vector<1xi32>
    %add3A_63 = arith.addi %and3A_60, %squeeze3A_62 : i32
    %add3A_64 = arith.constant 255 : i32
    %add3A_65 = arith.addi %add3A_63, %add3A_64 : i32
    %and3A_66 = arith.constant -256 : i32
    %and3A_67 = arith.andi %add3A_65, %and3A_66 : i32
    %add3A_68 = arith.constant 0 : i32
    %add3A_69 = vector.broadcast %add3A_68 : i32 to vector<16xi32>
    %add3A_70 = arith.addi %add3A_69, %iota3A : vector<16xi32>
    %mul3A_71 = arith.constant 256 : i32
    %mul3A_72 = vector.broadcast %mul3A_71 : i32 to vector<16xi32>
    %mul3A_73 = arith.muli %add3A_70, %mul3A_72 : vector<16xi32>
    %ge3A = vector.broadcast %and3A_18 : i32 to vector<16xi32>
    %ge3A_74 = arith.cmpi sge, %mul3A_73, %ge3A : vector<16xi32>
    %jit3A = arith.constant 1 : i32
    %jit3A_75 = arith.constant 0 : i32
    %broadcast_in_dim3A_76 = vector.broadcast %jit3A : i32 to vector<16xi32>
    %broadcast_in_dim3A_77 = vector.broadcast %jit3A_75 : i32 to vector<16xi32>
    %select_n3A = arith.select %ge3A_74, %broadcast_in_dim3A_76, %broadcast_in_dim3A_77 : vector<16xi1>, vector<16xi32>
    %add3A_78 = arith.addi %broadcast_in_dim3A_3, %select_n3A : vector<16xi32>
    %ge3A_79 = vector.broadcast %and3A_25 : i32 to vector<16xi32>
    %ge3A_80 = arith.cmpi sge, %mul3A_73, %ge3A_79 : vector<16xi32>
    %jit3A_81 = arith.constant 1 : i32
    %jit3A_82 = arith.constant 0 : i32
    %broadcast_in_dim3A_83 = vector.broadcast %jit3A_81 : i32 to vector<16xi32>
    %broadcast_in_dim3A_84 = vector.broadcast %jit3A_82 : i32 to vector<16xi32>
    %select_n3A_85 = arith.select %ge3A_80, %broadcast_in_dim3A_83, %broadcast_in_dim3A_84 : vector<16xi1>, vector<16xi32>
    %add3A_86 = arith.addi %add3A_78, %select_n3A_85 : vector<16xi32>
    %ge3A_87 = vector.broadcast %and3A_32 : i32 to vector<16xi32>
    %ge3A_88 = arith.cmpi sge, %mul3A_73, %ge3A_87 : vector<16xi32>
    %jit3A_89 = arith.constant 1 : i32
    %jit3A_90 = arith.constant 0 : i32
    %broadcast_in_dim3A_91 = vector.broadcast %jit3A_89 : i32 to vector<16xi32>
    %broadcast_in_dim3A_92 = vector.broadcast %jit3A_90 : i32 to vector<16xi32>
    %select_n3A_93 = arith.select %ge3A_88, %broadcast_in_dim3A_91, %broadcast_in_dim3A_92 : vector<16xi1>, vector<16xi32>
    %add3A_94 = arith.addi %add3A_86, %select_n3A_93 : vector<16xi32>
    %ge3A_95 = vector.broadcast %and3A_39 : i32 to vector<16xi32>
    %ge3A_96 = arith.cmpi sge, %mul3A_73, %ge3A_95 : vector<16xi32>
    %jit3A_97 = arith.constant 1 : i32
    %jit3A_98 = arith.constant 0 : i32
    %broadcast_in_dim3A_99 = vector.broadcast %jit3A_97 : i32 to vector<16xi32>
    %broadcast_in_dim3A_100 = vector.broadcast %jit3A_98 : i32 to vector<16xi32>
    %select_n3A_101 = arith.select %ge3A_96, %broadcast_in_dim3A_99, %broadcast_in_dim3A_100 : vector<16xi1>, vector<16xi32>
    %add3A_102 = arith.addi %add3A_94, %select_n3A_101 : vector<16xi32>
    %ge3A_103 = vector.broadcast %and3A_46 : i32 to vector<16xi32>
    %ge3A_104 = arith.cmpi sge, %mul3A_73, %ge3A_103 : vector<16xi32>
    %jit3A_105 = arith.constant 1 : i32
    %jit3A_106 = arith.constant 0 : i32
    %broadcast_in_dim3A_107 = vector.broadcast %jit3A_105 : i32 to vector<16xi32>
    %broadcast_in_dim3A_108 = vector.broadcast %jit3A_106 : i32 to vector<16xi32>
    %select_n3A_109 = arith.select %ge3A_104, %broadcast_in_dim3A_107, %broadcast_in_dim3A_108 : vector<16xi1>, vector<16xi32>
    %add3A_110 = arith.addi %add3A_102, %select_n3A_109 : vector<16xi32>
    %ge3A_111 = vector.broadcast %and3A_53 : i32 to vector<16xi32>
    %ge3A_112 = arith.cmpi sge, %mul3A_73, %ge3A_111 : vector<16xi32>
    %jit3A_113 = arith.constant 1 : i32
    %jit3A_114 = arith.constant 0 : i32
    %broadcast_in_dim3A_115 = vector.broadcast %jit3A_113 : i32 to vector<16xi32>
    %broadcast_in_dim3A_116 = vector.broadcast %jit3A_114 : i32 to vector<16xi32>
    %select_n3A_117 = arith.select %ge3A_112, %broadcast_in_dim3A_115, %broadcast_in_dim3A_116 : vector<16xi1>, vector<16xi32>
    %add3A_118 = arith.addi %add3A_110, %select_n3A_117 : vector<16xi32>
    %ge3A_119 = vector.broadcast %and3A_60 : i32 to vector<16xi32>
    %ge3A_120 = arith.cmpi sge, %mul3A_73, %ge3A_119 : vector<16xi32>
    %jit3A_121 = arith.constant 1 : i32
    %jit3A_122 = arith.constant 0 : i32
    %broadcast_in_dim3A_123 = vector.broadcast %jit3A_121 : i32 to vector<16xi32>
    %broadcast_in_dim3A_124 = vector.broadcast %jit3A_122 : i32 to vector<16xi32>
    %select_n3A_125 = arith.select %ge3A_120, %broadcast_in_dim3A_123, %broadcast_in_dim3A_124 : vector<16xi1>, vector<16xi32>
    %add3A_126 = arith.addi %add3A_118, %select_n3A_125 : vector<16xi32>
    %swap3A = arith.constant 0 : index
    %swap3A_127 = tpu.vector_load %arg17[%swap3A] {strides = array<i32>} : memref<32xi32, #tpu.memory_space<vmem>>, vector<16xi32>,
    tpu.vector_store %arg17[%swap3A], %add3A_126 {strides = array<i32>} : memref<32xi32, #tpu.memory_space<vmem>>, vector<16xi32>,
    %add3A_128 = arith.constant 16 : i32
    %add3A_129 = vector.broadcast %add3A_128 : i32 to vector<16xi32>
    %add3A_130 = arith.addi %add3A_129, %iota3A : vector<16xi32>
    %mul3A_131 = arith.constant 256 : i32
    %mul3A_132 = vector.broadcast %mul3A_131 : i32 to vector<16xi32>
    %mul3A_133 = arith.muli %add3A_130, %mul3A_132 : vector<16xi32>
    %ge3A_134 = vector.broadcast %and3A_18 : i32 to vector<16xi32>
    %ge3A_135 = arith.cmpi sge, %mul3A_133, %ge3A_134 : vector<16xi32>
    %jit3A_136 = arith.constant 1 : i32
    %jit3A_137 = arith.constant 0 : i32
    %broadcast_in_dim3A_138 = vector.broadcast %jit3A_136 : i32 to vector<16xi32>
    %broadcast_in_dim3A_139 = vector.broadcast %jit3A_137 : i32 to vector<16xi32>
    %select_n3A_140 = arith.select %ge3A_135, %broadcast_in_dim3A_138, %broadcast_in_dim3A_139 : vector<16xi1>, vector<16xi32>
    %add3A_141 = arith.addi %broadcast_in_dim3A_3, %select_n3A_140 : vector<16xi32>
    %ge3A_142 = vector.broadcast %and3A_25 : i32 to vector<16xi32>
    %ge3A_143 = arith.cmpi sge, %mul3A_133, %ge3A_142 : vector<16xi32>
    %jit3A_144 = arith.constant 1 : i32
    %jit3A_145 = arith.constant 0 : i32
    %broadcast_in_dim3A_146 = vector.broadcast %jit3A_144 : i32 to vector<16xi32>
    %broadcast_in_dim3A_147 = vector.broadcast %jit3A_145 : i32 to vector<16xi32>
    %select_n3A_148 = arith.select %ge3A_143, %broadcast_in_dim3A_146, %broadcast_in_dim3A_147 : vector<16xi1>, vector<16xi32>
    %add3A_149 = arith.addi %add3A_141, %select_n3A_148 : vector<16xi32>
    %ge3A_150 = vector.broadcast %and3A_32 : i32 to vector<16xi32>
    %ge3A_151 = arith.cmpi sge, %mul3A_133, %ge3A_150 : vector<16xi32>
    %jit3A_152 = arith.constant 1 : i32
    %jit3A_153 = arith.constant 0 : i32
    %broadcast_in_dim3A_154 = vector.broadcast %jit3A_152 : i32 to vector<16xi32>
    %broadcast_in_dim3A_155 = vector.broadcast %jit3A_153 : i32 to vector<16xi32>
    %select_n3A_156 = arith.select %ge3A_151, %broadcast_in_dim3A_154, %broadcast_in_dim3A_155 : vector<16xi1>, vector<16xi32>
    %add3A_157 = arith.addi %add3A_149, %select_n3A_156 : vector<16xi32>
    %ge3A_158 = vector.broadcast %and3A_39 : i32 to vector<16xi32>
    %ge3A_159 = arith.cmpi sge, %mul3A_133, %ge3A_158 : vector<16xi32>
    %jit3A_160 = arith.constant 1 : i32
    %jit3A_161 = arith.constant 0 : i32
    %broadcast_in_dim3A_162 = vector.broadcast %jit3A_160 : i32 to vector<16xi32>
    %broadcast_in_dim3A_163 = vector.broadcast %jit3A_161 : i32 to vector<16xi32>
    %select_n3A_164 = arith.select %ge3A_159, %broadcast_in_dim3A_162, %broadcast_in_dim3A_163 : vector<16xi1>, vector<16xi32>
    %add3A_165 = arith.addi %add3A_157, %select_n3A_164 : vector<16xi32>
    %ge3A_166 = vector.broadcast %and3A_46 : i32 to vector<16xi32>
    %ge3A_167 = arith.cmpi sge, %mul3A_133, %ge3A_166 : vector<16xi32>
    %jit3A_168 = arith.constant 1 : i32
    %jit3A_169 = arith.constant 0 : i32
    %broadcast_in_dim3A_170 = vector.broadcast %jit3A_168 : i32 to vector<16xi32>
    %broadcast_in_dim3A_171 = vector.broadcast %jit3A_169 : i32 to vector<16xi32>
    %select_n3A_172 = arith.select %ge3A_167, %broadcast_in_dim3A_170, %broadcast_in_dim3A_171 : vector<16xi1>, vector<16xi32>
    %add3A_173 = arith.addi %add3A_165, %select_n3A_172 : vector<16xi32>
    %ge3A_174 = vector.broadcast %and3A_53 : i32 to vector<16xi32>
    %ge3A_175 = arith.cmpi sge, %mul3A_133, %ge3A_174 : vector<16xi32>
    %jit3A_176 = arith.constant 1 : i32
    %jit3A_177 = arith.constant 0 : i32
    %broadcast_in_dim3A_178 = vector.broadcast %jit3A_176 : i32 to vector<16xi32>
    %broadcast_in_dim3A_179 = vector.broadcast %jit3A_177 : i32 to vector<16xi32>
    %select_n3A_180 = arith.select %ge3A_175, %broadcast_in_dim3A_178, %broadcast_in_dim3A_179 : vector<16xi1>, vector<16xi32>
    %add3A_181 = arith.addi %add3A_173, %select_n3A_180 : vector<16xi32>
    %ge3A_182 = vector.broadcast %and3A_60 : i32 to vector<16xi32>
    %ge3A_183 = arith.cmpi sge, %mul3A_133, %ge3A_182 : vector<16xi32>
    %jit3A_184 = arith.constant 1 : i32
    %jit3A_185 = arith.constant 0 : i32
    %broadcast_in_dim3A_186 = vector.broadcast %jit3A_184 : i32 to vector<16xi32>
    %broadcast_in_dim3A_187 = vector.broadcast %jit3A_185 : i32 to vector<16xi32>
    %select_n3A_188 = arith.select %ge3A_183, %broadcast_in_dim3A_186, %broadcast_in_dim3A_187 : vector<16xi1>, vector<16xi32>
    %add3A_189 = arith.addi %add3A_181, %select_n3A_188 : vector<16xi32>
    %eq3A = arith.constant 15 : i32
    %eq3A_190 = vector.broadcast %eq3A : i32 to vector<16xi32>
    %eq3A_191 = arith.cmpi eq, %iota3A, %eq3A_190 : vector<16xi32>
    %broadcast_in_dim3A_192 = vector.broadcast %and3A_67 : i32 to vector<16xi32>
    %select_n3A_193 = arith.select %eq3A_191, %broadcast_in_dim3A_192, %add3A_189 : vector<16xi1>, vector<16xi32>
    %swap3A_194 = arith.constant 16 : index
    %swap3A_195 = tpu.vector_load %arg17[%swap3A_194] {strides = array<i32>} : memref<32xi32, #tpu.memory_space<vmem>>, vector<16xi32>,
    tpu.vector_store %arg17[%swap3A_194], %select_n3A_193 {strides = array<i32>} : memref<32xi32, #tpu.memory_space<vmem>>, vector<16xi32>,
    %eq3A_196 = arith.constant 0 : i32
    %eq3A_197 = arith.cmpi eq, %add3A, %eq3A_196 : i32
    %convert_element_type3A = arith.extui %eq3A_197 : i1 to i32
    %cond3A = arith.constant 0 : i32
    %cond3A_198 = arith.cmpi ne, %convert_element_type3A, %cond3A : i32
    scf.if %cond3A_198 {
      "tpu.region"() ({
        %run_scoped3A = tpu.sem_alloc : memref<!tpu.dma_semaphore, #tpu.memory_space<semaphore_mem>>
        tpu.enqueue_dma source(%arg17 : memref<32xi32, #tpu.memory_space<vmem>>) target(%arg5 : memref<32xi32, #tpu.memory_space<hbm>>) target_semaphore(%run_scoped3A : memref<!tpu.dma_semaphore, #tpu.memory_space<semaphore_mem>>)
        tpu.wait_dma2 semaphore(%run_scoped3A : memref<!tpu.dma_semaphore, #tpu.memory_space<semaphore_mem>>) src(%arg17 : memref<32xi32, #tpu.memory_space<vmem>>) dst(%arg5 : memref<32xi32, #tpu.memory_space<hbm>>)
        tpu.yield
      }) : () -> ()
    } else {
    }
    %slice3A_199 = vector.extract_strided_slice %scan3A_12#1 {offsets = [0], sizes = [1], strides = [1]} : vector<16xi32> to vector<1xi32>
    %squeeze3A_200 = vector.extract %slice3A_199[0] : i32 from vector<1xi32>
    %add3A_201 = arith.constant 0 : i32
    %add3A_202 = arith.addi %add3A_201, %squeeze3A_200 : i32
    %add3A_203 = vector.broadcast %add3A_202 : i32 to vector<16xi32>
    %add3A_204 = arith.addi %add3A_203, %broadcast_in_dim3A_3 : vector<16xi32>
    %slice3A_205 = vector.extract_strided_slice %scan3A_12#1 {offsets = [1], sizes = [1], strides = [1]} : vector<16xi32> to vector<1xi32>
    %squeeze3A_206 = vector.extract %slice3A_205[0] : i32 from vector<1xi32>
    %add3A_207 = arith.addi %and3A_18, %squeeze3A_206 : i32
    %add3A_208 = vector.broadcast %add3A_207 : i32 to vector<16xi32>
    %add3A_209 = arith.addi %add3A_208, %broadcast_in_dim3A_3 : vector<16xi32>
    %slice3A_210 = vector.extract_strided_slice %scan3A_12#1 {offsets = [2], sizes = [1], strides = [1]} : vector<16xi32> to vector<1xi32>
    %squeeze3A_211 = vector.extract %slice3A_210[0] : i32 from vector<1xi32>
    %add3A_212 = arith.addi %and3A_25, %squeeze3A_211 : i32
    %add3A_213 = vector.broadcast %add3A_212 : i32 to vector<16xi32>
    %add3A_214 = arith.addi %add3A_213, %broadcast_in_dim3A_3 : vector<16xi32>
    %slice3A_215 = vector.extract_strided_slice %scan3A_12#1 {offsets = [3], sizes = [1], strides = [1]} : vector<16xi32> to vector<1xi32>
    %squeeze3A_216 = vector.extract %slice3A_215[0] : i32 from vector<1xi32>
    %add3A_217 = arith.addi %and3A_32, %squeeze3A_216 : i32
    %add3A_218 = vector.broadcast %add3A_217 : i32 to vector<16xi32>
    %add3A_219 = arith.addi %add3A_218, %broadcast_in_dim3A_3 : vector<16xi32>
    %slice3A_220 = vector.extract_strided_slice %scan3A_12#1 {offsets = [4], sizes = [1], strides = [1]} : vector<16xi32> to vector<1xi32>
    %squeeze3A_221 = vector.extract %slice3A_220[0] : i32 from vector<1xi32>
    %add3A_222 = arith.addi %and3A_39, %squeeze3A_221 : i32
    %add3A_223 = vector.broadcast %add3A_222 : i32 to vector<16xi32>
    %add3A_224 = arith.addi %add3A_223, %broadcast_in_dim3A_3 : vector<16xi32>
    %slice3A_225 = vector.extract_strided_slice %scan3A_12#1 {offsets = [5], sizes = [1], strides = [1]} : vector<16xi32> to vector<1xi32>
    %squeeze3A_226 = vector.extract %slice3A_225[0] : i32 from vector<1xi32>
    %add3A_227 = arith.addi %and3A_46, %squeeze3A_226 : i32
    %add3A_228 = vector.broadcast %add3A_227 : i32 to vector<16xi32>
    %add3A_229 = arith.addi %add3A_228, %broadcast_in_dim3A_3 : vector<16xi32>
    %slice3A_230 = vector.extract_strided_slice %scan3A_12#1 {offsets = [6], sizes = [1], strides = [1]} : vector<16xi32> to vector<1xi32>
    %squeeze3A_231 = vector.extract %slice3A_230[0] : i32 from vector<1xi32>
    %add3A_232 = arith.addi %and3A_53, %squeeze3A_231 : i32
    %add3A_233 = vector.broadcast %add3A_232 : i32 to vector<16xi32>
    %add3A_234 = arith.addi %add3A_233, %broadcast_in_dim3A_3 : vector<16xi32>
    %slice3A_235 = vector.extract_strided_slice %scan3A_12#1 {offsets = [7], sizes = [1], strides = [1]} : vector<16xi32> to vector<1xi32>
    %squeeze3A_236 = vector.extract %slice3A_235[0] : i32 from vector<1xi32>
    %add3A_237 = arith.addi %and3A_60, %squeeze3A_236 : i32
    %add3A_238 = vector.broadcast %add3A_237 : i32 to vector<16xi32>
    %add3A_239 = arith.addi %add3A_238, %broadcast_in_dim3A_3 : vector<16xi32>
    %add3A_240 = arith.constant 0 : i32
    %add3A_241 = arith.addi %mul3A_2, %add3A_240 : i32
    %mul3A_242 = arith.constant 16 : i32
    %mul3A_243 = arith.muli %add3A_241, %mul3A_242 : i32
    %add3A_244 = arith.constant 0 : i32
    %add3A_245 = arith.addi %add3A_244, %mul3A_243 : i32
    %get3A = arith.index_cast %add3A_245 : i32 to index
    %get3A_246 = tpu.vector_load %arg10[%get3A] {strides = array<i32>} : memref<16384xf32, #tpu.memory_space<vmem>>, vector<16xf32>,
    %add3A_247 = arith.constant 2048 : i32
    %add3A_248 = arith.addi %add3A_247, %mul3A_243 : i32
    %get3A_249 = arith.index_cast %add3A_248 : i32 to index
    %get3A_250 = tpu.vector_load %arg10[%get3A_249] {strides = array<i32>} : memref<16384xf32, #tpu.memory_space<vmem>>, vector<16xf32>,
    %add3A_251 = arith.constant 4096 : i32
    %add3A_252 = arith.addi %add3A_251, %mul3A_243 : i32
    %get3A_253 = arith.index_cast %add3A_252 : i32 to index
    %get3A_254 = tpu.vector_load %arg10[%get3A_253] {strides = array<i32>} : memref<16384xf32, #tpu.memory_space<vmem>>, vector<16xf32>,
    %add3A_255 = arith.constant 6144 : i32
    %add3A_256 = arith.addi %add3A_255, %mul3A_243 : i32
    %get3A_257 = arith.index_cast %add3A_256 : i32 to index
    %get3A_258 = tpu.vector_load %arg10[%get3A_257] {strides = array<i32>} : memref<16384xf32, #tpu.memory_space<vmem>>, vector<16xf32>,
    %add3A_259 = arith.constant 8192 : i32
    %add3A_260 = arith.addi %add3A_259, %mul3A_243 : i32
    %get3A_261 = arith.index_cast %add3A_260 : i32 to index
    %get3A_262 = tpu.vector_load %arg10[%get3A_261] {strides = array<i32>} : memref<16384xf32, #tpu.memory_space<vmem>>, vector<16xf32>,
    %add3A_263 = arith.constant 10240 : i32
    %add3A_264 = arith.addi %add3A_263, %mul3A_243 : i32
    %get3A_265 = arith.index_cast %add3A_264 : i32 to index
    %get3A_266 = tpu.vector_load %arg10[%get3A_265] {strides = array<i32>} : memref<16384xf32, #tpu.memory_space<vmem>>, vector<16xf32>,
    %add3A_267 = arith.constant 12288 : i32
    %add3A_268 = arith.addi %add3A_267, %mul3A_243 : i32
    %get3A_269 = arith.index_cast %add3A_268 : i32 to index
    %get3A_270 = tpu.vector_load %arg10[%get3A_269] {strides = array<i32>} : memref<16384xf32, #tpu.memory_space<vmem>>, vector<16xf32>,
    %add3A_271 = arith.constant 14336 : i32
    %add3A_272 = arith.addi %add3A_271, %mul3A_243 : i32
    %get3A_273 = arith.index_cast %add3A_272 : i32 to index
    %get3A_274 = tpu.vector_load %arg10[%get3A_273] {strides = array<i32>} : memref<16384xf32, #tpu.memory_space<vmem>>, vector<16xf32>,
    %get3A_275 = arith.index_cast %mul3A_243 : i32 to index
    %get3A_276 = tpu.vector_load %arg11[%get3A_275] {strides = array<i32>} : memref<2048xi32, #tpu.memory_space<vmem>>, vector<16xi32>,
    %get3A_277 = arith.index_cast %mul3A_243 : i32 to index
    %get3A_278 = tpu.vector_load %arg12[%get3A_277] {strides = array<i32>} : memref<2048xi32, #tpu.memory_space<vmem>>, vector<16xi32>,
    %broadcast_in_dim3A_279 = arith.constant -3.000000e+38 : f32
    %broadcast_in_dim3A_280 = vector.broadcast %broadcast_in_dim3A_279 : f32 to vector<16xf32>
    %broadcast_in_dim3A_281 = arith.constant -3.000000e+38 : f32
    %broadcast_in_dim3A_282 = vector.broadcast %broadcast_in_dim3A_281 : f32 to vector<16xf32>
    %eq3A_283 = arith.constant 0 : i32
    %eq3A_284 = vector.broadcast %eq3A_283 : i32 to vector<16xi32>
    %eq3A_285 = arith.cmpi eq, %get3A_276, %eq3A_284 : vector<16xi32>
    %select_n3A_286 = arith.select %eq3A_285, %get3A_246, %broadcast_in_dim3A_280 : vector<16xi1>, vector<16xf32>
    %eq3A_287 = arith.constant 0 : i32
    %eq3A_288 = vector.broadcast %eq3A_287 : i32 to vector<16xi32>
    %eq3A_289 = arith.cmpi eq, %get3A_278, %eq3A_288 : vector<16xi32>
    %select_n3A_290 = arith.select %eq3A_289, %get3A_246, %broadcast_in_dim3A_282 : vector<16xi1>, vector<16xf32>
    %eq3A_291 = arith.constant 1 : i32
    %eq3A_292 = vector.broadcast %eq3A_291 : i32 to vector<16xi32>
    %eq3A_293 = arith.cmpi eq, %get3A_276, %eq3A_292 : vector<16xi32>
    %select_n3A_294 = arith.select %eq3A_293, %get3A_250, %select_n3A_286 : vector<16xi1>, vector<16xf32>
    %eq3A_295 = arith.constant 1 : i32
    %eq3A_296 = vector.broadcast %eq3A_295 : i32 to vector<16xi32>
    %eq3A_297 = arith.cmpi eq, %get3A_278, %eq3A_296 : vector<16xi32>
    %select_n3A_298 = arith.select %eq3A_297, %get3A_250, %select_n3A_290 : vector<16xi1>, vector<16xf32>
    %eq3A_299 = arith.constant 2 : i32
    %eq3A_300 = vector.broadcast %eq3A_299 : i32 to vector<16xi32>
    %eq3A_301 = arith.cmpi eq, %get3A_276, %eq3A_300 : vector<16xi32>
    %select_n3A_302 = arith.select %eq3A_301, %get3A_254, %select_n3A_294 : vector<16xi1>, vector<16xf32>
    %eq3A_303 = arith.constant 2 : i32
    %eq3A_304 = vector.broadcast %eq3A_303 : i32 to vector<16xi32>
    %eq3A_305 = arith.cmpi eq, %get3A_278, %eq3A_304 : vector<16xi32>
    %select_n3A_306 = arith.select %eq3A_305, %get3A_254, %select_n3A_298 : vector<16xi1>, vector<16xf32>
    %eq3A_307 = arith.constant 3 : i32
    %eq3A_308 = vector.broadcast %eq3A_307 : i32 to vector<16xi32>
    %eq3A_309 = arith.cmpi eq, %get3A_276, %eq3A_308 : vector<16xi32>
    %select_n3A_310 = arith.select %eq3A_309, %get3A_258, %select_n3A_302 : vector<16xi1>, vector<16xf32>
    %eq3A_311 = arith.constant 3 : i32
    %eq3A_312 = vector.broadcast %eq3A_311 : i32 to vector<16xi32>
    %eq3A_313 = arith.cmpi eq, %get3A_278, %eq3A_312 : vector<16xi32>
    %select_n3A_314 = arith.select %eq3A_313, %get3A_258, %select_n3A_306 : vector<16xi1>, vector<16xf32>
    %eq3A_315 = arith.constant 4 : i32
    %eq3A_316 = vector.broadcast %eq3A_315 : i32 to vector<16xi32>
    %eq3A_317 = arith.cmpi eq, %get3A_276, %eq3A_316 : vector<16xi32>
    %select_n3A_318 = arith.select %eq3A_317, %get3A_262, %select_n3A_310 : vector<16xi1>, vector<16xf32>
    %eq3A_319 = arith.constant 4 : i32
    %eq3A_320 = vector.broadcast %eq3A_319 : i32 to vector<16xi32>
    %eq3A_321 = arith.cmpi eq, %get3A_278, %eq3A_320 : vector<16xi32>
    %select_n3A_322 = arith.select %eq3A_321, %get3A_262, %select_n3A_314 : vector<16xi1>, vector<16xf32>
    %eq3A_323 = arith.constant 5 : i32
    %eq3A_324 = vector.broadcast %eq3A_323 : i32 to vector<16xi32>
    %eq3A_325 = arith.cmpi eq, %get3A_276, %eq3A_324 : vector<16xi32>
    %select_n3A_326 = arith.select %eq3A_325, %get3A_266, %select_n3A_318 : vector<16xi1>, vector<16xf32>
    %eq3A_327 = arith.constant 5 : i32
    %eq3A_328 = vector.broadcast %eq3A_327 : i32 to vector<16xi32>
    %eq3A_329 = arith.cmpi eq, %get3A_278, %eq3A_328 : vector<16xi32>
    %select_n3A_330 = arith.select %eq3A_329, %get3A_266, %select_n3A_322 : vector<16xi1>, vector<16xf32>
    %eq3A_331 = arith.constant 6 : i32
    %eq3A_332 = vector.broadcast %eq3A_331 : i32 to vector<16xi32>
    %eq3A_333 = arith.cmpi eq, %get3A_276, %eq3A_332 : vector<16xi32>
    %select_n3A_334 = arith.select %eq3A_333, %get3A_270, %select_n3A_326 : vector<16xi1>, vector<16xf32>
    %eq3A_335 = arith.constant 6 : i32
    %eq3A_336 = vector.broadcast %eq3A_335 : i32 to vector<16xi32>
    %eq3A_337 = arith.cmpi eq, %get3A_278, %eq3A_336 : vector<16xi32>
    %select_n3A_338 = arith.select %eq3A_337, %get3A_270, %select_n3A_330 : vector<16xi1>, vector<16xf32>
    %eq3A_339 = arith.constant 7 : i32
    %eq3A_340 = vector.broadcast %eq3A_339 : i32 to vector<16xi32>
    %eq3A_341 = arith.cmpi eq, %get3A_276, %eq3A_340 : vector<16xi32>
    %select_n3A_342 = arith.select %eq3A_341, %get3A_274, %select_n3A_334 : vector<16xi1>, vector<16xf32>
    %eq3A_343 = arith.constant 7 : i32
    %eq3A_344 = vector.broadcast %eq3A_343 : i32 to vector<16xi32>
    %eq3A_345 = arith.cmpi eq, %get3A_278, %eq3A_344 : vector<16xi32>
    %select_n3A_346 = arith.select %eq3A_345, %get3A_274, %select_n3A_338 : vector<16xi1>, vector<16xf32>
    %sub3A = arith.subf %select_n3A_346, %select_n3A_342 : vector<16xf32>
    %exp3A = math.exp %sub3A : vector<16xf32>
    %add3A_347 = arith.constant 1.000000e+00 : f32
    %add3A_348 = vector.broadcast %add3A_347 : f32 to vector<16xf32>
    %add3A_349 = arith.addf %add3A_348, %exp3A : vector<16xf32>
    %div3A = arith.constant 1.000000e+00 : f32
    %div3A_350 = vector.broadcast %div3A : f32 to vector<16xf32>
    %div3A_351 = arith.divf %div3A_350, %add3A_349 : vector<16xf32>
    %swap3A_352 = arith.constant 0 : index
    %swap3A_353 = tpu.vector_load %arg15[%swap3A_352] {strides = array<i32>} : memref<64xf32, #tpu.memory_space<vmem>>, vector<16xf32>,
    tpu.vector_store %arg15[%swap3A_352], %div3A_351 {strides = array<i32>} : memref<64xf32, #tpu.memory_space<vmem>>, vector<16xf32>,
    %sub3A_354 = arith.constant 1.000000e+00 : f32
    %sub3A_355 = vector.broadcast %sub3A_354 : f32 to vector<16xf32>
    %sub3A_356 = arith.subf %sub3A_355, %div3A_351 : vector<16xf32>
    %swap3A_357 = arith.constant 0 : index
    %swap3A_358 = tpu.vector_load %arg16[%swap3A_357] {strides = array<i32>} : memref<64xf32, #tpu.memory_space<vmem>>, vector<16xf32>,
    tpu.vector_store %arg16[%swap3A_357], %sub3A_356 {strides = array<i32>} : memref<64xf32, #tpu.memory_space<vmem>>, vector<16xf32>,
    %eq3A_359 = arith.constant 0 : i32
    %eq3A_360 = vector.broadcast %eq3A_359 : i32 to vector<16xi32>
    %eq3A_361 = arith.cmpi eq, %get3A_276, %eq3A_360 : vector<16xi32>
    %convert_element_type3A_362 = arith.extui %eq3A_361 : vector<16xi1> to vector<16xi32>
    %broadcast_in_dim3A_363 = arith.constant true
    %broadcast_in_dim3A_364 = vector.broadcast %broadcast_in_dim3A_363 : i1 to vector<16xi1>
    %masked_cumsum3A = tpu.scan <sum>, %convert_element_type3A_362 masked %broadcast_in_dim3A_364 : vector<16xi32>, vector<16xi1> -> vector<16xi32>
    %add3A_365 = arith.addi %add3A_204, %masked_cumsum3A : vector<16xi32>
    %sub3A_366 = arith.constant 1 : i32
    %sub3A_367 = vector.broadcast %sub3A_366 : i32 to vector<16xi32>
    %sub3A_368 = arith.subi %add3A_365, %sub3A_367 : vector<16xi32>
    %select_n3A_369 = arith.select %eq3A_361, %sub3A_368, %broadcast_in_dim3A_3 : vector<16xi1>, vector<16xi32>
    %all_reduce_population_count3A = tpu.all_reduce %eq3A_361 {dim = 0 : i64, kind = #tpu.reduction_kind<sum>} : vector<16xi1> -> vector<16xi32>
    %add3A_370 = arith.addi %add3A_204, %all_reduce_population_count3A : vector<16xi32>
    %eq3A_371 = arith.constant 0 : i32
    %eq3A_372 = vector.broadcast %eq3A_371 : i32 to vector<16xi32>
    %eq3A_373 = arith.cmpi eq, %get3A_278, %eq3A_372 : vector<16xi32>
    %convert_element_type3A_374 = arith.extui %eq3A_373 : vector<16xi1> to vector<16xi32>
    %broadcast_in_dim3A_375 = arith.constant true
    %broadcast_in_dim3A_376 = vector.broadcast %broadcast_in_dim3A_375 : i1 to vector<16xi1>
    %masked_cumsum3A_377 = tpu.scan <sum>, %convert_element_type3A_374 masked %broadcast_in_dim3A_376 : vector<16xi32>, vector<16xi1> -> vector<16xi32>
    %add3A_378 = arith.addi %add3A_370, %masked_cumsum3A_377 : vector<16xi32>
    %sub3A_379 = arith.constant 1 : i32
    %sub3A_380 = vector.broadcast %sub3A_379 : i32 to vector<16xi32>
    %sub3A_381 = arith.subi %add3A_378, %sub3A_380 : vector<16xi32>
    %select_n3A_382 = arith.select %eq3A_373, %sub3A_381, %broadcast_in_dim3A_3 : vector<16xi1>, vector<16xi32>
    %all_reduce_population_count3A_383 = tpu.all_reduce %eq3A_373 {dim = 0 : i64, kind = #tpu.reduction_kind<sum>} : vector<16xi1> -> vector<16xi32>
    %add3A_384 = arith.addi %add3A_370, %all_reduce_population_count3A_383 : vector<16xi32>
    %eq3A_385 = arith.constant 1 : i32
    %eq3A_386 = vector.broadcast %eq3A_385 : i32 to vector<16xi32>
    %eq3A_387 = arith.cmpi eq, %get3A_276, %eq3A_386 : vector<16xi32>
    %convert_element_type3A_388 = arith.extui %eq3A_387 : vector<16xi1> to vector<16xi32>
    %broadcast_in_dim3A_389 = arith.constant true
    %broadcast_in_dim3A_390 = vector.broadcast %broadcast_in_dim3A_389 : i1 to vector<16xi1>
    %masked_cumsum3A_391 = tpu.scan <sum>, %convert_element_type3A_388 masked %broadcast_in_dim3A_390 : vector<16xi32>, vector<16xi1> -> vector<16xi32>
    %add3A_392 = arith.addi %add3A_209, %masked_cumsum3A_391 : vector<16xi32>
    %sub3A_393 = arith.constant 1 : i32
    %sub3A_394 = vector.broadcast %sub3A_393 : i32 to vector<16xi32>
    %sub3A_395 = arith.subi %add3A_392, %sub3A_394 : vector<16xi32>
    %select_n3A_396 = arith.select %eq3A_387, %sub3A_395, %select_n3A_369 : vector<16xi1>, vector<16xi32>
    %all_reduce_population_count3A_397 = tpu.all_reduce %eq3A_387 {dim = 0 : i64, kind = #tpu.reduction_kind<sum>} : vector<16xi1> -> vector<16xi32>
    %add3A_398 = arith.addi %add3A_209, %all_reduce_population_count3A_397 : vector<16xi32>
    %eq3A_399 = arith.constant 1 : i32
    %eq3A_400 = vector.broadcast %eq3A_399 : i32 to vector<16xi32>
    %eq3A_401 = arith.cmpi eq, %get3A_278, %eq3A_400 : vector<16xi32>
    %convert_element_type3A_402 = arith.extui %eq3A_401 : vector<16xi1> to vector<16xi32>
    %broadcast_in_dim3A_403 = arith.constant true
    %broadcast_in_dim3A_404 = vector.broadcast %broadcast_in_dim3A_403 : i1 to vector<16xi1>
    %masked_cumsum3A_405 = tpu.scan <sum>, %convert_element_type3A_402 masked %broadcast_in_dim3A_404 : vector<16xi32>, vector<16xi1> -> vector<16xi32>
    %add3A_406 = arith.addi %add3A_398, %masked_cumsum3A_405 : vector<16xi32>
    %sub3A_407 = arith.constant 1 : i32
    %sub3A_408 = vector.broadcast %sub3A_407 : i32 to vector<16xi32>
    %sub3A_409 = arith.subi %add3A_406, %sub3A_408 : vector<16xi32>
    %select_n3A_410 = arith.select %eq3A_401, %sub3A_409, %select_n3A_382 : vector<16xi1>, vector<16xi32>
    %all_reduce_population_count3A_411 = tpu.all_reduce %eq3A_401 {dim = 0 : i64, kind = #tpu.reduction_kind<sum>} : vector<16xi1> -> vector<16xi32>
    %add3A_412 = arith.addi %add3A_398, %all_reduce_population_count3A_411 : vector<16xi32>
    %eq3A_413 = arith.constant 2 : i32
    %eq3A_414 = vector.broadcast %eq3A_413 : i32 to vector<16xi32>
    %eq3A_415 = arith.cmpi eq, %get3A_276, %eq3A_414 : vector<16xi32>
    %convert_element_type3A_416 = arith.extui %eq3A_415 : vector<16xi1> to vector<16xi32>
    %broadcast_in_dim3A_417 = arith.constant true
    %broadcast_in_dim3A_418 = vector.broadcast %broadcast_in_dim3A_417 : i1 to vector<16xi1>
    %masked_cumsum3A_419 = tpu.scan <sum>, %convert_element_type3A_416 masked %broadcast_in_dim3A_418 : vector<16xi32>, vector<16xi1> -> vector<16xi32>
    %add3A_420 = arith.addi %add3A_214, %masked_cumsum3A_419 : vector<16xi32>
    %sub3A_421 = arith.constant 1 : i32
    %sub3A_422 = vector.broadcast %sub3A_421 : i32 to vector<16xi32>
    %sub3A_423 = arith.subi %add3A_420, %sub3A_422 : vector<16xi32>
    %select_n3A_424 = arith.select %eq3A_415, %sub3A_423, %select_n3A_396 : vector<16xi1>, vector<16xi32>
    %all_reduce_population_count3A_425 = tpu.all_reduce %eq3A_415 {dim = 0 : i64, kind = #tpu.reduction_kind<sum>} : vector<16xi1> -> vector<16xi32>
    %add3A_426 = arith.addi %add3A_214, %all_reduce_population_count3A_425 : vector<16xi32>
    %eq3A_427 = arith.constant 2 : i32
    %eq3A_428 = vector.broadcast %eq3A_427 : i32 to vector<16xi32>
    %eq3A_429 = arith.cmpi eq, %get3A_278, %eq3A_428 : vector<16xi32>
    %convert_element_type3A_430 = arith.extui %eq3A_429 : vector<16xi1> to vector<16xi32>
    %broadcast_in_dim3A_431 = arith.constant true
    %broadcast_in_dim3A_432 = vector.broadcast %broadcast_in_dim3A_431 : i1 to vector<16xi1>
    %masked_cumsum3A_433 = tpu.scan <sum>, %convert_element_type3A_430 masked %broadcast_in_dim3A_432 : vector<16xi32>, vector<16xi1> -> vector<16xi32>
    %add3A_434 = arith.addi %add3A_426, %masked_cumsum3A_433 : vector<16xi32>
    %sub3A_435 = arith.constant 1 : i32
    %sub3A_436 = vector.broadcast %sub3A_435 : i32 to vector<16xi32>
    %sub3A_437 = arith.subi %add3A_434, %sub3A_436 : vector<16xi32>
    %select_n3A_438 = arith.select %eq3A_429, %sub3A_437, %select_n3A_410 : vector<16xi1>, vector<16xi32>
    %all_reduce_population_count3A_439 = tpu.all_reduce %eq3A_429 {dim = 0 : i64, kind = #tpu.reduction_kind<sum>} : vector<16xi1> -> vector<16xi32>
    %add3A_440 = arith.addi %add3A_426, %all_reduce_population_count3A_439 : vector<16xi32>
    %eq3A_441 = arith.constant 3 : i32
    %eq3A_442 = vector.broadcast %eq3A_441 : i32 to vector<16xi32>
    %eq3A_443 = arith.cmpi eq, %get3A_276, %eq3A_442 : vector<16xi32>
    %convert_element_type3A_444 = arith.extui %eq3A_443 : vector<16xi1> to vector<16xi32>
    %broadcast_in_dim3A_445 = arith.constant true
    %broadcast_in_dim3A_446 = vector.broadcast %broadcast_in_dim3A_445 : i1 to vector<16xi1>
    %masked_cumsum3A_447 = tpu.scan <sum>, %convert_element_type3A_444 masked %broadcast_in_dim3A_446 : vector<16xi32>, vector<16xi1> -> vector<16xi32>
    %add3A_448 = arith.addi %add3A_219, %masked_cumsum3A_447 : vector<16xi32>
    %sub3A_449 = arith.constant 1 : i32
    %sub3A_450 = vector.broadcast %sub3A_449 : i32 to vector<16xi32>
    %sub3A_451 = arith.subi %add3A_448, %sub3A_450 : vector<16xi32>
    %select_n3A_452 = arith.select %eq3A_443, %sub3A_451, %select_n3A_424 : vector<16xi1>, vector<16xi32>
    %all_reduce_population_count3A_453 = tpu.all_reduce %eq3A_443 {dim = 0 : i64, kind = #tpu.reduction_kind<sum>} : vector<16xi1> -> vector<16xi32>
    %add3A_454 = arith.addi %add3A_219, %all_reduce_population_count3A_453 : vector<16xi32>
    %eq3A_455 = arith.constant 3 : i32
    %eq3A_456 = vector.broadcast %eq3A_455 : i32 to vector<16xi32>
    %eq3A_457 = arith.cmpi eq, %get3A_278, %eq3A_456 : vector<16xi32>
    %convert_element_type3A_458 = arith.extui %eq3A_457 : vector<16xi1> to vector<16xi32>
    %broadcast_in_dim3A_459 = arith.constant true
    %broadcast_in_dim3A_460 = vector.broadcast %broadcast_in_dim3A_459 : i1 to vector<16xi1>
    %masked_cumsum3A_461 = tpu.scan <sum>, %convert_element_type3A_458 masked %broadcast_in_dim3A_460 : vector<16xi32>, vector<16xi1> -> vector<16xi32>
    %add3A_462 = arith.addi %add3A_454, %masked_cumsum3A_461 : vector<16xi32>
    %sub3A_463 = arith.constant 1 : i32
    %sub3A_464 = vector.broadcast %sub3A_463 : i32 to vector<16xi32>
    %sub3A_465 = arith.subi %add3A_462, %sub3A_464 : vector<16xi32>
    %select_n3A_466 = arith.select %eq3A_457, %sub3A_465, %select_n3A_438 : vector<16xi1>, vector<16xi32>
    %all_reduce_population_count3A_467 = tpu.all_reduce %eq3A_457 {dim = 0 : i64, kind = #tpu.reduction_kind<sum>} : vector<16xi1> -> vector<16xi32>
    %add3A_468 = arith.addi %add3A_454, %all_reduce_population_count3A_467 : vector<16xi32>
    %eq3A_469 = arith.constant 4 : i32
    %eq3A_470 = vector.broadcast %eq3A_469 : i32 to vector<16xi32>
    %eq3A_471 = arith.cmpi eq, %get3A_276, %eq3A_470 : vector<16xi32>
    %convert_element_type3A_472 = arith.extui %eq3A_471 : vector<16xi1> to vector<16xi32>
    %broadcast_in_dim3A_473 = arith.constant true
    %broadcast_in_dim3A_474 = vector.broadcast %broadcast_in_dim3A_473 : i1 to vector<16xi1>
    %masked_cumsum3A_475 = tpu.scan <sum>, %convert_element_type3A_472 masked %broadcast_in_dim3A_474 : vector<16xi32>, vector<16xi1> -> vector<16xi32>
    %add3A_476 = arith.addi %add3A_224, %masked_cumsum3A_475 : vector<16xi32>
    %sub3A_477 = arith.constant 1 : i32
    %sub3A_478 = vector.broadcast %sub3A_477 : i32 to vector<16xi32>
    %sub3A_479 = arith.subi %add3A_476, %sub3A_478 : vector<16xi32>
    %select_n3A_480 = arith.select %eq3A_471, %sub3A_479, %select_n3A_452 : vector<16xi1>, vector<16xi32>
    %all_reduce_population_count3A_481 = tpu.all_reduce %eq3A_471 {dim = 0 : i64, kind = #tpu.reduction_kind<sum>} : vector<16xi1> -> vector<16xi32>
    %add3A_482 = arith.addi %add3A_224, %all_reduce_population_count3A_481 : vector<16xi32>
    %eq3A_483 = arith.constant 4 : i32
    %eq3A_484 = vector.broadcast %eq3A_483 : i32 to vector<16xi32>
    %eq3A_485 = arith.cmpi eq, %get3A_278, %eq3A_484 : vector<16xi32>
    %convert_element_type3A_486 = arith.extui %eq3A_485 : vector<16xi1> to vector<16xi32>
    %broadcast_in_dim3A_487 = arith.constant true
    %broadcast_in_dim3A_488 = vector.broadcast %broadcast_in_dim3A_487 : i1 to vector<16xi1>
    %masked_cumsum3A_489 = tpu.scan <sum>, %convert_element_type3A_486 masked %broadcast_in_dim3A_488 : vector<16xi32>, vector<16xi1> -> vector<16xi32>
    %add3A_490 = arith.addi %add3A_482, %masked_cumsum3A_489 : vector<16xi32>
    %sub3A_491 = arith.constant 1 : i32
    %sub3A_492 = vector.broadcast %sub3A_491 : i32 to vector<16xi32>
    %sub3A_493 = arith.subi %add3A_490, %sub3A_492 : vector<16xi32>
    %select_n3A_494 = arith.select %eq3A_485, %sub3A_493, %select_n3A_466 : vector<16xi1>, vector<16xi32>
    %all_reduce_population_count3A_495 = tpu.all_reduce %eq3A_485 {dim = 0 : i64, kind = #tpu.reduction_kind<sum>} : vector<16xi1> -> vector<16xi32>
    %add3A_496 = arith.addi %add3A_482, %all_reduce_population_count3A_495 : vector<16xi32>
    %eq3A_497 = arith.constant 5 : i32
    %eq3A_498 = vector.broadcast %eq3A_497 : i32 to vector<16xi32>
    %eq3A_499 = arith.cmpi eq, %get3A_276, %eq3A_498 : vector<16xi32>
    %convert_element_type3A_500 = arith.extui %eq3A_499 : vector<16xi1> to vector<16xi32>
    %broadcast_in_dim3A_501 = arith.constant true
    %broadcast_in_dim3A_502 = vector.broadcast %broadcast_in_dim3A_501 : i1 to vector<16xi1>
    %masked_cumsum3A_503 = tpu.scan <sum>, %convert_element_type3A_500 masked %broadcast_in_dim3A_502 : vector<16xi32>, vector<16xi1> -> vector<16xi32>
    %add3A_504 = arith.addi %add3A_229, %masked_cumsum3A_503 : vector<16xi32>
    %sub3A_505 = arith.constant 1 : i32
    %sub3A_506 = vector.broadcast %sub3A_505 : i32 to vector<16xi32>
    %sub3A_507 = arith.subi %add3A_504, %sub3A_506 : vector<16xi32>
    %select_n3A_508 = arith.select %eq3A_499, %sub3A_507, %select_n3A_480 : vector<16xi1>, vector<16xi32>
    %all_reduce_population_count3A_509 = tpu.all_reduce %eq3A_499 {dim = 0 : i64, kind = #tpu.reduction_kind<sum>} : vector<16xi1> -> vector<16xi32>
    %add3A_510 = arith.addi %add3A_229, %all_reduce_population_count3A_509 : vector<16xi32>
    %eq3A_511 = arith.constant 5 : i32
    %eq3A_512 = vector.broadcast %eq3A_511 : i32 to vector<16xi32>
    %eq3A_513 = arith.cmpi eq, %get3A_278, %eq3A_512 : vector<16xi32>
    %convert_element_type3A_514 = arith.extui %eq3A_513 : vector<16xi1> to vector<16xi32>
    %broadcast_in_dim3A_515 = arith.constant true
    %broadcast_in_dim3A_516 = vector.broadcast %broadcast_in_dim3A_515 : i1 to vector<16xi1>
    %masked_cumsum3A_517 = tpu.scan <sum>, %convert_element_type3A_514 masked %broadcast_in_dim3A_516 : vector<16xi32>, vector<16xi1> -> vector<16xi32>
    %add3A_518 = arith.addi %add3A_510, %masked_cumsum3A_517 : vector<16xi32>
    %sub3A_519 = arith.constant 1 : i32
    %sub3A_520 = vector.broadcast %sub3A_519 : i32 to vector<16xi32>
    %sub3A_521 = arith.subi %add3A_518, %sub3A_520 : vector<16xi32>
    %select_n3A_522 = arith.select %eq3A_513, %sub3A_521, %select_n3A_494 : vector<16xi1>, vector<16xi32>
    %all_reduce_population_count3A_523 = tpu.all_reduce %eq3A_513 {dim = 0 : i64, kind = #tpu.reduction_kind<sum>} : vector<16xi1> -> vector<16xi32>
    %add3A_524 = arith.addi %add3A_510, %all_reduce_population_count3A_523 : vector<16xi32>
    %eq3A_525 = arith.constant 6 : i32
    %eq3A_526 = vector.broadcast %eq3A_525 : i32 to vector<16xi32>
    %eq3A_527 = arith.cmpi eq, %get3A_276, %eq3A_526 : vector<16xi32>
    %convert_element_type3A_528 = arith.extui %eq3A_527 : vector<16xi1> to vector<16xi32>
    %broadcast_in_dim3A_529 = arith.constant true
    %broadcast_in_dim3A_530 = vector.broadcast %broadcast_in_dim3A_529 : i1 to vector<16xi1>
    %masked_cumsum3A_531 = tpu.scan <sum>, %convert_element_type3A_528 masked %broadcast_in_dim3A_530 : vector<16xi32>, vector<16xi1> -> vector<16xi32>
    %add3A_532 = arith.addi %add3A_234, %masked_cumsum3A_531 : vector<16xi32>
    %sub3A_533 = arith.constant 1 : i32
    %sub3A_534 = vector.broadcast %sub3A_533 : i32 to vector<16xi32>
    %sub3A_535 = arith.subi %add3A_532, %sub3A_534 : vector<16xi32>
    %select_n3A_536 = arith.select %eq3A_527, %sub3A_535, %select_n3A_508 : vector<16xi1>, vector<16xi32>
    %all_reduce_population_count3A_537 = tpu.all_reduce %eq3A_527 {dim = 0 : i64, kind = #tpu.reduction_kind<sum>} : vector<16xi1> -> vector<16xi32>
    %add3A_538 = arith.addi %add3A_234, %all_reduce_population_count3A_537 : vector<16xi32>
    %eq3A_539 = arith.constant 6 : i32
    %eq3A_540 = vector.broadcast %eq3A_539 : i32 to vector<16xi32>
    %eq3A_541 = arith.cmpi eq, %get3A_278, %eq3A_540 : vector<16xi32>
    %convert_element_type3A_542 = arith.extui %eq3A_541 : vector<16xi1> to vector<16xi32>
    %broadcast_in_dim3A_543 = arith.constant true
    %broadcast_in_dim3A_544 = vector.broadcast %broadcast_in_dim3A_543 : i1 to vector<16xi1>
    %masked_cumsum3A_545 = tpu.scan <sum>, %convert_element_type3A_542 masked %broadcast_in_dim3A_544 : vector<16xi32>, vector<16xi1> -> vector<16xi32>
    %add3A_546 = arith.addi %add3A_538, %masked_cumsum3A_545 : vector<16xi32>
    %sub3A_547 = arith.constant 1 : i32
    %sub3A_548 = vector.broadcast %sub3A_547 : i32 to vector<16xi32>
    %sub3A_549 = arith.subi %add3A_546, %sub3A_548 : vector<16xi32>
    %select_n3A_550 = arith.select %eq3A_541, %sub3A_549, %select_n3A_522 : vector<16xi1>, vector<16xi32>
    %all_reduce_population_count3A_551 = tpu.all_reduce %eq3A_541 {dim = 0 : i64, kind = #tpu.reduction_kind<sum>} : vector<16xi1> -> vector<16xi32>
    %add3A_552 = arith.addi %add3A_538, %all_reduce_population_count3A_551 : vector<16xi32>
    %eq3A_553 = arith.constant 7 : i32
    %eq3A_554 = vector.broadcast %eq3A_553 : i32 to vector<16xi32>
    %eq3A_555 = arith.cmpi eq, %get3A_276, %eq3A_554 : vector<16xi32>
    %convert_element_type3A_556 = arith.extui %eq3A_555 : vector<16xi1> to vector<16xi32>
    %broadcast_in_dim3A_557 = arith.constant true
    %broadcast_in_dim3A_558 = vector.broadcast %broadcast_in_dim3A_557 : i1 to vector<16xi1>
    %masked_cumsum3A_559 = tpu.scan <sum>, %convert_element_type3A_556 masked %broadcast_in_dim3A_558 : vector<16xi32>, vector<16xi1> -> vector<16xi32>
    %add3A_560 = arith.addi %add3A_239, %masked_cumsum3A_559 : vector<16xi32>
    %sub3A_561 = arith.constant 1 : i32
    %sub3A_562 = vector.broadcast %sub3A_561 : i32 to vector<16xi32>
    %sub3A_563 = arith.subi %add3A_560, %sub3A_562 : vector<16xi32>
    %select_n3A_564 = arith.select %eq3A_555, %sub3A_563, %select_n3A_536 : vector<16xi1>, vector<16xi32>
    %all_reduce_population_count3A_565 = tpu.all_reduce %eq3A_555 {dim = 0 : i64, kind = #tpu.reduction_kind<sum>} : vector<16xi1> -> vector<16xi32>
    %add3A_566 = arith.addi %add3A_239, %all_reduce_population_count3A_565 : vector<16xi32>
    %eq3A_567 = arith.constant 7 : i32
    %eq3A_568 = vector.broadcast %eq3A_567 : i32 to vector<16xi32>
    %eq3A_569 = arith.cmpi eq, %get3A_278, %eq3A_568 : vector<16xi32>
    %convert_element_type3A_570 = arith.extui %eq3A_569 : vector<16xi1> to vector<16xi32>
    %broadcast_in_dim3A_571 = arith.constant true
    %broadcast_in_dim3A_572 = vector.broadcast %broadcast_in_dim3A_571 : i1 to vector<16xi1>
    %masked_cumsum3A_573 = tpu.scan <sum>, %convert_element_type3A_570 masked %broadcast_in_dim3A_572 : vector<16xi32>, vector<16xi1> -> vector<16xi32>
    %add3A_574 = arith.addi %add3A_566, %masked_cumsum3A_573 : vector<16xi32>
    %sub3A_575 = arith.constant 1 : i32
    %sub3A_576 = vector.broadcast %sub3A_575 : i32 to vector<16xi32>
    %sub3A_577 = arith.subi %add3A_574, %sub3A_576 : vector<16xi32>
    %select_n3A_578 = arith.select %eq3A_569, %sub3A_577, %select_n3A_550 : vector<16xi1>, vector<16xi32>
    %all_reduce_population_count3A_579 = tpu.all_reduce %eq3A_569 {dim = 0 : i64, kind = #tpu.reduction_kind<sum>} : vector<16xi1> -> vector<16xi32>
    %add3A_580 = arith.addi %add3A_566, %all_reduce_population_count3A_579 : vector<16xi32>
    %swap3A_581 = arith.constant 0 : index
    %swap3A_582 = tpu.vector_load %arg13[%swap3A_581] {strides = array<i32>} : memref<64xi32, #tpu.memory_space<vmem>>, vector<16xi32>,
    tpu.vector_store %arg13[%swap3A_581], %select_n3A_564 {strides = array<i32>} : memref<64xi32, #tpu.memory_space<vmem>>, vector<16xi32>,
    %swap3A_583 = arith.constant 0 : index
    %swap3A_584 = tpu.vector_load %arg14[%swap3A_583] {strides = array<i32>} : memref<64xi32, #tpu.memory_space<vmem>>, vector<16xi32>,
    tpu.vector_store %arg14[%swap3A_583], %select_n3A_578 {strides = array<i32>} : memref<64xi32, #tpu.memory_space<vmem>>, vector<16xi32>,
    %add3A_585 = arith.constant 1 : i32
    %add3A_586 = arith.addi %mul3A_2, %add3A_585 : i32
    %mul3A_587 = arith.constant 16 : i32
    %mul3A_588 = arith.muli %add3A_586, %mul3A_587 : i32
    %add3A_589 = arith.constant 0 : i32
    %add3A_590 = arith.addi %add3A_589, %mul3A_588 : i32
    %get3A_591 = arith.index_cast %add3A_590 : i32 to index
    %get3A_592 = tpu.vector_load %arg10[%get3A_591] {strides = array<i32>} : memref<16384xf32, #tpu.memory_space<vmem>>, vector<16xf32>,
    %add3A_593 = arith.constant 2048 : i32
    %add3A_594 = arith.addi %add3A_593, %mul3A_588 : i32
    %get3A_595 = arith.index_cast %add3A_594 : i32 to index
    %get3A_596 = tpu.vector_load %arg10[%get3A_595] {strides = array<i32>} : memref<16384xf32, #tpu.memory_space<vmem>>, vector<16xf32>,
    %add3A_597 = arith.constant 4096 : i32
    %add3A_598 = arith.addi %add3A_597, %mul3A_588 : i32
    %get3A_599 = arith.index_cast %add3A_598 : i32 to index
    %get3A_600 = tpu.vector_load %arg10[%get3A_599] {strides = array<i32>} : memref<16384xf32, #tpu.memory_space<vmem>>, vector<16xf32>,
    %add3A_601 = arith.constant 6144 : i32
    %add3A_602 = arith.addi %add3A_601, %mul3A_588 : i32
    %get3A_603 = arith.index_cast %add3A_602 : i32 to index
    %get3A_604 = tpu.vector_load %arg10[%get3A_603] {strides = array<i32>} : memref<16384xf32, #tpu.memory_space<vmem>>, vector<16xf32>,
    %add3A_605 = arith.constant 8192 : i32
    %add3A_606 = arith.addi %add3A_605, %mul3A_588 : i32
    %get3A_607 = arith.index_cast %add3A_606 : i32 to index
    %get3A_608 = tpu.vector_load %arg10[%get3A_607] {strides = array<i32>} : memref<16384xf32, #tpu.memory_space<vmem>>, vector<16xf32>,
    %add3A_609 = arith.constant 10240 : i32
    %add3A_610 = arith.addi %add3A_609, %mul3A_588 : i32
    %get3A_611 = arith.index_cast %add3A_610 : i32 to index
    %get3A_612 = tpu.vector_load %arg10[%get3A_611] {strides = array<i32>} : memref<16384xf32, #tpu.memory_space<vmem>>, vector<16xf32>,
    %add3A_613 = arith.constant 12288 : i32
    %add3A_614 = arith.addi %add3A_613, %mul3A_588 : i32
    %get3A_615 = arith.index_cast %add3A_614 : i32 to index
    %get3A_616 = tpu.vector_load %arg10[%get3A_615] {strides = array<i32>} : memref<16384xf32, #tpu.memory_space<vmem>>, vector<16xf32>,
    %add3A_617 = arith.constant 14336 : i32
    %add3A_618 = arith.addi %add3A_617, %mul3A_588 : i32
    %get3A_619 = arith.index_cast %add3A_618 : i32 to index
    %get3A_620 = tpu.vector_load %arg10[%get3A_619] {strides = array<i32>} : memref<16384xf32, #tpu.memory_space<vmem>>, vector<16xf32>,
    %get3A_621 = arith.index_cast %mul3A_588 : i32 to index
    %get3A_622 = tpu.vector_load %arg11[%get3A_621] {strides = array<i32>} : memref<2048xi32, #tpu.memory_space<vmem>>, vector<16xi32>,
    %get3A_623 = arith.index_cast %mul3A_588 : i32 to index
    %get3A_624 = tpu.vector_load %arg12[%get3A_623] {strides = array<i32>} : memref<2048xi32, #tpu.memory_space<vmem>>, vector<16xi32>,
    %broadcast_in_dim3A_625 = arith.constant -3.000000e+38 : f32
    %broadcast_in_dim3A_626 = vector.broadcast %broadcast_in_dim3A_625 : f32 to vector<16xf32>
    %broadcast_in_dim3A_627 = arith.constant -3.000000e+38 : f32
    %broadcast_in_dim3A_628 = vector.broadcast %broadcast_in_dim3A_627 : f32 to vector<16xf32>
    %eq3A_629 = arith.constant 0 : i32
    %eq3A_630 = vector.broadcast %eq3A_629 : i32 to vector<16xi32>
    %eq3A_631 = arith.cmpi eq, %get3A_622, %eq3A_630 : vector<16xi32>
    %select_n3A_632 = arith.select %eq3A_631, %get3A_592, %broadcast_in_dim3A_626 : vector<16xi1>, vector<16xf32>
    %eq3A_633 = arith.constant 0 : i32
    %eq3A_634 = vector.broadcast %eq3A_633 : i32 to vector<16xi32>
    %eq3A_635 = arith.cmpi eq, %get3A_624, %eq3A_634 : vector<16xi32>
    %select_n3A_636 = arith.select %eq3A_635, %get3A_592, %broadcast_in_dim3A_628 : vector<16xi1>, vector<16xf32>
    %eq3A_637 = arith.constant 1 : i32
    %eq3A_638 = vector.broadcast %eq3A_637 : i32 to vector<16xi32>
    %eq3A_639 = arith.cmpi eq, %get3A_622, %eq3A_638 : vector<16xi32>
    %select_n3A_640 = arith.select %eq3A_639, %get3A_596, %select_n3A_632 : vector<16xi1>, vector<16xf32>
    %eq3A_641 = arith.constant 1 : i32
    %eq3A_642 = vector.broadcast %eq3A_641 : i32 to vector<16xi32>
    %eq3A_643 = arith.cmpi eq, %get3A_624, %eq3A_642 : vector<16xi32>
    %select_n3A_644 = arith.select %eq3A_643, %get3A_596, %select_n3A_636 : vector<16xi1>, vector<16xf32>
    %eq3A_645 = arith.constant 2 : i32
    %eq3A_646 = vector.broadcast %eq3A_645 : i32 to vector<16xi32>
    %eq3A_647 = arith.cmpi eq, %get3A_622, %eq3A_646 : vector<16xi32>
    %select_n3A_648 = arith.select %eq3A_647, %get3A_600, %select_n3A_640 : vector<16xi1>, vector<16xf32>
    %eq3A_649 = arith.constant 2 : i32
    %eq3A_650 = vector.broadcast %eq3A_649 : i32 to vector<16xi32>
    %eq3A_651 = arith.cmpi eq, %get3A_624, %eq3A_650 : vector<16xi32>
    %select_n3A_652 = arith.select %eq3A_651, %get3A_600, %select_n3A_644 : vector<16xi1>, vector<16xf32>
    %eq3A_653 = arith.constant 3 : i32
    %eq3A_654 = vector.broadcast %eq3A_653 : i32 to vector<16xi32>
    %eq3A_655 = arith.cmpi eq, %get3A_622, %eq3A_654 : vector<16xi32>
    %select_n3A_656 = arith.select %eq3A_655, %get3A_604, %select_n3A_648 : vector<16xi1>, vector<16xf32>
    %eq3A_657 = arith.constant 3 : i32
    %eq3A_658 = vector.broadcast %eq3A_657 : i32 to vector<16xi32>
    %eq3A_659 = arith.cmpi eq, %get3A_624, %eq3A_658 : vector<16xi32>
    %select_n3A_660 = arith.select %eq3A_659, %get3A_604, %select_n3A_652 : vector<16xi1>, vector<16xf32>
    %eq3A_661 = arith.constant 4 : i32
    %eq3A_662 = vector.broadcast %eq3A_661 : i32 to vector<16xi32>
    %eq3A_663 = arith.cmpi eq, %get3A_622, %eq3A_662 : vector<16xi32>
    %select_n3A_664 = arith.select %eq3A_663, %get3A_608, %select_n3A_656 : vector<16xi1>, vector<16xf32>
    %eq3A_665 = arith.constant 4 : i32
    %eq3A_666 = vector.broadcast %eq3A_665 : i32 to vector<16xi32>
    %eq3A_667 = arith.cmpi eq, %get3A_624, %eq3A_666 : vector<16xi32>
    %select_n3A_668 = arith.select %eq3A_667, %get3A_608, %select_n3A_660 : vector<16xi1>, vector<16xf32>
    %eq3A_669 = arith.constant 5 : i32
    %eq3A_670 = vector.broadcast %eq3A_669 : i32 to vector<16xi32>
    %eq3A_671 = arith.cmpi eq, %get3A_622, %eq3A_670 : vector<16xi32>
    %select_n3A_672 = arith.select %eq3A_671, %get3A_612, %select_n3A_664 : vector<16xi1>, vector<16xf32>
    %eq3A_673 = arith.constant 5 : i32
    %eq3A_674 = vector.broadcast %eq3A_673 : i32 to vector<16xi32>
    %eq3A_675 = arith.cmpi eq, %get3A_624, %eq3A_674 : vector<16xi32>
    %select_n3A_676 = arith.select %eq3A_675, %get3A_612, %select_n3A_668 : vector<16xi1>, vector<16xf32>
    %eq3A_677 = arith.constant 6 : i32
    %eq3A_678 = vector.broadcast %eq3A_677 : i32 to vector<16xi32>
    %eq3A_679 = arith.cmpi eq, %get3A_622, %eq3A_678 : vector<16xi32>
    %select_n3A_680 = arith.select %eq3A_679, %get3A_616, %select_n3A_672 : vector<16xi1>, vector<16xf32>
    %eq3A_681 = arith.constant 6 : i32
    %eq3A_682 = vector.broadcast %eq3A_681 : i32 to vector<16xi32>
    %eq3A_683 = arith.cmpi eq, %get3A_624, %eq3A_682 : vector<16xi32>
    %select_n3A_684 = arith.select %eq3A_683, %get3A_616, %select_n3A_676 : vector<16xi1>, vector<16xf32>
    %eq3A_685 = arith.constant 7 : i32
    %eq3A_686 = vector.broadcast %eq3A_685 : i32 to vector<16xi32>
    %eq3A_687 = arith.cmpi eq, %get3A_622, %eq3A_686 : vector<16xi32>
    %select_n3A_688 = arith.select %eq3A_687, %get3A_620, %select_n3A_680 : vector<16xi1>, vector<16xf32>
    %eq3A_689 = arith.constant 7 : i32
    %eq3A_690 = vector.broadcast %eq3A_689 : i32 to vector<16xi32>
    %eq3A_691 = arith.cmpi eq, %get3A_624, %eq3A_690 : vector<16xi32>
    %select_n3A_692 = arith.select %eq3A_691, %get3A_620, %select_n3A_684 : vector<16xi1>, vector<16xf32>
    %sub3A_693 = arith.subf %select_n3A_692, %select_n3A_688 : vector<16xf32>
    %exp3A_694 = math.exp %sub3A_693 : vector<16xf32>
    %add3A_695 = arith.constant 1.000000e+00 : f32
    %add3A_696 = vector.broadcast %add3A_695 : f32 to vector<16xf32>
    %add3A_697 = arith.addf %add3A_696, %exp3A_694 : vector<16xf32>
    %div3A_698 = arith.constant 1.000000e+00 : f32
    %div3A_699 = vector.broadcast %div3A_698 : f32 to vector<16xf32>
    %div3A_700 = arith.divf %div3A_699, %add3A_697 : vector<16xf32>
    %swap3A_701 = arith.constant 16 : index
    %swap3A_702 = tpu.vector_load %arg15[%swap3A_701] {strides = array<i32>} : memref<64xf32, #tpu.memory_space<vmem>>, vector<16xf32>,
    tpu.vector_store %arg15[%swap3A_701], %div3A_700 {strides = array<i32>} : memref<64xf32, #tpu.memory_space<vmem>>, vector<16xf32>,
    %sub3A_703 = arith.constant 1.000000e+00 : f32
    %sub3A_704 = vector.broadcast %sub3A_703 : f32 to vector<16xf32>
    %sub3A_705 = arith.subf %sub3A_704, %div3A_700 : vector<16xf32>
    %swap3A_706 = arith.constant 16 : index
    %swap3A_707 = tpu.vector_load %arg16[%swap3A_706] {strides = array<i32>} : memref<64xf32, #tpu.memory_space<vmem>>, vector<16xf32>,
    tpu.vector_store %arg16[%swap3A_706], %sub3A_705 {strides = array<i32>} : memref<64xf32, #tpu.memory_space<vmem>>, vector<16xf32>,
    %eq3A_708 = arith.constant 0 : i32
    %eq3A_709 = vector.broadcast %eq3A_708 : i32 to vector<16xi32>
    %eq3A_710 = arith.cmpi eq, %get3A_622, %eq3A_709 : vector<16xi32>
    %convert_element_type3A_711 = arith.extui %eq3A_710 : vector<16xi1> to vector<16xi32>
    %broadcast_in_dim3A_712 = arith.constant true
    %broadcast_in_dim3A_713 = vector.broadcast %broadcast_in_dim3A_712 : i1 to vector<16xi1>
    %masked_cumsum3A_714 = tpu.scan <sum>, %convert_element_type3A_711 masked %broadcast_in_dim3A_713 : vector<16xi32>, vector<16xi1> -> vector<16xi32>
    %add3A_715 = arith.addi %add3A_384, %masked_cumsum3A_714 : vector<16xi32>
    %sub3A_716 = arith.constant 1 : i32
    %sub3A_717 = vector.broadcast %sub3A_716 : i32 to vector<16xi32>
    %sub3A_718 = arith.subi %add3A_715, %sub3A_717 : vector<16xi32>
    %select_n3A_719 = arith.select %eq3A_710, %sub3A_718, %broadcast_in_dim3A_3 : vector<16xi1>, vector<16xi32>
    %all_reduce_population_count3A_720 = tpu.all_reduce %eq3A_710 {dim = 0 : i64, kind = #tpu.reduction_kind<sum>} : vector<16xi1> -> vector<16xi32>
    %add3A_721 = arith.addi %add3A_384, %all_reduce_population_count3A_720 : vector<16xi32>
    %eq3A_722 = arith.constant 0 : i32
    %eq3A_723 = vector.broadcast %eq3A_722 : i32 to vector<16xi32>
    %eq3A_724 = arith.cmpi eq, %get3A_624, %eq3A_723 : vector<16xi32>
    %convert_element_type3A_725 = arith.extui %eq3A_724 : vector<16xi1> to vector<16xi32>
    %broadcast_in_dim3A_726 = arith.constant true
    %broadcast_in_dim3A_727 = vector.broadcast %broadcast_in_dim3A_726 : i1 to vector<16xi1>
    %masked_cumsum3A_728 = tpu.scan <sum>, %convert_element_type3A_725 masked %broadcast_in_dim3A_727 : vector<16xi32>, vector<16xi1> -> vector<16xi32>
    %add3A_729 = arith.addi %add3A_721, %masked_cumsum3A_728 : vector<16xi32>
    %sub3A_730 = arith.constant 1 : i32
    %sub3A_731 = vector.broadcast %sub3A_730 : i32 to vector<16xi32>
    %sub3A_732 = arith.subi %add3A_729, %sub3A_731 : vector<16xi32>
    %select_n3A_733 = arith.select %eq3A_724, %sub3A_732, %broadcast_in_dim3A_3 : vector<16xi1>, vector<16xi32>
    %all_reduce_population_count3A_734 = tpu.all_reduce %eq3A_724 {dim = 0 : i64, kind = #tpu.reduction_kind<sum>} : vector<16xi1> -> vector<16xi32>
    %add3A_735 = arith.addi %add3A_721, %all_reduce_population_count3A_734 : vector<16xi32>
    %eq3A_736 = arith.constant 1 : i32
    %eq3A_737 = vector.broadcast %eq3A_736 : i32 to vector<16xi32>
    %eq3A_738 = arith.cmpi eq, %get3A_622, %eq3A_737 : vector<16xi32>
    %convert_element_type3A_739 = arith.extui %eq3A_738 : vector<16xi1> to vector<16xi32>
    %broadcast_in_dim3A_740 = arith.constant true
    %broadcast_in_dim3A_741 = vector.broadcast %broadcast_in_dim3A_740 : i1 to vector<16xi1>
    %masked_cumsum3A_742 = tpu.scan <sum>, %convert_element_type3A_739 masked %broadcast_in_dim3A_741 : vector<16xi32>, vector<16xi1> -> vector<16xi32>
    %add3A_743 = arith.addi %add3A_412, %masked_cumsum3A_742 : vector<16xi32>
    %sub3A_744 = arith.constant 1 : i32
    %sub3A_745 = vector.broadcast %sub3A_744 : i32 to vector<16xi32>
    %sub3A_746 = arith.subi %add3A_743, %sub3A_745 : vector<16xi32>
    %select_n3A_747 = arith.select %eq3A_738, %sub3A_746, %select_n3A_719 : vector<16xi1>, vector<16xi32>
    %all_reduce_population_count3A_748 = tpu.all_reduce %eq3A_738 {dim = 0 : i64, kind = #tpu.reduction_kind<sum>} : vector<16xi1> -> vector<16xi32>
    %add3A_749 = arith.addi %add3A_412, %all_reduce_population_count3A_748 : vector<16xi32>
    %eq3A_750 = arith.constant 1 : i32
    %eq3A_751 = vector.broadcast %eq3A_750 : i32 to vector<16xi32>
    %eq3A_752 = arith.cmpi eq, %get3A_624, %eq3A_751 : vector<16xi32>
    %convert_element_type3A_753 = arith.extui %eq3A_752 : vector<16xi1> to vector<16xi32>
    %broadcast_in_dim3A_754 = arith.constant true
    %broadcast_in_dim3A_755 = vector.broadcast %broadcast_in_dim3A_754 : i1 to vector<16xi1>
    %masked_cumsum3A_756 = tpu.scan <sum>, %convert_element_type3A_753 masked %broadcast_in_dim3A_755 : vector<16xi32>, vector<16xi1> -> vector<16xi32>
    %add3A_757 = arith.addi %add3A_749, %masked_cumsum3A_756 : vector<16xi32>
    %sub3A_758 = arith.constant 1 : i32
    %sub3A_759 = vector.broadcast %sub3A_758 : i32 to vector<16xi32>
    %sub3A_760 = arith.subi %add3A_757, %sub3A_759 : vector<16xi32>
    %select_n3A_761 = arith.select %eq3A_752, %sub3A_760, %select_n3A_733 : vector<16xi1>, vector<16xi32>
    %all_reduce_population_count3A_762 = tpu.all_reduce %eq3A_752 {dim = 0 : i64, kind = #tpu.reduction_kind<sum>} : vector<16xi1> -> vector<16xi32>
    %add3A_763 = arith.addi %add3A_749, %all_reduce_population_count3A_762 : vector<16xi32>
    %eq3A_764 = arith.constant 2 : i32
    %eq3A_765 = vector.broadcast %eq3A_764 : i32 to vector<16xi32>
    %eq3A_766 = arith.cmpi eq, %get3A_622, %eq3A_765 : vector<16xi32>
    %convert_element_type3A_767 = arith.extui %eq3A_766 : vector<16xi1> to vector<16xi32>
    %broadcast_in_dim3A_768 = arith.constant true
    %broadcast_in_dim3A_769 = vector.broadcast %broadcast_in_dim3A_768 : i1 to vector<16xi1>
    %masked_cumsum3A_770 = tpu.scan <sum>, %convert_element_type3A_767 masked %broadcast_in_dim3A_769 : vector<16xi32>, vector<16xi1> -> vector<16xi32>
    %add3A_771 = arith.addi %add3A_440, %masked_cumsum3A_770 : vector<16xi32>
    %sub3A_772 = arith.constant 1 : i32
    %sub3A_773 = vector.broadcast %sub3A_772 : i32 to vector<16xi32>
    %sub3A_774 = arith.subi %add3A_771, %sub3A_773 : vector<16xi32>
    %select_n3A_775 = arith.select %eq3A_766, %sub3A_774, %select_n3A_747 : vector<16xi1>, vector<16xi32>
    %all_reduce_population_count3A_776 = tpu.all_reduce %eq3A_766 {dim = 0 : i64, kind = #tpu.reduction_kind<sum>} : vector<16xi1> -> vector<16xi32>
    %add3A_777 = arith.addi %add3A_440, %all_reduce_population_count3A_776 : vector<16xi32>
    %eq3A_778 = arith.constant 2 : i32
    %eq3A_779 = vector.broadcast %eq3A_778 : i32 to vector<16xi32>
    %eq3A_780 = arith.cmpi eq, %get3A_624, %eq3A_779 : vector<16xi32>
    %convert_element_type3A_781 = arith.extui %eq3A_780 : vector<16xi1> to vector<16xi32>
    %broadcast_in_dim3A_782 = arith.constant true
    %broadcast_in_dim3A_783 = vector.broadcast %broadcast_in_dim3A_782 : i1 to vector<16xi1>
    %masked_cumsum3A_784 = tpu.scan <sum>, %convert_element_type3A_781 masked %broadcast_in_dim3A_783 : vector<16xi32>, vector<16xi1> -> vector<16xi32>
    %add3A_785 = arith.addi %add3A_777, %masked_cumsum3A_784 : vector<16xi32>
    %sub3A_786 = arith.constant 1 : i32
    %sub3A_787 = vector.broadcast %sub3A_786 : i32 to vector<16xi32>
    %sub3A_788 = arith.subi %add3A_785, %sub3A_787 : vector<16xi32>
    %select_n3A_789 = arith.select %eq3A_780, %sub3A_788, %select_n3A_761 : vector<16xi1>, vector<16xi32>
    %all_reduce_population_count3A_790 = tpu.all_reduce %eq3A_780 {dim = 0 : i64, kind = #tpu.reduction_kind<sum>} : vector<16xi1> -> vector<16xi32>
    %add3A_791 = arith.addi %add3A_777, %all_reduce_population_count3A_790 : vector<16xi32>
    %eq3A_792 = arith.constant 3 : i32
    %eq3A_793 = vector.broadcast %eq3A_792 : i32 to vector<16xi32>
    %eq3A_794 = arith.cmpi eq, %get3A_622, %eq3A_793 : vector<16xi32>
    %convert_element_type3A_795 = arith.extui %eq3A_794 : vector<16xi1> to vector<16xi32>
    %broadcast_in_dim3A_796 = arith.constant true
    %broadcast_in_dim3A_797 = vector.broadcast %broadcast_in_dim3A_796 : i1 to vector<16xi1>
    %masked_cumsum3A_798 = tpu.scan <sum>, %convert_element_type3A_795 masked %broadcast_in_dim3A_797 : vector<16xi32>, vector<16xi1> -> vector<16xi32>
    %add3A_799 = arith.addi %add3A_468, %masked_cumsum3A_798 : vector<16xi32>
    %sub3A_800 = arith.constant 1 : i32
    %sub3A_801 = vector.broadcast %sub3A_800 : i32 to vector<16xi32>
    %sub3A_802 = arith.subi %add3A_799, %sub3A_801 : vector<16xi32>
    %select_n3A_803 = arith.select %eq3A_794, %sub3A_802, %select_n3A_775 : vector<16xi1>, vector<16xi32>
    %all_reduce_population_count3A_804 = tpu.all_reduce %eq3A_794 {dim = 0 : i64, kind = #tpu.reduction_kind<sum>} : vector<16xi1> -> vector<16xi32>
    %add3A_805 = arith.addi %add3A_468, %all_reduce_population_count3A_804 : vector<16xi32>
    %eq3A_806 = arith.constant 3 : i32
    %eq3A_807 = vector.broadcast %eq3A_806 : i32 to vector<16xi32>
    %eq3A_808 = arith.cmpi eq, %get3A_624, %eq3A_807 : vector<16xi32>
    %convert_element_type3A_809 = arith.extui %eq3A_808 : vector<16xi1> to vector<16xi32>
    %broadcast_in_dim3A_810 = arith.constant true
    %broadcast_in_dim3A_811 = vector.broadcast %broadcast_in_dim3A_810 : i1 to vector<16xi1>
    %masked_cumsum3A_812 = tpu.scan <sum>, %convert_element_type3A_809 masked %broadcast_in_dim3A_811 : vector<16xi32>, vector<16xi1> -> vector<16xi32>
    %add3A_813 = arith.addi %add3A_805, %masked_cumsum3A_812 : vector<16xi32>
    %sub3A_814 = arith.constant 1 : i32
    %sub3A_815 = vector.broadcast %sub3A_814 : i32 to vector<16xi32>
    %sub3A_816 = arith.subi %add3A_813, %sub3A_815 : vector<16xi32>
    %select_n3A_817 = arith.select %eq3A_808, %sub3A_816, %select_n3A_789 : vector<16xi1>, vector<16xi32>
    %all_reduce_population_count3A_818 = tpu.all_reduce %eq3A_808 {dim = 0 : i64, kind = #tpu.reduction_kind<sum>} : vector<16xi1> -> vector<16xi32>
    %add3A_819 = arith.addi %add3A_805, %all_reduce_population_count3A_818 : vector<16xi32>
    %eq3A_820 = arith.constant 4 : i32
    %eq3A_821 = vector.broadcast %eq3A_820 : i32 to vector<16xi32>
    %eq3A_822 = arith.cmpi eq, %get3A_622, %eq3A_821 : vector<16xi32>
    %convert_element_type3A_823 = arith.extui %eq3A_822 : vector<16xi1> to vector<16xi32>
    %broadcast_in_dim3A_824 = arith.constant true
    %broadcast_in_dim3A_825 = vector.broadcast %broadcast_in_dim3A_824 : i1 to vector<16xi1>
    %masked_cumsum3A_826 = tpu.scan <sum>, %convert_element_type3A_823 masked %broadcast_in_dim3A_825 : vector<16xi32>, vector<16xi1> -> vector<16xi32>
    %add3A_827 = arith.addi %add3A_496, %masked_cumsum3A_826 : vector<16xi32>
    %sub3A_828 = arith.constant 1 : i32
    %sub3A_829 = vector.broadcast %sub3A_828 : i32 to vector<16xi32>
    %sub3A_830 = arith.subi %add3A_827, %sub3A_829 : vector<16xi32>
    %select_n3A_831 = arith.select %eq3A_822, %sub3A_830, %select_n3A_803 : vector<16xi1>, vector<16xi32>
    %all_reduce_population_count3A_832 = tpu.all_reduce %eq3A_822 {dim = 0 : i64, kind = #tpu.reduction_kind<sum>} : vector<16xi1> -> vector<16xi32>
    %add3A_833 = arith.addi %add3A_496, %all_reduce_population_count3A_832 : vector<16xi32>
    %eq3A_834 = arith.constant 4 : i32
    %eq3A_835 = vector.broadcast %eq3A_834 : i32 to vector<16xi32>
    %eq3A_836 = arith.cmpi eq, %get3A_624, %eq3A_835 : vector<16xi32>
    %convert_element_type3A_837 = arith.extui %eq3A_836 : vector<16xi1> to vector<16xi32>
    %broadcast_in_dim3A_838 = arith.constant true
    %broadcast_in_dim3A_839 = vector.broadcast %broadcast_in_dim3A_838 : i1 to vector<16xi1>
    %masked_cumsum3A_840 = tpu.scan <sum>, %convert_element_type3A_837 masked %broadcast_in_dim3A_839 : vector<16xi32>, vector<16xi1> -> vector<16xi32>
    %add3A_841 = arith.addi %add3A_833, %masked_cumsum3A_840 : vector<16xi32>
    %sub3A_842 = arith.constant 1 : i32
    %sub3A_843 = vector.broadcast %sub3A_842 : i32 to vector<16xi32>
    %sub3A_844 = arith.subi %add3A_841, %sub3A_843 : vector<16xi32>
    %select_n3A_845 = arith.select %eq3A_836, %sub3A_844, %select_n3A_817 : vector<16xi1>, vector<16xi32>
    %all_reduce_population_count3A_846 = tpu.all_reduce %eq3A_836 {dim = 0 : i64, kind = #tpu.reduction_kind<sum>} : vector<16xi1> -> vector<16xi32>
    %add3A_847 = arith.addi %add3A_833, %all_reduce_population_count3A_846 : vector<16xi32>
    %eq3A_848 = arith.constant 5 : i32
    %eq3A_849 = vector.broadcast %eq3A_848 : i32 to vector<16xi32>
    %eq3A_850 = arith.cmpi eq, %get3A_622, %eq3A_849 : vector<16xi32>
    %convert_element_type3A_851 = arith.extui %eq3A_850 : vector<16xi1> to vector<16xi32>
    %broadcast_in_dim3A_852 = arith.constant true
    %broadcast_in_dim3A_853 = vector.broadcast %broadcast_in_dim3A_852 : i1 to vector<16xi1>
    %masked_cumsum3A_854 = tpu.scan <sum>, %convert_element_type3A_851 masked %broadcast_in_dim3A_853 : vector<16xi32>, vector<16xi1> -> vector<16xi32>
    %add3A_855 = arith.addi %add3A_524, %masked_cumsum3A_854 : vector<16xi32>
    %sub3A_856 = arith.constant 1 : i32
    %sub3A_857 = vector.broadcast %sub3A_856 : i32 to vector<16xi32>
    %sub3A_858 = arith.subi %add3A_855, %sub3A_857 : vector<16xi32>
    %select_n3A_859 = arith.select %eq3A_850, %sub3A_858, %select_n3A_831 : vector<16xi1>, vector<16xi32>
    %all_reduce_population_count3A_860 = tpu.all_reduce %eq3A_850 {dim = 0 : i64, kind = #tpu.reduction_kind<sum>} : vector<16xi1> -> vector<16xi32>
    %add3A_861 = arith.addi %add3A_524, %all_reduce_population_count3A_860 : vector<16xi32>
    %eq3A_862 = arith.constant 5 : i32
    %eq3A_863 = vector.broadcast %eq3A_862 : i32 to vector<16xi32>
    %eq3A_864 = arith.cmpi eq, %get3A_624, %eq3A_863 : vector<16xi32>
    %convert_element_type3A_865 = arith.extui %eq3A_864 : vector<16xi1> to vector<16xi32>
    %broadcast_in_dim3A_866 = arith.constant true
    %broadcast_in_dim3A_867 = vector.broadcast %broadcast_in_dim3A_866 : i1 to vector<16xi1>
    %masked_cumsum3A_868 = tpu.scan <sum>, %convert_element_type3A_865 masked %broadcast_in_dim3A_867 : vector<16xi32>, vector<16xi1> -> vector<16xi32>
    %add3A_869 = arith.addi %add3A_861, %masked_cumsum3A_868 : vector<16xi32>
    %sub3A_870 = arith.constant 1 : i32
    %sub3A_871 = vector.broadcast %sub3A_870 : i32 to vector<16xi32>
    %sub3A_872 = arith.subi %add3A_869, %sub3A_871 : vector<16xi32>
    %select_n3A_873 = arith.select %eq3A_864, %sub3A_872, %select_n3A_845 : vector<16xi1>, vector<16xi32>
    %all_reduce_population_count3A_874 = tpu.all_reduce %eq3A_864 {dim = 0 : i64, kind = #tpu.reduction_kind<sum>} : vector<16xi1> -> vector<16xi32>
    %add3A_875 = arith.addi %add3A_861, %all_reduce_population_count3A_874 : vector<16xi32>
    %eq3A_876 = arith.constant 6 : i32
    %eq3A_877 = vector.broadcast %eq3A_876 : i32 to vector<16xi32>
    %eq3A_878 = arith.cmpi eq, %get3A_622, %eq3A_877 : vector<16xi32>
    %convert_element_type3A_879 = arith.extui %eq3A_878 : vector<16xi1> to vector<16xi32>
    %broadcast_in_dim3A_880 = arith.constant true
    %broadcast_in_dim3A_881 = vector.broadcast %broadcast_in_dim3A_880 : i1 to vector<16xi1>
    %masked_cumsum3A_882 = tpu.scan <sum>, %convert_element_type3A_879 masked %broadcast_in_dim3A_881 : vector<16xi32>, vector<16xi1> -> vector<16xi32>
    %add3A_883 = arith.addi %add3A_552, %masked_cumsum3A_882 : vector<16xi32>
    %sub3A_884 = arith.constant 1 : i32
    %sub3A_885 = vector.broadcast %sub3A_884 : i32 to vector<16xi32>
    %sub3A_886 = arith.subi %add3A_883, %sub3A_885 : vector<16xi32>
    %select_n3A_887 = arith.select %eq3A_878, %sub3A_886, %select_n3A_859 : vector<16xi1>, vector<16xi32>
    %all_reduce_population_count3A_888 = tpu.all_reduce %eq3A_878 {dim = 0 : i64, kind = #tpu.reduction_kind<sum>} : vector<16xi1> -> vector<16xi32>
    %add3A_889 = arith.addi %add3A_552, %all_reduce_population_count3A_888 : vector<16xi32>
    %eq3A_890 = arith.constant 6 : i32
    %eq3A_891 = vector.broadcast %eq3A_890 : i32 to vector<16xi32>
    %eq3A_892 = arith.cmpi eq, %get3A_624, %eq3A_891 : vector<16xi32>
    %convert_element_type3A_893 = arith.extui %eq3A_892 : vector<16xi1> to vector<16xi32>
    %broadcast_in_dim3A_894 = arith.constant true
    %broadcast_in_dim3A_895 = vector.broadcast %broadcast_in_dim3A_894 : i1 to vector<16xi1>
    %masked_cumsum3A_896 = tpu.scan <sum>, %convert_element_type3A_893 masked %broadcast_in_dim3A_895 : vector<16xi32>, vector<16xi1> -> vector<16xi32>
    %add3A_897 = arith.addi %add3A_889, %masked_cumsum3A_896 : vector<16xi32>
    %sub3A_898 = arith.constant 1 : i32
    %sub3A_899 = vector.broadcast %sub3A_898 : i32 to vector<16xi32>
    %sub3A_900 = arith.subi %add3A_897, %sub3A_899 : vector<16xi32>
    %select_n3A_901 = arith.select %eq3A_892, %sub3A_900, %select_n3A_873 : vector<16xi1>, vector<16xi32>
    %all_reduce_population_count3A_902 = tpu.all_reduce %eq3A_892 {dim = 0 : i64, kind = #tpu.reduction_kind<sum>} : vector<16xi1> -> vector<16xi32>
    %add3A_903 = arith.addi %add3A_889, %all_reduce_population_count3A_902 : vector<16xi32>
    %eq3A_904 = arith.constant 7 : i32
    %eq3A_905 = vector.broadcast %eq3A_904 : i32 to vector<16xi32>
    %eq3A_906 = arith.cmpi eq, %get3A_622, %eq3A_905 : vector<16xi32>
    %convert_element_type3A_907 = arith.extui %eq3A_906 : vector<16xi1> to vector<16xi32>
    %broadcast_in_dim3A_908 = arith.constant true
    %broadcast_in_dim3A_909 = vector.broadcast %broadcast_in_dim3A_908 : i1 to vector<16xi1>
    %masked_cumsum3A_910 = tpu.scan <sum>, %convert_element_type3A_907 masked %broadcast_in_dim3A_909 : vector<16xi32>, vector<16xi1> -> vector<16xi32>
    %add3A_911 = arith.addi %add3A_580, %masked_cumsum3A_910 : vector<16xi32>
    %sub3A_912 = arith.constant 1 : i32
    %sub3A_913 = vector.broadcast %sub3A_912 : i32 to vector<16xi32>
    %sub3A_914 = arith.subi %add3A_911, %sub3A_913 : vector<16xi32>
    %select_n3A_915 = arith.select %eq3A_906, %sub3A_914, %select_n3A_887 : vector<16xi1>, vector<16xi32>
    %all_reduce_population_count3A_916 = tpu.all_reduce %eq3A_906 {dim = 0 : i64, kind = #tpu.reduction_kind<sum>} : vector<16xi1> -> vector<16xi32>
    %add3A_917 = arith.addi %add3A_580, %all_reduce_population_count3A_916 : vector<16xi32>
    %eq3A_918 = arith.constant 7 : i32
    %eq3A_919 = vector.broadcast %eq3A_918 : i32 to vector<16xi32>
    %eq3A_920 = arith.cmpi eq, %get3A_624, %eq3A_919 : vector<16xi32>
    %convert_element_type3A_921 = arith.extui %eq3A_920 : vector<16xi1> to vector<16xi32>
    %broadcast_in_dim3A_922 = arith.constant true
    %broadcast_in_dim3A_923 = vector.broadcast %broadcast_in_dim3A_922 : i1 to vector<16xi1>
    %masked_cumsum3A_924 = tpu.scan <sum>, %convert_element_type3A_921 masked %broadcast_in_dim3A_923 : vector<16xi32>, vector<16xi1> -> vector<16xi32>
    %add3A_925 = arith.addi %add3A_917, %masked_cumsum3A_924 : vector<16xi32>
    %sub3A_926 = arith.constant 1 : i32
    %sub3A_927 = vector.broadcast %sub3A_926 : i32 to vector<16xi32>
    %sub3A_928 = arith.subi %add3A_925, %sub3A_927 : vector<16xi32>
    %select_n3A_929 = arith.select %eq3A_920, %sub3A_928, %select_n3A_901 : vector<16xi1>, vector<16xi32>
    %all_reduce_population_count3A_930 = tpu.all_reduce %eq3A_920 {dim = 0 : i64, kind = #tpu.reduction_kind<sum>} : vector<16xi1> -> vector<16xi32>
    %add3A_931 = arith.addi %add3A_917, %all_reduce_population_count3A_930 : vector<16xi32>
    %swap3A_932 = arith.constant 16 : index
    %swap3A_933 = tpu.vector_load %arg13[%swap3A_932] {strides = array<i32>} : memref<64xi32, #tpu.memory_space<vmem>>, vector<16xi32>,
    tpu.vector_store %arg13[%swap3A_932], %select_n3A_915 {strides = array<i32>} : memref<64xi32, #tpu.memory_space<vmem>>, vector<16xi32>,
    %swap3A_934 = arith.constant 16 : index
    %swap3A_935 = tpu.vector_load %arg14[%swap3A_934] {strides = array<i32>} : memref<64xi32, #tpu.memory_space<vmem>>, vector<16xi32>,
    tpu.vector_store %arg14[%swap3A_934], %select_n3A_929 {strides = array<i32>} : memref<64xi32, #tpu.memory_space<vmem>>, vector<16xi32>,
    %add3A_936 = arith.constant 2 : i32
    %add3A_937 = arith.addi %mul3A_2, %add3A_936 : i32
    %mul3A_938 = arith.constant 16 : i32
    %mul3A_939 = arith.muli %add3A_937, %mul3A_938 : i32
    %add3A_940 = arith.constant 0 : i32
    %add3A_941 = arith.addi %add3A_940, %mul3A_939 : i32
    %get3A_942 = arith.index_cast %add3A_941 : i32 to index
    %get3A_943 = tpu.vector_load %arg10[%get3A_942] {strides = array<i32>} : memref<16384xf32, #tpu.memory_space<vmem>>, vector<16xf32>,
    %add3A_944 = arith.constant 2048 : i32
    %add3A_945 = arith.addi %add3A_944, %mul3A_939 : i32
    %get3A_946 = arith.index_cast %add3A_945 : i32 to index
    %get3A_947 = tpu.vector_load %arg10[%get3A_946] {strides = array<i32>} : memref<16384xf32, #tpu.memory_space<vmem>>, vector<16xf32>,
    %add3A_948 = arith.constant 4096 : i32
    %add3A_949 = arith.addi %add3A_948, %mul3A_939 : i32
    %get3A_950 = arith.index_cast %add3A_949 : i32 to index
    %get3A_951 = tpu.vector_load %arg10[%get3A_950] {strides = array<i32>} : memref<16384xf32, #tpu.memory_space<vmem>>, vector<16xf32>,
    %add3A_952 = arith.constant 6144 : i32
    %add3A_953 = arith.addi %add3A_952, %mul3A_939 : i32
    %get3A_954 = arith.index_cast %add3A_953 : i32 to index
    %get3A_955 = tpu.vector_load %arg10[%get3A_954] {strides = array<i32>} : memref<16384xf32, #tpu.memory_space<vmem>>, vector<16xf32>,
    %add3A_956 = arith.constant 8192 : i32
    %add3A_957 = arith.addi %add3A_956, %mul3A_939 : i32
    %get3A_958 = arith.index_cast %add3A_957 : i32 to index
    %get3A_959 = tpu.vector_load %arg10[%get3A_958] {strides = array<i32>} : memref<16384xf32, #tpu.memory_space<vmem>>, vector<16xf32>,
    %add3A_960 = arith.constant 10240 : i32
    %add3A_961 = arith.addi %add3A_960, %mul3A_939 : i32
    %get3A_962 = arith.index_cast %add3A_961 : i32 to index
    %get3A_963 = tpu.vector_load %arg10[%get3A_962] {strides = array<i32>} : memref<16384xf32, #tpu.memory_space<vmem>>, vector<16xf32>,
    %add3A_964 = arith.constant 12288 : i32
    %add3A_965 = arith.addi %add3A_964, %mul3A_939 : i32
    %get3A_966 = arith.index_cast %add3A_965 : i32 to index
    %get3A_967 = tpu.vector_load %arg10[%get3A_966] {strides = array<i32>} : memref<16384xf32, #tpu.memory_space<vmem>>, vector<16xf32>,
    %add3A_968 = arith.constant 14336 : i32
    %add3A_969 = arith.addi %add3A_968, %mul3A_939 : i32
    %get3A_970 = arith.index_cast %add3A_969 : i32 to index
    %get3A_971 = tpu.vector_load %arg10[%get3A_970] {strides = array<i32>} : memref<16384xf32, #tpu.memory_space<vmem>>, vector<16xf32>,
    %get3A_972 = arith.index_cast %mul3A_939 : i32 to index
    %get3A_973 = tpu.vector_load %arg11[%get3A_972] {strides = array<i32>} : memref<2048xi32, #tpu.memory_space<vmem>>, vector<16xi32>,
    %get3A_974 = arith.index_cast %mul3A_939 : i32 to index
    %get3A_975 = tpu.vector_load %arg12[%get3A_974] {strides = array<i32>} : memref<2048xi32, #tpu.memory_space<vmem>>, vector<16xi32>,
    %broadcast_in_dim3A_976 = arith.constant -3.000000e+38 : f32
    %broadcast_in_dim3A_977 = vector.broadcast %broadcast_in_dim3A_976 : f32 to vector<16xf32>
    %broadcast_in_dim3A_978 = arith.constant -3.000000e+38 : f32
    %broadcast_in_dim3A_979 = vector.broadcast %broadcast_in_dim3A_978 : f32 to vector<16xf32>
    %eq3A_980 = arith.constant 0 : i32
    %eq3A_981 = vector.broadcast %eq3A_980 : i32 to vector<16xi32>
    %eq3A_982 = arith.cmpi eq, %get3A_973, %eq3A_981 : vector<16xi32>
    %select_n3A_983 = arith.select %eq3A_982, %get3A_943, %broadcast_in_dim3A_977 : vector<16xi1>, vector<16xf32>
    %eq3A_984 = arith.constant 0 : i32
    %eq3A_985 = vector.broadcast %eq3A_984 : i32 to vector<16xi32>
    %eq3A_986 = arith.cmpi eq, %get3A_975, %eq3A_985 : vector<16xi32>
    %select_n3A_987 = arith.select %eq3A_986, %get3A_943, %broadcast_in_dim3A_979 : vector<16xi1>, vector<16xf32>
    %eq3A_988 = arith.constant 1 : i32
    %eq3A_989 = vector.broadcast %eq3A_988 : i32 to vector<16xi32>
    %eq3A_990 = arith.cmpi eq, %get3A_973, %eq3A_989 : vector<16xi32>
    %select_n3A_991 = arith.select %eq3A_990, %get3A_947, %select_n3A_983 : vector<16xi1>, vector<16xf32>
    %eq3A_992 = arith.constant 1 : i32
    %eq3A_993 = vector.broadcast %eq3A_992 : i32 to vector<16xi32>
    %eq3A_994 = arith.cmpi eq, %get3A_975, %eq3A_993 : vector<16xi32>
    %select_n3A_995 = arith.select %eq3A_994, %get3A_947, %select_n3A_987 : vector<16xi1>, vector<16xf32>
    %eq3A_996 = arith.constant 2 : i32
    %eq3A_997 = vector.broadcast %eq3A_996 : i32 to vector<16xi32>
    %eq3A_998 = arith.cmpi eq, %get3A_973, %eq3A_997 : vector<16xi32>
    %select_n3A_999 = arith.select %eq3A_998, %get3A_951, %select_n3A_991 : vector<16xi1>, vector<16xf32>
    %eq3A_1000 = arith.constant 2 : i32
    %eq3A_1001 = vector.broadcast %eq3A_1000 : i32 to vector<16xi32>
    %eq3A_1002 = arith.cmpi eq, %get3A_975, %eq3A_1001 : vector<16xi32>
    %select_n3A_1003 = arith.select %eq3A_1002, %get3A_951, %select_n3A_995 : vector<16xi1>, vector<16xf32>
    %eq3A_1004 = arith.constant 3 : i32
    %eq3A_1005 = vector.broadcast %eq3A_1004 : i32 to vector<16xi32>
    %eq3A_1006 = arith.cmpi eq, %get3A_973, %eq3A_1005 : vector<16xi32>
    %select_n3A_1007 = arith.select %eq3A_1006, %get3A_955, %select_n3A_999 : vector<16xi1>, vector<16xf32>
    %eq3A_1008 = arith.constant 3 : i32
    %eq3A_1009 = vector.broadcast %eq3A_1008 : i32 to vector<16xi32>
    %eq3A_1010 = arith.cmpi eq, %get3A_975, %eq3A_1009 : vector<16xi32>
    %select_n3A_1011 = arith.select %eq3A_1010, %get3A_955, %select_n3A_1003 : vector<16xi1>, vector<16xf32>
    %eq3A_1012 = arith.constant 4 : i32
    %eq3A_1013 = vector.broadcast %eq3A_1012 : i32 to vector<16xi32>
    %eq3A_1014 = arith.cmpi eq, %get3A_973, %eq3A_1013 : vector<16xi32>
    %select_n3A_1015 = arith.select %eq3A_1014, %get3A_959, %select_n3A_1007 : vector<16xi1>, vector<16xf32>
    %eq3A_1016 = arith.constant 4 : i32
    %eq3A_1017 = vector.broadcast %eq3A_1016 : i32 to vector<16xi32>
    %eq3A_1018 = arith.cmpi eq, %get3A_975, %eq3A_1017 : vector<16xi32>
    %select_n3A_1019 = arith.select %eq3A_1018, %get3A_959, %select_n3A_1011 : vector<16xi1>, vector<16xf32>
    %eq3A_1020 = arith.constant 5 : i32
    %eq3A_1021 = vector.broadcast %eq3A_1020 : i32 to vector<16xi32>
    %eq3A_1022 = arith.cmpi eq, %get3A_973, %eq3A_1021 : vector<16xi32>
    %select_n3A_1023 = arith.select %eq3A_1022, %get3A_963, %select_n3A_1015 : vector<16xi1>, vector<16xf32>
    %eq3A_1024 = arith.constant 5 : i32
    %eq3A_1025 = vector.broadcast %eq3A_1024 : i32 to vector<16xi32>
    %eq3A_1026 = arith.cmpi eq, %get3A_975, %eq3A_1025 : vector<16xi32>
    %select_n3A_1027 = arith.select %eq3A_1026, %get3A_963, %select_n3A_1019 : vector<16xi1>, vector<16xf32>
    %eq3A_1028 = arith.constant 6 : i32
    %eq3A_1029 = vector.broadcast %eq3A_1028 : i32 to vector<16xi32>
    %eq3A_1030 = arith.cmpi eq, %get3A_973, %eq3A_1029 : vector<16xi32>
    %select_n3A_1031 = arith.select %eq3A_1030, %get3A_967, %select_n3A_1023 : vector<16xi1>, vector<16xf32>
    %eq3A_1032 = arith.constant 6 : i32
    %eq3A_1033 = vector.broadcast %eq3A_1032 : i32 to vector<16xi32>
    %eq3A_1034 = arith.cmpi eq, %get3A_975, %eq3A_1033 : vector<16xi32>
    %select_n3A_1035 = arith.select %eq3A_1034, %get3A_967, %select_n3A_1027 : vector<16xi1>, vector<16xf32>
    %eq3A_1036 = arith.constant 7 : i32
    %eq3A_1037 = vector.broadcast %eq3A_1036 : i32 to vector<16xi32>
    %eq3A_1038 = arith.cmpi eq, %get3A_973, %eq3A_1037 : vector<16xi32>
    %select_n3A_1039 = arith.select %eq3A_1038, %get3A_971, %select_n3A_1031 : vector<16xi1>, vector<16xf32>
    %eq3A_1040 = arith.constant 7 : i32
    %eq3A_1041 = vector.broadcast %eq3A_1040 : i32 to vector<16xi32>
    %eq3A_1042 = arith.cmpi eq, %get3A_975, %eq3A_1041 : vector<16xi32>
    %select_n3A_1043 = arith.select %eq3A_1042, %get3A_971, %select_n3A_1035 : vector<16xi1>, vector<16xf32>
    %sub3A_1044 = arith.subf %select_n3A_1043, %select_n3A_1039 : vector<16xf32>
    %exp3A_1045 = math.exp %sub3A_1044 : vector<16xf32>
    %add3A_1046 = arith.constant 1.000000e+00 : f32
    %add3A_1047 = vector.broadcast %add3A_1046 : f32 to vector<16xf32>
    %add3A_1048 = arith.addf %add3A_1047, %exp3A_1045 : vector<16xf32>
    %div3A_1049 = arith.constant 1.000000e+00 : f32
    %div3A_1050 = vector.broadcast %div3A_1049 : f32 to vector<16xf32>
    %div3A_1051 = arith.divf %div3A_1050, %add3A_1048 : vector<16xf32>
    %swap3A_1052 = arith.constant 32 : index
    %swap3A_1053 = tpu.vector_load %arg15[%swap3A_1052] {strides = array<i32>} : memref<64xf32, #tpu.memory_space<vmem>>, vector<16xf32>,
    tpu.vector_store %arg15[%swap3A_1052], %div3A_1051 {strides = array<i32>} : memref<64xf32, #tpu.memory_space<vmem>>, vector<16xf32>,
    %sub3A_1054 = arith.constant 1.000000e+00 : f32
    %sub3A_1055 = vector.broadcast %sub3A_1054 : f32 to vector<16xf32>
    %sub3A_1056 = arith.subf %sub3A_1055, %div3A_1051 : vector<16xf32>
    %swap3A_1057 = arith.constant 32 : index
    %swap3A_1058 = tpu.vector_load %arg16[%swap3A_1057] {strides = array<i32>} : memref<64xf32, #tpu.memory_space<vmem>>, vector<16xf32>,
    tpu.vector_store %arg16[%swap3A_1057], %sub3A_1056 {strides = array<i32>} : memref<64xf32, #tpu.memory_space<vmem>>, vector<16xf32>,
    %eq3A_1059 = arith.constant 0 : i32
    %eq3A_1060 = vector.broadcast %eq3A_1059 : i32 to vector<16xi32>
    %eq3A_1061 = arith.cmpi eq, %get3A_973, %eq3A_1060 : vector<16xi32>
    %convert_element_type3A_1062 = arith.extui %eq3A_1061 : vector<16xi1> to vector<16xi32>
    %broadcast_in_dim3A_1063 = arith.constant true
    %broadcast_in_dim3A_1064 = vector.broadcast %broadcast_in_dim3A_1063 : i1 to vector<16xi1>
    %masked_cumsum3A_1065 = tpu.scan <sum>, %convert_element_type3A_1062 masked %broadcast_in_dim3A_1064 : vector<16xi32>, vector<16xi1> -> vector<16xi32>
    %add3A_1066 = arith.addi %add3A_735, %masked_cumsum3A_1065 : vector<16xi32>
    %sub3A_1067 = arith.constant 1 : i32
    %sub3A_1068 = vector.broadcast %sub3A_1067 : i32 to vector<16xi32>
    %sub3A_1069 = arith.subi %add3A_1066, %sub3A_1068 : vector<16xi32>
    %select_n3A_1070 = arith.select %eq3A_1061, %sub3A_1069, %broadcast_in_dim3A_3 : vector<16xi1>, vector<16xi32>
    %all_reduce_population_count3A_1071 = tpu.all_reduce %eq3A_1061 {dim = 0 : i64, kind = #tpu.reduction_kind<sum>} : vector<16xi1> -> vector<16xi32>
    %add3A_1072 = arith.addi %add3A_735, %all_reduce_population_count3A_1071 : vector<16xi32>
    %eq3A_1073 = arith.constant 0 : i32
    %eq3A_1074 = vector.broadcast %eq3A_1073 : i32 to vector<16xi32>
    %eq3A_1075 = arith.cmpi eq, %get3A_975, %eq3A_1074 : vector<16xi32>
    %convert_element_type3A_1076 = arith.extui %eq3A_1075 : vector<16xi1> to vector<16xi32>
    %broadcast_in_dim3A_1077 = arith.constant true
    %broadcast_in_dim3A_1078 = vector.broadcast %broadcast_in_dim3A_1077 : i1 to vector<16xi1>
    %masked_cumsum3A_1079 = tpu.scan <sum>, %convert_element_type3A_1076 masked %broadcast_in_dim3A_1078 : vector<16xi32>, vector<16xi1> -> vector<16xi32>
    %add3A_1080 = arith.addi %add3A_1072, %masked_cumsum3A_1079 : vector<16xi32>
    %sub3A_1081 = arith.constant 1 : i32
    %sub3A_1082 = vector.broadcast %sub3A_1081 : i32 to vector<16xi32>
    %sub3A_1083 = arith.subi %add3A_1080, %sub3A_1082 : vector<16xi32>
    %select_n3A_1084 = arith.select %eq3A_1075, %sub3A_1083, %broadcast_in_dim3A_3 : vector<16xi1>, vector<16xi32>
    %all_reduce_population_count3A_1085 = tpu.all_reduce %eq3A_1075 {dim = 0 : i64, kind = #tpu.reduction_kind<sum>} : vector<16xi1> -> vector<16xi32>
    %add3A_1086 = arith.addi %add3A_1072, %all_reduce_population_count3A_1085 : vector<16xi32>
    %eq3A_1087 = arith.constant 1 : i32
    %eq3A_1088 = vector.broadcast %eq3A_1087 : i32 to vector<16xi32>
    %eq3A_1089 = arith.cmpi eq, %get3A_973, %eq3A_1088 : vector<16xi32>
    %convert_element_type3A_1090 = arith.extui %eq3A_1089 : vector<16xi1> to vector<16xi32>
    %broadcast_in_dim3A_1091 = arith.constant true
    %broadcast_in_dim3A_1092 = vector.broadcast %broadcast_in_dim3A_1091 : i1 to vector<16xi1>
    %masked_cumsum3A_1093 = tpu.scan <sum>, %convert_element_type3A_1090 masked %broadcast_in_dim3A_1092 : vector<16xi32>, vector<16xi1> -> vector<16xi32>
    %add3A_1094 = arith.addi %add3A_763, %masked_cumsum3A_1093 : vector<16xi32>
    %sub3A_1095 = arith.constant 1 : i32
    %sub3A_1096 = vector.broadcast %sub3A_1095 : i32 to vector<16xi32>
    %sub3A_1097 = arith.subi %add3A_1094, %sub3A_1096 : vector<16xi32>
    %select_n3A_1098 = arith.select %eq3A_1089, %sub3A_1097, %select_n3A_1070 : vector<16xi1>, vector<16xi32>
    %all_reduce_population_count3A_1099 = tpu.all_reduce %eq3A_1089 {dim = 0 : i64, kind = #tpu.reduction_kind<sum>} : vector<16xi1> -> vector<16xi32>
    %add3A_1100 = arith.addi %add3A_763, %all_reduce_population_count3A_1099 : vector<16xi32>
    %eq3A_1101 = arith.constant 1 : i32
    %eq3A_1102 = vector.broadcast %eq3A_1101 : i32 to vector<16xi32>
    %eq3A_1103 = arith.cmpi eq, %get3A_975, %eq3A_1102 : vector<16xi32>
    %convert_element_type3A_1104 = arith.extui %eq3A_1103 : vector<16xi1> to vector<16xi32>
    %broadcast_in_dim3A_1105 = arith.constant true
    %broadcast_in_dim3A_1106 = vector.broadcast %broadcast_in_dim3A_1105 : i1 to vector<16xi1>
    %masked_cumsum3A_1107 = tpu.scan <sum>, %convert_element_type3A_1104 masked %broadcast_in_dim3A_1106 : vector<16xi32>, vector<16xi1> -> vector<16xi32>
    %add3A_1108 = arith.addi %add3A_1100, %masked_cumsum3A_1107 : vector<16xi32>
    %sub3A_1109 = arith.constant 1 : i32
    %sub3A_1110 = vector.broadcast %sub3A_1109 : i32 to vector<16xi32>
    %sub3A_1111 = arith.subi %add3A_1108, %sub3A_1110 : vector<16xi32>
    %select_n3A_1112 = arith.select %eq3A_1103, %sub3A_1111, %select_n3A_1084 : vector<16xi1>, vector<16xi32>
    %all_reduce_population_count3A_1113 = tpu.all_reduce %eq3A_1103 {dim = 0 : i64, kind = #tpu.reduction_kind<sum>} : vector<16xi1> -> vector<16xi32>
    %add3A_1114 = arith.addi %add3A_1100, %all_reduce_population_count3A_1113 : vector<16xi32>
    %eq3A_1115 = arith.constant 2 : i32
    %eq3A_1116 = vector.broadcast %eq3A_1115 : i32 to vector<16xi32>
    %eq3A_1117 = arith.cmpi eq, %get3A_973, %eq3A_1116 : vector<16xi32>
    %convert_element_type3A_1118 = arith.extui %eq3A_1117 : vector<16xi1> to vector<16xi32>
    %broadcast_in_dim3A_1119 = arith.constant true
    %broadcast_in_dim3A_1120 = vector.broadcast %broadcast_in_dim3A_1119 : i1 to vector<16xi1>
    %masked_cumsum3A_1121 = tpu.scan <sum>, %convert_element_type3A_1118 masked %broadcast_in_dim3A_1120 : vector<16xi32>, vector<16xi1> -> vector<16xi32>
    %add3A_1122 = arith.addi %add3A_791, %masked_cumsum3A_1121 : vector<16xi32>
    %sub3A_1123 = arith.constant 1 : i32
    %sub3A_1124 = vector.broadcast %sub3A_1123 : i32 to vector<16xi32>
    %sub3A_1125 = arith.subi %add3A_1122, %sub3A_1124 : vector<16xi32>
    %select_n3A_1126 = arith.select %eq3A_1117, %sub3A_1125, %select_n3A_1098 : vector<16xi1>, vector<16xi32>
    %all_reduce_population_count3A_1127 = tpu.all_reduce %eq3A_1117 {dim = 0 : i64, kind = #tpu.reduction_kind<sum>} : vector<16xi1> -> vector<16xi32>
    %add3A_1128 = arith.addi %add3A_791, %all_reduce_population_count3A_1127 : vector<16xi32>
    %eq3A_1129 = arith.constant 2 : i32
    %eq3A_1130 = vector.broadcast %eq3A_1129 : i32 to vector<16xi32>
    %eq3A_1131 = arith.cmpi eq, %get3A_975, %eq3A_1130 : vector<16xi32>
    %convert_element_type3A_1132 = arith.extui %eq3A_1131 : vector<16xi1> to vector<16xi32>
    %broadcast_in_dim3A_1133 = arith.constant true
    %broadcast_in_dim3A_1134 = vector.broadcast %broadcast_in_dim3A_1133 : i1 to vector<16xi1>
    %masked_cumsum3A_1135 = tpu.scan <sum>, %convert_element_type3A_1132 masked %broadcast_in_dim3A_1134 : vector<16xi32>, vector<16xi1> -> vector<16xi32>
    %add3A_1136 = arith.addi %add3A_1128, %masked_cumsum3A_1135 : vector<16xi32>
    %sub3A_1137 = arith.constant 1 : i32
    %sub3A_1138 = vector.broadcast %sub3A_1137 : i32 to vector<16xi32>
    %sub3A_1139 = arith.subi %add3A_1136, %sub3A_1138 : vector<16xi32>
    %select_n3A_1140 = arith.select %eq3A_1131, %sub3A_1139, %select_n3A_1112 : vector<16xi1>, vector<16xi32>
    %all_reduce_population_count3A_1141 = tpu.all_reduce %eq3A_1131 {dim = 0 : i64, kind = #tpu.reduction_kind<sum>} : vector<16xi1> -> vector<16xi32>
    %add3A_1142 = arith.addi %add3A_1128, %all_reduce_population_count3A_1141 : vector<16xi32>
    %eq3A_1143 = arith.constant 3 : i32
    %eq3A_1144 = vector.broadcast %eq3A_1143 : i32 to vector<16xi32>
    %eq3A_1145 = arith.cmpi eq, %get3A_973, %eq3A_1144 : vector<16xi32>
    %convert_element_type3A_1146 = arith.extui %eq3A_1145 : vector<16xi1> to vector<16xi32>
    %broadcast_in_dim3A_1147 = arith.constant true
    %broadcast_in_dim3A_1148 = vector.broadcast %broadcast_in_dim3A_1147 : i1 to vector<16xi1>
    %masked_cumsum3A_1149 = tpu.scan <sum>, %convert_element_type3A_1146 masked %broadcast_in_dim3A_1148 : vector<16xi32>, vector<16xi1> -> vector<16xi32>
    %add3A_1150 = arith.addi %add3A_819, %masked_cumsum3A_1149 : vector<16xi32>
    %sub3A_1151 = arith.constant 1 : i32
    %sub3A_1152 = vector.broadcast %sub3A_1151 : i32 to vector<16xi32>
    %sub3A_1153 = arith.subi %add3A_1150, %sub3A_1152 : vector<16xi32>
    %select_n3A_1154 = arith.select %eq3A_1145, %sub3A_1153, %select_n3A_1126 : vector<16xi1>, vector<16xi32>
    %all_reduce_population_count3A_1155 = tpu.all_reduce %eq3A_1145 {dim = 0 : i64, kind = #tpu.reduction_kind<sum>} : vector<16xi1> -> vector<16xi32>
    %add3A_1156 = arith.addi %add3A_819, %all_reduce_population_count3A_1155 : vector<16xi32>
    %eq3A_1157 = arith.constant 3 : i32
    %eq3A_1158 = vector.broadcast %eq3A_1157 : i32 to vector<16xi32>
    %eq3A_1159 = arith.cmpi eq, %get3A_975, %eq3A_1158 : vector<16xi32>
    %convert_element_type3A_1160 = arith.extui %eq3A_1159 : vector<16xi1> to vector<16xi32>
    %broadcast_in_dim3A_1161 = arith.constant true
    %broadcast_in_dim3A_1162 = vector.broadcast %broadcast_in_dim3A_1161 : i1 to vector<16xi1>
    %masked_cumsum3A_1163 = tpu.scan <sum>, %convert_element_type3A_1160 masked %broadcast_in_dim3A_1162 : vector<16xi32>, vector<16xi1> -> vector<16xi32>
    %add3A_1164 = arith.addi %add3A_1156, %masked_cumsum3A_1163 : vector<16xi32>
    %sub3A_1165 = arith.constant 1 : i32
    %sub3A_1166 = vector.broadcast %sub3A_1165 : i32 to vector<16xi32>
    %sub3A_1167 = arith.subi %add3A_1164, %sub3A_1166 : vector<16xi32>
    %select_n3A_1168 = arith.select %eq3A_1159, %sub3A_1167, %select_n3A_1140 : vector<16xi1>, vector<16xi32>
    %all_reduce_population_count3A_1169 = tpu.all_reduce %eq3A_1159 {dim = 0 : i64, kind = #tpu.reduction_kind<sum>} : vector<16xi1> -> vector<16xi32>
    %add3A_1170 = arith.addi %add3A_1156, %all_reduce_population_count3A_1169 : vector<16xi32>
    %eq3A_1171 = arith.constant 4 : i32
    %eq3A_1172 = vector.broadcast %eq3A_1171 : i32 to vector<16xi32>
    %eq3A_1173 = arith.cmpi eq, %get3A_973, %eq3A_1172 : vector<16xi32>
    %convert_element_type3A_1174 = arith.extui %eq3A_1173 : vector<16xi1> to vector<16xi32>
    %broadcast_in_dim3A_1175 = arith.constant true
    %broadcast_in_dim3A_1176 = vector.broadcast %broadcast_in_dim3A_1175 : i1 to vector<16xi1>
    %masked_cumsum3A_1177 = tpu.scan <sum>, %convert_element_type3A_1174 masked %broadcast_in_dim3A_1176 : vector<16xi32>, vector<16xi1> -> vector<16xi32>
    %add3A_1178 = arith.addi %add3A_847, %masked_cumsum3A_1177 : vector<16xi32>
    %sub3A_1179 = arith.constant 1 : i32
    %sub3A_1180 = vector.broadcast %sub3A_1179 : i32 to vector<16xi32>
    %sub3A_1181 = arith.subi %add3A_1178, %sub3A_1180 : vector<16xi32>
    %select_n3A_1182 = arith.select %eq3A_1173, %sub3A_1181, %select_n3A_1154 : vector<16xi1>, vector<16xi32>
    %all_reduce_population_count3A_1183 = tpu.all_reduce %eq3A_1173 {dim = 0 : i64, kind = #tpu.reduction_kind<sum>} : vector<16xi1> -> vector<16xi32>
    %add3A_1184 = arith.addi %add3A_847, %all_reduce_population_count3A_1183 : vector<16xi32>
    %eq3A_1185 = arith.constant 4 : i32
    %eq3A_1186 = vector.broadcast %eq3A_1185 : i32 to vector<16xi32>
    %eq3A_1187 = arith.cmpi eq, %get3A_975, %eq3A_1186 : vector<16xi32>
    %convert_element_type3A_1188 = arith.extui %eq3A_1187 : vector<16xi1> to vector<16xi32>
    %broadcast_in_dim3A_1189 = arith.constant true
    %broadcast_in_dim3A_1190 = vector.broadcast %broadcast_in_dim3A_1189 : i1 to vector<16xi1>
    %masked_cumsum3A_1191 = tpu.scan <sum>, %convert_element_type3A_1188 masked %broadcast_in_dim3A_1190 : vector<16xi32>, vector<16xi1> -> vector<16xi32>
    %add3A_1192 = arith.addi %add3A_1184, %masked_cumsum3A_1191 : vector<16xi32>
    %sub3A_1193 = arith.constant 1 : i32
    %sub3A_1194 = vector.broadcast %sub3A_1193 : i32 to vector<16xi32>
    %sub3A_1195 = arith.subi %add3A_1192, %sub3A_1194 : vector<16xi32>
    %select_n3A_1196 = arith.select %eq3A_1187, %sub3A_1195, %select_n3A_1168 : vector<16xi1>, vector<16xi32>
    %all_reduce_population_count3A_1197 = tpu.all_reduce %eq3A_1187 {dim = 0 : i64, kind = #tpu.reduction_kind<sum>} : vector<16xi1> -> vector<16xi32>
    %add3A_1198 = arith.addi %add3A_1184, %all_reduce_population_count3A_1197 : vector<16xi32>
    %eq3A_1199 = arith.constant 5 : i32
    %eq3A_1200 = vector.broadcast %eq3A_1199 : i32 to vector<16xi32>
    %eq3A_1201 = arith.cmpi eq, %get3A_973, %eq3A_1200 : vector<16xi32>
    %convert_element_type3A_1202 = arith.extui %eq3A_1201 : vector<16xi1> to vector<16xi32>
    %broadcast_in_dim3A_1203 = arith.constant true
    %broadcast_in_dim3A_1204 = vector.broadcast %broadcast_in_dim3A_1203 : i1 to vector<16xi1>
    %masked_cumsum3A_1205 = tpu.scan <sum>, %convert_element_type3A_1202 masked %broadcast_in_dim3A_1204 : vector<16xi32>, vector<16xi1> -> vector<16xi32>
    %add3A_1206 = arith.addi %add3A_875, %masked_cumsum3A_1205 : vector<16xi32>
    %sub3A_1207 = arith.constant 1 : i32
    %sub3A_1208 = vector.broadcast %sub3A_1207 : i32 to vector<16xi32>
    %sub3A_1209 = arith.subi %add3A_1206, %sub3A_1208 : vector<16xi32>
    %select_n3A_1210 = arith.select %eq3A_1201, %sub3A_1209, %select_n3A_1182 : vector<16xi1>, vector<16xi32>
    %all_reduce_population_count3A_1211 = tpu.all_reduce %eq3A_1201 {dim = 0 : i64, kind = #tpu.reduction_kind<sum>} : vector<16xi1> -> vector<16xi32>
    %add3A_1212 = arith.addi %add3A_875, %all_reduce_population_count3A_1211 : vector<16xi32>
    %eq3A_1213 = arith.constant 5 : i32
    %eq3A_1214 = vector.broadcast %eq3A_1213 : i32 to vector<16xi32>
    %eq3A_1215 = arith.cmpi eq, %get3A_975, %eq3A_1214 : vector<16xi32>
    %convert_element_type3A_1216 = arith.extui %eq3A_1215 : vector<16xi1> to vector<16xi32>
    %broadcast_in_dim3A_1217 = arith.constant true
    %broadcast_in_dim3A_1218 = vector.broadcast %broadcast_in_dim3A_1217 : i1 to vector<16xi1>
    %masked_cumsum3A_1219 = tpu.scan <sum>, %convert_element_type3A_1216 masked %broadcast_in_dim3A_1218 : vector<16xi32>, vector<16xi1> -> vector<16xi32>
    %add3A_1220 = arith.addi %add3A_1212, %masked_cumsum3A_1219 : vector<16xi32>
    %sub3A_1221 = arith.constant 1 : i32
    %sub3A_1222 = vector.broadcast %sub3A_1221 : i32 to vector<16xi32>
    %sub3A_1223 = arith.subi %add3A_1220, %sub3A_1222 : vector<16xi32>
    %select_n3A_1224 = arith.select %eq3A_1215, %sub3A_1223, %select_n3A_1196 : vector<16xi1>, vector<16xi32>
    %all_reduce_population_count3A_1225 = tpu.all_reduce %eq3A_1215 {dim = 0 : i64, kind = #tpu.reduction_kind<sum>} : vector<16xi1> -> vector<16xi32>
    %add3A_1226 = arith.addi %add3A_1212, %all_reduce_population_count3A_1225 : vector<16xi32>
    %eq3A_1227 = arith.constant 6 : i32
    %eq3A_1228 = vector.broadcast %eq3A_1227 : i32 to vector<16xi32>
    %eq3A_1229 = arith.cmpi eq, %get3A_973, %eq3A_1228 : vector<16xi32>
    %convert_element_type3A_1230 = arith.extui %eq3A_1229 : vector<16xi1> to vector<16xi32>
    %broadcast_in_dim3A_1231 = arith.constant true
    %broadcast_in_dim3A_1232 = vector.broadcast %broadcast_in_dim3A_1231 : i1 to vector<16xi1>
    %masked_cumsum3A_1233 = tpu.scan <sum>, %convert_element_type3A_1230 masked %broadcast_in_dim3A_1232 : vector<16xi32>, vector<16xi1> -> vector<16xi32>
    %add3A_1234 = arith.addi %add3A_903, %masked_cumsum3A_1233 : vector<16xi32>
    %sub3A_1235 = arith.constant 1 : i32
    %sub3A_1236 = vector.broadcast %sub3A_1235 : i32 to vector<16xi32>
    %sub3A_1237 = arith.subi %add3A_1234, %sub3A_1236 : vector<16xi32>
    %select_n3A_1238 = arith.select %eq3A_1229, %sub3A_1237, %select_n3A_1210 : vector<16xi1>, vector<16xi32>
    %all_reduce_population_count3A_1239 = tpu.all_reduce %eq3A_1229 {dim = 0 : i64, kind = #tpu.reduction_kind<sum>} : vector<16xi1> -> vector<16xi32>
    %add3A_1240 = arith.addi %add3A_903, %all_reduce_population_count3A_1239 : vector<16xi32>
    %eq3A_1241 = arith.constant 6 : i32
    %eq3A_1242 = vector.broadcast %eq3A_1241 : i32 to vector<16xi32>
    %eq3A_1243 = arith.cmpi eq, %get3A_975, %eq3A_1242 : vector<16xi32>
    %convert_element_type3A_1244 = arith.extui %eq3A_1243 : vector<16xi1> to vector<16xi32>
    %broadcast_in_dim3A_1245 = arith.constant true
    %broadcast_in_dim3A_1246 = vector.broadcast %broadcast_in_dim3A_1245 : i1 to vector<16xi1>
    %masked_cumsum3A_1247 = tpu.scan <sum>, %convert_element_type3A_1244 masked %broadcast_in_dim3A_1246 : vector<16xi32>, vector<16xi1> -> vector<16xi32>
    %add3A_1248 = arith.addi %add3A_1240, %masked_cumsum3A_1247 : vector<16xi32>
    %sub3A_1249 = arith.constant 1 : i32
    %sub3A_1250 = vector.broadcast %sub3A_1249 : i32 to vector<16xi32>
    %sub3A_1251 = arith.subi %add3A_1248, %sub3A_1250 : vector<16xi32>
    %select_n3A_1252 = arith.select %eq3A_1243, %sub3A_1251, %select_n3A_1224 : vector<16xi1>, vector<16xi32>
    %all_reduce_population_count3A_1253 = tpu.all_reduce %eq3A_1243 {dim = 0 : i64, kind = #tpu.reduction_kind<sum>} : vector<16xi1> -> vector<16xi32>
    %add3A_1254 = arith.addi %add3A_1240, %all_reduce_population_count3A_1253 : vector<16xi32>
    %eq3A_1255 = arith.constant 7 : i32
    %eq3A_1256 = vector.broadcast %eq3A_1255 : i32 to vector<16xi32>
    %eq3A_1257 = arith.cmpi eq, %get3A_973, %eq3A_1256 : vector<16xi32>
    %convert_element_type3A_1258 = arith.extui %eq3A_1257 : vector<16xi1> to vector<16xi32>
    %broadcast_in_dim3A_1259 = arith.constant true
    %broadcast_in_dim3A_1260 = vector.broadcast %broadcast_in_dim3A_1259 : i1 to vector<16xi1>
    %masked_cumsum3A_1261 = tpu.scan <sum>, %convert_element_type3A_1258 masked %broadcast_in_dim3A_1260 : vector<16xi32>, vector<16xi1> -> vector<16xi32>
    %add3A_1262 = arith.addi %add3A_931, %masked_cumsum3A_1261 : vector<16xi32>
    %sub3A_1263 = arith.constant 1 : i32
    %sub3A_1264 = vector.broadcast %sub3A_1263 : i32 to vector<16xi32>
    %sub3A_1265 = arith.subi %add3A_1262, %sub3A_1264 : vector<16xi32>
    %select_n3A_1266 = arith.select %eq3A_1257, %sub3A_1265, %select_n3A_1238 : vector<16xi1>, vector<16xi32>
    %all_reduce_population_count3A_1267 = tpu.all_reduce %eq3A_1257 {dim = 0 : i64, kind = #tpu.reduction_kind<sum>} : vector<16xi1> -> vector<16xi32>
    %add3A_1268 = arith.addi %add3A_931, %all_reduce_population_count3A_1267 : vector<16xi32>
    %eq3A_1269 = arith.constant 7 : i32
    %eq3A_1270 = vector.broadcast %eq3A_1269 : i32 to vector<16xi32>
    %eq3A_1271 = arith.cmpi eq, %get3A_975, %eq3A_1270 : vector<16xi32>
    %convert_element_type3A_1272 = arith.extui %eq3A_1271 : vector<16xi1> to vector<16xi32>
    %broadcast_in_dim3A_1273 = arith.constant true
    %broadcast_in_dim3A_1274 = vector.broadcast %broadcast_in_dim3A_1273 : i1 to vector<16xi1>
    %masked_cumsum3A_1275 = tpu.scan <sum>, %convert_element_type3A_1272 masked %broadcast_in_dim3A_1274 : vector<16xi32>, vector<16xi1> -> vector<16xi32>
    %add3A_1276 = arith.addi %add3A_1268, %masked_cumsum3A_1275 : vector<16xi32>
    %sub3A_1277 = arith.constant 1 : i32
    %sub3A_1278 = vector.broadcast %sub3A_1277 : i32 to vector<16xi32>
    %sub3A_1279 = arith.subi %add3A_1276, %sub3A_1278 : vector<16xi32>
    %select_n3A_1280 = arith.select %eq3A_1271, %sub3A_1279, %select_n3A_1252 : vector<16xi1>, vector<16xi32>
    %all_reduce_population_count3A_1281 = tpu.all_reduce %eq3A_1271 {dim = 0 : i64, kind = #tpu.reduction_kind<sum>} : vector<16xi1> -> vector<16xi32>
    %add3A_1282 = arith.addi %add3A_1268, %all_reduce_population_count3A_1281 : vector<16xi32>
    %swap3A_1283 = arith.constant 32 : index
    %swap3A_1284 = tpu.vector_load %arg13[%swap3A_1283] {strides = array<i32>} : memref<64xi32, #tpu.memory_space<vmem>>, vector<16xi32>,
    tpu.vector_store %arg13[%swap3A_1283], %select_n3A_1266 {strides = array<i32>} : memref<64xi32, #tpu.memory_space<vmem>>, vector<16xi32>,
    %swap3A_1285 = arith.constant 32 : index
    %swap3A_1286 = tpu.vector_load %arg14[%swap3A_1285] {strides = array<i32>} : memref<64xi32, #tpu.memory_space<vmem>>, vector<16xi32>,
    tpu.vector_store %arg14[%swap3A_1285], %select_n3A_1280 {strides = array<i32>} : memref<64xi32, #tpu.memory_space<vmem>>, vector<16xi32>,
    %add3A_1287 = arith.constant 3 : i32
    %add3A_1288 = arith.addi %mul3A_2, %add3A_1287 : i32
    %mul3A_1289 = arith.constant 16 : i32
    %mul3A_1290 = arith.muli %add3A_1288, %mul3A_1289 : i32
    %add3A_1291 = arith.constant 0 : i32
    %add3A_1292 = arith.addi %add3A_1291, %mul3A_1290 : i32
    %get3A_1293 = arith.index_cast %add3A_1292 : i32 to index
    %get3A_1294 = tpu.vector_load %arg10[%get3A_1293] {strides = array<i32>} : memref<16384xf32, #tpu.memory_space<vmem>>, vector<16xf32>,
    %add3A_1295 = arith.constant 2048 : i32
    %add3A_1296 = arith.addi %add3A_1295, %mul3A_1290 : i32
    %get3A_1297 = arith.index_cast %add3A_1296 : i32 to index
    %get3A_1298 = tpu.vector_load %arg10[%get3A_1297] {strides = array<i32>} : memref<16384xf32, #tpu.memory_space<vmem>>, vector<16xf32>,
    %add3A_1299 = arith.constant 4096 : i32
    %add3A_1300 = arith.addi %add3A_1299, %mul3A_1290 : i32
    %get3A_1301 = arith.index_cast %add3A_1300 : i32 to index
    %get3A_1302 = tpu.vector_load %arg10[%get3A_1301] {strides = array<i32>} : memref<16384xf32, #tpu.memory_space<vmem>>, vector<16xf32>,
    %add3A_1303 = arith.constant 6144 : i32
    %add3A_1304 = arith.addi %add3A_1303, %mul3A_1290 : i32
    %get3A_1305 = arith.index_cast %add3A_1304 : i32 to index
    %get3A_1306 = tpu.vector_load %arg10[%get3A_1305] {strides = array<i32>} : memref<16384xf32, #tpu.memory_space<vmem>>, vector<16xf32>,
    %add3A_1307 = arith.constant 8192 : i32
    %add3A_1308 = arith.addi %add3A_1307, %mul3A_1290 : i32
    %get3A_1309 = arith.index_cast %add3A_1308 : i32 to index
    %get3A_1310 = tpu.vector_load %arg10[%get3A_1309] {strides = array<i32>} : memref<16384xf32, #tpu.memory_space<vmem>>, vector<16xf32>,
    %add3A_1311 = arith.constant 10240 : i32
    %add3A_1312 = arith.addi %add3A_1311, %mul3A_1290 : i32
    %get3A_1313 = arith.index_cast %add3A_1312 : i32 to index
    %get3A_1314 = tpu.vector_load %arg10[%get3A_1313] {strides = array<i32>} : memref<16384xf32, #tpu.memory_space<vmem>>, vector<16xf32>,
    %add3A_1315 = arith.constant 12288 : i32
    %add3A_1316 = arith.addi %add3A_1315, %mul3A_1290 : i32
    %get3A_1317 = arith.index_cast %add3A_1316 : i32 to index
    %get3A_1318 = tpu.vector_load %arg10[%get3A_1317] {strides = array<i32>} : memref<16384xf32, #tpu.memory_space<vmem>>, vector<16xf32>,
    %add3A_1319 = arith.constant 14336 : i32
    %add3A_1320 = arith.addi %add3A_1319, %mul3A_1290 : i32
    %get3A_1321 = arith.index_cast %add3A_1320 : i32 to index
    %get3A_1322 = tpu.vector_load %arg10[%get3A_1321] {strides = array<i32>} : memref<16384xf32, #tpu.memory_space<vmem>>, vector<16xf32>,
    %get3A_1323 = arith.index_cast %mul3A_1290 : i32 to index
    %get3A_1324 = tpu.vector_load %arg11[%get3A_1323] {strides = array<i32>} : memref<2048xi32, #tpu.memory_space<vmem>>, vector<16xi32>,
    %get3A_1325 = arith.index_cast %mul3A_1290 : i32 to index
    %get3A_1326 = tpu.vector_load %arg12[%get3A_1325] {strides = array<i32>} : memref<2048xi32, #tpu.memory_space<vmem>>, vector<16xi32>,
    %broadcast_in_dim3A_1327 = arith.constant -3.000000e+38 : f32
    %broadcast_in_dim3A_1328 = vector.broadcast %broadcast_in_dim3A_1327 : f32 to vector<16xf32>
    %broadcast_in_dim3A_1329 = arith.constant -3.000000e+38 : f32
    %broadcast_in_dim3A_1330 = vector.broadcast %broadcast_in_dim3A_1329 : f32 to vector<16xf32>
    %eq3A_1331 = arith.constant 0 : i32
    %eq3A_1332 = vector.broadcast %eq3A_1331 : i32 to vector<16xi32>
    %eq3A_1333 = arith.cmpi eq, %get3A_1324, %eq3A_1332 : vector<16xi32>
    %select_n3A_1334 = arith.select %eq3A_1333, %get3A_1294, %broadcast_in_dim3A_1328 : vector<16xi1>, vector<16xf32>
    %eq3A_1335 = arith.constant 0 : i32
    %eq3A_1336 = vector.broadcast %eq3A_1335 : i32 to vector<16xi32>
    %eq3A_1337 = arith.cmpi eq, %get3A_1326, %eq3A_1336 : vector<16xi32>
    %select_n3A_1338 = arith.select %eq3A_1337, %get3A_1294, %broadcast_in_dim3A_1330 : vector<16xi1>, vector<16xf32>
    %eq3A_1339 = arith.constant 1 : i32
    %eq3A_1340 = vector.broadcast %eq3A_1339 : i32 to vector<16xi32>
    %eq3A_1341 = arith.cmpi eq, %get3A_1324, %eq3A_1340 : vector<16xi32>
    %select_n3A_1342 = arith.select %eq3A_1341, %get3A_1298, %select_n3A_1334 : vector<16xi1>, vector<16xf32>
    %eq3A_1343 = arith.constant 1 : i32
    %eq3A_1344 = vector.broadcast %eq3A_1343 : i32 to vector<16xi32>
    %eq3A_1345 = arith.cmpi eq, %get3A_1326, %eq3A_1344 : vector<16xi32>
    %select_n3A_1346 = arith.select %eq3A_1345, %get3A_1298, %select_n3A_1338 : vector<16xi1>, vector<16xf32>
    %eq3A_1347 = arith.constant 2 : i32
    %eq3A_1348 = vector.broadcast %eq3A_1347 : i32 to vector<16xi32>
    %eq3A_1349 = arith.cmpi eq, %get3A_1324, %eq3A_1348 : vector<16xi32>
    %select_n3A_1350 = arith.select %eq3A_1349, %get3A_1302, %select_n3A_1342 : vector<16xi1>, vector<16xf32>
    %eq3A_1351 = arith.constant 2 : i32
    %eq3A_1352 = vector.broadcast %eq3A_1351 : i32 to vector<16xi32>
    %eq3A_1353 = arith.cmpi eq, %get3A_1326, %eq3A_1352 : vector<16xi32>
    %select_n3A_1354 = arith.select %eq3A_1353, %get3A_1302, %select_n3A_1346 : vector<16xi1>, vector<16xf32>
    %eq3A_1355 = arith.constant 3 : i32
    %eq3A_1356 = vector.broadcast %eq3A_1355 : i32 to vector<16xi32>
    %eq3A_1357 = arith.cmpi eq, %get3A_1324, %eq3A_1356 : vector<16xi32>
    %select_n3A_1358 = arith.select %eq3A_1357, %get3A_1306, %select_n3A_1350 : vector<16xi1>, vector<16xf32>
    %eq3A_1359 = arith.constant 3 : i32
    %eq3A_1360 = vector.broadcast %eq3A_1359 : i32 to vector<16xi32>
    %eq3A_1361 = arith.cmpi eq, %get3A_1326, %eq3A_1360 : vector<16xi32>
    %select_n3A_1362 = arith.select %eq3A_1361, %get3A_1306, %select_n3A_1354 : vector<16xi1>, vector<16xf32>
    %eq3A_1363 = arith.constant 4 : i32
    %eq3A_1364 = vector.broadcast %eq3A_1363 : i32 to vector<16xi32>
    %eq3A_1365 = arith.cmpi eq, %get3A_1324, %eq3A_1364 : vector<16xi32>
    %select_n3A_1366 = arith.select %eq3A_1365, %get3A_1310, %select_n3A_1358 : vector<16xi1>, vector<16xf32>
    %eq3A_1367 = arith.constant 4 : i32
    %eq3A_1368 = vector.broadcast %eq3A_1367 : i32 to vector<16xi32>
    %eq3A_1369 = arith.cmpi eq, %get3A_1326, %eq3A_1368 : vector<16xi32>
    %select_n3A_1370 = arith.select %eq3A_1369, %get3A_1310, %select_n3A_1362 : vector<16xi1>, vector<16xf32>
    %eq3A_1371 = arith.constant 5 : i32
    %eq3A_1372 = vector.broadcast %eq3A_1371 : i32 to vector<16xi32>
    %eq3A_1373 = arith.cmpi eq, %get3A_1324, %eq3A_1372 : vector<16xi32>
    %select_n3A_1374 = arith.select %eq3A_1373, %get3A_1314, %select_n3A_1366 : vector<16xi1>, vector<16xf32>
    %eq3A_1375 = arith.constant 5 : i32
    %eq3A_1376 = vector.broadcast %eq3A_1375 : i32 to vector<16xi32>
    %eq3A_1377 = arith.cmpi eq, %get3A_1326, %eq3A_1376 : vector<16xi32>
    %select_n3A_1378 = arith.select %eq3A_1377, %get3A_1314, %select_n3A_1370 : vector<16xi1>, vector<16xf32>
    %eq3A_1379 = arith.constant 6 : i32
    %eq3A_1380 = vector.broadcast %eq3A_1379 : i32 to vector<16xi32>
    %eq3A_1381 = arith.cmpi eq, %get3A_1324, %eq3A_1380 : vector<16xi32>
    %select_n3A_1382 = arith.select %eq3A_1381, %get3A_1318, %select_n3A_1374 : vector<16xi1>, vector<16xf32>
    %eq3A_1383 = arith.constant 6 : i32
    %eq3A_1384 = vector.broadcast %eq3A_1383 : i32 to vector<16xi32>
    %eq3A_1385 = arith.cmpi eq, %get3A_1326, %eq3A_1384 : vector<16xi32>
    %select_n3A_1386 = arith.select %eq3A_1385, %get3A_1318, %select_n3A_1378 : vector<16xi1>, vector<16xf32>
    %eq3A_1387 = arith.constant 7 : i32
    %eq3A_1388 = vector.broadcast %eq3A_1387 : i32 to vector<16xi32>
    %eq3A_1389 = arith.cmpi eq, %get3A_1324, %eq3A_1388 : vector<16xi32>
    %select_n3A_1390 = arith.select %eq3A_1389, %get3A_1322, %select_n3A_1382 : vector<16xi1>, vector<16xf32>
    %eq3A_1391 = arith.constant 7 : i32
    %eq3A_1392 = vector.broadcast %eq3A_1391 : i32 to vector<16xi32>
    %eq3A_1393 = arith.cmpi eq, %get3A_1326, %eq3A_1392 : vector<16xi32>
    %select_n3A_1394 = arith.select %eq3A_1393, %get3A_1322, %select_n3A_1386 : vector<16xi1>, vector<16xf32>
    %sub3A_1395 = arith.subf %select_n3A_1394, %select_n3A_1390 : vector<16xf32>
    %exp3A_1396 = math.exp %sub3A_1395 : vector<16xf32>
    %add3A_1397 = arith.constant 1.000000e+00 : f32
    %add3A_1398 = vector.broadcast %add3A_1397 : f32 to vector<16xf32>
    %add3A_1399 = arith.addf %add3A_1398, %exp3A_1396 : vector<16xf32>
    %div3A_1400 = arith.constant 1.000000e+00 : f32
    %div3A_1401 = vector.broadcast %div3A_1400 : f32 to vector<16xf32>
    %div3A_1402 = arith.divf %div3A_1401, %add3A_1399 : vector<16xf32>
    %swap3A_1403 = arith.constant 48 : index
    %swap3A_1404 = tpu.vector_load %arg15[%swap3A_1403] {strides = array<i32>} : memref<64xf32, #tpu.memory_space<vmem>>, vector<16xf32>,
    tpu.vector_store %arg15[%swap3A_1403], %div3A_1402 {strides = array<i32>} : memref<64xf32, #tpu.memory_space<vmem>>, vector<16xf32>,
    %sub3A_1405 = arith.constant 1.000000e+00 : f32
    %sub3A_1406 = vector.broadcast %sub3A_1405 : f32 to vector<16xf32>
    %sub3A_1407 = arith.subf %sub3A_1406, %div3A_1402 : vector<16xf32>
    %swap3A_1408 = arith.constant 48 : index
    %swap3A_1409 = tpu.vector_load %arg16[%swap3A_1408] {strides = array<i32>} : memref<64xf32, #tpu.memory_space<vmem>>, vector<16xf32>,
    tpu.vector_store %arg16[%swap3A_1408], %sub3A_1407 {strides = array<i32>} : memref<64xf32, #tpu.memory_space<vmem>>, vector<16xf32>,
    %eq3A_1410 = arith.constant 0 : i32
    %eq3A_1411 = vector.broadcast %eq3A_1410 : i32 to vector<16xi32>
    %eq3A_1412 = arith.cmpi eq, %get3A_1324, %eq3A_1411 : vector<16xi32>
    %convert_element_type3A_1413 = arith.extui %eq3A_1412 : vector<16xi1> to vector<16xi32>
    %broadcast_in_dim3A_1414 = arith.constant true
    %broadcast_in_dim3A_1415 = vector.broadcast %broadcast_in_dim3A_1414 : i1 to vector<16xi1>
    %masked_cumsum3A_1416 = tpu.scan <sum>, %convert_element_type3A_1413 masked %broadcast_in_dim3A_1415 : vector<16xi32>, vector<16xi1> -> vector<16xi32>
    %add3A_1417 = arith.addi %add3A_1086, %masked_cumsum3A_1416 : vector<16xi32>
    %sub3A_1418 = arith.constant 1 : i32
    %sub3A_1419 = vector.broadcast %sub3A_1418 : i32 to vector<16xi32>
    %sub3A_1420 = arith.subi %add3A_1417, %sub3A_1419 : vector<16xi32>
    %select_n3A_1421 = arith.select %eq3A_1412, %sub3A_1420, %broadcast_in_dim3A_3 : vector<16xi1>, vector<16xi32>
    %all_reduce_population_count3A_1422 = tpu.all_reduce %eq3A_1412 {dim = 0 : i64, kind = #tpu.reduction_kind<sum>} : vector<16xi1> -> vector<16xi32>
    %add3A_1423 = arith.addi %add3A_1086, %all_reduce_population_count3A_1422 : vector<16xi32>
    %eq3A_1424 = arith.constant 0 : i32
    %eq3A_1425 = vector.broadcast %eq3A_1424 : i32 to vector<16xi32>
    %eq3A_1426 = arith.cmpi eq, %get3A_1326, %eq3A_1425 : vector<16xi32>
    %convert_element_type3A_1427 = arith.extui %eq3A_1426 : vector<16xi1> to vector<16xi32>
    %broadcast_in_dim3A_1428 = arith.constant true
    %broadcast_in_dim3A_1429 = vector.broadcast %broadcast_in_dim3A_1428 : i1 to vector<16xi1>
    %masked_cumsum3A_1430 = tpu.scan <sum>, %convert_element_type3A_1427 masked %broadcast_in_dim3A_1429 : vector<16xi32>, vector<16xi1> -> vector<16xi32>
    %add3A_1431 = arith.addi %add3A_1423, %masked_cumsum3A_1430 : vector<16xi32>
    %sub3A_1432 = arith.constant 1 : i32
    %sub3A_1433 = vector.broadcast %sub3A_1432 : i32 to vector<16xi32>
    %sub3A_1434 = arith.subi %add3A_1431, %sub3A_1433 : vector<16xi32>
    %select_n3A_1435 = arith.select %eq3A_1426, %sub3A_1434, %broadcast_in_dim3A_3 : vector<16xi1>, vector<16xi32>
    %all_reduce_population_count3A_1436 = tpu.all_reduce %eq3A_1426 {dim = 0 : i64, kind = #tpu.reduction_kind<sum>} : vector<16xi1> -> vector<16xi32>
    %add3A_1437 = arith.addi %add3A_1423, %all_reduce_population_count3A_1436 : vector<16xi32>
    %eq3A_1438 = arith.constant 1 : i32
    %eq3A_1439 = vector.broadcast %eq3A_1438 : i32 to vector<16xi32>
    %eq3A_1440 = arith.cmpi eq, %get3A_1324, %eq3A_1439 : vector<16xi32>
    %convert_element_type3A_1441 = arith.extui %eq3A_1440 : vector<16xi1> to vector<16xi32>
    %broadcast_in_dim3A_1442 = arith.constant true
    %broadcast_in_dim3A_1443 = vector.broadcast %broadcast_in_dim3A_1442 : i1 to vector<16xi1>
    %masked_cumsum3A_1444 = tpu.scan <sum>, %convert_element_type3A_1441 masked %broadcast_in_dim3A_1443 : vector<16xi32>, vector<16xi1> -> vector<16xi32>
    %add3A_1445 = arith.addi %add3A_1114, %masked_cumsum3A_1444 : vector<16xi32>
    %sub3A_1446 = arith.constant 1 : i32
    %sub3A_1447 = vector.broadcast %sub3A_1446 : i32 to vector<16xi32>
    %sub3A_1448 = arith.subi %add3A_1445, %sub3A_1447 : vector<16xi32>
    %select_n3A_1449 = arith.select %eq3A_1440, %sub3A_1448, %select_n3A_1421 : vector<16xi1>, vector<16xi32>
    %all_reduce_population_count3A_1450 = tpu.all_reduce %eq3A_1440 {dim = 0 : i64, kind = #tpu.reduction_kind<sum>} : vector<16xi1> -> vector<16xi32>
    %add3A_1451 = arith.addi %add3A_1114, %all_reduce_population_count3A_1450 : vector<16xi32>
    %eq3A_1452 = arith.constant 1 : i32
    %eq3A_1453 = vector.broadcast %eq3A_1452 : i32 to vector<16xi32>
    %eq3A_1454 = arith.cmpi eq, %get3A_1326, %eq3A_1453 : vector<16xi32>
    %convert_element_type3A_1455 = arith.extui %eq3A_1454 : vector<16xi1> to vector<16xi32>
    %broadcast_in_dim3A_1456 = arith.constant true
    %broadcast_in_dim3A_1457 = vector.broadcast %broadcast_in_dim3A_1456 : i1 to vector<16xi1>
    %masked_cumsum3A_1458 = tpu.scan <sum>, %convert_element_type3A_1455 masked %broadcast_in_dim3A_1457 : vector<16xi32>, vector<16xi1> -> vector<16xi32>
    %add3A_1459 = arith.addi %add3A_1451, %masked_cumsum3A_1458 : vector<16xi32>
    %sub3A_1460 = arith.constant 1 : i32
    %sub3A_1461 = vector.broadcast %sub3A_1460 : i32 to vector<16xi32>
    %sub3A_1462 = arith.subi %add3A_1459, %sub3A_1461 : vector<16xi32>
    %select_n3A_1463 = arith.select %eq3A_1454, %sub3A_1462, %select_n3A_1435 : vector<16xi1>, vector<16xi32>
    %all_reduce_population_count3A_1464 = tpu.all_reduce %eq3A_1454 {dim = 0 : i64, kind = #tpu.reduction_kind<sum>} : vector<16xi1> -> vector<16xi32>
    %add3A_1465 = arith.addi %add3A_1451, %all_reduce_population_count3A_1464 : vector<16xi32>
    %eq3A_1466 = arith.constant 2 : i32
    %eq3A_1467 = vector.broadcast %eq3A_1466 : i32 to vector<16xi32>
    %eq3A_1468 = arith.cmpi eq, %get3A_1324, %eq3A_1467 : vector<16xi32>
    %convert_element_type3A_1469 = arith.extui %eq3A_1468 : vector<16xi1> to vector<16xi32>
    %broadcast_in_dim3A_1470 = arith.constant true
    %broadcast_in_dim3A_1471 = vector.broadcast %broadcast_in_dim3A_1470 : i1 to vector<16xi1>
    %masked_cumsum3A_1472 = tpu.scan <sum>, %convert_element_type3A_1469 masked %broadcast_in_dim3A_1471 : vector<16xi32>, vector<16xi1> -> vector<16xi32>
    %add3A_1473 = arith.addi %add3A_1142, %masked_cumsum3A_1472 : vector<16xi32>
    %sub3A_1474 = arith.constant 1 : i32
    %sub3A_1475 = vector.broadcast %sub3A_1474 : i32 to vector<16xi32>
    %sub3A_1476 = arith.subi %add3A_1473, %sub3A_1475 : vector<16xi32>
    %select_n3A_1477 = arith.select %eq3A_1468, %sub3A_1476, %select_n3A_1449 : vector<16xi1>, vector<16xi32>
    %all_reduce_population_count3A_1478 = tpu.all_reduce %eq3A_1468 {dim = 0 : i64, kind = #tpu.reduction_kind<sum>} : vector<16xi1> -> vector<16xi32>
    %add3A_1479 = arith.addi %add3A_1142, %all_reduce_population_count3A_1478 : vector<16xi32>
    %eq3A_1480 = arith.constant 2 : i32
    %eq3A_1481 = vector.broadcast %eq3A_1480 : i32 to vector<16xi32>
    %eq3A_1482 = arith.cmpi eq, %get3A_1326, %eq3A_1481 : vector<16xi32>
    %convert_element_type3A_1483 = arith.extui %eq3A_1482 : vector<16xi1> to vector<16xi32>
    %broadcast_in_dim3A_1484 = arith.constant true
    %broadcast_in_dim3A_1485 = vector.broadcast %broadcast_in_dim3A_1484 : i1 to vector<16xi1>
    %masked_cumsum3A_1486 = tpu.scan <sum>, %convert_element_type3A_1483 masked %broadcast_in_dim3A_1485 : vector<16xi32>, vector<16xi1> -> vector<16xi32>
    %add3A_1487 = arith.addi %add3A_1479, %masked_cumsum3A_1486 : vector<16xi32>
    %sub3A_1488 = arith.constant 1 : i32
    %sub3A_1489 = vector.broadcast %sub3A_1488 : i32 to vector<16xi32>
    %sub3A_1490 = arith.subi %add3A_1487, %sub3A_1489 : vector<16xi32>
    %select_n3A_1491 = arith.select %eq3A_1482, %sub3A_1490, %select_n3A_1463 : vector<16xi1>, vector<16xi32>
    %all_reduce_population_count3A_1492 = tpu.all_reduce %eq3A_1482 {dim = 0 : i64, kind = #tpu.reduction_kind<sum>} : vector<16xi1> -> vector<16xi32>
    %add3A_1493 = arith.addi %add3A_1479, %all_reduce_population_count3A_1492 : vector<16xi32>
    %eq3A_1494 = arith.constant 3 : i32
    %eq3A_1495 = vector.broadcast %eq3A_1494 : i32 to vector<16xi32>
    %eq3A_1496 = arith.cmpi eq, %get3A_1324, %eq3A_1495 : vector<16xi32>
    %convert_element_type3A_1497 = arith.extui %eq3A_1496 : vector<16xi1> to vector<16xi32>
    %broadcast_in_dim3A_1498 = arith.constant true
    %broadcast_in_dim3A_1499 = vector.broadcast %broadcast_in_dim3A_1498 : i1 to vector<16xi1>
    %masked_cumsum3A_1500 = tpu.scan <sum>, %convert_element_type3A_1497 masked %broadcast_in_dim3A_1499 : vector<16xi32>, vector<16xi1> -> vector<16xi32>
    %add3A_1501 = arith.addi %add3A_1170, %masked_cumsum3A_1500 : vector<16xi32>
    %sub3A_1502 = arith.constant 1 : i32
    %sub3A_1503 = vector.broadcast %sub3A_1502 : i32 to vector<16xi32>
    %sub3A_1504 = arith.subi %add3A_1501, %sub3A_1503 : vector<16xi32>
    %select_n3A_1505 = arith.select %eq3A_1496, %sub3A_1504, %select_n3A_1477 : vector<16xi1>, vector<16xi32>
    %all_reduce_population_count3A_1506 = tpu.all_reduce %eq3A_1496 {dim = 0 : i64, kind = #tpu.reduction_kind<sum>} : vector<16xi1> -> vector<16xi32>
    %add3A_1507 = arith.addi %add3A_1170, %all_reduce_population_count3A_1506 : vector<16xi32>
    %eq3A_1508 = arith.constant 3 : i32
    %eq3A_1509 = vector.broadcast %eq3A_1508 : i32 to vector<16xi32>
    %eq3A_1510 = arith.cmpi eq, %get3A_1326, %eq3A_1509 : vector<16xi32>
    %convert_element_type3A_1511 = arith.extui %eq3A_1510 : vector<16xi1> to vector<16xi32>
    %broadcast_in_dim3A_1512 = arith.constant true
    %broadcast_in_dim3A_1513 = vector.broadcast %broadcast_in_dim3A_1512 : i1 to vector<16xi1>
    %masked_cumsum3A_1514 = tpu.scan <sum>, %convert_element_type3A_1511 masked %broadcast_in_dim3A_1513 : vector<16xi32>, vector<16xi1> -> vector<16xi32>
    %add3A_1515 = arith.addi %add3A_1507, %masked_cumsum3A_1514 : vector<16xi32>
    %sub3A_1516 = arith.constant 1 : i32
    %sub3A_1517 = vector.broadcast %sub3A_1516 : i32 to vector<16xi32>
    %sub3A_1518 = arith.subi %add3A_1515, %sub3A_1517 : vector<16xi32>
    %select_n3A_1519 = arith.select %eq3A_1510, %sub3A_1518, %select_n3A_1491 : vector<16xi1>, vector<16xi32>
    %all_reduce_population_count3A_1520 = tpu.all_reduce %eq3A_1510 {dim = 0 : i64, kind = #tpu.reduction_kind<sum>} : vector<16xi1> -> vector<16xi32>
    %add3A_1521 = arith.addi %add3A_1507, %all_reduce_population_count3A_1520 : vector<16xi32>
    %eq3A_1522 = arith.constant 4 : i32
    %eq3A_1523 = vector.broadcast %eq3A_1522 : i32 to vector<16xi32>
    %eq3A_1524 = arith.cmpi eq, %get3A_1324, %eq3A_1523 : vector<16xi32>
    %convert_element_type3A_1525 = arith.extui %eq3A_1524 : vector<16xi1> to vector<16xi32>
    %broadcast_in_dim3A_1526 = arith.constant true
    %broadcast_in_dim3A_1527 = vector.broadcast %broadcast_in_dim3A_1526 : i1 to vector<16xi1>
    %masked_cumsum3A_1528 = tpu.scan <sum>, %convert_element_type3A_1525 masked %broadcast_in_dim3A_1527 : vector<16xi32>, vector<16xi1> -> vector<16xi32>
    %add3A_1529 = arith.addi %add3A_1198, %masked_cumsum3A_1528 : vector<16xi32>
    %sub3A_1530 = arith.constant 1 : i32
    %sub3A_1531 = vector.broadcast %sub3A_1530 : i32 to vector<16xi32>
    %sub3A_1532 = arith.subi %add3A_1529, %sub3A_1531 : vector<16xi32>
    %select_n3A_1533 = arith.select %eq3A_1524, %sub3A_1532, %select_n3A_1505 : vector<16xi1>, vector<16xi32>
    %all_reduce_population_count3A_1534 = tpu.all_reduce %eq3A_1524 {dim = 0 : i64, kind = #tpu.reduction_kind<sum>} : vector<16xi1> -> vector<16xi32>
    %add3A_1535 = arith.addi %add3A_1198, %all_reduce_population_count3A_1534 : vector<16xi32>
    %eq3A_1536 = arith.constant 4 : i32
    %eq3A_1537 = vector.broadcast %eq3A_1536 : i32 to vector<16xi32>
    %eq3A_1538 = arith.cmpi eq, %get3A_1326, %eq3A_1537 : vector<16xi32>
    %convert_element_type3A_1539 = arith.extui %eq3A_1538 : vector<16xi1> to vector<16xi32>
    %broadcast_in_dim3A_1540 = arith.constant true
    %broadcast_in_dim3A_1541 = vector.broadcast %broadcast_in_dim3A_1540 : i1 to vector<16xi1>
    %masked_cumsum3A_1542 = tpu.scan <sum>, %convert_element_type3A_1539 masked %broadcast_in_dim3A_1541 : vector<16xi32>, vector<16xi1> -> vector<16xi32>
    %add3A_1543 = arith.addi %add3A_1535, %masked_cumsum3A_1542 : vector<16xi32>
    %sub3A_1544 = arith.constant 1 : i32
    %sub3A_1545 = vector.broadcast %sub3A_1544 : i32 to vector<16xi32>
    %sub3A_1546 = arith.subi %add3A_1543, %sub3A_1545 : vector<16xi32>
    %select_n3A_1547 = arith.select %eq3A_1538, %sub3A_1546, %select_n3A_1519 : vector<16xi1>, vector<16xi32>
    %all_reduce_population_count3A_1548 = tpu.all_reduce %eq3A_1538 {dim = 0 : i64, kind = #tpu.reduction_kind<sum>} : vector<16xi1> -> vector<16xi32>
    %add3A_1549 = arith.addi %add3A_1535, %all_reduce_population_count3A_1548 : vector<16xi32>
    %eq3A_1550 = arith.constant 5 : i32
    %eq3A_1551 = vector.broadcast %eq3A_1550 : i32 to vector<16xi32>
    %eq3A_1552 = arith.cmpi eq, %get3A_1324, %eq3A_1551 : vector<16xi32>
    %convert_element_type3A_1553 = arith.extui %eq3A_1552 : vector<16xi1> to vector<16xi32>
    %broadcast_in_dim3A_1554 = arith.constant true
    %broadcast_in_dim3A_1555 = vector.broadcast %broadcast_in_dim3A_1554 : i1 to vector<16xi1>
    %masked_cumsum3A_1556 = tpu.scan <sum>, %convert_element_type3A_1553 masked %broadcast_in_dim3A_1555 : vector<16xi32>, vector<16xi1> -> vector<16xi32>
    %add3A_1557 = arith.addi %add3A_1226, %masked_cumsum3A_1556 : vector<16xi32>
    %sub3A_1558 = arith.constant 1 : i32
    %sub3A_1559 = vector.broadcast %sub3A_1558 : i32 to vector<16xi32>
    %sub3A_1560 = arith.subi %add3A_1557, %sub3A_1559 : vector<16xi32>
    %select_n3A_1561 = arith.select %eq3A_1552, %sub3A_1560, %select_n3A_1533 : vector<16xi1>, vector<16xi32>
    %all_reduce_population_count3A_1562 = tpu.all_reduce %eq3A_1552 {dim = 0 : i64, kind = #tpu.reduction_kind<sum>} : vector<16xi1> -> vector<16xi32>
    %add3A_1563 = arith.addi %add3A_1226, %all_reduce_population_count3A_1562 : vector<16xi32>
    %eq3A_1564 = arith.constant 5 : i32
    %eq3A_1565 = vector.broadcast %eq3A_1564 : i32 to vector<16xi32>
    %eq3A_1566 = arith.cmpi eq, %get3A_1326, %eq3A_1565 : vector<16xi32>
    %convert_element_type3A_1567 = arith.extui %eq3A_1566 : vector<16xi1> to vector<16xi32>
    %broadcast_in_dim3A_1568 = arith.constant true
    %broadcast_in_dim3A_1569 = vector.broadcast %broadcast_in_dim3A_1568 : i1 to vector<16xi1>
    %masked_cumsum3A_1570 = tpu.scan <sum>, %convert_element_type3A_1567 masked %broadcast_in_dim3A_1569 : vector<16xi32>, vector<16xi1> -> vector<16xi32>
    %add3A_1571 = arith.addi %add3A_1563, %masked_cumsum3A_1570 : vector<16xi32>
    %sub3A_1572 = arith.constant 1 : i32
    %sub3A_1573 = vector.broadcast %sub3A_1572 : i32 to vector<16xi32>
    %sub3A_1574 = arith.subi %add3A_1571, %sub3A_1573 : vector<16xi32>
    %select_n3A_1575 = arith.select %eq3A_1566, %sub3A_1574, %select_n3A_1547 : vector<16xi1>, vector<16xi32>
    %all_reduce_population_count3A_1576 = tpu.all_reduce %eq3A_1566 {dim = 0 : i64, kind = #tpu.reduction_kind<sum>} : vector<16xi1> -> vector<16xi32>
    %add3A_1577 = arith.addi %add3A_1563, %all_reduce_population_count3A_1576 : vector<16xi32>
    %eq3A_1578 = arith.constant 6 : i32
    %eq3A_1579 = vector.broadcast %eq3A_1578 : i32 to vector<16xi32>
    %eq3A_1580 = arith.cmpi eq, %get3A_1324, %eq3A_1579 : vector<16xi32>
    %convert_element_type3A_1581 = arith.extui %eq3A_1580 : vector<16xi1> to vector<16xi32>
    %broadcast_in_dim3A_1582 = arith.constant true
    %broadcast_in_dim3A_1583 = vector.broadcast %broadcast_in_dim3A_1582 : i1 to vector<16xi1>
    %masked_cumsum3A_1584 = tpu.scan <sum>, %convert_element_type3A_1581 masked %broadcast_in_dim3A_1583 : vector<16xi32>, vector<16xi1> -> vector<16xi32>
    %add3A_1585 = arith.addi %add3A_1254, %masked_cumsum3A_1584 : vector<16xi32>
    %sub3A_1586 = arith.constant 1 : i32
    %sub3A_1587 = vector.broadcast %sub3A_1586 : i32 to vector<16xi32>
    %sub3A_1588 = arith.subi %add3A_1585, %sub3A_1587 : vector<16xi32>
    %select_n3A_1589 = arith.select %eq3A_1580, %sub3A_1588, %select_n3A_1561 : vector<16xi1>, vector<16xi32>
    %all_reduce_population_count3A_1590 = tpu.all_reduce %eq3A_1580 {dim = 0 : i64, kind = #tpu.reduction_kind<sum>} : vector<16xi1> -> vector<16xi32>
    %add3A_1591 = arith.addi %add3A_1254, %all_reduce_population_count3A_1590 : vector<16xi32>
    %eq3A_1592 = arith.constant 6 : i32
    %eq3A_1593 = vector.broadcast %eq3A_1592 : i32 to vector<16xi32>
    %eq3A_1594 = arith.cmpi eq, %get3A_1326, %eq3A_1593 : vector<16xi32>
    %convert_element_type3A_1595 = arith.extui %eq3A_1594 : vector<16xi1> to vector<16xi32>
    %broadcast_in_dim3A_1596 = arith.constant true
    %broadcast_in_dim3A_1597 = vector.broadcast %broadcast_in_dim3A_1596 : i1 to vector<16xi1>
    %masked_cumsum3A_1598 = tpu.scan <sum>, %convert_element_type3A_1595 masked %broadcast_in_dim3A_1597 : vector<16xi32>, vector<16xi1> -> vector<16xi32>
    %add3A_1599 = arith.addi %add3A_1591, %masked_cumsum3A_1598 : vector<16xi32>
    %sub3A_1600 = arith.constant 1 : i32
    %sub3A_1601 = vector.broadcast %sub3A_1600 : i32 to vector<16xi32>
    %sub3A_1602 = arith.subi %add3A_1599, %sub3A_1601 : vector<16xi32>
    %select_n3A_1603 = arith.select %eq3A_1594, %sub3A_1602, %select_n3A_1575 : vector<16xi1>, vector<16xi32>
    %all_reduce_population_count3A_1604 = tpu.all_reduce %eq3A_1594 {dim = 0 : i64, kind = #tpu.reduction_kind<sum>} : vector<16xi1> -> vector<16xi32>
    %add3A_1605 = arith.addi %add3A_1591, %all_reduce_population_count3A_1604 : vector<16xi32>
    %eq3A_1606 = arith.constant 7 : i32
    %eq3A_1607 = vector.broadcast %eq3A_1606 : i32 to vector<16xi32>
    %eq3A_1608 = arith.cmpi eq, %get3A_1324, %eq3A_1607 : vector<16xi32>
    %convert_element_type3A_1609 = arith.extui %eq3A_1608 : vector<16xi1> to vector<16xi32>
    %broadcast_in_dim3A_1610 = arith.constant true
    %broadcast_in_dim3A_1611 = vector.broadcast %broadcast_in_dim3A_1610 : i1 to vector<16xi1>
    %masked_cumsum3A_1612 = tpu.scan <sum>, %convert_element_type3A_1609 masked %broadcast_in_dim3A_1611 : vector<16xi32>, vector<16xi1> -> vector<16xi32>
    %add3A_1613 = arith.addi %add3A_1282, %masked_cumsum3A_1612 : vector<16xi32>
    %sub3A_1614 = arith.constant 1 : i32
    %sub3A_1615 = vector.broadcast %sub3A_1614 : i32 to vector<16xi32>
    %sub3A_1616 = arith.subi %add3A_1613, %sub3A_1615 : vector<16xi32>
    %select_n3A_1617 = arith.select %eq3A_1608, %sub3A_1616, %select_n3A_1589 : vector<16xi1>, vector<16xi32>
    %all_reduce_population_count3A_1618 = tpu.all_reduce %eq3A_1608 {dim = 0 : i64, kind = #tpu.reduction_kind<sum>} : vector<16xi1> -> vector<16xi32>
    %add3A_1619 = arith.addi %add3A_1282, %all_reduce_population_count3A_1618 : vector<16xi32>
    %eq3A_1620 = arith.constant 7 : i32
    %eq3A_1621 = vector.broadcast %eq3A_1620 : i32 to vector<16xi32>
    %eq3A_1622 = arith.cmpi eq, %get3A_1326, %eq3A_1621 : vector<16xi32>
    %convert_element_type3A_1623 = arith.extui %eq3A_1622 : vector<16xi1> to vector<16xi32>
    %broadcast_in_dim3A_1624 = arith.constant true
    %broadcast_in_dim3A_1625 = vector.broadcast %broadcast_in_dim3A_1624 : i1 to vector<16xi1>
    %masked_cumsum3A_1626 = tpu.scan <sum>, %convert_element_type3A_1623 masked %broadcast_in_dim3A_1625 : vector<16xi32>, vector<16xi1> -> vector<16xi32>
    %add3A_1627 = arith.addi %add3A_1619, %masked_cumsum3A_1626 : vector<16xi32>
    %sub3A_1628 = arith.constant 1 : i32
    %sub3A_1629 = vector.broadcast %sub3A_1628 : i32 to vector<16xi32>
    %sub3A_1630 = arith.subi %add3A_1627, %sub3A_1629 : vector<16xi32>
    %select_n3A_1631 = arith.select %eq3A_1622, %sub3A_1630, %select_n3A_1603 : vector<16xi1>, vector<16xi32>
    %all_reduce_population_count3A_1632 = tpu.all_reduce %eq3A_1622 {dim = 0 : i64, kind = #tpu.reduction_kind<sum>} : vector<16xi1> -> vector<16xi32>
    %add3A_1633 = arith.addi %add3A_1619, %all_reduce_population_count3A_1632 : vector<16xi32>
    %swap3A_1634 = arith.constant 48 : index
    %swap3A_1635 = tpu.vector_load %arg13[%swap3A_1634] {strides = array<i32>} : memref<64xi32, #tpu.memory_space<vmem>>, vector<16xi32>,
    tpu.vector_store %arg13[%swap3A_1634], %select_n3A_1617 {strides = array<i32>} : memref<64xi32, #tpu.memory_space<vmem>>, vector<16xi32>,
    %swap3A_1636 = arith.constant 48 : index
    %swap3A_1637 = tpu.vector_load %arg14[%swap3A_1636] {strides = array<i32>} : memref<64xi32, #tpu.memory_space<vmem>>, vector<16xi32>,
    tpu.vector_store %arg14[%swap3A_1636], %select_n3A_1631 {strides = array<i32>} : memref<64xi32, #tpu.memory_space<vmem>>, vector<16xi32>,
    %mul3A_1638 = arith.constant 64 : i32
    %mul3A_1639 = arith.muli %add3A, %mul3A_1638 : i32
    "tpu.region"() ({
      %run_scoped3A = tpu.sem_alloc : memref<!tpu.dma_semaphore, #tpu.memory_space<semaphore_mem>>
      %dma_start3A_1655 = tpu.memref_slice %arg6[%mul3A_1639] : memref<2048xi32, #tpu.memory_space<hbm>> -> memref<64xi32, #tpu.memory_space<hbm>>
      %dma_start3A_1656 = tpu.memref_slice %arg6[%mul3A_1639] : memref<2048xi32, #tpu.memory_space<hbm>> -> memref<64xi32, #tpu.memory_space<hbm>>
      tpu.enqueue_dma source(%arg13 : memref<64xi32, #tpu.memory_space<vmem>>) target(%dma_start3A_1656 : memref<64xi32, #tpu.memory_space<hbm>>) target_semaphore(%run_scoped3A : memref<!tpu.dma_semaphore, #tpu.memory_space<semaphore_mem>>)
      %dma_wait3A_1657 = tpu.memref_slice %arg6[%mul3A_1639] : memref<2048xi32, #tpu.memory_space<hbm>> -> memref<64xi32, #tpu.memory_space<hbm>>
      %dma_wait3A_1658 = tpu.memref_slice %arg6[%mul3A_1639] : memref<2048xi32, #tpu.memory_space<hbm>> -> memref<64xi32, #tpu.memory_space<hbm>>
      tpu.wait_dma2 semaphore(%run_scoped3A : memref<!tpu.dma_semaphore, #tpu.memory_space<semaphore_mem>>) src(%arg13 : memref<64xi32, #tpu.memory_space<vmem>>) dst(%dma_wait3A_1658 : memref<64xi32, #tpu.memory_space<hbm>>)
      tpu.yield
    }) : () -> ()
    "tpu.region"() ({
      %run_scoped3A = tpu.sem_alloc : memref<!tpu.dma_semaphore, #tpu.memory_space<semaphore_mem>>
      %dma_start3A_1655 = tpu.memref_slice %arg7[%mul3A_1639] : memref<2048xi32, #tpu.memory_space<hbm>> -> memref<64xi32, #tpu.memory_space<hbm>>
      %dma_start3A_1656 = tpu.memref_slice %arg7[%mul3A_1639] : memref<2048xi32, #tpu.memory_space<hbm>> -> memref<64xi32, #tpu.memory_space<hbm>>
      tpu.enqueue_dma source(%arg14 : memref<64xi32, #tpu.memory_space<vmem>>) target(%dma_start3A_1656 : memref<64xi32, #tpu.memory_space<hbm>>) target_semaphore(%run_scoped3A : memref<!tpu.dma_semaphore, #tpu.memory_space<semaphore_mem>>)
      %dma_wait3A_1657 = tpu.memref_slice %arg7[%mul3A_1639] : memref<2048xi32, #tpu.memory_space<hbm>> -> memref<64xi32, #tpu.memory_space<hbm>>
      %dma_wait3A_1658 = tpu.memref_slice %arg7[%mul3A_1639] : memref<2048xi32, #tpu.memory_space<hbm>> -> memref<64xi32, #tpu.memory_space<hbm>>
      tpu.wait_dma2 semaphore(%run_scoped3A : memref<!tpu.dma_semaphore, #tpu.memory_space<semaphore_mem>>) src(%arg14 : memref<64xi32, #tpu.memory_space<vmem>>) dst(%dma_wait3A_1658 : memref<64xi32, #tpu.memory_space<hbm>>)
      tpu.yield
    }) : () -> ()
    "tpu.region"() ({
      %run_scoped3A = tpu.sem_alloc : memref<!tpu.dma_semaphore, #tpu.memory_space<semaphore_mem>>
      %dma_start3A_1655 = tpu.memref_slice %arg8[%mul3A_1639] : memref<2048xf32, #tpu.memory_space<hbm>> -> memref<64xf32, #tpu.memory_space<hbm>>
      %dma_start3A_1656 = tpu.memref_slice %arg8[%mul3A_1639] : memref<2048xf32, #tpu.memory_space<hbm>> -> memref<64xf32, #tpu.memory_space<hbm>>
      tpu.enqueue_dma source(%arg15 : memref<64xf32, #tpu.memory_space<vmem>>) target(%dma_start3A_1656 : memref<64xf32, #tpu.memory_space<hbm>>) target_semaphore(%run_scoped3A : memref<!tpu.dma_semaphore, #tpu.memory_space<semaphore_mem>>)
      %dma_wait3A_1657 = tpu.memref_slice %arg8[%mul3A_1639] : memref<2048xf32, #tpu.memory_space<hbm>> -> memref<64xf32, #tpu.memory_space<hbm>>
      %dma_wait3A_1658 = tpu.memref_slice %arg8[%mul3A_1639] : memref<2048xf32, #tpu.memory_space<hbm>> -> memref<64xf32, #tpu.memory_space<hbm>>
      tpu.wait_dma2 semaphore(%run_scoped3A : memref<!tpu.dma_semaphore, #tpu.memory_space<semaphore_mem>>) src(%arg15 : memref<64xf32, #tpu.memory_space<vmem>>) dst(%dma_wait3A_1658 : memref<64xf32, #tpu.memory_space<hbm>>)
      tpu.yield
    }) : () -> ()
    "tpu.region"() ({
      %run_scoped3A = tpu.sem_alloc : memref<!tpu.dma_semaphore, #tpu.memory_space<semaphore_mem>>
      %dma_start3A_1655 = tpu.memref_slice %arg9[%mul3A_1639] : memref<2048xf32, #tpu.memory_space<hbm>> -> memref<64xf32, #tpu.memory_space<hbm>>
      %dma_start3A_1656 = tpu.memref_slice %arg9[%mul3A_1639] : memref<2048xf32, #tpu.memory_space<hbm>> -> memref<64xf32, #tpu.memory_space<hbm>>
      tpu.enqueue_dma source(%arg16 : memref<64xf32, #tpu.memory_space<vmem>>) target(%dma_start3A_1656 : memref<64xf32, #tpu.memory_space<hbm>>) target_semaphore(%run_scoped3A : memref<!tpu.dma_semaphore, #tpu.memory_space<semaphore_mem>>)
      %dma_wait3A_1657 = tpu.memref_slice %arg9[%mul3A_1639] : memref<2048xf32, #tpu.memory_space<hbm>> -> memref<64xf32, #tpu.memory_space<hbm>>
      %dma_wait3A_1658 = tpu.memref_slice %arg9[%mul3A_1639] : memref<2048xf32, #tpu.memory_space<hbm>> -> memref<64xf32, #tpu.memory_space<hbm>>
      tpu.wait_dma2 semaphore(%run_scoped3A : memref<!tpu.dma_semaphore, #tpu.memory_space<semaphore_mem>>) src(%arg16 : memref<64xf32, #tpu.memory_space<vmem>>) dst(%dma_wait3A_1658 : memref<64xf32, #tpu.memory_space<hbm>>)
      tpu.yield
    }) : () -> ()
    %dma_wait3A = arith.constant 0 : i32
    %dma_wait3A_1640 = tpu.memref_slice %arg3[%mul3A_5, %dma_wait3A] : memref<2048x1024xf32, #tpu.memory_space<hbm>> -> memref<64x1024xf32, #tpu.memory_space<hbm>>
    %dma_wait3A_1641 = arith.constant 0 : i32
    %dma_wait3A_1642 = tpu.memref_slice %arg3[%mul3A_5, %dma_wait3A_1641] : memref<2048x1024xf32, #tpu.memory_space<hbm>> -> memref<64x1024xf32, #tpu.memory_space<hbm>>
    tpu.wait_dma2 semaphore(%arg20 : memref<!tpu.dma_semaphore, #tpu.memory_space<semaphore_mem>>) src(%dma_wait3A_1642 : memref<64x1024xf32, #tpu.memory_space<hbm>>) dst(%arg18 : memref<64x1024xf32, #tpu.memory_space<vmem>>)
    %dma_start3A_1643 = arith.constant 0 : i32
    %dma_start3A_1644 = arith.constant 0 : i32
    %dma_start3A_1645 = tpu.memref_slice %arg4[%dma_start3A_1643, %dma_start3A_1644] : memref<6144x1024xf32, #tpu.memory_space<hbm>> -> memref<6144x1024xf32, #tpu.memory_space<hbm>>
    tpu.enqueue_indirect_dma source(%arg18 : memref<64x1024xf32, #tpu.memory_space<vmem>>) target(%dma_start3A_1645 : memref<6144x1024xf32, #tpu.memory_space<hbm>>) offsets(%arg13 : memref<64xi32, #tpu.memory_space<vmem>>) semaphore(%arg19 : memref<!tpu.dma_semaphore, #tpu.memory_space<semaphore_mem>>)
    %dma_start3A_1646 = arith.constant 0 : i32
    %dma_start3A_1647 = arith.constant 0 : i32
    %dma_start3A_1648 = tpu.memref_slice %arg4[%dma_start3A_1646, %dma_start3A_1647] : memref<6144x1024xf32, #tpu.memory_space<hbm>> -> memref<6144x1024xf32, #tpu.memory_space<hbm>>
    tpu.enqueue_indirect_dma source(%arg18 : memref<64x1024xf32, #tpu.memory_space<vmem>>) target(%dma_start3A_1648 : memref<6144x1024xf32, #tpu.memory_space<hbm>>) offsets(%arg14 : memref<64xi32, #tpu.memory_space<vmem>>) semaphore(%arg19 : memref<!tpu.dma_semaphore, #tpu.memory_space<semaphore_mem>>)
    %dma_wait3A_1649 = arith.constant 0 : i32
    %dma_wait3A_1650 = arith.constant 0 : i32
    %dma_wait3A_1651 = tpu.memref_slice %arg4[%dma_wait3A_1649, %dma_wait3A_1650] : memref<6144x1024xf32, #tpu.memory_space<hbm>> -> memref<6144x1024xf32, #tpu.memory_space<hbm>>
    tpu.wait_indirect_dma semaphore(%arg19 : memref<!tpu.dma_semaphore, #tpu.memory_space<semaphore_mem>>) src(%arg18 : memref<64x1024xf32, #tpu.memory_space<vmem>>) dst(%dma_wait3A_1651 : memref<6144x1024xf32, #tpu.memory_space<hbm>>)
    %dma_wait3A_1652 = arith.constant 0 : i32
    %dma_wait3A_1653 = arith.constant 0 : i32
    %dma_wait3A_1654 = tpu.memref_slice %arg4[%dma_wait3A_1652, %dma_wait3A_1653] : memref<6144x1024xf32, #tpu.memory_space<hbm>> -> memref<6144x1024xf32, #tpu.memory_space<hbm>>
    tpu.wait_indirect_dma semaphore(%arg19 : memref<!tpu.dma_semaphore, #tpu.memory_space<semaphore_mem>>) src(%arg18 : memref<64x1024xf32, #tpu.memory_space<vmem>>) dst(%dma_wait3A_1654 : memref<6144x1024xf32, #tpu.memory_space<hbm>>)
    return
  }
}

module attributes {stable_mosaic.version = 14 : i64} {
  func.func @_ffn_body(%arg0: i32, %arg1: memref<32xi32, #tpu.memory_space<smem>>, %arg2: memref<256x1024xf32, #tpu.memory_space<vmem>>, %arg3: memref<1x512x1024xf32, #tpu.memory_space<vmem>>, %arg4: memref<1x512x1024xf32, #tpu.memory_space<vmem>>, %arg5: memref<1x1024x512xf32, #tpu.memory_space<vmem>>, %arg6: memref<256x1024xf32, #tpu.memory_space<vmem>>, %arg7: memref<512x1024xbf16, #tpu.memory_space<vmem>>, %arg8: memref<512x1024xbf16, #tpu.memory_space<vmem>>, %arg9: memref<1024x512xbf16, #tpu.memory_space<vmem>>, %arg10: memref<1xi32, #tpu.memory_space<smem>>) attributes {dimension_semantics = [#tpu.dimension_semantics<arbitrary>], iteration_bounds = array<i64: 24>, scalar_prefetch = 1 : i64, scratch_operands = 4 : i64, tpu.core_type = #tpu.core_type<tc>, window_params = [{transform_indices = @transform_0, window_bounds = array<i64: 256, 1024>}, {transform_indices = @transform_1, window_bounds = array<i64: 1, 512, 1024>}, {transform_indices = @transform_2, window_bounds = array<i64: 1, 512, 1024>}, {transform_indices = @transform_3, window_bounds = array<i64: 1, 1024, 512>}, {transform_indices = @transform_4, window_bounds = array<i64: 256, 1024>}]} {
    %get3A = arith.index_cast %arg0 : i32 to index
    %get3A_0 = memref.load %arg1[%get3A] : memref<32xi32, #tpu.memory_space<smem>>
    %mul3A = arith.constant 256 : i32
    %mul3A_1 = arith.muli %arg0, %mul3A : i32
    %get3A_2 = arith.constant 31 : index
    %get3A_3 = memref.load %arg1[%get3A_2] : memref<32xi32, #tpu.memory_space<smem>>
    %lt3A = arith.cmpi slt, %mul3A_1, %get3A_3 : i32
    %eq3A = arith.constant 0 : i32
    %eq3A_4 = arith.cmpi eq, %arg0, %eq3A : i32
    %get3A_5 = arith.constant 0 : index
    %get3A_6 = memref.load %arg10[%get3A_5] : memref<1xi32, #tpu.memory_space<smem>>
    %ne3A = arith.cmpi ne, %get3A_0, %get3A_6 : i32
    %or3A = arith.ori %eq3A_4, %ne3A : i1
    %and3A = arith.andi %lt3A, %or3A : i1
    %convert_element_type3A = arith.extui %and3A : i1 to i32
    %cond3A = arith.constant 0 : i32
    %cond3A_7 = arith.cmpi ne, %convert_element_type3A, %cond3A : i32
    scf.if %cond3A_7 {
      %get3A_11 = arith.constant 0 : index
      %get3A_12 = arith.constant 0 : index
      %get3A_13 = arith.constant 0 : index
      %get3A_14 = vector.load %arg3[%get3A_11, %get3A_12, %get3A_13] : memref<1x512x1024xf32, #tpu.memory_space<vmem>>, vector<1x512x1024xf32>
      %get3A_15 = vector.shape_cast %get3A_14 : vector<1x512x1024xf32> to vector<512x1024xf32>
      %convert_element_type3A_16 = arith.truncf %get3A_15 : vector<512x1024xf32> to vector<512x1024xbf16>
      %swap3A = arith.constant 0 : index
      %swap3A_17 = arith.constant 0 : index
      %swap3A_18 = vector.load %arg7[%swap3A, %swap3A_17] : memref<512x1024xbf16, #tpu.memory_space<vmem>>, vector<512x1024xbf16>
      tpu.vector_store %arg7[%swap3A, %swap3A_17], %convert_element_type3A_16 {strides = array<i32>} : memref<512x1024xbf16, #tpu.memory_space<vmem>>, vector<512x1024xbf16>,
      %get3A_19 = arith.constant 0 : index
      %get3A_20 = arith.constant 0 : index
      %get3A_21 = arith.constant 0 : index
      %get3A_22 = vector.load %arg4[%get3A_19, %get3A_20, %get3A_21] : memref<1x512x1024xf32, #tpu.memory_space<vmem>>, vector<1x512x1024xf32>
      %get3A_23 = vector.shape_cast %get3A_22 : vector<1x512x1024xf32> to vector<512x1024xf32>
      %convert_element_type3A_24 = arith.truncf %get3A_23 : vector<512x1024xf32> to vector<512x1024xbf16>
      %swap3A_25 = arith.constant 0 : index
      %swap3A_26 = arith.constant 0 : index
      %swap3A_27 = vector.load %arg8[%swap3A_25, %swap3A_26] : memref<512x1024xbf16, #tpu.memory_space<vmem>>, vector<512x1024xbf16>
      tpu.vector_store %arg8[%swap3A_25, %swap3A_26], %convert_element_type3A_24 {strides = array<i32>} : memref<512x1024xbf16, #tpu.memory_space<vmem>>, vector<512x1024xbf16>,
      %get3A_28 = arith.constant 0 : index
      %get3A_29 = arith.constant 0 : index
      %get3A_30 = arith.constant 0 : index
      %get3A_31 = vector.load %arg5[%get3A_28, %get3A_29, %get3A_30] : memref<1x1024x512xf32, #tpu.memory_space<vmem>>, vector<1x1024x512xf32>
      %get3A_32 = vector.shape_cast %get3A_31 : vector<1x1024x512xf32> to vector<1024x512xf32>
      %convert_element_type3A_33 = arith.truncf %get3A_32 : vector<1024x512xf32> to vector<1024x512xbf16>
      %swap3A_34 = arith.constant 0 : index
      %swap3A_35 = arith.constant 0 : index
      %swap3A_36 = vector.load %arg9[%swap3A_34, %swap3A_35] : memref<1024x512xbf16, #tpu.memory_space<vmem>>, vector<1024x512xbf16>
      tpu.vector_store %arg9[%swap3A_34, %swap3A_35], %convert_element_type3A_33 {strides = array<i32>} : memref<1024x512xbf16, #tpu.memory_space<vmem>>, vector<1024x512xbf16>,
      %swap3A_37 = arith.constant 0 : index
      %swap3A_38 = memref.load %arg10[%swap3A_37] : memref<1xi32, #tpu.memory_space<smem>>
      memref.store %get3A_0, %arg10[%swap3A_37] : memref<1xi32, #tpu.memory_space<smem>>
    } else {
    }
    %convert_element_type3A_8 = arith.extui %lt3A : i1 to i32
    %cond3A_9 = arith.constant 0 : i32
    %cond3A_10 = arith.cmpi ne, %convert_element_type3A_8, %cond3A_9 : i32
    scf.if %cond3A_10 {
      %get3A_11 = arith.constant 0 : index
      %get3A_12 = arith.constant 0 : index
      %get3A_13 = vector.load %arg2[%get3A_11, %get3A_12] : memref<256x1024xf32, #tpu.memory_space<vmem>>, vector<256x1024xf32>
      %convert_element_type3A_14 = arith.truncf %get3A_13 : vector<256x1024xf32> to vector<256x1024xbf16>
      %get3A_15 = arith.constant 0 : index
      %get3A_16 = arith.constant 0 : index
      %get3A_17 = vector.load %arg7[%get3A_15, %get3A_16] : memref<512x1024xbf16, #tpu.memory_space<vmem>>, vector<512x1024xbf16>
      %dot_general3A = arith.constant dense<0.000000e+00> : vector<256x512xf32>
      %dot_general3A_18 = tpu.matmul %convert_element_type3A_14, %get3A_17, %dot_general3A {dimension_numbers = #tpu.dot_dimension_numbers<[1], [1], [0], [0], [0, 0, 1, 0], [], []>, transpose_lhs_hint = false} : vector<256x1024xbf16>, vector<512x1024xbf16>, vector<256x512xf32> -> vector<256x512xf32>
      %get3A_19 = arith.constant 0 : index
      %get3A_20 = arith.constant 0 : index
      %get3A_21 = vector.load %arg8[%get3A_19, %get3A_20] : memref<512x1024xbf16, #tpu.memory_space<vmem>>, vector<512x1024xbf16>
      %dot_general3A_22 = arith.constant dense<0.000000e+00> : vector<256x512xf32>
      %dot_general3A_23 = tpu.matmul %convert_element_type3A_14, %get3A_21, %dot_general3A_22 {dimension_numbers = #tpu.dot_dimension_numbers<[1], [1], [0], [0], [0, 0, 1, 0], [], []>, transpose_lhs_hint = false} : vector<256x1024xbf16>, vector<512x1024xbf16>, vector<256x512xf32> -> vector<256x512xf32>
      %logistic3A = arith.negf %dot_general3A_18 : vector<256x512xf32>
      %logistic3A_24 = math.exp %logistic3A : vector<256x512xf32>
      %logistic3A_25 = arith.constant 1.000000e+00 : f32
      %logistic3A_26 = vector.broadcast %logistic3A_25 : f32 to vector<256x512xf32>
      %logistic3A_27 = arith.addf %logistic3A_26, %logistic3A_24 : vector<256x512xf32>
      %logistic3A_28 = arith.divf %logistic3A_26, %logistic3A_27 : vector<256x512xf32>
      %mul3A_29 = arith.mulf %dot_general3A_18, %logistic3A_28 : vector<256x512xf32>
      %mul3A_30 = arith.mulf %mul3A_29, %dot_general3A_23 : vector<256x512xf32>
      %convert_element_type3A_31 = arith.truncf %mul3A_30 : vector<256x512xf32> to vector<256x512xbf16>
      %get3A_32 = arith.constant 0 : index
      %get3A_33 = arith.constant 0 : index
      %get3A_34 = vector.load %arg9[%get3A_32, %get3A_33] : memref<1024x512xbf16, #tpu.memory_space<vmem>>, vector<1024x512xbf16>
      %dot_general3A_35 = arith.constant dense<0.000000e+00> : vector<256x1024xf32>
      %dot_general3A_36 = tpu.matmul %convert_element_type3A_31, %get3A_34, %dot_general3A_35 {dimension_numbers = #tpu.dot_dimension_numbers<[1], [1], [0], [0], [0, 0, 1, 0], [], []>, transpose_lhs_hint = false} : vector<256x512xbf16>, vector<1024x512xbf16>, vector<256x1024xf32> -> vector<256x1024xf32>
      %swap3A = arith.constant 0 : index
      %swap3A_37 = arith.constant 0 : index
      %swap3A_38 = vector.load %arg6[%swap3A, %swap3A_37] : memref<256x1024xf32, #tpu.memory_space<vmem>>, vector<256x1024xf32>
      tpu.vector_store %arg6[%swap3A, %swap3A_37], %dot_general3A_36 {strides = array<i32>} : memref<256x1024xf32, #tpu.memory_space<vmem>>, vector<256x1024xf32>,
    } else {
    }
    return
  }
  func.func @transform_0(%arg0: i32, %arg1: memref<32xi32, #tpu.memory_space<smem>>) -> (i32, i32) {
    %c0_i32 = arith.constant 0 : i32
    %c0_i32_0 = arith.constant 0 : i32
    return %arg0, %c0_i32 : i32, i32
  }
  func.func @transform_1(%arg0: i32, %arg1: memref<32xi32, #tpu.memory_space<smem>>) -> (i32, i32, i32) {
    %get3A = arith.index_cast %arg0 : i32 to index
    %get3A_0 = memref.load %arg1[%get3A] : memref<32xi32, #tpu.memory_space<smem>>
    %c0_i32 = arith.constant 0 : i32
    %c0_i32_1 = arith.constant 0 : i32
    %c0_i32_2 = arith.constant 0 : i32
    return %get3A_0, %c0_i32, %c0_i32_1 : i32, i32, i32
  }
  func.func @transform_2(%arg0: i32, %arg1: memref<32xi32, #tpu.memory_space<smem>>) -> (i32, i32, i32) {
    %get3A = arith.index_cast %arg0 : i32 to index
    %get3A_0 = memref.load %arg1[%get3A] : memref<32xi32, #tpu.memory_space<smem>>
    %c0_i32 = arith.constant 0 : i32
    %c0_i32_1 = arith.constant 0 : i32
    %c0_i32_2 = arith.constant 0 : i32
    return %get3A_0, %c0_i32, %c0_i32_1 : i32, i32, i32
  }
  func.func @transform_3(%arg0: i32, %arg1: memref<32xi32, #tpu.memory_space<smem>>) -> (i32, i32, i32) {
    %get3A = arith.index_cast %arg0 : i32 to index
    %get3A_0 = memref.load %arg1[%get3A] : memref<32xi32, #tpu.memory_space<smem>>
    %c0_i32 = arith.constant 0 : i32
    %c0_i32_1 = arith.constant 0 : i32
    %c0_i32_2 = arith.constant 0 : i32
    return %get3A_0, %c0_i32, %c0_i32_1 : i32, i32, i32
  }
  func.func @transform_4(%arg0: i32, %arg1: memref<32xi32, #tpu.memory_space<smem>>) -> (i32, i32) {
    %c0_i32 = arith.constant 0 : i32
    %c0_i32_0 = arith.constant 0 : i32
    return %arg0, %c0_i32 : i32, i32
  }
}

</mosaic_0001>

<sc_bundles>
// kernel: kernel.5.cloned.1.call-start
scs
__scs_entry_jumppad:
0x0: {  	(pc) =	sbr.rel $0x88, $3  }
0x1: {  	(tag) =	ssettag $0x0;
	lr =	simm.s32 $0x1  }
0x2: {  	[smem:$0x3F9C] =	sst lr;
	_ =	strace $0xD0000000  }
0x3: {  	_ = 	snop  }
0x4: {  	_ = 	snop  }
0x5: {  	_ = 	snop  }
0x6: {  	_ = 	snop  }
0x7: {  	_ = 	snop  }
__scs_overlays_trampoline_lowered:
0x8: {  	[smem:$0x3FAB] =	sst s0  }
0x9: {  	[smem:$0x3FAC] =	sst s1  }
0xa: {  	[smem:$0x3FAD] =	sst s2  }
0xb: {  	[smem:$0x3FAE] =	sst s3  }
0xc: {  	[smem:$0x3FAF] =	sst s4  }
0xd: {  	[smem:$0x3FB0] =	sst s5  }
0xe: {  	[smem:$0x3FB1] =	sst s6  }
0xf: {  	[smem:$0x3FB2] =	sst s7  }
0x10: {  	[smem:$0x3FB3] =	sst s8  }
0x11: {  	[smem:$0x3FB4] =	sst s9;
	s0 =	simm.s32 @!p0 $0x0  }
0x12: {  	s1 =	sld [smem:$0x3F9A];
	s0 =	simm.s32 @p0 $0x1  }
0x13: {  	[smem:$0x3FB5] =	sst s0;
	s0 =	simm.s32 @!p1 $0x0  }
0x14: {  	s2 =	sld [smem:$0x3F99];
	s0 =	simm.s32 @p1 $0x1  }
0x15: {  	[smem:$0x3FB6] =	sst s0;
	s0 =	simm.s32 @!p2 $0x0  }
0x16: {  	s3 =	sld [smem:$0x3FDB];
	s0 =	simm.s32 @p2 $0x1  }
0x17: {  	s4 =	simm.s32 $0x1BF5;
	[smem:$0x3FB8] =	sst s0  }
0x18: {  	s0 =	sld [smem:$0x3F9B];
	_ =	swait.ge [sflag:s4], $0x0  }
0x19: {  	s7 =	sld [smem:$0x3F9C]  }
0x1a: {  	s8 =	sadd.s32 $0xFFFFE003, lr  }
0x1b: {  	s9 =	sadd.s32 $0xFFFFFEF7, lr;
	s5 =	simm.s32 $0xFFFFFFFF;
	p2 =	slt.u32 s8, $0xFFFFF086  }
0x1c: {  	p1 =	slt.u32 s9, $0xF7A;
	s5 =	simm.s32 @!p2 $0x0  }
0x1d: {  	s5 =	simm.s32 @p1 $0x1;
	p0 =	seq.s32 s7, s2  }
0x1e: {  	s7 =	smul.u32 @!p0 $0xF7A, s2;
	p2 =	seq.s32 @!p0 s5, $0x0  }
0x1f: {  	s9 =	smul.u32 $0xF7A, s1;
	s8 =	simm.s32 @!p0 $0x1BF5;
	p2 =	por !p2, p0  }
0x20: {  	[sflag:s8] =	ssyncset.s32 @!p0 $0xFFFFF086;
	s6 =	sadd.s32 @!p0 s3, s7;
	s7 =	simm.s32 @!p0 $0x108  }
0x21: {  	s3 =	sadd.s32 s3, s9;
	s6 =	sadd.s32 @!p0 $0x88, s6;
	s7 =	simm.s32 @p2 $0x1082  }
0x22: {  	[simem:s7], [sflag:s8] =	dma.local @!p0 [hbm:s6], $0xF7A  }
0x23: {  	s9 =	sor.u32 $0xD0000000, s2;
	s6 =	simm.s32 $0x108;
	_ =	swait.ge @!p0 [sflag:s8], $0x0  }
0x24: {  	s3 =	sadd.s32 $0x88, s3;
	s6 =	simm.s32 @!p1 $0x1082;
	[sflag:s4] =	ssyncset.s32 $0xFFFFF086  }
0x25: {  	[simem:s6], [sflag:s4] =	dma.local [hbm:s3], $0xF7A  }
0x26: {  	[smem:$0x3F9C] =	sst s1;
	(tag) =	ssettag s2;
	_ =	strace s9  }
0x27: {  	s1 =	sld [smem:$0x3FAC]  }
0x28: {  	s2 =	sld [smem:$0x3FAD]  }
0x29: {  	s4 =	sld [smem:$0x3FAF]  }
0x2a: {  	p0 =	seq.s32 s5, $0x0;
	s5 =	sld [smem:$0x3FB0]  }
0x2b: {  	s6 =	sld [smem:$0x3FB1]  }
0x2c: {  	s7 =	sld [smem:$0x3FB2]  }
0x2d: {  	s3 =	simm.s32 $0x108;
	s8 =	sld [smem:$0x3FB3]  }
0x2e: {  	s3 =	simm.s32 @!p0 $0x1082;
	s9 =	sld [smem:$0x3FB4]  }
0x2f: {  	lr =	sadd.s32 s0, s3;
	s0 =	sld [smem:$0x3FAB]  }
0x30: {  	s3 =	sld [smem:$0x3FAE]  }
0x31: {  	[smem:$0x3FB7] =	sst s10  }
0x32: {  	s10 =	sld [smem:$0x3FB5];
	_ =	sdelay $0x3  }
0x33: {  	p0 =	seq.s32 s10, $0x1;
	s10 =	sld [smem:$0x3FB7];
	_ =	sdelay $0x3  }
0x34: {  	[smem:$0x3FB7] =	sst s10  }
0x35: {  	s10 =	sld [smem:$0x3FB6];
	_ =	sdelay $0x3  }
0x36: {  	p1 =	seq.s32 s10, $0x1;
	s10 =	sld [smem:$0x3FB7];
	_ =	sdelay $0x3  }
0x37: {  	[smem:$0x3FB7] =	sst s10  }
0x38: {  	s10 =	sld [smem:$0x3FB8]  }
0x39: {  	_ = 	snop;
	(pc) =	sbr.ind lr, $3  }
0x3a: {  	_ = 	snop  }
0x3b: {  	_ = 	snop  }
0x3c: {  	p2 =	seq.s32 s10, $0x1;
	s10 =	sld [smem:$0x3FB7]  }
0x3d: {  	_ =	shalt  }
0x3e: {  	_ =	shalt  }
0x3f: {  	_ =	shalt  }
0x40: {  	_ =	shalt  }
0x41: {  	_ =	shalt  }
0x42: {  	_ =	shalt  }
0x43: {  	_ =	shalt  }
0x44: {  	_ =	shalt  }
0x45: {  	_ =	shalt  }
0x46: {  	_ =	shalt  }
0x47: {  	_ =	shalt  }
0x48: {  	_ =	shalt  }
0x49: {  	_ =	shalt  }
0x4a: {  	_ =	shalt  }
0x4b: {  	_ =	shalt  }
0x4c: {  	_ =	shalt  }
0x4d: {  	_ =	shalt  }
0x4e: {  	_ =	shalt  }
0x4f: {  	_ =	shalt  }
0x50: {  	_ =	shalt  }
0x51: {  	_ =	shalt  }
0x52: {  	_ =	shalt  }
0x53: {  	_ =	shalt  }
0x54: {  	_ =	shalt  }
0x55: {  	_ =	shalt  }
0x56: {  	_ =	shalt  }
0x57: {  	_ =	shalt  }
0x58: {  	_ =	shalt  }
0x59: {  	_ =	shalt  }
0x5a: {  	_ =	shalt  }
0x5b: {  	_ =	shalt  }
0x5c: {  	_ =	shalt  }
0x5d: {  	_ =	shalt  }
0x5e: {  	_ =	shalt  }
0x5f: {  	_ =	shalt  }
0x60: {  	_ =	shalt  }
0x61: {  	_ =	shalt  }
0x62: {  	_ =	shalt  }
0x63: {  	_ =	shalt  }
0x64: {  	_ =	shalt  }
0x65: {  	_ =	shalt  }
0x66: {  	_ =	shalt  }
0x67: {  	_ =	shalt  }
0x68: {  	_ =	shalt  }
0x69: {  	_ =	shalt  }
0x6a: {  	_ =	shalt  }
0x6b: {  	_ =	shalt  }
0x6c: {  	_ =	shalt  }
0x6d: {  	_ =	shalt  }
0x6e: {  	_ =	shalt  }
0x6f: {  	_ =	shalt  }
0x70: {  	_ =	shalt  }
0x71: {  	_ =	shalt  }
0x72: {  	_ =	shalt  }
0x73: {  	_ =	shalt  }
0x74: {  	_ =	shalt  }
0x75: {  	_ =	shalt  }
0x76: {  	_ =	shalt  }
0x77: {  	_ =	shalt  }
0x78: {  	_ =	shalt  }
0x79: {  	_ =	shalt  }
0x7a: {  	_ =	shalt  }
0x7b: {  	_ =	shalt  }
0x7c: {  	_ =	shalt  }
0x7d: {  	_ =	shalt  }
0x7e: {  	_ =	shalt  }
0x7f: {  	_ =	shalt  }
0x80: {  	_ =	shalt  }
0x81: {  	_ =	shalt  }
0x82: {  	_ =	shalt  }
0x83: {  	_ =	shalt  }
0x84: {  	_ =	shalt  }
0x85: {  	_ =	shalt  }
0x86: {  	_ =	shalt  }
0x87: {  	_ =	shalt  }
.Lfunc_end0:
.L_simem_size_0:
called_computation_lowered:
.L_overlay_start_0:
0x88: {  	s2 =	sld [smem:$0x3FD9]  }
0x89: {  	s3 =	sld [smem:$0x3FFE];
	_ =	sdelay $0x1  }
0x8a: {  	s1 =	srdreg.scid  }
0x8b: {  	s0 =	sand.u32 $0x1, s1  }
0x8c: {  	s17 =	sshll.u32 s0, $0xA;
	s2 =	sadd.s32 s3, s2  }
0x8d: {  	s2 =	sadd.s32 s2, s17  }
0x8e: {  	[smem:$0x3FC3] =	sst s2  }
0x8f: {  	_ = 	snop  }
0x90: {  	s2 =	sld [smem:$0x3FC9]  }
0x91: {  	s18 =	sld [smem:$0x3FD0];
	(tm) =	ssettm $0x1  }
0x92: {  	s4 =	sld [smem:$0x3FFB];
	_ =	sdelay $0x3  }
0x93: {  	_ =	strace s4  }
0x94: {  	s4 =	sld [smem:$0x3FFC];
	_ =	sdelay $0x3  }
0x95: {  	_ =	strace s4  }
0x96: {  	s4 =	sld [smem:$0x3FFD];
	_ =	sdelay $0x3  }
0x97: {  	_ =	strace s4  }
0x98: {  	_ =	strace $0x8FFFFFFF  }
0x99: {  	s19 =	sld [smem:$0x3FDB];
	_ =	sdelay $0x1  }
0x9a: {  	s5 =	simm.s32 $_scs_section_size  }
0x9b: {  	s6 =	simm.s32 $_size__tile_overlayer_lowered;
	s7 =	simm.s32 $_tile_overlayer_lowered  }
0x9c: {  	s22 =	simm.s32 $0x1BFF;
	s21 =	sshll.u32 s7, $0x1;
	s4 =	sadd.s32 s5, s19  }
0x9d: {  	s8 =	simm.s32 $0x0;
	s20 =	sshll.u32 s6, $0x1;
	s6 =	sadd.s32 s21, s4  }
0x9e: {  	[timem:s8], [sflag:s22] =	dma.local [hbm:s6], s20  }
0x9f: {  	_ =	swait.ge [sflag:s22], s20  }
0xa0: {  	s5 =	ssub.s32 $0x0, s20;
	[sflag:s22] =	ssyncset.done $0x0  }
0xa1: {  	[sflag:s22] =	ssyncadd.s32 s5;
	_ =	sdelay $0x1  }
0xa2: {  	s23 =	simm.s32 $0x1B8B  }
0xa3: {  	_ =	swait.ge [sflag:s23], $0x1  }
0xa4: {  	[sflag:s23] =	ssyncset.done $0x0  }
0xa5: {  	s25 =	simm.s32 $0x1B8E;
	s24 =	sld [smem:$0x3FFE];
	[sflag:s23] =	ssyncadd.s32 $0xFFFFFFFF  }
0xa6: {  	s26 =	simm.s32 $execute0_lowered;
	[smem:$0x3FD2] =	sst s25  }
0xa7: {  	s6 =	sshll.u32 s26, $0x1;
	_ =	strace $0x80000046;
	[dreg:$0x1] =	wrdreg $0xFFFFFFFF  }
0xa8: {  	s28 =	simm.s32 $_size_execute0_lowered;
	s4 =	sadd.s32 s4, s6;
	[dreg:$0x0] =	wrdreg $0x0  }
0xa9: {  	s6 =	sshll.u32 s28, $0x1;
	[dreg:$0x2] =	wrdreg s4  }
0xaa: {  	[dreg:$0x3] =	wrdreg s6  }
0xab: {  	[dreg:$0x4] =	wrdreg $0xC0  }
0xac: {  	_ =	task [dreg:s8], $0x5FFFF  }
0xad: {  	[dreg:$0x1] =	wrdreg $0xFFFFFFFF  }
0xae: {  	[dreg:$0x0] =	wrdreg $0x60  }
0xaf: {  	[dreg:$0x2] =	wrdreg s18  }
0xb0: {  	[dreg:$0x3] =	wrdreg s2  }
0xb1: {  	[dreg:$0x4] =	wrdreg s24  }
0xb2: {  	[dreg:$0x5] =	wrdreg $0x9  }
0xb3: {  	_ =	task.clear_ibuf [dreg:s8], $0x6FFFF;
	_ =	strace $0x90000046  }
0xb4: {  	s29 =	simm.s32 $0x9;
	_ =	strace $0x80000048  }
0xb5: {  	_ =	swait.ge [sflag:s29], $0x1  }
0xb6: {  	[sflag:s29] =	ssyncadd.s32 $0xFFFFFFFF  }
0xb7: {  	_ =	strace $0x90000048  }
0xb8: {  	_ =	sfence  }
0xb9: {  	s30 =	sld [smem:$0x0];
	_ =	sdelay $0x2  }
0xba: {  	s31 =	sshll.u32 s1, $0xD;
	s1 =	sshrl.u32 s1, $0x2  }
0xbb: {  	s3 =	sand.u32 $0x4000, s31;
	s1 =	sadd.s32 s1, s30  }
0xbc: {  	s0 =	sor.u32 s3, s0;
	s1 =	sshll.u32 s1, $0x11  }
0xbd: {  	s0 =	sor.u32 s1, s0  }
0xbe: {  	s0 =	sadd.s32 $0x8F2B, s0  }
0xbf: {  	[sflag:s0] =	ssyncadd.remote.s32 $0x1  }
0xc0: {  	_ =	sfence.sel $0xFFFF  }
0xc1: {  	[dreg:$0x0] =	wrdreg $0xFFFFFFFF;
	(pc) =	sbr.abs _section_cstart, $3  }
0xc2: {  	[dreg:$0x1] =	wrdreg $0xFFFFFFFF  }
0xc3: {  	_ =	task.clear_ibuf [dreg:s8], $0x2FFFF;
	_ =	strace $0x9FFFFFFF  }
0xc4: {  	(tm) =	ssettm $0x7FFFFFFF  }
0xc5: {  	_ =	shalt  }
tec
execute0_lowered:
.L_overlay_start_1:
0x0: {  	(tag) =	ssettag $0x1  }
0x1: {  	s0 =	rddreg [dreg:$0x1]  }
0x2: {  	s1 =	rddreg [dreg:$0x2];
	s3 =	simm.s32 $0x0;
	s2 =	srdreg.scid  }
0x3: {  	s4 =	stileid.u32;
	[smem:$0x7FF] =	sst s3;
	s31 =	sadd.s32 $0x1200, s1  }
0x4: {  	s8 =	sadd.s32 $0x1000, s1;
	_ =	strace $0x80000047;
	[dreg:$0x15] =	wrdreg s31  }
0x5: {  	s2 =	sand.u32 $0x1, s2;
	s24 =	sadd.s32 $0x1300, s1;
	[dreg:$0x4] =	wrdreg s8  }
0x6: {  	s4 =	sshll.u32 s4, $0x1;
	s25 =	sadd.s32 $0x1400, s1;
	[dreg:$0x16] =	wrdreg s24  }
0x7: {  	s26 =	sadd.s32 $0x1500, s1;
	s5 =	sor.u32 s2, s4;
	[dreg:$0x17] =	wrdreg s25  }
0x8: {  	[dreg:$0x18] =	wrdreg s26;
	s10 =	sshll.u32 s5, $0x6;
	s9 =	sshll.u32 s5, $0xD  }
0x9: {  	s28 =	simm.s32 $0xDA80;
	s0 =	sadd.s32 s0, s9;
	[dreg:$0x19] =	wrdreg s10  }
0xa: {  	s29 =	simm.s32 $0x10A80;
	s11 =	sor.u32 $0x800, s10;
	[dreg:$0x5] =	wrdreg s0  }
0xb: {  	s2 =	ssub.s32 $0x2, s2;
	s12 =	sor.u32 $0x1000, s10;
	[dreg:$0x6] =	wrdreg s11  }
0xc: {  	s26 =	simm.s32 $0xF280;
	s13 =	sor.u32 $0x1800, s10;
	[dreg:$0x7] =	wrdreg s12  }
0xd: {  	s25 =	simm.s32 $0x10280;
	s14 =	sor.u32 $0x2000, s10;
	[dreg:$0x8] =	wrdreg s13  }
0xe: {  	s6 =	sshll.u32 s5, $0x3;
	s15 =	sor.u32 $0x2800, s10;
	[dreg:$0x9] =	wrdreg s14  }
0xf: {  	s7 =	sshrl.u32 s2, $0x1;
	s16 =	sor.u32 $0x3000, s10;
	[dreg:$0xa] =	wrdreg s15  }
0x10: {  	p0 =	sne.s32 s5, $0x0;
	s17 =	sor.u32 $0x3800, s10;
	[dreg:$0xb] =	wrdreg s16  }
0x11: {  	s4 =	sadd.s32 s6, s1;
	s18 =	sor.u32 $0x10, s10;
	[dreg:$0xc] =	wrdreg s17  }
0x12: {  	s2 =	ssub.s32 s2, s7;
	s19 =	sor.u32 $0x20, s10;
	[dreg:$0x12] =	wrdreg s18  }
0x13: {  	s6 =	sshll.u32 s5, $0x2;
	s31 =	sor.u32 $0x30, s10;
	[dreg:$0x13] =	wrdreg s19  }
0x14: {  	s20 =	sadd.s32 $0xC1200, s4;
	s21 =	sadd.s32 $0xC1400, s4;
	[dreg:$0x14] =	wrdreg s31  }
0x15: {  	v0 =	vimm.s32 $0x0;
	vm0 =	vmmov $0x1;
	s22 =	sadd.s32 $0xC1600, s4;
	s23 =	sadd.s32 $0xC1800, s4;
	[dreg:$0xd] =	wrdreg s20  }
0x16: {  	v1 =	vlaneseq.u32;
	vm1 =	vmmov $0xffff;
	v4 =	vimm.s32 $0x0;
	s30 =	smax.u32 s2, $0x1;
	s0 =	simm.s32 $0x5280;
	[dreg:$0xe] =	wrdreg s21  }
0x17: {  	vm7 =	vcmask $0x1B20;
	v3 =	vmul.u32 $0x100, v1;
	v4 =	vsel vm1, $0xFFFFFFFF, v4;
	s2 =	simm.s32 $0x3;
	s4 =	simm.s32 $0x0;
	[dreg:$0xf] =	wrdreg s22  }
0x18: {  	v5 =	vshrl.u32 v1, $0x3;
	v6 =	vor.u32 $0x8, v1;
	[tilespmem:$0x1FFF0] =	vst v4;
	v4 =	vand.u32 $0x7, v1;
	s12 =	simm.s32 $0xC280;
	s13 =	simm.s32 $0xD280;
	[dreg:$0x10] =	wrdreg s23  }
0x19: {  	v5 =	vmul.u32 $0x8, v5;
	v2 =	vor.u32 $0x1, v3;
	v3 =	vor.u32 $0x1001, v3;
	s16 =	simm.s32 $0xE280;
	s17 =	simm.s32 $0xEA80;
	[dreg:$0x11] =	wrdreg s30  }
.LBB2_1:
0x1a: {  	[dreg:$0x1a] =	wrdreg s4  }
0x1b: {  	s5 =	rddreg [dreg:$0x5]  }
0x1c: {  	[tilespmem:s0], [sflag:$0x2] =	stream.linear.gather [hbm4b:s5+s3], $0x10000, $0x38;
	[tilespmem:$0x15280] =	vst v63  }
0x1d: {  	s30 =	rddreg [dreg:$0x0]  }
0x1e: {  	[tilespmem:s3], [sflag:$0x3] =	stream.linear.gather [hbm4b:s30+s3], $0x4000, $0x38;
	[tilespmem:$0x15280] =	vst v63  }
0x1f: {  	_ =	swait.ge [sflag:s2], $0x4000  }
0x20: {  	[sflag:s2] =	ssyncset.done $0x0  }
0x21: {  	[sflag:s2] =	ssyncadd.s32 $0xFFFFC000  }
0x22: {  	s31 =	sand.u32 $0x7F0, s3;
	v7 =	vld [tilespmem:s3+$0x0]  }
0x23: {  	v8 =	vld [tilespmem:s31+$0x800]  }
0x24: {  	v9 =	vld [tilespmem:s31+$0x1000]  }
0x25: {  	v10 =	vld [tilespmem:s31+$0x1800]  }
0x26: {  	v11 =	vld [tilespmem:s31+$0x2000]  }
0x27: {  	v12 =	vld [tilespmem:s31+$0x2800]  }
0x28: {  	v13 =	vld [tilespmem:s31+$0x3000];
	v14 =	vmax.f32 v7, v8  }
0x29: {  	v15 =	vld [tilespmem:s31+$0x3800];
	v14 =	vmax.f32 v14, v9  }
0x2a: {  	v14 =	vmax.f32 v14, v10  }
0x2b: {  	v14 =	vmax.f32 v14, v11  }
0x2c: {  	v14 =	vmax.f32 v14, v12  }
0x2d: {  	v14 =	vmax.f32 v14, v13  }
0x2e: {  	v14 =	vmax.f32 v14, v15  }
0x2f: {  	vm1 =	vne.f32 v7, v14;
	vm8 =	veq.f32 v8, v14  }
0x30: {  	vm8 =	vmand vm8, vm1  }
0x31: {  	vm9 =	veq.f32 v9, v14;
	v16 =	vsel vm1, $0xFFFFFFFF, v0;
	vm1 =	vmxor vm1, vm8  }
0x32: {  	v16 =	vsel vm8, $0x1, v16;
	vm1 =	vmand vm9, vm1  }
0x33: {  	v16 =	vsel vm1, $0x2, v16  }
0x34: {  	vm1 =	veq.f32 v10, v14;
	vm8 =	vlt.s32 v16, $0x0  }
0x35: {  	vm1 =	vmand vm1, vm8  }
0x36: {  	v16 =	vsel vm1, $0x3, v16  }
0x37: {  	vm1 =	veq.f32 v11, v14;
	vm8 =	vlt.s32 v16, $0x0  }
0x38: {  	vm1 =	vmand vm1, vm8  }
0x39: {  	v16 =	vsel vm1, $0x4, v16  }
0x3a: {  	vm1 =	veq.f32 v12, v14;
	vm8 =	vlt.s32 v16, $0x0  }
0x3b: {  	vm1 =	vmand vm1, vm8  }
0x3c: {  	v16 =	vsel vm1, $0x5, v16  }
0x3d: {  	vm1 =	veq.f32 v13, v14;
	vm8 =	vlt.s32 v16, $0x0  }
0x3e: {  	vm1 =	vmand vm1, vm8  }
0x3f: {  	v16 =	vsel vm1, $0x6, v16  }
0x40: {  	vm1 =	veq.f32 v15, v14;
	vm8 =	vlt.s32 v16, $0x0  }
0x41: {  	vm10 =	vmand vm1, vm8  }
0x42: {  	v14 =	vsel vm10, $0x7, v16  }
0x43: {  	vm2 =	veq.s32 v14, $0x0  }
0x44: {  	vm3 =	veq.s32 v14, $0x1;
	v7 =	vsel vm2, $0xFF61B1E6, v7  }
0x45: {  	vm12 =	veq.s32 v14, $0x2;
	v8 =	vsel vm3, $0xFF61B1E6, v8;
	v16 =	vmax.f32 v7, $-3.000000010e+38  }
0x46: {  	vm13 =	veq.s32 v14, $0x3;
	v9 =	vsel vm12, $0xFF61B1E6, v9;
	v16 =	vmax.f32 v16, v8  }
0x47: {  	vm11 =	veq.s32 v14, $0x4;
	v10 =	vsel vm13, $0xFF61B1E6, v10;
	v16 =	vmax.f32 v16, v9  }
0x48: {  	vm14 =	veq.s32 v14, $0x5;
	v11 =	vsel vm11, $0xFF61B1E6, v11;
	v16 =	vmax.f32 v16, v10  }
0x49: {  	vm15 =	veq.s32 v14, $0x6;
	v12 =	vsel vm14, $0xFF61B1E6, v12;
	v16 =	vmax.f32 v16, v11  }
0x4a: {  	v13 =	vsel vm15, $0xFF61B1E6, v13;
	v16 =	vmax.f32 v16, v12  }
0x4b: {  	v15 =	vsel vm10, $0xFF61B1E6, v15;
	v16 =	vmax.f32 v16, v13  }
0x4c: {  	v16 =	vmax.f32 v16, v15  }
0x4d: {  	vm1 =	vne.f32 v7, v16;
	vm8 =	veq.f32 v8, v16  }
0x4e: {  	vm8 =	vmand vm8, vm1  }
0x4f: {  	vm9 =	veq.f32 v9, v16;
	v7 =	vsel vm1, $0xFFFFFFFF, v0;
	vm1 =	vmxor vm1, vm8  }
0x50: {  	v7 =	vsel vm8, $0x1, v7;
	vm1 =	vmand vm9, vm1  }
0x51: {  	v7 =	vsel vm1, $0x2, v7  }
0x52: {  	vm1 =	veq.f32 v10, v16;
	vm8 =	vlt.s32 v7, $0x0  }
0x53: {  	vm1 =	vmand vm1, vm8  }
0x54: {  	v7 =	vsel vm1, $0x3, v7  }
0x55: {  	vm1 =	veq.f32 v11, v16;
	vm8 =	vlt.s32 v7, $0x0  }
0x56: {  	vm1 =	vmand vm1, vm8  }
0x57: {  	v7 =	vsel vm1, $0x4, v7  }
0x58: {  	vm1 =	veq.f32 v12, v16;
	vm8 =	vlt.s32 v7, $0x0  }
0x59: {  	vm1 =	vmand vm1, vm8  }
0x5a: {  	v7 =	vsel vm1, $0x5, v7  }
0x5b: {  	vm1 =	veq.f32 v13, v16;
	vm8 =	vlt.s32 v7, $0x0  }
0x5c: {  	vm1 =	vmand vm1, vm8  }
0x5d: {  	v7 =	vsel vm1, $0x6, v7  }
0x5e: {  	v18 =	vmpcnt.ones.xlane vm15;
	vm1 =	veq.f32 v15, v16;
	vm8 =	vlt.s32 v7, $0x0  }
0x5f: {  	s5 =	simm.s32 $0x4000;
	v19 =	vmpcnt.ones.xlane vm14;
	v17 =	vmpcnt.ones.xlane vm3;
	vm1 =	vmand vm1, vm8  }
0x60: {  	[tilespmem:s5+$0x0] =	vst v14;
	v20 =	vmpcnt.ones.xlane vm11;
	v14 =	vmpcnt.ones.xlane vm2;
	v7 =	vsel vm1, $0x7, v7  }
0x61: {  	s14 =	simm.s32 $0x4800;
	v8 =	vmpcnt.ones.xlane vm12;
	v12 =	vmpcnt.ones.xlane vm1;
	vm1 =	veq.s32 v7, $0x0  }
0x62: {  	s9 =	simm.s32 $0x10;
	v16 =	vmpcnt.ones.xlane vm13;
	[tilespmem:s14+$0x0] =	vst v7;
	vm8 =	veq.s32 v7, $0x1;
	v15 =	vmpcnt.ones.xlane vm1  }
0x63: {  	s8 =	sand.u32 $0x7F0, s9;
	v10 =	vld [tilespmem:s9+$0x0];
	vm1 =	veq.s32 v7, $0x3;
	v21 =	vmpcnt.ones.xlane vm8;
	vm8 =	veq.s32 v7, $0x4  }
0x64: {  	v11 =	vld [tilespmem:s8+$0x800];
	v22 =	vmpcnt.ones.xlane vm1;
	vm1 =	veq.s32 v7, $0x2;
	v23 =	vmpcnt.ones.xlane vm8  }
0x65: {  	v13 =	vld [tilespmem:s8+$0x1000];
	v24 =	vmpcnt.ones.xlane vm1;
	vm1 =	veq.s32 v7, $0x5;
	v17 =	vadd.s32 v17, v21  }
0x66: {  	v25 =	vmpcnt.ones.xlane vm1;
	vm1 =	veq.s32 v7, $0x6;
	v7 =	vadd.s32 v14, v15;
	v15 =	vld [tilespmem:s8+$0x1800]  }
0x67: {  	v14 =	vld [tilespmem:s8+$0x2000];
	v20 =	vadd.s32 v20, v23;
	v26 =	vmpcnt.ones.xlane vm1;
	vm1 =	vcmask $0x308  }
0x68: {  	v21 =	vsel vm1, $0x0, v17;
	v17 =	vadd.s32 v16, v22;
	v16 =	vld [tilespmem:s8+$0x2800];
	vm1 =	vcmask $0xB10  }
0x69: {  	v7 =	vnsel vm0, $0x0, v7;
	v23 =	vmax.f32 v10, v11;
	v22 =	vsel vm1, $0x0, v17;
	v17 =	vld [tilespmem:s8+$0x3000]  }
0x6a: {  	v8 =	vadd.s32 v8, v24;
	vm1 =	vcmask $0x70C;
	v23 =	vmax.f32 v23, v13  }
0x6b: {  	v7 =	vadd.s32 v7, v21;
	v8 =	vsel vm1, $0x0, v8;
	v21 =	vmax.f32 v23, v15  }
0x6c: {  	v7 =	vadd.s32 v8, v7;
	v8 =	vadd.s32 v19, v25;
	v19 =	vmax.f32 v21, v14  }
0x6d: {  	v19 =	vmax.f32 v19, v16  }
0x6e: {  	vm1 =	vcmask $0xF14;
	v21 =	vadd.s32 v18, v26;
	v18 =	vmax.f32 v19, v17;
	v19 =	vld [tilespmem:s8+$0x3800]  }
0x6f: {  	v20 =	vsel vm1, $0x0, v20;
	vm1 =	vcmask $0x1318  }
0x70: {  	v7 =	vadd.s32 v22, v7;
	v8 =	vsel vm1, $0x0, v8;
	vm1 =	vcmask $0x171C  }
0x71: {  	s15 =	simm.s32 $0x1;
	v9 =	vmpcnt.ones.xlane vm10;
	v7 =	vadd.s32 v20, v7;
	v21 =	vsel vm1, $0x0, v21  }
0x72: {  	s10 =	simm.s32 $0x2;
	s18 =	simm.s32 $0x10;
	v20 =	vadd.s32 v8, v7;
	s8 =	simm.s32 $0x0;
	v8 =	vimm.s32 $0x0;
	v7 =	vimm.s32 $0x0  }
.LBB2_2:
0x73: {  	v18 =	vmax.f32 v18, v19  }
0x74: {  	v9 =	vadd.s32 v9, v12;
	vm1 =	vne.f32 v10, v18;
	vm8 =	veq.f32 v11, v18  }
0x75: {  	p1 =	sne.s32 s10, $0x7F;
	v20 =	vadd.s32 v21, v20;
	s5 =	sadd.s32 $0x10, s5;
	s14 =	sadd.s32 $0x10, s14;
	v9 =	vsel vm7, $0x0, v9;
	vm8 =	vmand vm8, vm1  }
0x76: {  	s11 =	smov.u32 s10;
	s10 =	sadd.s32 $0x1, s10;
	vm9 =	veq.f32 v13, v18;
	v12 =	vsel vm1, $0xFFFFFFFF, v0;
	vm1 =	vmxor vm1, vm8  }
0x77: {  	p2 =	slt.u32 s8, s6;
	s8 =	smov.u32 s15;
	s15 =	smov.u32 s11;
	v9 =	vadd.s32 v9, v20;
	v12 =	vsel vm8, $0x1, v12;
	vm1 =	vmand vm9, vm1  }
0x78: {  	v8 =	vadd.s32 v8, v9;
	v12 =	vsel vm1, $0x2, v12  }
0x79: {  	v9 =	vpsel !p2, $0x0, v9;
	vm1 =	veq.f32 v15, v18;
	vm8 =	vlt.s32 v12, $0x0  }
0x7a: {  	v7 =	vadd.s32 v7, v9;
	vm1 =	vmand vm1, vm8  }
0x7b: {  	vm10 =	veq.f32 v16, v18;
	vm9 =	veq.f32 v14, v18;
	v9 =	vsel vm1, $0x3, v12  }
0x7c: {  	vm11 =	veq.f32 v19, v18;
	vm8 =	veq.f32 v17, v18;
	vm1 =	vlt.s32 v9, $0x0  }
0x7d: {  	vm1 =	vmand vm9, vm1  }
0x7e: {  	v9 =	vsel vm1, $0x4, v9  }
0x7f: {  	vm1 =	vlt.s32 v9, $0x0  }
0x80: {  	vm1 =	vmand vm10, vm1  }
0x81: {  	v9 =	vsel vm1, $0x5, v9  }
0x82: {  	vm1 =	vlt.s32 v9, $0x0  }
0x83: {  	vm1 =	vmand vm8, vm1  }
0x84: {  	v9 =	vsel vm1, $0x6, v9  }
0x85: {  	vm1 =	vlt.s32 v9, $0x0  }
0x86: {  	vm10 =	vmand vm11, vm1  }
0x87: {  	v9 =	vsel vm10, $0x7, v9  }
0x88: {  	vm8 =	veq.s32 v9, $0x0  }
0x89: {  	v12 =	vsel vm10, $0xFF61B1E6, v19;
	vm9 =	veq.s32 v9, $0x1;
	v10 =	vsel vm8, $0xFF61B1E6, v10  }
0x8a: {  	vm11 =	veq.s32 v9, $0x2;
	[tilespmem:s5+$0x0] =	vst v9;
	v11 =	vsel vm9, $0xFF61B1E6, v11;
	v18 =	vmax.f32 v10, $-3.000000010e+38  }
0x8b: {  	vm12 =	veq.s32 v9, $0x3;
	v13 =	vsel vm11, $0xFF61B1E6, v13;
	v18 =	vmax.f32 v18, v11  }
0x8c: {  	vm13 =	veq.s32 v9, $0x4;
	v15 =	vsel vm12, $0xFF61B1E6, v15;
	v18 =	vmax.f32 v18, v13  }
0x8d: {  	vm14 =	veq.s32 v9, $0x5;
	v14 =	vsel vm13, $0xFF61B1E6, v14;
	v18 =	vmax.f32 v18, v15  }
0x8e: {  	vm15 =	veq.s32 v9, $0x6;
	v16 =	vsel vm14, $0xFF61B1E6, v16;
	v9 =	vmax.f32 v18, v14  }
0x8f: {  	v17 =	vsel vm15, $0xFF61B1E6, v17;
	v9 =	vmax.f32 v9, v16  }
0x90: {  	v9 =	vmax.f32 v9, v17  }
0x91: {  	v9 =	vmax.f32 v9, v12  }
0x92: {  	vm1 =	vne.f32 v10, v9;
	vm2 =	veq.f32 v11, v9  }
0x93: {  	vm2 =	vmand vm2, vm1  }
0x94: {  	vm3 =	veq.f32 v13, v9;
	v10 =	vsel vm1, $0xFFFFFFFF, v0;
	vm1 =	vmxor vm1, vm2  }
0x95: {  	vm4 =	veq.f32 v15, v9;
	v10 =	vsel vm2, $0x1, v10;
	vm1 =	vmand vm3, vm1  }
0x96: {  	vm2 =	veq.f32 v14, v9;
	v10 =	vsel vm1, $0x2, v10  }
0x97: {  	vm5 =	veq.f32 v17, v9;
	vm3 =	veq.f32 v16, v9;
	vm6 =	vlt.s32 v10, $0x0  }
0x98: {  	vm1 =	veq.f32 v12, v9;
	vm4 =	vmand vm4, vm6  }
0x99: {  	v9 =	vsel vm4, $0x3, v10  }
0x9a: {  	vm4 =	vlt.s32 v9, $0x0  }
0x9b: {  	vm2 =	vmand vm2, vm4  }
0x9c: {  	v9 =	vsel vm2, $0x4, v9  }
0x9d: {  	vm2 =	vlt.s32 v9, $0x0  }
0x9e: {  	vm2 =	vmand vm3, vm2  }
0x9f: {  	v10 =	vsel vm2, $0x5, v9  }
0xa0: {  	vm2 =	vlt.s32 v10, $0x0  }
0xa1: {  	v20 =	vmpcnt.ones.xlane vm14;
	vm2 =	vmand vm5, vm2  }
0xa2: {  	v19 =	vmpcnt.ones.xlane vm13;
	v21 =	vmpcnt.ones.xlane vm8;
	v10 =	vsel vm2, $0x6, v10  }
0xa3: {  	v18 =	vmpcnt.ones.xlane vm15;
	v9 =	vmpcnt.ones.xlane vm10;
	vm2 =	vlt.s32 v10, $0x0  }
0xa4: {  	v17 =	vmpcnt.ones.xlane vm11;
	v14 =	vmpcnt.ones.xlane vm9;
	vm1 =	vmand vm1, vm2  }
0xa5: {  	v16 =	vmpcnt.ones.xlane vm12;
	v15 =	vsel vm1, $0x7, v10;
	v12 =	vmpcnt.ones.xlane vm1  }
0xa6: {  	vm1 =	veq.s32 v15, $0x0;
	vm2 =	veq.s32 v15, $0x1;
	vm8 =	veq.s32 v15, $0x6  }
0xa7: {  	vm3 =	veq.s32 v15, $0x4;
	v22 =	vmpcnt.ones.xlane vm1;
	vm1 =	veq.s32 v15, $0x3  }
0xa8: {  	s9 =	sadd.s32 $0x10, s9;
	s18 =	sadd.s32 $0x10, s18;
	[tilespmem:s14+$0x0] =	vst v15;
	v23 =	vmpcnt.ones.xlane vm2;
	vm2 =	veq.s32 v15, $0x2;
	v24 =	vmpcnt.ones.xlane vm1  }
0xa9: {  	s11 =	sand.u32 $0x7F0, s9;
	v10 =	vld [tilespmem:s18+$0x0];
	vm1 =	veq.s32 v15, $0x5;
	v25 =	vmpcnt.ones.xlane vm2;
	vm2 =	vcmask $0x308  }
0xaa: {  	v11 =	vld [tilespmem:s11+$0x800];
	v21 =	vadd.s32 v21, v22;
	v22 =	vmpcnt.ones.xlane vm3;
	v23 =	vadd.s32 v14, v23  }
0xab: {  	v13 =	vld [tilespmem:s11+$0x1000];
	v26 =	vmpcnt.ones.xlane vm1;
	vm1 =	vcmask $0xB10;
	v21 =	vnsel vm0, $0x0, v21  }
0xac: {  	v15 =	vld [tilespmem:s11+$0x1800];
	v23 =	vsel vm2, $0x0, v23;
	v24 =	vadd.s32 v16, v24;
	v25 =	vadd.s32 v17, v25  }
0xad: {  	v14 =	vld [tilespmem:s11+$0x2000];
	v24 =	vsel vm1, $0x0, v24;
	v19 =	vadd.s32 v19, v22;
	vm1 =	vcmask $0x70C  }
0xae: {  	v21 =	vadd.s32 v21, v23;
	v16 =	vld [tilespmem:s11+$0x2800];
	v25 =	vsel vm1, $0x0, v25;
	vm1 =	vcmask $0xF14  }
0xaf: {  	v23 =	vmpcnt.ones.xlane vm8;
	v17 =	vld [tilespmem:s11+$0x3000];
	v22 =	vmax.f32 v10, v11;
	v27 =	vsel vm1, $0x0, v19  }
.Ltmp0:
0xb0: {  	v20 =	vadd.s32 v20, v26;
	v21 =	vadd.s32 v25, v21;
	v19 =	vld [tilespmem:s11+$0x3800];
	v22 =	vmax.f32 v22, v13;
	(pc) =	sbr.rel @p1 .LBB2_2-.Ltmp0, $4  }
0xb1: {  	vm1 =	vcmask $0x1318;
	v23 =	vadd.s32 v18, v23;
	v22 =	vmax.f32 v22, v15  }
0xb2: {  	v21 =	vadd.s32 v24, v21;
	v20 =	vsel vm1, $0x0, v20;
	v22 =	vmax.f32 v22, v14  }
0xb3: {  	vm1 =	vcmask $0x171C;
	v21 =	vadd.s32 v27, v21;
	v22 =	vmax.f32 v22, v16  }
0xb4: {  	v20 =	vadd.s32 v20, v21;
	v21 =	vsel vm1, $0x0, v23;
	v18 =	vmax.f32 v22, v17  }
0xb5: {  	v18 =	vmax.f32 v18, v19  }
0xb6: {  	vm1 =	vne.f32 v10, v18;
	vm2 =	veq.f32 v11, v18  }
0xb7: {  	vm2 =	vmand vm2, vm1  }
0xb8: {  	vm3 =	veq.f32 v13, v18;
	v22 =	vsel vm1, $0xFFFFFFFF, v0;
	vm1 =	vmxor vm1, vm2  }
0xb9: {  	v22 =	vsel vm2, $0x1, v22;
	vm1 =	vmand vm3, vm1  }
0xba: {  	v22 =	vsel vm1, $0x2, v22  }
0xbb: {  	vm1 =	veq.f32 v15, v18;
	vm2 =	vlt.s32 v22, $0x0  }
0xbc: {  	vm1 =	vmand vm1, vm2  }
0xbd: {  	v22 =	vsel vm1, $0x3, v22  }
0xbe: {  	vm1 =	veq.f32 v14, v18;
	vm2 =	vlt.s32 v22, $0x0  }
0xbf: {  	vm1 =	vmand vm1, vm2  }
0xc0: {  	v22 =	vsel vm1, $0x4, v22  }
0xc1: {  	vm1 =	veq.f32 v16, v18;
	vm2 =	vlt.s32 v22, $0x0  }
0xc2: {  	vm1 =	vmand vm1, vm2  }
0xc3: {  	v22 =	vsel vm1, $0x5, v22  }
0xc4: {  	vm1 =	veq.f32 v17, v18;
	vm2 =	vlt.s32 v22, $0x0  }
0xc5: {  	vm1 =	vmand vm1, vm2  }
0xc6: {  	v22 =	vsel vm1, $0x6, v22  }
0xc7: {  	vm1 =	veq.f32 v19, v18;
	vm2 =	vlt.s32 v22, $0x0  }
0xc8: {  	vm10 =	vmand vm1, vm2  }
0xc9: {  	v18 =	vsel vm10, $0x7, v22  }
0xca: {  	vm8 =	veq.s32 v18, $0x0  }
0xcb: {  	vm9 =	veq.s32 v18, $0x1;
	v27 =	vsel vm8, $0xFF61B1E6, v10  }
0xcc: {  	vm11 =	veq.s32 v18, $0x2;
	v29 =	vsel vm9, $0xFF61B1E6, v11;
	v28 =	vmax.f32 v27, $-3.000000010e+38  }
0xcd: {  	vm13 =	veq.s32 v18, $0x3;
	v30 =	vsel vm11, $0xFF61B1E6, v13;
	v22 =	vmax.f32 v28, v29  }
0xce: {  	vm12 =	veq.s32 v18, $0x4;
	v31 =	vsel vm13, $0xFF61B1E6, v15;
	v22 =	vmax.f32 v22, v30  }
0xcf: {  	vm14 =	veq.s32 v18, $0x5;
	v32 =	vsel vm12, $0xFF61B1E6, v14;
	v22 =	vmax.f32 v22, v31  }
0xd0: {  	vm15 =	veq.s32 v18, $0x6;
	v33 =	vsel vm14, $0xFF61B1E6, v16;
	v22 =	vmax.f32 v22, v32  }
0xd1: {  	v34 =	vsel vm15, $0xFF61B1E6, v17;
	v22 =	vmax.f32 v22, v33  }
0xd2: {  	v35 =	vsel vm10, $0xFF61B1E6, v19;
	v22 =	vmax.f32 v22, v34  }
0xd3: {  	v22 =	vmax.f32 v22, v35  }
0xd4: {  	vm1 =	vne.f32 v27, v22;
	vm2 =	veq.f32 v29, v22  }
0xd5: {  	vm2 =	vmand vm2, vm1  }
0xd6: {  	vm3 =	veq.f32 v30, v22;
	v10 =	vsel vm1, $0xFFFFFFFF, v0;
	vm1 =	vmxor vm1, vm2  }
0xd7: {  	v10 =	vsel vm2, $0x1, v10;
	vm1 =	vmand vm3, vm1  }
0xd8: {  	v10 =	vsel vm1, $0x2, v10  }
0xd9: {  	vm1 =	veq.f32 v31, v22;
	vm2 =	vlt.s32 v10, $0x0  }
0xda: {  	vm1 =	vmand vm1, vm2  }
0xdb: {  	v10 =	vsel vm1, $0x3, v10  }
0xdc: {  	vm1 =	veq.f32 v32, v22;
	vm2 =	vlt.s32 v10, $0x0  }
0xdd: {  	vm1 =	vmand vm1, vm2  }
0xde: {  	v10 =	vsel vm1, $0x4, v10  }
0xdf: {  	vm1 =	veq.f32 v33, v22;
	vm2 =	vlt.s32 v10, $0x0  }
0xe0: {  	vm1 =	vmand vm1, vm2  }
0xe1: {  	v10 =	vsel vm1, $0x5, v10  }
0xe2: {  	v9 =	vadd.s32 v9, v12;
	vm1 =	veq.f32 v34, v22;
	vm2 =	vlt.s32 v10, $0x0  }
0xe3: {  	v36 =	vadd.s32 v21, v20;
	v12 =	vsel vm7, $0x0, v9;
	vm1 =	vmand vm1, vm2  }
0xe4: {  	v37 =	vmpcnt.ones.xlane vm10;
	v39 =	vmpcnt.ones.xlane vm11;
	v38 =	vsel vm1, $0x6, v10  }
0xe5: {  	v40 =	vmpcnt.ones.xlane vm15;
	vm2 =	veq.f32 v35, v22;
	vm1 =	vlt.s32 v38, $0x0  }
0xe6: {  	v41 =	vmpcnt.ones.xlane vm13;
	v42 =	vmpcnt.ones.xlane vm14;
	vm1 =	vmand vm2, vm1  }
0xe7: {  	v43 =	vmpcnt.ones.xlane vm9;
	v44 =	vmpcnt.ones.xlane vm12;
	v9 =	vsel vm1, $0x7, v38  }
0xe8: {  	v45 =	vmpcnt.ones.xlane vm8;
	v46 =	vmpcnt.ones.xlane vm1;
	vm1 =	veq.s32 v9, $0x0  }
0xe9: {  	vm2 =	veq.s32 v9, $0x1;
	vm3 =	veq.s32 v9, $0x6;
	vm4 =	veq.s32 v9, $0x4  }
0xea: {  	v47 =	vmpcnt.ones.xlane vm1;
	vm1 =	veq.s32 v9, $0x3;
	v23 =	vmpcnt.ones.xlane vm2  }
0xeb: {  	vm2 =	veq.s32 v9, $0x2;
	v48 =	vmpcnt.ones.xlane vm4;
	v51 =	vmpcnt.ones.xlane vm3  }
0xec: {  	v24 =	vmpcnt.ones.xlane vm1;
	v49 =	vmpcnt.ones.xlane vm2;
	vm1 =	veq.s32 v9, $0x5  }
0xed: {  	vm2 =	vcmask $0x308;
	v20 =	vadd.s32 v45, v47;
	v17 =	vadd.s32 v43, v23  }
0xee: {  	v50 =	vmpcnt.ones.xlane vm1;
	vm1 =	vcmask $0xB10;
	v19 =	vadd.s32 v44, v48  }
0xef: {  	v20 =	vnsel vm0, $0x0, v20;
	v17 =	vsel vm2, $0x0, v17;
	v15 =	vadd.s32 v41, v24  }
0xf0: {  	v10 =	vadd.s32 v39, v49;
	v15 =	vsel vm1, $0x0, v15;
	vm1 =	vcmask $0x70C  }
0xf1: {  	v14 =	vadd.s32 v40, v51;
	v17 =	vadd.s32 v20, v17;
	v10 =	vsel vm1, $0x0, v10  }
0xf2: {  	v16 =	vadd.s32 v42, v50;
	vm1 =	vcmask $0xF14;
	v10 =	vadd.s32 v10, v17  }
0xf3: {  	v19 =	vsel vm1, $0x0, v19;
	vm1 =	vcmask $0x1318;
	v10 =	vadd.s32 v15, v10  }
0xf4: {  	v52 =	vsel vm1, $0x0, v16;
	vm1 =	vcmask $0x171C;
	v10 =	vadd.s32 v19, v10  }
0xf5: {  	v13 =	vadd.s32 v37, v46;
	v14 =	vsel vm1, $0x0, v14;
	v10 =	vadd.s32 v52, v10  }
0xf6: {  	v11 =	vadd.s32 v12, v36;
	v53 =	vsel vm7, $0x0, v13;
	v10 =	vadd.s32 v14, v10  }
0xf7: {  	v8 =	vadd.s32 v8, v11;
	v10 =	vadd.s32 v53, v10  }
0xf8: {  	v8 =	vadd.s32 v8, v10  }
0xf9: {  	(v2sf) =	vpush v8, $0x0;
	_ =	sdelay $0x1  }
0xfa: {  	(v2sf) =	vpush v8, $0x1;
	_ =	sdelay $0x1  }
0xfb: {  	(v2sf) =	vpush v8, $0x2  }
0xfc: {  	(v2sf) =	vpush v8, $0x3;
	_ =	sdelay $0x5  }
0xfd: {  	(v2sf) =	vpush v8, $0x4;
	_ =	sdelay $0x1  }
0xfe: {  	(v2sf) =	vpush v8, $0x5;
	_ =	sdelay $0x1  }
0xff: {  	s9 =	spop (v2sf)  }
0x100: {  	(v2sf) =	vpush v8, $0x6;
	s9 =	sadd.s32 $0xFF, s9  }
0x101: {  	s10 =	spop (v2sf);
	s11 =	sor.u32 $0xFF, s9  }
0x102: {  	s10 =	sadd.s32 s11, s10  }
0x103: {  	s20 =	spop (v2sf);
	s18 =	sor.u32 $0xFF, s10  }
0x104: {  	s19 =	spop (v2sf);
	(v2sf) =	vpush v8, $0x7;
	s11 =	sadd.s32 s18, s20;
	s20 =	sand.u32 $0xFFFFFF00, s9  }
0x105: {  	s18 =	sand.u32 $0xFFFFFF00, s10;
	v8 =	vmov s20  }
0x106: {  	s9 =	sand.u32 $0xFFFFFF00, s11;
	v54 =	vmov s18;
	vm1 =	vlt.s32 v8, v2  }
0x107: {  	s30 =	sor.u32 $0xFF, s11;
	vm2 =	vlt.s32 v54, v2;
	v55 =	vmov s9;
	vm3 =	vlt.s32 v54, v3  }
0x108: {  	s21 =	sadd.s32 s30, s19;
	v56 =	vsel vm1, $0x1, v0;
	v57 =	vsel vm2, $0x1, v0;
	vm1 =	vlt.s32 v55, v2  }
0x109: {  	s11 =	sand.u32 $0xFFFFFF00, s21;
	vm2 =	vlt.s32 v8, v3;
	v12 =	vsel vm3, $0x1, v0;
	v14 =	vadd.s32 v56, v57  }
0x10a: {  	s22 =	spop (v2sf);
	s19 =	sor.u32 $0xFF, s21;
	v58 =	vsel vm1, $0x1, v0;
	v59 =	vmov s11;
	v8 =	vsel vm2, $0x1, v0  }
0x10b: {  	s19 =	sadd.s32 s19, s22;
	vm2 =	vlt.s32 v55, v3;
	v14 =	vadd.s32 v58, v14;
	vm1 =	vlt.s32 v59, v2  }
0x10c: {  	s23 =	spop (v2sf);
	s31 =	sor.u32 $0xFF, s19;
	s30 =	sand.u32 $0xFFFFFF00, s19;
	v8 =	vadd.s32 v8, v12;
	v22 =	vsel vm2, $0x1, v0;
	vm2 =	vlt.s32 v59, v3  }
0x10d: {  	s24 =	sadd.s32 s31, s23;
	v60 =	vmov s30;
	v61 =	vsel vm1, $0x1, v0;
	v8 =	vadd.s32 v22, v8  }
0x10e: {  	v23 =	vsel vm2, $0x1, v0;
	s10 =	sand.u32 $0xFFFFFF00, s24;
	vm1 =	vlt.s32 v60, v2;
	v14 =	vadd.s32 v61, v14  }
0x10f: {  	s1 =	spop (v2sf);
	s19 =	sor.u32 $0xFF, s24;
	vm2 =	vlt.s32 v60, v3;
	v8 =	vadd.s32 v23, v8;
	v62 =	vmov s10  }
0x110: {  	s31 =	sadd.s32 s19, s1;
	v63 =	vsel vm1, $0x1, v0;
	v24 =	vsel vm2, $0x1, v0;
	vm1 =	vlt.s32 v62, v2  }
0x111: {  	s19 =	sand.u32 $0xFFFFFF00, s31;
	v14 =	vadd.s32 v63, v14;
	vm2 =	vlt.s32 v62, v3;
	v8 =	vadd.s32 v24, v8  }
0x112: {  	v20 =	vsel vm1, $0x1, v0;
	v21 =	vmov s19;
	v25 =	vsel vm2, $0x1, v0  }
0x113: {  	s5 =	sadd.s32 $0x10, s5;
	s31 =	sor.u32 $0xFF, s31;
	v14 =	vadd.s32 v20, v14;
	vm1 =	vlt.s32 v21, v2;
	vm2 =	vlt.s32 v21, v3;
	s21 =	spop (v2sf)  }
0x114: {  	s14 =	sadd.s32 $0x10, s14;
	[tilespmem:s5+$0x0] =	vst v18;
	v8 =	vadd.s32 v25, v8;
	v26 =	vsel vm1, $0x1, v0;
	v27 =	vsel vm2, $0x1, v0;
	s4 =	sadd.s32 s31, s21  }
0x115: {  	[tilespmem:s14+$0x0] =	vst v9;
	vm1 =	veq.s32 v1, $0xF;
	v28 =	vadd.s32 v26, v14;
	v8 =	vadd.s32 v27, v8;
	s5 =	sand.u32 $0xFFFFFF00, s4  }
0x116: {  	[tilespmem:$0x5200] =	vst v28;
	v8 =	vsel vm1, s5, v8  }
0x117: {  	s14 =	simm.s32 @!p0 $0x5200;
	s21 =	rddreg [dreg:$0x4];
	s5 =	simm.s32 @!p0 $0x0;
	[tilespmem:$0x5210] =	vst v8  }
0x118: {  	[hbm4b:s21+s5] =	stream.linear.scatter @!p0 [tilespmem:s14], [sflag:$0x3], $0x80, $0x38;
	[tilespmem:$0x15280] =	vst v63  }
0x119: {  	p1 =	slt.u32 s8, s6;
	s5 =	simm.s32 @!p0 $0x3  }
0x11a: {  	p6 =	slt.u32 s15, s6;
	v8 =	vpsel !p1, $0x0, v11;
	_ =	swait.ge @!p0 [sflag:s5], $0x80  }
0x11b: {  	v7 =	vadd.s32 v7, v8;
	v8 =	vpsel !p6, $0x0, v10;
	[sflag:s5] =	ssyncset.done @!p0 $0x0  }
0x11c: {  	v31 =	vadd.s32 v7, v8;
	s4 =	rddreg [dreg:$0x19];
	[sflag:s5] =	ssyncadd.s32 @!p0 $0xFFFFFF80  }
0x11d: {  	(v2sf) =	vpush v31, $0x1;
	v30 =	vld [tilespmem:s4+$0x4000]  }
0x11e: {  	(v2sf) =	vpush v31, $0x2;
	v7 =	vld [tilespmem:s4+$0x4800]  }
0x11f: {  	v32 =	vimm.s32 $0x0;
	v34 =	vimm.s32 $0x0;
	(v2sf) =	vpush v31, $0x3  }
0x120: {  	v38 =	vimm.s32 $0x0;
	v42 =	vimm.s32 $0x0;
	(v2sf) =	vpush v31, $0x4  }
0x121: {  	v53 =	vimm.s32 $0x0;
	v56 =	vimm.s32 $0x0;
	(v2sf) =	vpush v31, $0x5  }
0x122: {  	v59 =	vimm.s32 $0x0;
	v62 =	vimm.s32 $0x0;
	(v2sf) =	vpush v31, $0x6  }
0x123: {  	v29 =	vld [tilespmem:s4+$0x0];
	(v2sf) =	vpush v31, $0x7;
	vm13 =	veq.s32 v30, $0x0;
	vm1 =	veq.s32 v7, $0x0  }
0x124: {  	vm11 =	veq.s32 v30, $0x1;
	vm6 =	veq.s32 v7, $0x1;
	vm9 =	veq.s32 v30, $0x2  }
0x125: {  	s7 =	rddreg [dreg:$0x6];
	vm3 =	veq.s32 v7, $0x2;
	vm14 =	veq.s32 v30, $0x3;
	vm8 =	veq.s32 v7, $0x3  }
0x126: {  	s8 =	rddreg [dreg:$0x7];
	v8 =	vld [tilespmem:s7+$0x0];
	vm10 =	veq.s32 v30, $0x4;
	vm4 =	veq.s32 v7, $0x4;
	vm12 =	veq.s32 v30, $0x5  }
0x127: {  	s14 =	rddreg [dreg:$0x8];
	v49 =	vld [tilespmem:s8+$0x0];
	vm15 =	veq.s32 v7, $0x5;
	vm2 =	veq.s32 v30, $0x6;
	vm5 =	veq.s32 v7, $0x6  }
0x128: {  	s15 =	rddreg [dreg:$0x9];
	v50 =	vld [tilespmem:s14+$0x0];
	v52 =	vnsel vm13, $0xFF61B1E6, v29;
	v9 =	vnsel vm1, $0xFF61B1E6, v29;
	v16 =	vsel vm1, $0xFFFFFFFF, v53  }
0x129: {  	s21 =	rddreg [dreg:$0xa];
	v51 =	vld [tilespmem:s15+$0x0];
	v12 =	vsel vm3, $0xFFFFFFFF, v56;
	v14 =	vsel vm2, $0xFFFFFFFF, v59;
	v60 =	vsel vm13, $0x1, v0  }
0x12a: {  	s22 =	rddreg [dreg:$0xb];
	v54 =	vld [tilespmem:s21+$0x0];
	v61 =	vsel vm1, $0x1, v0;
	vm1 =	veq.s32 v7, $0x7;
	v7 =	vimm.s32 $0x0  }
0x12b: {  	s23 =	rddreg [dreg:$0xc];
	v57 =	vld [tilespmem:s22+$0x0];
	v10 =	vsel vm6, $0xFFFFFFFF, v62;
	v15 =	vsel vm11, v8, v52;
	v8 =	vsel vm6, v8, v9  }
0x12c: {  	v58 =	vld [tilespmem:s23+$0x0];
	v40 =	vmpcnt.ones.xlane vm11;
	v55 =	vsel vm9, v49, v15;
	v8 =	vsel vm3, v49, v8  }
0x12d: {  	v18 =	vsel vm5, $0xFFFFFFFF, v42;
	v9 =	vsel vm14, v50, v55;
	v8 =	vsel vm8, v50, v8  }
0x12e: {  	v43 =	vmpcnt.ones.xlane vm9;
	v9 =	vsel vm10, v51, v9;
	v8 =	vsel vm4, v51, v8  }
0x12f: {  	(xrf0) =	vadd.scan.msk.s32 $0xffff, v60;
	v7 =	vsel vm1, $0xFFFFFFFF, v7;
	v9 =	vsel vm12, v54, v9;
	v8 =	vsel vm15, v54, v8  }
0x130: {  	[tilespmem:$0x1FE50] =	vst v7;
	v9 =	vsel vm2, v57, v9;
	v8 =	vsel vm5, v57, v8;
	vm2 =	veq.s32 v30, $0x7  }
0x131: {  	(xrf0) =	vadd.scan.msk.s32 $0xffff, v61;
	v7 =	vsel vm11, $0x1, v0;
	v9 =	vsel vm2, v58, v9;
	v8 =	vsel vm1, v58, v8  }
0x132: {  	v47 =	vmpcnt.ones.xlane vm14;
	(xrf0) =	vadd.scan.msk.s32 $0xffff, v7;
	v7 =	vsel vm6, $0x1, v0;
	v8 =	vsub.f32 v8, v9  }
0x133: {  	v28 =	vmpcnt.ones.xlane vm13;
	[tilespmem:$0x1FE70] =	vst v12;
	(xrf0) =	vadd.scan.msk.s32 $0xffff, v7;
	v7 =	vsel vm9, $0x1, v0  }
0x134: {  	v55 =	vbroadcast v31, $0x0;
	(xrf0) =	vadd.scan.msk.s32 $0xffff, v7;
	v7 =	vsel vm3, $0x1, v0;
	v8 =	vmul.f32 $1.442695020e+00, v8  }
0x135: {  	v56 =	vmpcnt.ones.xlane vm12;
	[tilespmem:$0x1FE60] =	vst v10;
	(xrf0) =	vadd.scan.msk.s32 $0xffff, v7;
	v7 =	vsel vm14, $0x1, v0  }
0x136: {  	v10 =	vsel vm15, $0xFFFFFFFF, v38;
	vm3 =	vmmov vm8;
	v23 =	vadd.s32 v55, v28;
	v63, _, _ =	vpop (xrf0);
	(xrf0) =	vadd.scan.msk.s32 $0xffff, v7  }
0x137: {  	[tilespmem:$0x1FE30] =	vst v14;
	vm1 =	vmmov vm6;
	v7 =	vsel vm8, $0x1, v0;
	v45 =	vsel vm2, $0x1, v0;
	v33, _, _ =	vpop (xrf0)  }
0x138: {  	v9 =	vsel vm8, $0xFFFFFFFF, v32;
	(xrf0) =	vadd.scan.msk.s32 $0xffff, v7;
	v7 =	vsel vm10, $0x1, v0;
	(erf) = vpow2.f32 v8;
	v8, _, _ =	vpop (xrf0)  }
0x139: {  	vm8 =	vmmov vm10;
	v12 =	vadd.s32 v63, v55;
	v63 =	vld [tilespmem:$0x1FE70];
	(xrf0) =	vadd.scan.msk.s32 $0xffff, v7;
	v7 =	vsel vm4, $0x1, v0;
	v35, _, _ =	vpop (xrf0)  }
0x13a: {  	s24 =	spop (v2sf);
	vm10 =	vmmov vm2;
	[tilespmem:$0x1FE80] =	vst v9;
	(xrf0) =	vadd.scan.msk.s32 $0xffff, v7;
	v7 =	vsel vm12, $0x1, v0;
	v36, _, _ =	vpop (xrf0)  }
0x13b: {  	s31 =	spop (v2sf);
	v9 =	vsel vm4, $0xFFFFFFFF, v34;
	v51 =	vmpcnt.ones.xlane vm8;
	(xrf0) =	vadd.scan.msk.s32 $0xffff, v7;
	v7 =	vsel vm15, $0x1, v0;
	v37, _, _ =	vpop (xrf0)  }
0x13c: {  	s5 =	sadd.s32 s24, s20;
	s1 =	spop (v2sf);
	v30 =	vmpcnt.ones.xlane vm10;
	v12 =	vadd.s32 $0xFFFFFFFF, v12;
	v13 =	vadd.s32 v23, v33;
	v39, _, _ =	vpop (xrf0);
	(xrf0) =	vadd.scan.msk.s32 $0xffff, v7;
	v7 =	vld [tilespmem:$0x1FE30]  }
0x13d: {  	s9 =	sadd.s32 s1, s9;
	v12 =	vnsel vm13, $0x0, v12;
	v13 =	vadd.s32 $0xFFFFFFFF, v13;
	v46 =	vadd.s32 s5, v8  }
0x13e: {  	s8 =	sadd.s32 s31, s18;
	[tilespmem:$0x1FE90] =	vst v9;
	v9 =	vadd.s32 s9, v47;
	vm13 =	vnez.u8 v63;
	v21 =	vadd.s32 $0xFFFFFFFF, v46  }
0x13f: {  	[tilespmem:$0x1FE40] =	vst v16;
	v8 =	vadd.s32 s8, v43;
	v49 =	vadd.s32 s8, v36;
	v12 =	vsel vm11, v21, v12  }
0x140: {  	v58 =	vld [tilespmem:$0x1FE40];
	v59 =	vadd.s32 $0xFFFFFFFF, v49;
	v60 =	vadd.s32 v8, v37;
	v52 =	vadd.s32 s9, v39  }
0x141: {  	v41, _, _ =	vpop (xrf0);
	v12 =	vsel vm9, v59, v12;
	v62 =	vadd.s32 $0xFFFFFFFF, v52;
	vm6 =	vnez.u8 v7  }
0x142: {  	[tilespmem:$0x1FEB0] =	vst v18;
	v61 =	vld [tilespmem:$0x1FE50];
	v17 =	vadd.s32 v9, v41;
	v50 =	vpop (erf);
	v12 =	vsel vm14, v62, v12;
	v7 =	vsel vm6, $0x1, v0  }
0x143: {  	v24 =	vadd.s32 $0xFFFFFFFF, v17;
	v18 =	vadd.f32 $1.000000000e+00, v50;
	(xrf0) =	vadd.scan.msk.s32 $0xffff, v7;
	v7 =	vsel vm5, $0x1, v0  }
0x144: {  	s7 =	spop (v2sf);
	v44, _, _ =	vpop (xrf0);
	v27 =	vmpcnt.ones.xlane vm6;
	vm2 =	vmmov vm6;
	(xrf0) =	vadd.scan.msk.s32 $0xffff, v7;
	v7 =	vadd.s32 s5, v40  }
0x145: {  	(erf) = vrcp.f32 v18;
	vm6 =	vnez.u8 v58;
	s5 =	sadd.s32 s7, s11;
	v14 =	vadd.s32 v7, v35  }
0x146: {  	[tilespmem:$0x1FEA0] =	vst v10;
	v48, _, _ =	vpop (xrf0);
	v13 =	vnsel vm6, $0x0, v13;
	s11 =	spop (v2sf);
	v53 =	vadd.s32 s5, v44;
	v14 =	vadd.s32 $0xFFFFFFFF, v14  }
0x147: {  	v54, _, _ =	vpop (xrf0);
	(xrf0) =	vadd.scan.msk.s32 $0xffff, v45;
	s8 =	sadd.s32 s11, s30;
	v10 =	vadd.s32 s5, v51;
	s14 =	spop (v2sf);
	v13 =	vsel vm1, v14, v13;
	vm1 =	vnez.u8 v61  }
0x148: {  	s5 =	sadd.s32 s14, s10;
	v19 =	vadd.s32 s8, v54;
	v11 =	vadd.s32 s8, v56;
	v15 =	vsel vm1, $0x1, v0  }
0x149: {  	v31 =	vadd.s32 $0xFFFFFFFF, v53;
	v32 =	vadd.s32 v10, v48;
	v27 =	vadd.s32 s5, v27;
	(xrf0) =	vadd.scan.msk.s32 $0xffff, v15  }
0x14a: {  	v25, _, _ =	vpop (xrf0);
	s15 =	spop (v2sf);
	v14 =	vadd.s32 $0xFFFFFFFF, v60;
	v12 =	vsel vm8, v31, v12;
	v34 =	vadd.s32 $0xFFFFFFFF, v32  }
0x14b: {  	s8 =	sadd.s32 s15, s19;
	v35 =	vadd.s32 $0xFFFFFFFF, v19;
	v36 =	vadd.s32 v11, v25;
	v13 =	vsel vm13, v14, v13;
	v26, _, _ =	vpop (xrf0)  }
0x14c: {  	v28 =	vadd.s32 s8, v30;
	v12 =	vsel vm12, v35, v12;
	v13 =	vsel vm3, v24, v13;
	v29, _, _ =	vpop (xrf0)  }
0x14d: {  	v37 =	vadd.s32 $0xFFFFFFFF, v36;
	v26 =	vadd.s32 s5, v26;
	v13 =	vsel vm4, v34, v13;
	v57, _, _ =	vpop (xrf0)  }
0x14e: {  	v30 =	vpop (erf);
	v38 =	vadd.s32 $0xFFFFFFFF, v26;
	v13 =	vsel vm15, v37, v13;
	v39 =	vadd.s32 v27, v29  }
0x14f: {  	v18 =	vadd.s32 s8, v57;
	v33 =	vsub.f32 $1.000000000e+00, v30;
	v12 =	vsel vm2, v38, v12;
	v40, _, _ =	vpop (xrf0)  }
0x150: {  	[tilespmem:$0x5100] =	vst v30;
	v14 =	vadd.s32 $0xFFFFFFFF, v39;
	v41 =	vadd.s32 $0xFFFFFFFF, v18;
	v16 =	vadd.s32 v28, v40  }
0x151: {  	v13 =	vsel vm5, v14, v13;
	[tilespmem:$0x5180] =	vst v33;
	v12 =	vsel vm10, v41, v12;
	v42 =	vadd.s32 $0xFFFFFFFF, v16  }
0x152: {  	[tilespmem:$0x5000] =	vst v12;
	v13 =	vsel vm1, v42, v13  }
0x153: {  	s1 =	rddreg [dreg:$0x12];
	[tilespmem:$0x5080] =	vst v13  }
0x154: {  	v13 =	vld [tilespmem:s1+$0x4000]  }
0x155: {  	v43 =	vld [tilespmem:s1+$0x4800]  }
0x156: {  	v12 =	vld [tilespmem:s1+$0x0]  }
0x157: {  	v44 =	vld [tilespmem:s4+$0x810]  }
0x158: {  	v55 =	vimm.s32 $0x0;
	v51 =	vimm.s32 $0x0;
	v53 =	vimm.s32 $0x0;
	v45 =	vld [tilespmem:s4+$0x1010]  }
0x159: {  	v54 =	vimm.s32 $0x0;
	vm2 =	vmmov vm1;
	v17 =	vld [tilespmem:s4+$0x1810];
	vm13 =	veq.s32 v13, $0x0  }
0x15a: {  	vm5 =	veq.s32 v43, $0x0;
	vm12 =	veq.s32 v13, $0x1;
	vm15 =	veq.s32 v43, $0x1  }
0x15b: {  	vm8 =	veq.s32 v13, $0x2;
	vm4 =	veq.s32 v43, $0x2;
	v46 =	vnsel vm13, $0xFF61B1E6, v12  }
0x15c: {  	v47 =	vld [tilespmem:s4+$0x2010];
	vm9 =	veq.s32 v13, $0x3;
	v12 =	vnsel vm5, $0xFF61B1E6, v12;
	v18 =	vsel vm12, v44, v46  }
0x15d: {  	v48 =	vld [tilespmem:s4+$0x2810];
	vm1 =	veq.s32 v43, $0x3;
	v12 =	vsel vm15, v44, v12;
	v18 =	vsel vm8, v45, v18  }
0x15e: {  	v49 =	vld [tilespmem:s4+$0x3010];
	vm14 =	veq.s32 v13, $0x4;
	v12 =	vsel vm4, v45, v12;
	v50 =	vsel vm9, v17, v18  }
0x15f: {  	v18 =	vsel vm1, $0xFFFFFFFF, v51;
	v12 =	vsel vm1, v17, v12;
	vm1 =	veq.s32 v43, $0x4  }
0x160: {  	v52 =	vld [tilespmem:s4+$0x3810];
	vm10 =	veq.s32 v13, $0x5;
	vm11 =	veq.s32 v13, $0x6;
	v17 =	vsel vm1, $0xFFFFFFFF, v53  }
0x161: {  	v16 =	vsel vm14, v47, v50;
	v12 =	vsel vm1, v47, v12;
	vm1 =	veq.s32 v43, $0x5  }
0x162: {  	vm3 =	veq.s32 v13, $0x7;
	[tilespmem:$0x1FF20] =	vst v17;
	v16 =	vsel vm10, v48, v16;
	v17 =	vsel vm1, $0xFFFFFFFF, v54  }
0x163: {  	v12 =	vsel vm1, v48, v12;
	vm1 =	veq.s32 v43, $0x6;
	v16 =	vsel vm11, v49, v16  }
0x164: {  	[tilespmem:$0x1FF30] =	vst v17;
	v17 =	vsel vm1, $0xFFFFFFFF, v55;
	v12 =	vsel vm1, v49, v12;
	vm1 =	veq.s32 v43, $0x7  }
0x165: {  	v57 =	vsel vm3, v52, v16;
	v12 =	vsel vm1, v52, v12  }
0x166: {  	v12 =	vsub.f32 v12, v57;
	_ =	sdelay $0x1  }
0x167: {  	v12 =	vmul.f32 $1.442695020e+00, v12;
	_ =	sdelay $0x1  }
0x168: {  	(erf) = vpow2.f32 v12;
	_ =	sdelay $0x2  }
0x169: {  	v20 =	vimm.s32 $0x0;
	v59 =	vmpcnt.ones.xlane vm6;
	v56 =	vimm.s32 $0x0;
	v60 =	vld [tilespmem:$0x1FE60]  }
0x16a: {  	v30 =	vimm.s32 $0x0;
	v26 =	vmpcnt.ones.xlane vm2;
	v58 =	vsel vm13, $0x1, v0  }
0x16b: {  	v63 =	vsel vm5, $0x1, v0;
	v24 =	vsel vm12, $0x1, v0;
	v29 =	vsel vm4, $0x1, v0  }
0x16c: {  	v61 =	vld [tilespmem:$0x1FE70];
	v32 =	vmpcnt.ones.xlane vm12;
	v33 =	vsel vm9, $0x1, v0;
	v41 =	vmpcnt.ones.xlane vm8;
	(xrf0) =	vadd.scan.msk.s32 $0xffff, v58  }
0x16d: {  	v62 =	vld [tilespmem:$0x1FE80];
	v42 =	vsel vm14, $0x1, v0;
	(xrf0) =	vadd.scan.msk.s32 $0xffff, v63;
	v63 =	vmpcnt.ones.xlane vm10;
	v47 =	vsel vm10, $0x1, v0  }
0x16e: {  	v21 =	vld [tilespmem:$0x1FE90];
	v53 =	vsel vm11, $0x1, v0;
	v13 =	vsel vm1, $0xFFFFFFFF, v56;
	vm1 =	vnez.u8 v60  }
0x16f: {  	v22 =	vld [tilespmem:$0x1FEA0];
	v49 =	vmpcnt.ones.xlane vm9;
	[tilespmem:$0x1FEC0] =	vst v17;
	v17 =	vsel vm5, $0xFFFFFFFF, v20;
	v14 =	vmpcnt.ones.xlane vm1;
	v12 =	vpop (erf)  }
0x170: {  	v25 =	vld [tilespmem:$0x1FEB0];
	v20 =	vsel vm4, $0xFFFFFFFF, v30;
	v56 =	vmpcnt.ones.xlane vm14;
	v12 =	vadd.f32 $1.000000000e+00, v12  }
0x171: {  	v44 =	vld [tilespmem:$0x1FF20];
	v60 =	vsel vm3, $0x1, v0;
	vm1 =	vnez.u8 v61;
	v14 =	vadd.s32 v14, v7  }
0x172: {  	(xrf0) =	vadd.scan.msk.s32 $0xffff, v24;
	v57 =	vld [tilespmem:$0x1FEC0];
	(erf) = vrcp.f32 v12;
	v12 =	vmpcnt.ones.xlane vm1;
	vm1 =	vnez.u8 v62  }
0x173: {  	[tilespmem:$0x1FF10] =	vst v18;
	v7 =	vimm.s32 $0x0;
	v15 =	vmpcnt.ones.xlane vm1;
	vm1 =	vnez.u8 v21  }
0x174: {  	v37 =	vld [tilespmem:$0x1FF10];
	[tilespmem:$0x1FEE0] =	vst v17;
	v7 =	vsel vm15, $0xFFFFFFFF, v7;
	v17 =	vmpcnt.ones.xlane vm1;
	vm1 =	vnez.u8 v22  }
0x175: {  	[tilespmem:$0x1FEF0] =	vst v7;
	v7 =	vsel vm15, $0x1, v0;
	v18 =	vmpcnt.ones.xlane vm1;
	vm1 =	vnez.u8 v25  }
0x176: {  	(xrf0) =	vadd.scan.msk.s32 $0xffff, v7;
	v12 =	vadd.s32 v12, v8;
	v8 =	vmpcnt.ones.xlane vm13;
	v19 =	vmpcnt.ones.xlane vm1  }
0x177: {  	[tilespmem:$0x1FED0] =	vst v13;
	v13 =	vadd.s32 v59, v23;
	vm2 =	vnez.u8 v44;
	vm6 =	vnez.u8 v57  }
0x178: {  	[tilespmem:$0x1FF00] =	vst v20;
	v7, _, _ =	vpop (xrf0);
	v10 =	vadd.s32 v17, v10;
	v17 =	vadd.s32 v19, v27;
	v27 =	vsel vm8, $0x1, v0  }
0x179: {  	v7 =	vadd.s32 v7, v13;
	vm1 =	vnez.u8 v37;
	v11 =	vadd.s32 v18, v11;
	(xrf0) =	vadd.scan.msk.s32 $0xffff, v27  }
0x17a: {  	v51 =	vld [tilespmem:$0x1FF30];
	v18 =	vadd.s32 v26, v28;
	v28 =	vadd.s32 $0xFFFFFFFF, v7;
	v7 =	vadd.s32 v13, v8;
	v8, _, _ =	vpop (xrf0);
	(xrf0) =	vadd.scan.msk.s32 $0xffff, v29  }
0x17b: {  	v22 =	vsel vm6, $0x1, v0;
	v20 =	vsel vm1, $0x1, v0;
	v8 =	vadd.s32 v7, v8;
	v31, _, _ =	vpop (xrf0);
	(xrf0) =	vadd.scan.msk.s32 $0xffff, v33  }
0x17c: {  	v15 =	vadd.s32 v15, v9;
	v34 =	vadd.s32 $0xFFFFFFFF, v8;
	v8 =	vadd.s32 v31, v14;
	v36, _, _ =	vpop (xrf0);
	(xrf0) =	vadd.scan.msk.s32 $0xffff, v20  }
0x17d: {  	v9 =	vnsel vm13, $0x0, v28;
	v35 =	vadd.s32 $0xFFFFFFFF, v8;
	v8 =	vadd.s32 v14, v32  }
0x17e: {  	v38 =	vnsel vm5, $0x0, v34;
	v14 =	vsel vm2, $0x1, v0;
	v39 =	vadd.s32 v8, v36  }
0x17f: {  	vm5 =	vnez.u8 v51;
	v13 =	vsel vm12, v35, v9;
	v9 =	vadd.s32 $0xFFFFFFFF, v39;
	v40, _, _ =	vpop (xrf0);
	(xrf0) =	vadd.scan.msk.s32 $0xffff, v42  }
0x180: {  	v62 =	vld [tilespmem:$0x1FED0];
	v21 =	vsel vm15, v9, v38;
	v9 =	vadd.s32 v12, v41;
	v43 =	vadd.s32 v40, v12;
	v46, _, _ =	vpop (xrf0);
	(xrf0) =	vadd.scan.msk.s32 $0xffff, v14  }
0x181: {  	v20 =	vsel vm5, $0x1, v0;
	v45 =	vadd.s32 $0xFFFFFFFF, v43;
	v12 =	vadd.s32 v9, v46;
	v48, _, _ =	vpop (xrf0);
	(xrf0) =	vadd.scan.msk.s32 $0xffff, v47  }
0x182: {  	v13 =	vsel vm8, v45, v13;
	v50 =	vadd.s32 v48, v15;
	v15 =	vadd.s32 v15, v49;
	v52, _, _ =	vpop (xrf0);
	(xrf0) =	vadd.scan.msk.s32 $0xffff, v20  }
0x183: {  	v12 =	vadd.s32 $0xFFFFFFFF, v12;
	v14 =	vadd.s32 $0xFFFFFFFF, v50;
	v54 =	vadd.s32 v15, v52;
	(xrf0) =	vadd.scan.msk.s32 $0xffff, v53  }
0x184: {  	v16 =	vpop (erf);
	v12 =	vsel vm4, v12, v21;
	v13 =	vsel vm9, v14, v13;
	v14 =	vadd.s32 $0xFFFFFFFF, v54  }
0x185: {  	v29 =	vmpcnt.ones.xlane vm11;
	v55, _, _ =	vpop (xrf0);
	v12 =	vsel vm1, v14, v12;
	(xrf0) =	vadd.scan.msk.s32 $0xffff, v22;
	vm1 =	vnez.u8 v62  }
0x186: {  	v31 =	vmpcnt.ones.xlane vm3;
	v58 =	vadd.s32 v55, v10;
	v59, _, _ =	vpop (xrf0);
	(xrf0) =	vadd.scan.msk.s32 $0xffff, v60;
	v22 =	vsel vm1, $0x1, v0  }
0x187: {  	v19 =	vsub.f32 $1.000000000e+00, v16;
	v10 =	vadd.s32 v10, v56;
	v14 =	vadd.s32 $0xFFFFFFFF, v58;
	v61, _, _ =	vpop (xrf0);
	(xrf0) =	vadd.scan.msk.s32 $0xffff, v22  }
0x188: {  	v20 =	vadd.s32 v10, v59;
	v21 =	vadd.s32 v61, v11;
	v13 =	vsel vm14, v14, v13;
	v26, _, _ =	vpop (xrf0)  }
0x189: {  	v24 =	vadd.s32 $0xFFFFFFFF, v20;
	v11 =	vadd.s32 v11, v63;
	v25 =	vadd.s32 $0xFFFFFFFF, v21;
	v27, _, _ =	vpop (xrf0)  }
0x18a: {  	v12 =	vsel vm2, v24, v12;
	v28 =	vadd.s32 v11, v26;
	v14 =	vadd.s32 v27, v17  }
0x18b: {  	v13 =	vsel vm10, v25, v13;
	v20 =	vadd.s32 $0xFFFFFFFF, v28;
	v14 =	vadd.s32 $0xFFFFFFFF, v14;
	v30, _, _ =	vpop (xrf0)  }
0x18c: {  	v32 =	vadd.s32 v17, v29;
	v12 =	vsel vm5, v20, v12;
	v13 =	vsel vm11, v14, v13;
	v33, _, _ =	vpop (xrf0)  }
0x18d: {  	v34 =	vadd.s32 v32, v30;
	v17 =	vadd.s32 v33, v18;
	v18 =	vadd.s32 v18, v31;
	v35, _, _ =	vpop (xrf0)  }
0x18e: {  	[tilespmem:$0x5110] =	vst v16;
	v36 =	vadd.s32 $0xFFFFFFFF, v34;
	v17 =	vadd.s32 $0xFFFFFFFF, v17;
	v37 =	vadd.s32 v18, v35  }
0x18f: {  	[tilespmem:$0x5190] =	vst v19;
	v12 =	vsel vm6, v36, v12;
	v13 =	vsel vm3, v17, v13;
	v38 =	vadd.s32 $0xFFFFFFFF, v37  }
0x190: {  	v12 =	vsel vm1, v38, v12;
	[tilespmem:$0x5010] =	vst v13  }
0x191: {  	s18 =	rddreg [dreg:$0x13];
	[tilespmem:$0x5090] =	vst v12  }
0x192: {  	v13 =	vld [tilespmem:s18+$0x4000]  }
0x193: {  	v39 =	vld [tilespmem:s18+$0x4800]  }
0x194: {  	v12 =	vld [tilespmem:s18+$0x0]  }
0x195: {  	v40 =	vld [tilespmem:s4+$0x820]  }
0x196: {  	v51 =	vimm.s32 $0x0;
	v47 =	vimm.s32 $0x0;
	v49 =	vimm.s32 $0x0;
	v19 =	vld [tilespmem:s4+$0x1020]  }
0x197: {  	v50 =	vimm.s32 $0x0;
	vm5 =	vmmov vm1;
	v41 =	vld [tilespmem:s4+$0x1820];
	vm10 =	veq.s32 v13, $0x0  }
0x198: {  	vm2 =	veq.s32 v39, $0x0;
	vm12 =	veq.s32 v13, $0x1;
	vm3 =	veq.s32 v39, $0x1  }
0x199: {  	vm8 =	veq.s32 v13, $0x2;
	vm15 =	veq.s32 v39, $0x2;
	v42 =	vnsel vm10, $0xFF61B1E6, v12  }
0x19a: {  	v43 =	vld [tilespmem:s4+$0x2020];
	vm11 =	veq.s32 v13, $0x3;
	v12 =	vnsel vm2, $0xFF61B1E6, v12;
	v21 =	vsel vm12, v40, v42  }
0x19b: {  	v44 =	vld [tilespmem:s4+$0x2820];
	vm1 =	veq.s32 v39, $0x3;
	v12 =	vsel vm3, v40, v12;
	v21 =	vsel vm8, v19, v21  }
0x19c: {  	v45 =	vld [tilespmem:s4+$0x3020];
	vm9 =	veq.s32 v13, $0x4;
	v12 =	vsel vm15, v19, v12;
	v46 =	vsel vm11, v41, v21  }
0x19d: {  	v21 =	vsel vm1, $0xFFFFFFFF, v47;
	v12 =	vsel vm1, v41, v12;
	vm1 =	veq.s32 v39, $0x4  }
0x19e: {  	v48 =	vld [tilespmem:s4+$0x3820];
	vm13 =	veq.s32 v13, $0x5;
	vm14 =	veq.s32 v13, $0x6;
	v20 =	vsel vm1, $0xFFFFFFFF, v49  }
0x19f: {  	v19 =	vsel vm9, v43, v46;
	v12 =	vsel vm1, v43, v12;
	vm1 =	veq.s32 v39, $0x5  }
0x1a0: {  	vm4 =	veq.s32 v13, $0x7;
	[tilespmem:$0x1FF90] =	vst v20;
	v19 =	vsel vm13, v44, v19;
	v20 =	vsel vm1, $0xFFFFFFFF, v50  }
0x1a1: {  	v12 =	vsel vm1, v44, v12;
	vm1 =	veq.s32 v39, $0x6;
	v19 =	vsel vm14, v45, v19  }
0x1a2: {  	[tilespmem:$0x1FFA0] =	vst v20;
	v20 =	vsel vm1, $0xFFFFFFFF, v51;
	v12 =	vsel vm1, v45, v12;
	vm1 =	veq.s32 v39, $0x7  }
0x1a3: {  	v53 =	vsel vm4, v48, v19;
	v12 =	vsel vm1, v48, v12  }
0x1a4: {  	v12 =	vsub.f32 v12, v53;
	_ =	sdelay $0x1  }
0x1a5: {  	v12 =	vmul.f32 $1.442695020e+00, v12  }
0x1a6: {  	v52 =	vimm.s32 $0x0;
	v25 =	vmpcnt.ones.xlane vm5  }
0x1a7: {  	v59 =	vimm.s32 $0x0;
	v24 =	vmpcnt.ones.xlane vm6;
	(erf) = vpow2.f32 v12  }
0x1a8: {  	v55 =	vld [tilespmem:$0x1FEE0];
	v26 =	vimm.s32 $0x0;
	v18 =	vadd.s32 v25, v18;
	v54 =	vsel vm10, $0x1, v0  }
0x1a9: {  	v60 =	vsel vm2, $0x1, v0;
	v63 =	vsel vm12, $0x1, v0;
	v27 =	vsel vm3, $0x1, v0  }
0x1aa: {  	v56 =	vld [tilespmem:$0x1FEF0];
	v30 =	vmpcnt.ones.xlane vm10;
	v31 =	vsel vm8, $0x1, v0;
	v33 =	vsel vm15, $0x1, v0  }
0x1ab: {  	v35 =	vmpcnt.ones.xlane vm12;
	v36 =	vsel vm11, $0x1, v0;
	(xrf0) =	vadd.scan.msk.s32 $0xffff, v54;
	v40 =	vmpcnt.ones.xlane vm8  }
0x1ac: {  	v57 =	vld [tilespmem:$0x1FF00];
	v54 =	vmpcnt.ones.xlane vm9;
	(xrf0) =	vadd.scan.msk.s32 $0xffff, v60;
	v41 =	vsel vm9, $0x1, v0;
	[tilespmem:$0x1FFB0] =	vst v20  }
0x1ad: {  	(xrf0) =	vadd.scan.msk.s32 $0xffff, v63;
	v47 =	vmpcnt.ones.xlane vm11;
	v13 =	vsel vm1, $0xFFFFFFFF, v52;
	vm1 =	vnez.u8 v55;
	v55 =	vld [tilespmem:$0x1FFB0]  }
0x1ae: {  	v58 =	vld [tilespmem:$0x1FF10];
	(xrf0) =	vadd.scan.msk.s32 $0xffff, v27;
	v27 =	vmpcnt.ones.xlane vm14;
	v45 =	vsel vm13, $0x1, v0;
	v51 =	vsel vm14, $0x1, v0  }
0x1af: {  	v61 =	vld [tilespmem:$0x1FF20];
	v19 =	vsel vm2, $0xFFFFFFFF, v59;
	[tilespmem:$0x1FFC0] =	vst v13;
	v13 =	vmpcnt.ones.xlane vm1;
	vm1 =	vnez.u8 v56  }
0x1b0: {  	v62 =	vld [tilespmem:$0x1FF30];
	[tilespmem:$0x1FF40] =	vst v19;
	v19 =	vadd.s32 v24, v32;
	v32 =	vimm.s32 $0x0;
	v16 =	vmpcnt.ones.xlane vm1;
	v12 =	vpop (erf)  }
0x1b1: {  	vm1 =	vnez.u8 v57;
	v7 =	vadd.s32 v13, v7;
	v12 =	vadd.f32 $1.000000000e+00, v12  }
0x1b2: {  	[tilespmem:$0x1FF70] =	vst v21;
	v8 =	vadd.s32 v16, v8;
	v13 =	vadd.s32 v7, v30;
	vm5 =	vnez.u8 v55  }
0x1b3: {  	v38 =	vld [tilespmem:$0x1FF70];
	(erf) = vrcp.f32 v12;
	v12 =	vmpcnt.ones.xlane vm1;
	vm1 =	vnez.u8 v58  }
0x1b4: {  	v17 =	vmpcnt.ones.xlane vm1;
	vm1 =	vmmov vm2;
	vm2 =	vnez.u8 v61  }
0x1b5: {  	v22 =	vsel vm5, $0x1, v0;
	v20 =	vmpcnt.ones.xlane vm2;
	vm2 =	vnez.u8 v62  }
0x1b6: {  	(xrf0) =	vadd.scan.msk.s32 $0xffff, v31;
	v9 =	vadd.s32 v12, v9;
	v12 =	vsel vm3, $0xFFFFFFFF, v26;
	v21 =	vmpcnt.ones.xlane vm2  }
0x1b7: {  	v42 =	vld [tilespmem:$0x1FF90];
	v29, _, _ =	vpop (xrf0);
	vm2 =	vmmov vm3;
	[tilespmem:$0x1FF50] =	vst v12;
	v15 =	vadd.s32 v17, v15;
	v12 =	vsel vm15, $0xFFFFFFFF, v32  }
0x1b8: {  	(xrf0) =	vadd.scan.msk.s32 $0xffff, v33;
	vm3 =	vnez.u8 v38;
	v28 =	vadd.s32 v20, v10;
	v10 =	vadd.s32 v29, v7;
	v7, _, _ =	vpop (xrf0)  }
0x1b9: {  	[tilespmem:$0x1FF60] =	vst v12;
	(xrf0) =	vadd.scan.msk.s32 $0xffff, v36;
	v12 =	vadd.s32 v9, v40;
	v11 =	vadd.s32 v21, v11;
	v34, _, _ =	vpop (xrf0)  }
0x1ba: {  	v48 =	vld [tilespmem:$0x1FFA0];
	v7 =	vadd.s32 v13, v7;
	v21 =	vsel vm3, $0x1, v0;
	v14 =	vadd.s32 v34, v8  }
0x1bb: {  	v7 =	vadd.s32 $0xFFFFFFFF, v7;
	v37 =	vadd.s32 $0xFFFFFFFF, v14;
	v14 =	vadd.s32 v8, v35;
	v8, _, _ =	vpop (xrf0);
	(xrf0) =	vadd.scan.msk.s32 $0xffff, v21  }
0x1bc: {  	v7 =	vnsel vm1, $0x0, v7;
	vm1 =	vnez.u8 v42;
	v8 =	vadd.s32 v14, v8  }
0x1bd: {  	v10 =	vadd.s32 $0xFFFFFFFF, v10;
	v39, _, _ =	vpop (xrf0);
	(xrf0) =	vadd.scan.msk.s32 $0xffff, v41;
	v43 =	vsel vm1, $0x1, v0;
	v8 =	vadd.s32 $0xFFFFFFFF, v8  }
0x1be: {  	v10 =	vnsel vm10, $0x0, v10;
	v44, _, _ =	vpop (xrf0);
	(xrf0) =	vadd.scan.msk.s32 $0xffff, v43;
	v7 =	vsel vm2, v8, v7;
	v8 =	vadd.s32 v39, v9  }
0x1bf: {  	v61 =	vld [tilespmem:$0x1FFC0];
	v10 =	vsel vm12, v37, v10;
	v46, _, _ =	vpop (xrf0);
	(xrf0) =	vadd.scan.msk.s32 $0xffff, v45;
	vm2 =	vnez.u8 v48;
	v8 =	vadd.s32 $0xFFFFFFFF, v8  }
0x1c0: {  	v21 =	vsel vm2, $0x1, v0;
	v8 =	vsel vm8, v8, v10;
	v10 =	vadd.s32 v46, v15  }
0x1c1: {  	v9 =	vadd.s32 v12, v44;
	(xrf0) =	vadd.scan.msk.s32 $0xffff, v21;
	v49 =	vadd.s32 $0xFFFFFFFF, v10;
	v10 =	vadd.s32 v15, v47;
	v50, _, _ =	vpop (xrf0)  }
0x1c2: {  	v58 =	vsel vm4, $0x1, v0;
	v9 =	vadd.s32 $0xFFFFFFFF, v9;
	(xrf0) =	vadd.scan.msk.s32 $0xffff, v51;
	v52 =	vadd.s32 v10, v50  }
0x1c3: {  	v62 =	vmpcnt.ones.xlane vm13;
	v7 =	vsel vm15, v9, v7;
	v53, _, _ =	vpop (xrf0);
	v9 =	vadd.s32 $0xFFFFFFFF, v52  }
0x1c4: {  	v8 =	vsel vm11, v49, v8;
	(xrf0) =	vadd.scan.msk.s32 $0xffff, v22;
	v57, _, _ =	vpop (xrf0);
	v7 =	vsel vm3, v9, v7;
	vm3 =	vnez.u8 v61  }
0x1c5: {  	v56 =	vadd.s32 v53, v28;
	(xrf0) =	vadd.scan.msk.s32 $0xffff, v58;
	v9 =	vadd.s32 v28, v54;
	v60, _, _ =	vpop (xrf0);
	v21 =	vsel vm3, $0x1, v0  }
0x1c6: {  	v59 =	vadd.s32 $0xFFFFFFFF, v56;
	v15 =	vadd.s32 v9, v57;
	v16 =	vadd.s32 v60, v11;
	(xrf0) =	vadd.scan.msk.s32 $0xffff, v21  }
0x1c7: {  	v8 =	vsel vm9, v59, v8;
	v15 =	vadd.s32 $0xFFFFFFFF, v15;
	v16 =	vadd.s32 $0xFFFFFFFF, v16;
	v63, _, _ =	vpop (xrf0)  }
0x1c8: {  	v7 =	vsel vm1, v15, v7;
	v24 =	vsel vm13, v16, v8;
	v8 =	vadd.s32 v11, v62;
	v25, _, _ =	vpop (xrf0)  }
0x1c9: {  	v29 =	vmpcnt.ones.xlane vm4;
	v17 =	vpop (erf);
	v26 =	vadd.s32 v8, v63;
	v11 =	vadd.s32 v25, v19  }
0x1ca: {  	v20 =	vsub.f32 $1.000000000e+00, v17;
	v28, _, _ =	vpop (xrf0);
	v16 =	vadd.s32 $0xFFFFFFFF, v26;
	v11 =	vadd.s32 $0xFFFFFFFF, v11  }
0x1cb: {  	v16 =	vsel vm2, v16, v7;
	v15 =	vsel vm14, v11, v24;
	v11 =	vadd.s32 v19, v27;
	v7, _, _ =	vpop (xrf0)  }
0x1cc: {  	v19 =	vadd.s32 v11, v28;
	v30 =	vadd.s32 v7, v18;
	v7 =	vadd.s32 v18, v29;
	v31, _, _ =	vpop (xrf0)  }
0x1cd: {  	[tilespmem:$0x5120] =	vst v17;
	v32 =	vadd.s32 $0xFFFFFFFF, v19;
	v33 =	vadd.s32 $0xFFFFFFFF, v30;
	v18 =	vadd.s32 v7, v31  }
0x1ce: {  	[tilespmem:$0x51A0] =	vst v20;
	v50 =	vld [tilespmem:$0x1FF40];
	v16 =	vsel vm5, v32, v16;
	v15 =	vsel vm4, v33, v15;
	v34 =	vadd.s32 $0xFFFFFFFF, v18  }
0x1cf: {  	[tilespmem:$0x5020] =	vst v15;
	v16 =	vsel vm3, v34, v16  }
0x1d0: {  	s19 =	rddreg [dreg:$0x14];
	v51 =	vld [tilespmem:$0x1FF50];
	[tilespmem:$0x50A0] =	vst v16  }
0x1d1: {  	v16 =	vld [tilespmem:s19+$0x4000]  }
0x1d2: {  	v35 =	vld [tilespmem:s19+$0x4800]  }
0x1d3: {  	vm4 =	vnez.u8 v50  }
0x1d4: {  	v17 =	vmpcnt.ones.xlane vm4  }
0x1d5: {  	v41 =	vimm.s32 $0x0;
	v45 =	vimm.s32 $0x0  }
0x1d6: {  	v47 =	vimm.s32 $0x0;
	vm4 =	vnez.u8 v51;
	v13 =	vadd.s32 v17, v13;
	v15 =	vld [tilespmem:s19+$0x0]  }
0x1d7: {  	v36 =	vld [tilespmem:s4+$0x830];
	v13 =	vadd.s32 $0xFFFFFFFF, v13;
	vm8 =	veq.s32 v16, $0x0;
	vm15 =	veq.s32 v35, $0x0  }
0x1d8: {  	v37 =	vld [tilespmem:s4+$0x1030];
	vm9 =	veq.s32 v16, $0x1;
	vm11 =	veq.s32 v35, $0x1;
	vm14 =	veq.s32 v16, $0x2  }
0x1d9: {  	v20 =	vld [tilespmem:s4+$0x1830];
	vm1 =	veq.s32 v35, $0x2;
	vm10 =	veq.s32 v16, $0x3;
	vm6 =	veq.s32 v35, $0x3  }
0x1da: {  	v38 =	vld [tilespmem:s4+$0x2030];
	vm12 =	veq.s32 v16, $0x4;
	vm5 =	veq.s32 v35, $0x4;
	vm13 =	veq.s32 v16, $0x5  }
0x1db: {  	v40 =	vld [tilespmem:s4+$0x2830];
	vm3 =	veq.s32 v16, $0x6;
	vm2 =	veq.s32 v16, $0x7;
	v39 =	vnsel vm8, $0xFF61B1E6, v15  }
0x1dc: {  	v42 =	vld [tilespmem:s4+$0x3030];
	v15 =	vnsel vm15, $0xFF61B1E6, v15;
	v18 =	vsel vm1, $0xFFFFFFFF, v41;
	v22 =	vsel vm9, v36, v39  }
0x1dd: {  	v46 =	vsel vm8, $0x1, v0;
	v15 =	vsel vm11, v36, v15;
	v22 =	vsel vm14, v37, v22  }
0x1de: {  	v44 =	vld [tilespmem:s4+$0x3830];
	v48 =	vsel vm15, $0x1, v0;
	v15 =	vsel vm1, v37, v15;
	v43 =	vsel vm10, v20, v22  }
0x1df: {  	vm1 =	veq.s32 v35, $0x5;
	v15 =	vsel vm6, v20, v15;
	v19 =	vsel vm12, v38, v43  }
0x1e0: {  	v20 =	vsel vm1, $0xFFFFFFFF, v45;
	v15 =	vsel vm5, v38, v15;
	v19 =	vsel vm13, v40, v19  }
0x1e1: {  	(xrf0) =	vadd.scan.msk.s32 $0xffff, v46;
	v15 =	vsel vm1, v40, v15;
	vm1 =	veq.s32 v35, $0x6;
	v19 =	vsel vm3, v42, v19  }
0x1e2: {  	v21 =	vsel vm1, $0xFFFFFFFF, v47;
	v15 =	vsel vm1, v42, v15;
	vm1 =	veq.s32 v35, $0x7  }
0x1e3: {  	v49 =	vsel vm9, $0x1, v0;
	[tilespmem:$0x1FF80] =	vst v18;
	v16 =	vsel vm2, v44, v19;
	v15 =	vsel vm1, v44, v15  }
0x1e4: {  	v53 =	vsel vm11, $0x1, v0;
	v55 =	vmpcnt.ones.xlane vm8;
	v60 =	vld [tilespmem:$0x1FF80];
	v15 =	vsub.f32 v15, v16  }
0x1e5: {  	v52 =	vld [tilespmem:$0x1FF60];
	v57 =	vsel vm14, $0x1, v0;
	v61 =	vmpcnt.ones.xlane vm9;
	v62 =	vsel vm10, $0x1, v0  }
0x1e6: {  	v56 =	vld [tilespmem:$0x1FF70];
	v25 =	vsel vm6, $0x1, v0;
	v27 =	vsel vm12, $0x1, v0;
	(xrf0) =	vadd.scan.msk.s32 $0xffff, v48;
	v15 =	vmul.f32 $1.442695020e+00, v15  }
0x1e7: {  	v63 =	vld [tilespmem:$0x1FF90];
	v30 =	vsel vm5, $0x1, v0;
	v31 =	vmpcnt.ones.xlane vm14;
	v41 =	vsel vm3, $0x1, v0;
	(xrf0) =	vadd.scan.msk.s32 $0xffff, v49;
	v54, _, _ =	vpop (xrf0)  }
0x1e8: {  	v51 =	vmpcnt.ones.xlane vm13;
	v22 =	vld [tilespmem:$0x1FFA0];
	(erf) = vpow2.f32 v15;
	v15 =	vadd.s32 v54, v13  }
0x1e9: {  	(xrf0) =	vadd.scan.msk.s32 $0xffff, v53;
	v16 =	vmpcnt.ones.xlane vm4;
	v15 =	vnsel vm8, $0x0, v15;
	vm8 =	vnez.u8 v60  }
0x1ea: {  	v36 =	vsel vm13, $0x1, v0;
	(xrf0) =	vadd.scan.msk.s32 $0xffff, v57;
	vm4 =	vnez.u8 v52;
	v19 =	vsel vm8, $0x1, v0  }
0x1eb: {  	v18 =	vmpcnt.ones.xlane vm4;
	vm4 =	vnez.u8 v56;
	v14 =	vadd.s32 v16, v14;
	(xrf0) =	vadd.scan.msk.s32 $0xffff, v19  }
0x1ec: {  	v23 =	vld [tilespmem:$0x1FFB0];
	[tilespmem:$0x1FFE0] =	vst v21;
	v58, _, _ =	vpop (xrf0);
	v17 =	vmpcnt.ones.xlane vm4;
	vm4 =	vnez.u8 v63;
	v14 =	vadd.s32 $0xFFFFFFFF, v14  }
0x1ed: {  	v59, _, _ =	vpop (xrf0);
	v21 =	vmpcnt.ones.xlane vm4;
	vm4 =	vnez.u8 v22;
	v12 =	vadd.s32 v18, v12;
	(xrf0) =	vadd.scan.msk.s32 $0xffff, v62  }
0x1ee: {  	[tilespmem:$0x1FFD0] =	vst v20;
	v13 =	vadd.s32 v55, v13;
	v16 =	vadd.s32 v59, v14;
	v14 =	vadd.s32 v61, v14  }
0x1ef: {  	v38 =	vld [tilespmem:$0x1FFD0];
	v24, _, _ =	vpop (xrf0);
	v12 =	vadd.s32 $0xFFFFFFFF, v12;
	v10 =	vadd.s32 v17, v10;
	v13 =	vadd.s32 v58, v13  }
0x1f0: {  	v14 =	vadd.s32 v24, v14;
	v26, _, _ =	vpop (xrf0);
	v10 =	vadd.s32 $0xFFFFFFFF, v10;
	v13 =	vnsel vm15, $0x0, v13;
	(xrf0) =	vadd.scan.msk.s32 $0xffff, v25  }
0x1f1: {  	v28 =	vld [tilespmem:$0x1FFC0];
	v15 =	vsel vm9, v16, v15;
	v16 =	vmpcnt.ones.xlane vm4;
	vm4 =	vnez.u8 v23;
	(xrf0) =	vadd.scan.msk.s32 $0xffff, v27;
	v32, _, _ =	vpop (xrf0)  }
0x1f2: {  	v43 =	vld [tilespmem:$0x1FFE0];
	v13 =	vsel vm11, v14, v13;
	v14 =	vadd.s32 v26, v12;
	v29 =	vpop (erf);
	v12 =	vadd.s32 v32, v12  }
0x1f3: {  	v14 =	vsel vm14, v14, v15;
	v33 =	vadd.f32 $1.000000000e+00, v29;
	v34, _, _ =	vpop (xrf0);
	v12 =	vadd.s32 v31, v12  }
0x1f4: {  	(xrf0) =	vadd.scan.msk.s32 $0xffff, v30;
	v35 =	vadd.s32 v34, v10;
	v12 =	vsel vm8, v12, v13;
	vm8 =	vnez.u8 v38  }
0x1f5: {  	(xrf0) =	vadd.scan.msk.s32 $0xffff, v36;
	v37 =	vsel vm10, v35, v14;
	(erf) = vrcp.f32 v33;
	v14 =	vsel vm8, $0x1, v0  }
0x1f6: {  	v39 =	vmpcnt.ones.xlane vm10;
	v19 =	vmpcnt.ones.xlane vm4;
	vm4 =	vnez.u8 v28;
	v40, _, _ =	vpop (xrf0);
	(xrf0) =	vadd.scan.msk.s32 $0xffff, v14  }
0x1f7: {  	v47 =	vsel vm2, $0x1, v0;
	v20 =	vmpcnt.ones.xlane vm4;
	vm4 =	vnez.u8 v43;
	v42, _, _ =	vpop (xrf0);
	(xrf0) =	vadd.scan.msk.s32 $0xffff, v41  }
0x1f8: {  	v44 =	vmpcnt.ones.xlane vm12;
	v48 =	vsel vm1, $0x1, v0;
	v14 =	vsel vm4, $0x1, v0  }
0x1f9: {  	v56 =	vmpcnt.ones.xlane vm3;
	v59 =	vmpcnt.ones.xlane vm2;
	v9 =	vadd.s32 v21, v9;
	(xrf0) =	vadd.scan.msk.s32 $0xffff, v14  }
0x1fa: {  	v9 =	vadd.s32 $0xFFFFFFFF, v9;
	v8 =	vadd.s32 v16, v8;
	v11 =	vadd.s32 v19, v11;
	v45, _, _ =	vpop (xrf0);
	(xrf0) =	vadd.scan.msk.s32 $0xffff, v47  }
0x1fb: {  	v8 =	vadd.s32 $0xFFFFFFFF, v8;
	v11 =	vadd.s32 $0xFFFFFFFF, v11;
	v10 =	vadd.s32 v40, v10;
	v49, _, _ =	vpop (xrf0);
	(xrf0) =	vadd.scan.msk.s32 $0xffff, v48  }
0x1fc: {  	v7 =	vadd.s32 v20, v7;
	v10 =	vadd.s32 v39, v10;
	v46 =	vadd.s32 v45, v9;
	v50, _, _ =	vpop (xrf0)  }
0x1fd: {  	v10 =	vsel vm6, v10, v12;
	v9 =	vadd.s32 v42, v9;
	v12 =	vadd.s32 v44, v46;
	v52, _, _ =	vpop (xrf0)  }
0x1fe: {  	v9 =	vsel vm12, v9, v37;
	v10 =	vsel vm5, v12, v10;
	v12 =	vadd.s32 v49, v8;
	v55 =	vpop (erf)  }
0x1ff: {  	v7 =	vadd.s32 $0xFFFFFFFF, v7;
	v9 =	vsel vm13, v12, v9;
	v8 =	vadd.s32 v50, v8;
	v53, _, _ =	vpop (xrf0)  }
0x200: {  	v8 =	vadd.s32 v51, v8;
	v54 =	vadd.s32 v52, v11;
	v58 =	vsub.f32 $1.000000000e+00, v55;
	v57, _, _ =	vpop (xrf0)  }
0x201: {  	v8 =	vsel vm8, v8, v10;
	v9 =	vsel vm3, v54, v9;
	v11 =	vadd.s32 v53, v11;
	v60, _, _ =	vpop (xrf0)  }
0x202: {  	[tilespmem:$0x5130] =	vst v55;
	v61 =	vadd.s32 v56, v11;
	v62 =	vadd.s32 v57, v7;
	v7 =	vadd.s32 v60, v7  }
0x203: {  	[tilespmem:$0x51B0] =	vst v58;
	v8 =	vsel vm4, v61, v8;
	v9 =	vsel vm2, v62, v9;
	v7 =	vadd.s32 v59, v7  }
0x204: {  	[tilespmem:$0x5030] =	vst v9;
	v7 =	vsel vm1, v7, v8  }
0x205: {  	s21 =	simm.s32 $0x5000;
	s20 =	rddreg [dreg:$0xd];
	[tilespmem:$0x50B0] =	vst v7  }
0x206: {  	[hbm4b:s20+s3] =	stream.linear.scatter [tilespmem:s21], [sflag:$0x3], $0x40, $0x38;
	[tilespmem:$0x15280] =	vst v63  }
0x207: {  	_ =	swait.ge [sflag:s2], $0x40  }
0x208: {  	[sflag:s2] =	ssyncset.done $0x0  }
0x209: {  	s23 =	simm.s32 $0x5080;
	s22 =	rddreg [dreg:$0xe];
	[sflag:s2] =	ssyncadd.s32 $0xFFFFFFC0  }
0x20a: {  	[hbm4b:s22+s3] =	stream.linear.scatter [tilespmem:s23], [sflag:$0x3], $0x40, $0x38;
	[tilespmem:$0x15280] =	vst v63  }
0x20b: {  	_ =	swait.ge [sflag:s2], $0x40  }
0x20c: {  	[sflag:s2] =	ssyncset.done $0x0  }
0x20d: {  	s30 =	simm.s32 $0x5100;
	s24 =	rddreg [dreg:$0xf];
	[sflag:s2] =	ssyncadd.s32 $0xFFFFFFC0  }
0x20e: {  	[hbm4b:s24+s3] =	stream.linear.scatter [tilespmem:s30], [sflag:$0x3], $0x40, $0x38;
	[tilespmem:$0x15280] =	vst v63  }
0x20f: {  	_ =	swait.ge [sflag:s2], $0x40  }
0x210: {  	[sflag:s2] =	ssyncset.done $0x0  }
0x211: {  	s1 =	simm.s32 $0x5180;
	s31 =	rddreg [dreg:$0x10];
	[sflag:s2] =	ssyncadd.s32 $0xFFFFFFC0  }
0x212: {  	[hbm4b:s31+s3] =	stream.linear.scatter [tilespmem:s1], [sflag:$0x3], $0x40, $0x38;
	[tilespmem:$0x15280] =	vst v63  }
0x213: {  	_ =	swait.ge [sflag:s2], $0x40  }
0x214: {  	[sflag:s2] =	ssyncset.done $0x0  }
0x215: {  	[sflag:s2] =	ssyncadd.s32 $0xFFFFFFC0;
	s2 =	simm.s32 $0x2  }
0x216: {  	_ =	swait.ge [sflag:s2], $0x10000  }
0x217: {  	[sflag:s2] =	ssyncset.done $0x0  }
0x218: {  	[sflag:s2] =	ssyncadd.s32 $0xFFFF0000  }
0x219: {  	v7 =	vld [tilespmem:$0x5000];
	_ =	sdelay $0x4  }
0x21a: {  	v8 =	vshll.u32 v7, $0x3  }
0x21b: {  	v7 =	vand.u32 $0x7, v7;
	v8 =	vand.u32 $0xFFFFFFC0, v8  }
0x21c: {  	v7 =	vor.u32 v7, v8  }
0x21d: {  	v8 =	vperm.xlane v7, v4  }
0x21e: {  	v63 =	vld [tilespmem:$0x1FFF0]  }
0x21f: {  	v8 =	vadd.s32 v5, v8;
	_ =	sdelay $0x3  }
0x220: {  	s22 =	rddreg [dreg:$0x15];
	vm1 =	vnez.u8 v63  }
0x221: {  	[hbm4b:s22+s3] =	stream.indirect_vreg.scatter [tilespmem:s0], [sflag:$0x1], $0x80, v8, vm1, $0xb8;
	[tilespmem:$0x15280] =	vst v63  }
0x222: {  	s5 =	simm.s32 $0x5A80;
	s23 =	rddreg [dreg:$0x16];
	v7 =	vperm.xlane v7, v6  }
0x223: {  	[hbm4b:s23+s3] =	stream.indirect_vreg.scatter [tilespmem:s5], [sflag:$0x1], $0x80, v8, vm1, $0xb8;
	[tilespmem:$0x15280] =	vst v63  }
0x224: {  	s8 =	simm.s32 $0x6280;
	s24 =	rddreg [dreg:$0x17];
	v7 =	vadd.s32 v5, v7  }
0x225: {  	[hbm4b:s24+s3] =	stream.indirect_vreg.scatter [tilespmem:s8], [sflag:$0x1], $0x80, v8, vm1, $0xb8;
	[tilespmem:$0x15280] =	vst v63  }
0x226: {  	s9 =	simm.s32 $0x6A80;
	s7 =	rddreg [dreg:$0x18]  }
0x227: {  	[hbm4b:s7+s3] =	stream.indirect_vreg.scatter [tilespmem:s9], [sflag:$0x1], $0x80, v8, vm1, $0xb8;
	[tilespmem:$0x15280] =	vst v63  }
0x228: {  	s10 =	simm.s32 $0x7280  }
0x229: {  	[hbm4b:s22+s3] =	stream.indirect_vreg.scatter [tilespmem:s10], [sflag:$0x1], $0x80, v7, vm1, $0xb8;
	[tilespmem:$0x15280] =	vst v63  }
0x22a: {  	s11 =	simm.s32 $0x7A80  }
0x22b: {  	[hbm4b:s23+s3] =	stream.indirect_vreg.scatter [tilespmem:s11], [sflag:$0x1], $0x80, v7, vm1, $0xb8;
	[tilespmem:$0x15280] =	vst v63  }
0x22c: {  	s14 =	simm.s32 $0x8280  }
0x22d: {  	[hbm4b:s24+s3] =	stream.indirect_vreg.scatter [tilespmem:s14], [sflag:$0x1], $0x80, v7, vm1, $0xb8;
	[tilespmem:$0x15280] =	vst v63  }
0x22e: {  	s15 =	simm.s32 $0x8A80  }
0x22f: {  	[hbm4b:s7+s3] =	stream.indirect_vreg.scatter [tilespmem:s15], [sflag:$0x1], $0x80, v7, vm1, $0xb8;
	[tilespmem:$0x15280] =	vst v63  }
0x230: {  	v7 =	vld [tilespmem:$0x5010];
	_ =	sdelay $0x4  }
0x231: {  	v8 =	vshll.u32 v7, $0x3  }
0x232: {  	v7 =	vand.u32 $0x7, v7;
	v8 =	vand.u32 $0xFFFFFFC0, v8  }
0x233: {  	v7 =	vor.u32 v7, v8  }
0x234: {  	v8 =	vperm.xlane v7, v4;
	_ =	sdelay $0x1  }
0x235: {  	v8 =	vadd.s32 v5, v8;
	_ =	sdelay $0x3  }
0x236: {  	s18 =	simm.s32 $0x9280  }
0x237: {  	[hbm4b:s22+s3] =	stream.indirect_vreg.scatter [tilespmem:s18], [sflag:$0x1], $0x80, v8, vm1, $0xb8;
	[tilespmem:$0x15280] =	vst v63  }
0x238: {  	s19 =	simm.s32 $0x9A80;
	v7 =	vperm.xlane v7, v6  }
0x239: {  	[hbm4b:s23+s3] =	stream.indirect_vreg.scatter [tilespmem:s19], [sflag:$0x1], $0x80, v8, vm1, $0xb8;
	[tilespmem:$0x15280] =	vst v63  }
0x23a: {  	s20 =	simm.s32 $0xA280;
	v7 =	vadd.s32 v5, v7  }
0x23b: {  	[hbm4b:s24+s3] =	stream.indirect_vreg.scatter [tilespmem:s20], [sflag:$0x1], $0x80, v8, vm1, $0xb8;
	[tilespmem:$0x15280] =	vst v63  }
0x23c: {  	s21 =	simm.s32 $0xAA80  }
0x23d: {  	[hbm4b:s7+s3] =	stream.indirect_vreg.scatter [tilespmem:s21], [sflag:$0x1], $0x80, v8, vm1, $0xb8;
	[tilespmem:$0x15280] =	vst v63  }
0x23e: {  	s30 =	simm.s32 $0xB280  }
0x23f: {  	[hbm4b:s22+s3] =	stream.indirect_vreg.scatter [tilespmem:s30], [sflag:$0x1], $0x80, v7, vm1, $0xb8;
	[tilespmem:$0x15280] =	vst v63  }
0x240: {  	s31 =	simm.s32 $0xBA80  }
0x241: {  	[hbm4b:s23+s3] =	stream.indirect_vreg.scatter [tilespmem:s31], [sflag:$0x1], $0x80, v7, vm1, $0xb8;
	[tilespmem:$0x15280] =	vst v63  }
0x242: {  	_ = 	snop  }
0x243: {  	[hbm4b:s24+s3] =	stream.indirect_vreg.scatter [tilespmem:s12], [sflag:$0x1], $0x80, v7, vm1, $0xb8;
	[tilespmem:$0x15280] =	vst v63  }
0x244: {  	s4 =	simm.s32 $0xCA80  }
0x245: {  	[hbm4b:s7+s3] =	stream.indirect_vreg.scatter [tilespmem:s4], [sflag:$0x1], $0x80, v7, vm1, $0xb8;
	[tilespmem:$0x15280] =	vst v63  }
0x246: {  	v7 =	vld [tilespmem:$0x5020];
	_ =	sdelay $0x4  }
0x247: {  	v8 =	vshll.u32 v7, $0x3  }
0x248: {  	v7 =	vand.u32 $0x7, v7;
	v8 =	vand.u32 $0xFFFFFFC0, v8  }
0x249: {  	v7 =	vor.u32 v7, v8  }
0x24a: {  	v8 =	vperm.xlane v7, v4;
	_ =	sdelay $0x1  }
0x24b: {  	v8 =	vadd.s32 v5, v8;
	_ =	sdelay $0x4  }
0x24c: {  	[hbm4b:s22+s3] =	stream.indirect_vreg.scatter [tilespmem:s13], [sflag:$0x1], $0x80, v8, vm1, $0xb8;
	[tilespmem:$0x15280] =	vst v63  }
0x24d: {  	v7 =	vperm.xlane v7, v6  }
0x24e: {  	[hbm4b:s23+s3] =	stream.indirect_vreg.scatter [tilespmem:s28], [sflag:$0x1], $0x80, v8, vm1, $0xb8;
	[tilespmem:$0x15280] =	vst v63  }
0x24f: {  	v7 =	vadd.s32 v5, v7  }
0x250: {  	[hbm4b:s24+s3] =	stream.indirect_vreg.scatter [tilespmem:s16], [sflag:$0x1], $0x80, v8, vm1, $0xb8;
	[tilespmem:$0x15280] =	vst v63  }
0x251: {  	_ = 	snop  }
0x252: {  	[hbm4b:s7+s3] =	stream.indirect_vreg.scatter [tilespmem:s17], [sflag:$0x1], $0x80, v8, vm1, $0xb8;
	[tilespmem:$0x15280] =	vst v63  }
0x253: {  	_ = 	snop  }
0x254: {  	[hbm4b:s22+s3] =	stream.indirect_vreg.scatter [tilespmem:s26], [sflag:$0x1], $0x80, v7, vm1, $0xb8;
	[tilespmem:$0x15280] =	vst v63  }
0x255: {  	s2 =	simm.s32 $0xFA80  }
0x256: {  	[hbm4b:s23+s3] =	stream.indirect_vreg.scatter [tilespmem:s2], [sflag:$0x1], $0x80, v7, vm1, $0xb8;
	[tilespmem:$0x15280] =	vst v63  }
0x257: {  	_ = 	snop  }
0x258: {  	[hbm4b:s24+s3] =	stream.indirect_vreg.scatter [tilespmem:s25], [sflag:$0x1], $0x80, v7, vm1, $0xb8;
	[tilespmem:$0x15280] =	vst v63  }
0x259: {  	_ = 	snop  }
0x25a: {  	[hbm4b:s7+s3] =	stream.indirect_vreg.scatter [tilespmem:s29], [sflag:$0x1], $0x80, v7, vm1, $0xb8;
	[tilespmem:$0x15280] =	vst v63  }
0x25b: {  	v7 =	vld [tilespmem:$0x5030];
	_ =	sdelay $0x4  }
0x25c: {  	v8 =	vshll.u32 v7, $0x3  }
0x25d: {  	v7 =	vand.u32 $0x7, v7;
	v8 =	vand.u32 $0xFFFFFFC0, v8  }
0x25e: {  	v7 =	vor.u32 v7, v8  }
0x25f: {  	v8 =	vperm.xlane v7, v4;
	_ =	sdelay $0x1  }
0x260: {  	v8 =	vadd.s32 v5, v8;
	_ =	sdelay $0x3  }
0x261: {  	s4 =	simm.s32 $0x11280  }
0x262: {  	[hbm4b:s22+s3] =	stream.indirect_vreg.scatter [tilespmem:s4], [sflag:$0x1], $0x80, v8, vm1, $0xb8;
	[tilespmem:$0x15280] =	vst v63  }
0x263: {  	s1 =	simm.s32 $0x11A80;
	v7 =	vperm.xlane v7, v6  }
0x264: {  	[hbm4b:s23+s3] =	stream.indirect_vreg.scatter [tilespmem:s1], [sflag:$0x1], $0x80, v8, vm1, $0xb8;
	[tilespmem:$0x15280] =	vst v63  }
0x265: {  	s0 =	simm.s32 $0x12280;
	v7 =	vadd.s32 v5, v7  }
0x266: {  	[hbm4b:s24+s3] =	stream.indirect_vreg.scatter [tilespmem:s0], [sflag:$0x1], $0x80, v8, vm1, $0xb8;
	[tilespmem:$0x15280] =	vst v63  }
0x267: {  	s0 =	simm.s32 $0x12A80  }
0x268: {  	[hbm4b:s7+s3] =	stream.indirect_vreg.scatter [tilespmem:s0], [sflag:$0x1], $0x80, v8, vm1, $0xb8;
	[tilespmem:$0x15280] =	vst v63  }
0x269: {  	s0 =	simm.s32 $0x13280  }
0x26a: {  	[hbm4b:s22+s3] =	stream.indirect_vreg.scatter [tilespmem:s0], [sflag:$0x1], $0x80, v7, vm1, $0xb8;
	[tilespmem:$0x15280] =	vst v63  }
0x26b: {  	s0 =	simm.s32 $0x13A80  }
0x26c: {  	[hbm4b:s23+s3] =	stream.indirect_vreg.scatter [tilespmem:s0], [sflag:$0x1], $0x80, v7, vm1, $0xb8;
	[tilespmem:$0x15280] =	vst v63  }
0x26d: {  	s0 =	simm.s32 $0x14280  }
0x26e: {  	[hbm4b:s24+s3] =	stream.indirect_vreg.scatter [tilespmem:s0], [sflag:$0x1], $0x80, v7, vm1, $0xb8;
	[tilespmem:$0x15280] =	vst v63  }
0x26f: {  	s0 =	simm.s32 $0x14A80  }
0x270: {  	[hbm4b:s7+s3] =	stream.indirect_vreg.scatter [tilespmem:s0], [sflag:$0x1], $0x80, v7, vm1, $0xb8;
	[tilespmem:$0x15280] =	vst v63  }
0x271: {  	v7 =	vld [tilespmem:$0x5080];
	_ =	sdelay $0x4  }
0x272: {  	v8 =	vshll.u32 v7, $0x3  }
0x273: {  	v7 =	vand.u32 $0x7, v7;
	v8 =	vand.u32 $0xFFFFFFC0, v8  }
0x274: {  	v7 =	vor.u32 v7, v8  }
0x275: {  	v8 =	vperm.xlane v7, v4;
	_ =	sdelay $0x1  }
0x276: {  	v8 =	vadd.s32 v5, v8;
	_ =	sdelay $0x3  }
0x277: {  	s0 =	simm.s32 $0x5280  }
0x278: {  	[hbm4b:s22+s3] =	stream.indirect_vreg.scatter [tilespmem:s0], [sflag:$0x1], $0x80, v8, vm1, $0xb8;
	[tilespmem:$0x15280] =	vst v63  }
0x279: {  	v7 =	vperm.xlane v7, v6  }
0x27a: {  	[hbm4b:s23+s3] =	stream.indirect_vreg.scatter [tilespmem:s5], [sflag:$0x1], $0x80, v8, vm1, $0xb8;
	[tilespmem:$0x15280] =	vst v63  }
0x27b: {  	v7 =	vadd.s32 v5, v7  }
0x27c: {  	[hbm4b:s24+s3] =	stream.indirect_vreg.scatter [tilespmem:s8], [sflag:$0x1], $0x80, v8, vm1, $0xb8;
	[tilespmem:$0x15280] =	vst v63  }
0x27d: {  	_ = 	snop  }
0x27e: {  	[hbm4b:s7+s3] =	stream.indirect_vreg.scatter [tilespmem:s9], [sflag:$0x1], $0x80, v8, vm1, $0xb8;
	[tilespmem:$0x15280] =	vst v63  }
0x27f: {  	_ = 	snop  }
0x280: {  	[hbm4b:s22+s3] =	stream.indirect_vreg.scatter [tilespmem:s10], [sflag:$0x1], $0x80, v7, vm1, $0xb8;
	[tilespmem:$0x15280] =	vst v63  }
0x281: {  	_ = 	snop  }
0x282: {  	[hbm4b:s23+s3] =	stream.indirect_vreg.scatter [tilespmem:s11], [sflag:$0x1], $0x80, v7, vm1, $0xb8;
	[tilespmem:$0x15280] =	vst v63  }
0x283: {  	_ = 	snop  }
0x284: {  	[hbm4b:s24+s3] =	stream.indirect_vreg.scatter [tilespmem:s14], [sflag:$0x1], $0x80, v7, vm1, $0xb8;
	[tilespmem:$0x15280] =	vst v63  }
0x285: {  	_ = 	snop  }
0x286: {  	[hbm4b:s7+s3] =	stream.indirect_vreg.scatter [tilespmem:s15], [sflag:$0x1], $0x80, v7, vm1, $0xb8;
	[tilespmem:$0x15280] =	vst v63  }
0x287: {  	v7 =	vld [tilespmem:$0x5090];
	_ =	sdelay $0x4  }
0x288: {  	v8 =	vshll.u32 v7, $0x3  }
0x289: {  	v7 =	vand.u32 $0x7, v7;
	v8 =	vand.u32 $0xFFFFFFC0, v8  }
0x28a: {  	v7 =	vor.u32 v7, v8  }
0x28b: {  	v8 =	vperm.xlane v7, v4;
	_ =	sdelay $0x1  }
0x28c: {  	v8 =	vadd.s32 v5, v8;
	_ =	sdelay $0x4  }
0x28d: {  	[hbm4b:s22+s3] =	stream.indirect_vreg.scatter [tilespmem:s18], [sflag:$0x1], $0x80, v8, vm1, $0xb8;
	[tilespmem:$0x15280] =	vst v63  }
0x28e: {  	v7 =	vperm.xlane v7, v6  }
0x28f: {  	[hbm4b:s23+s3] =	stream.indirect_vreg.scatter [tilespmem:s19], [sflag:$0x1], $0x80, v8, vm1, $0xb8;
	[tilespmem:$0x15280] =	vst v63  }
0x290: {  	v7 =	vadd.s32 v5, v7  }
0x291: {  	[hbm4b:s24+s3] =	stream.indirect_vreg.scatter [tilespmem:s20], [sflag:$0x1], $0x80, v8, vm1, $0xb8;
	[tilespmem:$0x15280] =	vst v63  }
0x292: {  	_ = 	snop  }
0x293: {  	[hbm4b:s7+s3] =	stream.indirect_vreg.scatter [tilespmem:s21], [sflag:$0x1], $0x80, v8, vm1, $0xb8;
	[tilespmem:$0x15280] =	vst v63  }
0x294: {  	_ = 	snop  }
0x295: {  	[hbm4b:s22+s3] =	stream.indirect_vreg.scatter [tilespmem:s30], [sflag:$0x1], $0x80, v7, vm1, $0xb8;
	[tilespmem:$0x15280] =	vst v63  }
0x296: {  	_ = 	snop  }
0x297: {  	[hbm4b:s23+s3] =	stream.indirect_vreg.scatter [tilespmem:s31], [sflag:$0x1], $0x80, v7, vm1, $0xb8;
	[tilespmem:$0x15280] =	vst v63  }
0x298: {  	_ = 	snop  }
0x299: {  	[hbm4b:s24+s3] =	stream.indirect_vreg.scatter [tilespmem:s12], [sflag:$0x1], $0x80, v7, vm1, $0xb8;
	[tilespmem:$0x15280] =	vst v63  }
0x29a: {  	s15 =	simm.s32 $0xCA80  }
0x29b: {  	[hbm4b:s7+s3] =	stream.indirect_vreg.scatter [tilespmem:s15], [sflag:$0x1], $0x80, v7, vm1, $0xb8;
	[tilespmem:$0x15280] =	vst v63  }
0x29c: {  	v7 =	vld [tilespmem:$0x50A0];
	_ =	sdelay $0x4  }
0x29d: {  	v8 =	vshll.u32 v7, $0x3  }
0x29e: {  	v7 =	vand.u32 $0x7, v7;
	v8 =	vand.u32 $0xFFFFFFC0, v8  }
0x29f: {  	v7 =	vor.u32 v7, v8  }
0x2a0: {  	v8 =	vperm.xlane v7, v4;
	_ =	sdelay $0x1  }
0x2a1: {  	v8 =	vadd.s32 v5, v8;
	_ =	sdelay $0x4  }
0x2a2: {  	[hbm4b:s22+s3] =	stream.indirect_vreg.scatter [tilespmem:s13], [sflag:$0x1], $0x80, v8, vm1, $0xb8;
	[tilespmem:$0x15280] =	vst v63  }
0x2a3: {  	v7 =	vperm.xlane v7, v6  }
0x2a4: {  	[hbm4b:s23+s3] =	stream.indirect_vreg.scatter [tilespmem:s28], [sflag:$0x1], $0x80, v8, vm1, $0xb8;
	[tilespmem:$0x15280] =	vst v63  }
0x2a5: {  	v7 =	vadd.s32 v5, v7  }
0x2a6: {  	[hbm4b:s24+s3] =	stream.indirect_vreg.scatter [tilespmem:s16], [sflag:$0x1], $0x80, v8, vm1, $0xb8;
	[tilespmem:$0x15280] =	vst v63  }
0x2a7: {  	_ = 	snop  }
0x2a8: {  	[hbm4b:s7+s3] =	stream.indirect_vreg.scatter [tilespmem:s17], [sflag:$0x1], $0x80, v8, vm1, $0xb8;
	[tilespmem:$0x15280] =	vst v63  }
0x2a9: {  	_ = 	snop  }
0x2aa: {  	[hbm4b:s22+s3] =	stream.indirect_vreg.scatter [tilespmem:s26], [sflag:$0x1], $0x80, v7, vm1, $0xb8;
	[tilespmem:$0x15280] =	vst v63  }
0x2ab: {  	_ = 	snop  }
0x2ac: {  	[hbm4b:s23+s3] =	stream.indirect_vreg.scatter [tilespmem:s2], [sflag:$0x1], $0x80, v7, vm1, $0xb8;
	[tilespmem:$0x15280] =	vst v63  }
0x2ad: {  	_ = 	snop  }
0x2ae: {  	[hbm4b:s24+s3] =	stream.indirect_vreg.scatter [tilespmem:s25], [sflag:$0x1], $0x80, v7, vm1, $0xb8;
	[tilespmem:$0x15280] =	vst v63  }
0x2af: {  	_ = 	snop  }
0x2b0: {  	[hbm4b:s7+s3] =	stream.indirect_vreg.scatter [tilespmem:s29], [sflag:$0x1], $0x80, v7, vm1, $0xb8;
	[tilespmem:$0x15280] =	vst v63  }
0x2b1: {  	v7 =	vld [tilespmem:$0x50B0];
	_ =	sdelay $0x4  }
0x2b2: {  	v8 =	vshll.u32 v7, $0x3  }
0x2b3: {  	v7 =	vand.u32 $0x7, v7;
	v8 =	vand.u32 $0xFFFFFFC0, v8  }
0x2b4: {  	v7 =	vor.u32 v7, v8  }
0x2b5: {  	v8 =	vperm.xlane v7, v4;
	_ =	sdelay $0x1  }
0x2b6: {  	v8 =	vadd.s32 v5, v8;
	_ =	sdelay $0x4  }
0x2b7: {  	[hbm4b:s22+s3] =	stream.indirect_vreg.scatter [tilespmem:s4], [sflag:$0x1], $0x80, v8, vm1, $0xb8;
	[tilespmem:$0x15280] =	vst v63  }
0x2b8: {  	v7 =	vperm.xlane v7, v6  }
0x2b9: {  	[hbm4b:s23+s3] =	stream.indirect_vreg.scatter [tilespmem:s1], [sflag:$0x1], $0x80, v8, vm1, $0xb8;
	[tilespmem:$0x15280] =	vst v63  }
0x2ba: {  	s18 =	simm.s32 $0x12280;
	v7 =	vadd.s32 v5, v7  }
0x2bb: {  	[hbm4b:s24+s3] =	stream.indirect_vreg.scatter [tilespmem:s18], [sflag:$0x1], $0x80, v8, vm1, $0xb8;
	[tilespmem:$0x15280] =	vst v63  }
0x2bc: {  	s19 =	simm.s32 $0x12A80  }
0x2bd: {  	[hbm4b:s7+s3] =	stream.indirect_vreg.scatter [tilespmem:s19], [sflag:$0x1], $0x80, v8, vm1, $0xb8;
	[tilespmem:$0x15280] =	vst v63  }
0x2be: {  	s20 =	simm.s32 $0x13280  }
0x2bf: {  	[hbm4b:s22+s3] =	stream.indirect_vreg.scatter [tilespmem:s20], [sflag:$0x1], $0x80, v7, vm1, $0xb8;
	[tilespmem:$0x15280] =	vst v63  }
0x2c0: {  	s21 =	simm.s32 $0x13A80  }
0x2c1: {  	[hbm4b:s23+s3] =	stream.indirect_vreg.scatter [tilespmem:s21], [sflag:$0x1], $0x80, v7, vm1, $0xb8;
	[tilespmem:$0x15280] =	vst v63  }
0x2c2: {  	s22 =	simm.s32 $0x14280  }
0x2c3: {  	[hbm4b:s24+s3] =	stream.indirect_vreg.scatter [tilespmem:s22], [sflag:$0x1], $0x80, v7, vm1, $0xb8;
	[tilespmem:$0x15280] =	vst v63  }
0x2c4: {  	s23 =	simm.s32 $0x14A80;
	s24 =	simm.s32 $0x1  }
0x2c5: {  	[hbm4b:s7+s3] =	stream.indirect_vreg.scatter [tilespmem:s23], [sflag:$0x1], $0x80, v7, vm1, $0xb8;
	[tilespmem:$0x15280] =	vst v63  }
0x2c6: {  	_ =	swait.ge [sflag:s24], $0x10000  }
0x2c7: {  	[sflag:s24] =	ssyncset.done $0x0  }
0x2c8: {  	[sflag:s24] =	ssyncadd.s32 $0xFFFF0000  }
0x2c9: {  	_ =	swait.ge [sflag:s24], $0x10000  }
0x2ca: {  	s30 =	rddreg [dreg:$0x1a]  }
0x2cb: {  	s31 =	rddreg [dreg:$0x11];
	s4 =	sadd.s32 $0x1, s30  }
0x2cc: {  	p1 =	sne.s32 s4, s31  }
.Ltmp1:
0x2cd: {  	_ = 	snop;
	(pc) =	sbr.rel @p1 .LBB2_1-.Ltmp1, $3  }
0x2ce: {  	_ =	sdelay $0x1  }
0x2cf: {  	[sflag:s24] =	ssyncset.done $0x0  }
0x2d0: {  	s0 =	simm.s32 $0x5280;
	s2 =	simm.s32 $0x3;
	[sflag:s24] =	ssyncadd.s32 $0xFFFF0000  }
0x2d1: {  	_ =	sfence.sel $0x180000  }
0x2d2: {  	[bflag:$0x0] =	sbarrier.arrive $0xFFFF  }
0x2d3: {  	_ =	strace $0x90000047  }
0x2d4: {  	s0 =	stileid.u32;
	[bflag:$0x2] =	sbarrier.arrive $0xFFFF  }
0x2d5: {  	p0 =	sne.s32 s0, $0x0;
	s0 =	rddreg [dreg:$0x3]  }
0x2d6: {  	s0 =	sadd.s32 @!p0 $0x100000, s0  }
0x2d7: {  	[sflag:s0] =	ssyncadd.tile.s32 @!p0 $0x1;
	_ =	shalt  }
.Lfunc_end2:
_tile_overlayer_lowered:
.L_overlay_start_2:
0x2d8: {  	(tag) =	ssettag $0x2  }
0x2d9: {  	s0 =	rddreg [dreg:$0x0];
	s2 =	stileid.u32  }
0x2da: {  	s1 =	rddreg [dreg:$0x1];
	p0 =	sne.s32 s2, $0x0  }
0x2db: {  	s3 =	rddreg [dreg:$0x2];
	[bflag:$0x3] =	sbarrier.arrive $0xFFFF;
	s2 =	simm.s32 @!p0 $0x1C03  }
0x2dc: {  	[timem:s3], [sflag:s2] =	dma.local @!p0 [hbm:s0], s1  }
0x2dd: {  	s0 =	simm.s32 @!p0 $0x3  }
0x2de: {  	_ =	swait.ge @!p0 [sflag:s0], s1  }
0x2df: {  	s1 =	ssub.s32 @!p0 $0x0, s1;
	[sflag:s0] =	ssyncset.done @!p0 $0x0  }
0x2e0: {  	[sflag:s0] =	ssyncadd.s32 @!p0 s1  }
0x2e1: {  	[bflag:$0x3] =	sbarrier.arrive $0xFFFF  }
0x2e2: {  	_ =	shalt  }

// kernel: kernel.8.cloned.1.call-start
scs
__scs_entry_jumppad:
0x0: {  	(pc) =	sbr.rel $0x88, $3  }
0x1: {  	(tag) =	ssettag $0x0;
	lr =	simm.s32 $0x1  }
0x2: {  	[smem:$0x3F9C] =	sst lr;
	_ =	strace $0xD0000000  }
0x3: {  	_ = 	snop  }
0x4: {  	_ = 	snop  }
0x5: {  	_ = 	snop  }
0x6: {  	_ = 	snop  }
0x7: {  	_ = 	snop  }
__scs_overlays_trampoline_lowered:
0x8: {  	[smem:$0x3FAB] =	sst s0  }
0x9: {  	[smem:$0x3FAC] =	sst s1  }
0xa: {  	[smem:$0x3FAD] =	sst s2  }
0xb: {  	[smem:$0x3FAE] =	sst s3  }
0xc: {  	[smem:$0x3FAF] =	sst s4  }
0xd: {  	[smem:$0x3FB0] =	sst s5  }
0xe: {  	[smem:$0x3FB1] =	sst s6  }
0xf: {  	[smem:$0x3FB2] =	sst s7  }
0x10: {  	[smem:$0x3FB3] =	sst s8  }
0x11: {  	[smem:$0x3FB4] =	sst s9;
	s0 =	simm.s32 @!p0 $0x0  }
0x12: {  	s1 =	sld [smem:$0x3F9A];
	s0 =	simm.s32 @p0 $0x1  }
0x13: {  	[smem:$0x3FB5] =	sst s0;
	s0 =	simm.s32 @!p1 $0x0  }
0x14: {  	s2 =	sld [smem:$0x3F99];
	s0 =	simm.s32 @p1 $0x1  }
0x15: {  	[smem:$0x3FB6] =	sst s0;
	s0 =	simm.s32 @!p2 $0x0  }
0x16: {  	s3 =	sld [smem:$0x3FDB];
	s0 =	simm.s32 @p2 $0x1  }
0x17: {  	s4 =	simm.s32 $0x1BF5;
	[smem:$0x3FB8] =	sst s0  }
0x18: {  	s0 =	sld [smem:$0x3F9B];
	_ =	swait.ge [sflag:s4], $0x0  }
0x19: {  	s7 =	sld [smem:$0x3F9C]  }
0x1a: {  	s8 =	sadd.s32 $0xFFFFE003, lr  }
0x1b: {  	s9 =	sadd.s32 $0xFFFFFEF7, lr;
	s5 =	simm.s32 $0xFFFFFFFF;
	p2 =	slt.u32 s8, $0xFFFFF086  }
0x1c: {  	p1 =	slt.u32 s9, $0xF7A;
	s5 =	simm.s32 @!p2 $0x0  }
0x1d: {  	s5 =	simm.s32 @p1 $0x1;
	p0 =	seq.s32 s7, s2  }
0x1e: {  	s7 =	smul.u32 @!p0 $0xF7A, s2;
	p2 =	seq.s32 @!p0 s5, $0x0  }
0x1f: {  	s9 =	smul.u32 $0xF7A, s1;
	s8 =	simm.s32 @!p0 $0x1BF5;
	p2 =	por !p2, p0  }
0x20: {  	[sflag:s8] =	ssyncset.s32 @!p0 $0xFFFFF086;
	s6 =	sadd.s32 @!p0 s3, s7;
	s7 =	simm.s32 @!p0 $0x108  }
0x21: {  	s3 =	sadd.s32 s3, s9;
	s6 =	sadd.s32 @!p0 $0x88, s6;
	s7 =	simm.s32 @p2 $0x1082  }
0x22: {  	[simem:s7], [sflag:s8] =	dma.local @!p0 [hbm:s6], $0xF7A  }
0x23: {  	s9 =	sor.u32 $0xD0000000, s2;
	s6 =	simm.s32 $0x108;
	_ =	swait.ge @!p0 [sflag:s8], $0x0  }
0x24: {  	s3 =	sadd.s32 $0x88, s3;
	s6 =	simm.s32 @!p1 $0x1082;
	[sflag:s4] =	ssyncset.s32 $0xFFFFF086  }
0x25: {  	[simem:s6], [sflag:s4] =	dma.local [hbm:s3], $0xF7A  }
0x26: {  	[smem:$0x3F9C] =	sst s1;
	(tag) =	ssettag s2;
	_ =	strace s9  }
0x27: {  	s1 =	sld [smem:$0x3FAC]  }
0x28: {  	s2 =	sld [smem:$0x3FAD]  }
0x29: {  	s4 =	sld [smem:$0x3FAF]  }
0x2a: {  	p0 =	seq.s32 s5, $0x0;
	s5 =	sld [smem:$0x3FB0]  }
0x2b: {  	s6 =	sld [smem:$0x3FB1]  }
0x2c: {  	s7 =	sld [smem:$0x3FB2]  }
0x2d: {  	s3 =	simm.s32 $0x108;
	s8 =	sld [smem:$0x3FB3]  }
0x2e: {  	s3 =	simm.s32 @!p0 $0x1082;
	s9 =	sld [smem:$0x3FB4]  }
0x2f: {  	lr =	sadd.s32 s0, s3;
	s0 =	sld [smem:$0x3FAB]  }
0x30: {  	s3 =	sld [smem:$0x3FAE]  }
0x31: {  	[smem:$0x3FB7] =	sst s10  }
0x32: {  	s10 =	sld [smem:$0x3FB5];
	_ =	sdelay $0x3  }
0x33: {  	p0 =	seq.s32 s10, $0x1;
	s10 =	sld [smem:$0x3FB7];
	_ =	sdelay $0x3  }
0x34: {  	[smem:$0x3FB7] =	sst s10  }
0x35: {  	s10 =	sld [smem:$0x3FB6];
	_ =	sdelay $0x3  }
0x36: {  	p1 =	seq.s32 s10, $0x1;
	s10 =	sld [smem:$0x3FB7];
	_ =	sdelay $0x3  }
0x37: {  	[smem:$0x3FB7] =	sst s10  }
0x38: {  	s10 =	sld [smem:$0x3FB8]  }
0x39: {  	_ = 	snop;
	(pc) =	sbr.ind lr, $3  }
0x3a: {  	_ = 	snop  }
0x3b: {  	_ = 	snop  }
0x3c: {  	p2 =	seq.s32 s10, $0x1;
	s10 =	sld [smem:$0x3FB7]  }
0x3d: {  	_ =	shalt  }
0x3e: {  	_ =	shalt  }
0x3f: {  	_ =	shalt  }
0x40: {  	_ =	shalt  }
0x41: {  	_ =	shalt  }
0x42: {  	_ =	shalt  }
0x43: {  	_ =	shalt  }
0x44: {  	_ =	shalt  }
0x45: {  	_ =	shalt  }
0x46: {  	_ =	shalt  }
0x47: {  	_ =	shalt  }
0x48: {  	_ =	shalt  }
0x49: {  	_ =	shalt  }
0x4a: {  	_ =	shalt  }
0x4b: {  	_ =	shalt  }
0x4c: {  	_ =	shalt  }
0x4d: {  	_ =	shalt  }
0x4e: {  	_ =	shalt  }
0x4f: {  	_ =	shalt  }
0x50: {  	_ =	shalt  }
0x51: {  	_ =	shalt  }
0x52: {  	_ =	shalt  }
0x53: {  	_ =	shalt  }
0x54: {  	_ =	shalt  }
0x55: {  	_ =	shalt  }
0x56: {  	_ =	shalt  }
0x57: {  	_ =	shalt  }
0x58: {  	_ =	shalt  }
0x59: {  	_ =	shalt  }
0x5a: {  	_ =	shalt  }
0x5b: {  	_ =	shalt  }
0x5c: {  	_ =	shalt  }
0x5d: {  	_ =	shalt  }
0x5e: {  	_ =	shalt  }
0x5f: {  	_ =	shalt  }
0x60: {  	_ =	shalt  }
0x61: {  	_ =	shalt  }
0x62: {  	_ =	shalt  }
0x63: {  	_ =	shalt  }
0x64: {  	_ =	shalt  }
0x65: {  	_ =	shalt  }
0x66: {  	_ =	shalt  }
0x67: {  	_ =	shalt  }
0x68: {  	_ =	shalt  }
0x69: {  	_ =	shalt  }
0x6a: {  	_ =	shalt  }
0x6b: {  	_ =	shalt  }
0x6c: {  	_ =	shalt  }
0x6d: {  	_ =	shalt  }
0x6e: {  	_ =	shalt  }
0x6f: {  	_ =	shalt  }
0x70: {  	_ =	shalt  }
0x71: {  	_ =	shalt  }
0x72: {  	_ =	shalt  }
0x73: {  	_ =	shalt  }
0x74: {  	_ =	shalt  }
0x75: {  	_ =	shalt  }
0x76: {  	_ =	shalt  }
0x77: {  	_ =	shalt  }
0x78: {  	_ =	shalt  }
0x79: {  	_ =	shalt  }
0x7a: {  	_ =	shalt  }
0x7b: {  	_ =	shalt  }
0x7c: {  	_ =	shalt  }
0x7d: {  	_ =	shalt  }
0x7e: {  	_ =	shalt  }
0x7f: {  	_ =	shalt  }
0x80: {  	_ =	shalt  }
0x81: {  	_ =	shalt  }
0x82: {  	_ =	shalt  }
0x83: {  	_ =	shalt  }
0x84: {  	_ =	shalt  }
0x85: {  	_ =	shalt  }
0x86: {  	_ =	shalt  }
0x87: {  	_ =	shalt  }
.Lfunc_end0:
.L_simem_size_0:
called_computation.1_lowered:
.L_overlay_start_0:
0x88: {  	s2 =	sld [smem:$0x3FD9]  }
0x89: {  	s3 =	sld [smem:$0x3FFE];
	_ =	sdelay $0x1  }
0x8a: {  	s1 =	srdreg.scid  }
0x8b: {  	s0 =	sand.u32 $0x1, s1  }
0x8c: {  	s17 =	sshll.u32 s0, $0xA;
	s2 =	sadd.s32 s3, s2  }
0x8d: {  	s2 =	sadd.s32 s2, s17  }
0x8e: {  	[smem:$0x3FC3] =	sst s2  }
0x8f: {  	_ = 	snop  }
0x90: {  	s2 =	sld [smem:$0x3FD0];
	(tm) =	ssettm $0x1  }
0x91: {  	s18 =	sld [smem:$0x3FFB];
	_ =	sdelay $0x3  }
0x92: {  	_ =	strace s18  }
0x93: {  	s3 =	sld [smem:$0x3FFC];
	_ =	sdelay $0x3  }
0x94: {  	_ =	strace s3  }
0x95: {  	s3 =	sld [smem:$0x3FFD];
	_ =	sdelay $0x3  }
0x96: {  	_ =	strace s3  }
0x97: {  	_ =	strace $0x8FFFFFFF  }
0x98: {  	s19 =	sld [smem:$0x3FDB];
	_ =	sdelay $0x1  }
0x99: {  	s4 =	simm.s32 $_scs_section_size  }
0x9a: {  	s5 =	simm.s32 $_size__tile_overlayer_lowered;
	s6 =	simm.s32 $_tile_overlayer_lowered  }
0x9b: {  	s22 =	simm.s32 $0x1BFF;
	s21 =	sshll.u32 s6, $0x1;
	s3 =	sadd.s32 s4, s19  }
0x9c: {  	s7 =	simm.s32 $0x0;
	s20 =	sshll.u32 s5, $0x1;
	s5 =	sadd.s32 s21, s3  }
0x9d: {  	[timem:s7], [sflag:s22] =	dma.local [hbm:s5], s20  }
0x9e: {  	_ =	swait.ge [sflag:s22], s20  }
0x9f: {  	s4 =	ssub.s32 $0x0, s20;
	[sflag:s22] =	ssyncset.done $0x0  }
0xa0: {  	[sflag:s22] =	ssyncadd.s32 s4;
	_ =	sdelay $0x1  }
0xa1: {  	s23 =	simm.s32 $0x1B8B  }
0xa2: {  	_ =	swait.ge [sflag:s23], $0x1  }
0xa3: {  	[sflag:s23] =	ssyncset.done $0x0  }
0xa4: {  	s25 =	simm.s32 $0x1B8E;
	s24 =	sld [smem:$0x3FFE];
	[sflag:s23] =	ssyncadd.s32 $0xFFFFFFFF  }
0xa5: {  	s26 =	simm.s32 $execute0_lowered;
	[smem:$0x3FD2] =	sst s25  }
0xa6: {  	s5 =	sshll.u32 s26, $0x1;
	_ =	strace $0x80000049;
	[dreg:$0x1] =	wrdreg $0xFFFFFFFF  }
0xa7: {  	s28 =	simm.s32 $_size_execute0_lowered;
	s3 =	sadd.s32 s3, s5;
	[dreg:$0x0] =	wrdreg $0x0  }
0xa8: {  	s5 =	sshll.u32 s28, $0x1;
	[dreg:$0x2] =	wrdreg s3  }
0xa9: {  	[dreg:$0x3] =	wrdreg s5  }
0xaa: {  	[dreg:$0x4] =	wrdreg $0xC0  }
0xab: {  	_ =	task [dreg:s7], $0x5FFFF  }
0xac: {  	[dreg:$0x1] =	wrdreg $0xFFFFFFFF  }
0xad: {  	[dreg:$0x0] =	wrdreg $0x60  }
0xae: {  	[dreg:$0x2] =	wrdreg s24  }
0xaf: {  	[dreg:$0x3] =	wrdreg s2  }
0xb0: {  	[dreg:$0x4] =	wrdreg $0x9  }
0xb1: {  	_ =	task.clear_ibuf [dreg:s7], $0x5FFFF;
	_ =	strace $0x90000049  }
0xb2: {  	s29 =	simm.s32 $0x9;
	_ =	strace $0x8000004B  }
0xb3: {  	_ =	swait.ge [sflag:s29], $0x1  }
0xb4: {  	[sflag:s29] =	ssyncadd.s32 $0xFFFFFFFF  }
0xb5: {  	_ =	strace $0x9000004B  }
0xb6: {  	_ =	sfence  }
0xb7: {  	s30 =	sld [smem:$0x0];
	_ =	sdelay $0x2  }
0xb8: {  	s31 =	sshll.u32 s1, $0xD;
	s1 =	sshrl.u32 s1, $0x2  }
0xb9: {  	s3 =	sand.u32 $0x4000, s31;
	s1 =	sadd.s32 s1, s30  }
0xba: {  	s0 =	sor.u32 s3, s0;
	s1 =	sshll.u32 s1, $0x11  }
0xbb: {  	s0 =	sor.u32 s1, s0  }
0xbc: {  	s0 =	sadd.s32 $0x8F2B, s0  }
0xbd: {  	[sflag:s0] =	ssyncadd.remote.s32 $0x1  }
0xbe: {  	_ =	sfence.sel $0xFFFF  }
0xbf: {  	[dreg:$0x0] =	wrdreg $0xFFFFFFFF;
	(pc) =	sbr.abs _section_cstart, $3  }
0xc0: {  	[dreg:$0x1] =	wrdreg $0xFFFFFFFF  }
0xc1: {  	_ =	task.clear_ibuf [dreg:s7], $0x2FFFF;
	_ =	strace $0x9FFFFFFF  }
0xc2: {  	(tm) =	ssettm $0x7FFFFFFF  }
0xc3: {  	_ =	shalt  }
tec
execute0_lowered:
.L_overlay_start_1:
0x0: {  	(tag) =	ssettag $0x1  }
0x1: {  	s0 =	srdreg.scid  }
0x2: {  	s1 =	rddreg [dreg:$0x0];
	s2 =	stileid.u32  }
0x3: {  	s4 =	rddreg [dreg:$0x1];
	s16 =	simm.s32 $0x4;
	s20 =	simm.s32 $0x1  }
0x4: {  	s28 =	simm.s32 $0xBA00;
	s29 =	simm.s32 $0xCA00;
	s30 =	simm.s32 $0xDA00  }
0x5: {  	s31 =	simm.s32 $0xE200;
	s17 =	simm.s32 $0x10200;
	s18 =	simm.s32 $0x2  }
0x6: {  	s19 =	simm.s32 $0x14200;
	s12 =	simm.s32 $0x3;
	s13 =	simm.s32 $0x0  }
0x7: {  	s0 =	sand.u32 $0x1, s0;
	s3 =	sshll.u32 s2, $0x7;
	s2 =	simm.s32 $0x0  }
0x8: {  	s8 =	sadd.s32 $0xC1B00, s1;
	s5 =	sshll.u32 s0, $0x6;
	s0 =	ssub.s32 $0x2, s0  }
0x9: {  	s10 =	sadd.s32 $0xC1C00, s1;
	s5 =	sor.u32 s5, s3;
	s7 =	sshrl.u32 s0, $0x1  }
0xa: {  	s11 =	sadd.s32 $0xC1D00, s1;
	s3 =	sshrl.u32 s5, $0x3;
	s0 =	ssub.s32 s0, s7  }
0xb: {  	[smem:$0x7FF] =	sst s2;
	s6 =	sadd.s32 s3, s1;
	s0 =	smax.u32 s0, $0x1  }
0xc: {  	_ =	strace $0x8000004A;
	s21 =	sadd.s32 $0xC1200, s6;
	[dreg:$0xa] =	wrdreg s0  }
0xd: {  	s5 =	sshll.u32 s5, $0x7;
	s22 =	sadd.s32 $0xC1400, s6;
	[dreg:$0x3] =	wrdreg s21  }
0xe: {  	s7 =	simm.s32 $0xEA00;
	s23 =	sadd.s32 $0xC1600, s6;
	[dreg:$0x4] =	wrdreg s22  }
0xf: {  	s9 =	sadd.s32 s4, s5;
	s6 =	sadd.s32 $0xC1800, s6;
	[dreg:$0x5] =	wrdreg s23  }
0x10: {  	s3 =	sadd.s32 $0xC1A00, s1;
	s24 =	sadd.s32 $0x800, s9;
	[dreg:$0x6] =	wrdreg s6  }
0x11: {  	s4 =	simm.s32 $0xB200;
	s25 =	sadd.s32 $0x1000, s9;
	[dreg:$0x7] =	wrdreg s24  }
0x12: {  	v2 =	vlaneseq.u32;
	s5 =	simm.s32 $0xC200;
	s26 =	sadd.s32 $0x1800, s9;
	[dreg:$0x8] =	wrdreg s25  }
0x13: {  	vm0 =	vmmov $0xffff;
	v1 =	vshrl.u32 v2, $0x3;
	s1 =	simm.s32 $0xF200;
	s0 =	simm.s32 $0xFA00;
	[dreg:$0x9] =	wrdreg s26  }
0x14: {  	v0 =	vand.u32 $0x7, v2;
	v2 =	vor.u32 $0x8, v2;
	v1 =	vmul.u32 $0x8, v1;
	s25 =	simm.s32 $0xA200;
	s26 =	simm.s32 $0xAA00;
	s6 =	simm.s32 $0xD200  }
.LBB2_1:
0x15: {  	s14 =	rddreg [dreg:$0x3]  }
0x16: {  	[tilespmem:s2], [sflag:$0x4] =	stream.linear.gather [hbm4b:s14+s2], $0x40, $0x38;
	[tilespmem:$0x18200] =	vst v63  }
0x17: {  	_ =	swait.ge [sflag:s16], $0x40  }
0x18: {  	[sflag:s16] =	ssyncset.done $0x0  }
0x19: {  	s15 =	simm.s32 $0x80;
	s22 =	rddreg [dreg:$0x4];
	[sflag:s16] =	ssyncadd.s32 $0xFFFFFFC0  }
0x1a: {  	[tilespmem:s15], [sflag:$0x4] =	stream.linear.gather [hbm4b:s22+s2], $0x40, $0x38;
	[tilespmem:$0x18200] =	vst v63  }
0x1b: {  	_ =	swait.ge [sflag:s16], $0x40  }
0x1c: {  	[sflag:s16] =	ssyncset.done $0x0  }
0x1d: {  	s24 =	simm.s32 $0x100;
	s23 =	rddreg [dreg:$0x5];
	[sflag:s16] =	ssyncadd.s32 $0xFFFFFFC0  }
0x1e: {  	[tilespmem:s24], [sflag:$0x4] =	stream.linear.gather [hbm4b:s23+s2], $0x40, $0x38;
	[tilespmem:$0x18200] =	vst v63  }
0x1f: {  	_ =	swait.ge [sflag:s16], $0x40  }
0x20: {  	[sflag:s16] =	ssyncset.done $0x0  }
0x21: {  	s21 =	simm.s32 $0x180;
	s15 =	rddreg [dreg:$0x6];
	[sflag:s16] =	ssyncadd.s32 $0xFFFFFFC0  }
0x22: {  	[tilespmem:s21], [sflag:$0x4] =	stream.linear.gather [hbm4b:s15+s2], $0x40, $0x38;
	[tilespmem:$0x18200] =	vst v63  }
0x23: {  	_ =	swait.ge [sflag:s16], $0x40  }
0x24: {  	[sflag:s16] =	ssyncset.done $0x0  }
0x25: {  	[sflag:s16] =	ssyncadd.s32 $0xFFFFFFC0  }
0x26: {  	v3 =	vld [tilespmem:$0x0];
	_ =	sdelay $0x4  }
0x27: {  	v4 =	vshll.u32 v3, $0x3  }
0x28: {  	v3 =	vand.u32 $0x7, v3;
	v4 =	vand.u32 $0xFFFFFFC0, v4  }
0x29: {  	v3 =	vor.u32 v3, v4  }
0x2a: {  	v4 =	vperm.xlane v3, v0;
	_ =	sdelay $0x1  }
0x2b: {  	v4 =	vadd.s32 v1, v4;
	_ =	sdelay $0x3  }
0x2c: {  	s22 =	simm.s32 $0x200  }
0x2d: {  	[tilespmem:s22], [sflag:$0x1] =	stream.indirect_vreg.gather [hbm4b:s3+s2], $0x80, v4, vm0, $0xb8;
	[tilespmem:$0x18200] =	vst v63  }
0x2e: {  	s23 =	simm.s32 $0xA00;
	v3 =	vperm.xlane v3, v2  }
0x2f: {  	[tilespmem:s23], [sflag:$0x1] =	stream.indirect_vreg.gather [hbm4b:s8+s2], $0x80, v4, vm0, $0xb8;
	[tilespmem:$0x18200] =	vst v63  }
0x30: {  	s24 =	simm.s32 $0x1200;
	v3 =	vadd.s32 v1, v3  }
0x31: {  	[tilespmem:s24], [sflag:$0x1] =	stream.indirect_vreg.gather [hbm4b:s10+s2], $0x80, v4, vm0, $0xb8;
	[tilespmem:$0x18200] =	vst v63  }
0x32: {  	s15 =	simm.s32 $0x1A00  }
0x33: {  	[tilespmem:s15], [sflag:$0x1] =	stream.indirect_vreg.gather [hbm4b:s11+s2], $0x80, v4, vm0, $0xb8;
	[tilespmem:$0x18200] =	vst v63  }
0x34: {  	s21 =	simm.s32 $0x2200  }
0x35: {  	[tilespmem:s21], [sflag:$0x1] =	stream.indirect_vreg.gather [hbm4b:s3+s2], $0x80, v3, vm0, $0xb8;
	[tilespmem:$0x18200] =	vst v63  }
0x36: {  	s22 =	simm.s32 $0x2A00  }
0x37: {  	[tilespmem:s22], [sflag:$0x1] =	stream.indirect_vreg.gather [hbm4b:s8+s2], $0x80, v3, vm0, $0xb8;
	[tilespmem:$0x18200] =	vst v63  }
0x38: {  	s23 =	simm.s32 $0x3200  }
0x39: {  	[tilespmem:s23], [sflag:$0x1] =	stream.indirect_vreg.gather [hbm4b:s10+s2], $0x80, v3, vm0, $0xb8;
	[tilespmem:$0x18200] =	vst v63  }
0x3a: {  	s24 =	simm.s32 $0x3A00  }
0x3b: {  	[tilespmem:s24], [sflag:$0x1] =	stream.indirect_vreg.gather [hbm4b:s11+s2], $0x80, v3, vm0, $0xb8;
	[tilespmem:$0x18200] =	vst v63  }
0x3c: {  	v3 =	vld [tilespmem:$0x80];
	_ =	sdelay $0x4  }
0x3d: {  	v4 =	vshll.u32 v3, $0x3  }
0x3e: {  	v3 =	vand.u32 $0x7, v3;
	v4 =	vand.u32 $0xFFFFFFC0, v4  }
0x3f: {  	v3 =	vor.u32 v3, v4  }
0x40: {  	v4 =	vperm.xlane v3, v0;
	_ =	sdelay $0x1  }
0x41: {  	v4 =	vadd.s32 v1, v4;
	_ =	sdelay $0x3  }
0x42: {  	s15 =	simm.s32 $0x4200  }
0x43: {  	[tilespmem:s15], [sflag:$0x1] =	stream.indirect_vreg.gather [hbm4b:s3+s2], $0x80, v4, vm0, $0xb8;
	[tilespmem:$0x18200] =	vst v63  }
0x44: {  	s21 =	simm.s32 $0x4A00;
	v3 =	vperm.xlane v3, v2  }
0x45: {  	[tilespmem:s21], [sflag:$0x1] =	stream.indirect_vreg.gather [hbm4b:s8+s2], $0x80, v4, vm0, $0xb8;
	[tilespmem:$0x18200] =	vst v63  }
0x46: {  	s22 =	simm.s32 $0x5200;
	v3 =	vadd.s32 v1, v3  }
0x47: {  	[tilespmem:s22], [sflag:$0x1] =	stream.indirect_vreg.gather [hbm4b:s10+s2], $0x80, v4, vm0, $0xb8;
	[tilespmem:$0x18200] =	vst v63  }
0x48: {  	s23 =	simm.s32 $0x5A00  }
0x49: {  	[tilespmem:s23], [sflag:$0x1] =	stream.indirect_vreg.gather [hbm4b:s11+s2], $0x80, v4, vm0, $0xb8;
	[tilespmem:$0x18200] =	vst v63  }
0x4a: {  	s24 =	simm.s32 $0x6200  }
0x4b: {  	[tilespmem:s24], [sflag:$0x1] =	stream.indirect_vreg.gather [hbm4b:s3+s2], $0x80, v3, vm0, $0xb8;
	[tilespmem:$0x18200] =	vst v63  }
0x4c: {  	s15 =	simm.s32 $0x6A00  }
0x4d: {  	[tilespmem:s15], [sflag:$0x1] =	stream.indirect_vreg.gather [hbm4b:s8+s2], $0x80, v3, vm0, $0xb8;
	[tilespmem:$0x18200] =	vst v63  }
0x4e: {  	s21 =	simm.s32 $0x7200  }
0x4f: {  	[tilespmem:s21], [sflag:$0x1] =	stream.indirect_vreg.gather [hbm4b:s10+s2], $0x80, v3, vm0, $0xb8;
	[tilespmem:$0x18200] =	vst v63  }
0x50: {  	s22 =	simm.s32 $0x7A00  }
0x51: {  	[tilespmem:s22], [sflag:$0x1] =	stream.indirect_vreg.gather [hbm4b:s11+s2], $0x80, v3, vm0, $0xb8;
	[tilespmem:$0x18200] =	vst v63  }
0x52: {  	_ =	swait.ge [sflag:s20], $0x4000  }
0x53: {  	[sflag:s20] =	ssyncset.done $0x0  }
0x54: {  	[sflag:s20] =	ssyncadd.s32 $0xFFFFC000  }
0x55: {  	_ =	swait.ge [sflag:s20], $0x4000  }
0x56: {  	[sflag:s20] =	ssyncset.done $0x0  }
0x57: {  	[sflag:s20] =	ssyncadd.s32 $0xFFFFC000  }
0x58: {  	v3 =	vld [tilespmem:$0x10];
	_ =	sdelay $0x4  }
0x59: {  	v4 =	vshll.u32 v3, $0x3  }
0x5a: {  	v3 =	vand.u32 $0x7, v3;
	v4 =	vand.u32 $0xFFFFFFC0, v4  }
0x5b: {  	v3 =	vor.u32 v3, v4  }
0x5c: {  	v4 =	vperm.xlane v3, v0;
	_ =	sdelay $0x1  }
0x5d: {  	v4 =	vadd.s32 v1, v4;
	_ =	sdelay $0x3  }
0x5e: {  	s23 =	simm.s32 $0x8200  }
0x5f: {  	[tilespmem:s23], [sflag:$0x2] =	stream.indirect_vreg.gather [hbm4b:s3+s2], $0x80, v4, vm0, $0xb8;
	[tilespmem:$0x18200] =	vst v63  }
0x60: {  	s24 =	simm.s32 $0x8A00;
	v3 =	vperm.xlane v3, v2  }
0x61: {  	[tilespmem:s24], [sflag:$0x2] =	stream.indirect_vreg.gather [hbm4b:s8+s2], $0x80, v4, vm0, $0xb8;
	[tilespmem:$0x18200] =	vst v63  }
0x62: {  	s15 =	simm.s32 $0x9200;
	v3 =	vadd.s32 v1, v3  }
0x63: {  	[tilespmem:s15], [sflag:$0x2] =	stream.indirect_vreg.gather [hbm4b:s10+s2], $0x80, v4, vm0, $0xb8;
	[tilespmem:$0x18200] =	vst v63  }
0x64: {  	s21 =	simm.s32 $0x9A00  }
0x65: {  	[tilespmem:s21], [sflag:$0x2] =	stream.indirect_vreg.gather [hbm4b:s11+s2], $0x80, v4, vm0, $0xb8;
	[tilespmem:$0x18200] =	vst v63  }
0x66: {  	_ = 	snop  }
0x67: {  	[tilespmem:s25], [sflag:$0x2] =	stream.indirect_vreg.gather [hbm4b:s3+s2], $0x80, v3, vm0, $0xb8;
	[tilespmem:$0x18200] =	vst v63  }
0x68: {  	_ = 	snop  }
0x69: {  	[tilespmem:s26], [sflag:$0x2] =	stream.indirect_vreg.gather [hbm4b:s8+s2], $0x80, v3, vm0, $0xb8;
	[tilespmem:$0x18200] =	vst v63  }
0x6a: {  	_ = 	snop  }
0x6b: {  	[tilespmem:s4], [sflag:$0x2] =	stream.indirect_vreg.gather [hbm4b:s10+s2], $0x80, v3, vm0, $0xb8;
	[tilespmem:$0x18200] =	vst v63  }
0x6c: {  	_ = 	snop  }
0x6d: {  	[tilespmem:s28], [sflag:$0x2] =	stream.indirect_vreg.gather [hbm4b:s11+s2], $0x80, v3, vm0, $0xb8;
	[tilespmem:$0x18200] =	vst v63  }
0x6e: {  	v3 =	vld [tilespmem:$0x90];
	_ =	sdelay $0x4  }
0x6f: {  	v4 =	vshll.u32 v3, $0x3  }
0x70: {  	v3 =	vand.u32 $0x7, v3;
	v4 =	vand.u32 $0xFFFFFFC0, v4  }
0x71: {  	v3 =	vor.u32 v3, v4  }
0x72: {  	v4 =	vperm.xlane v3, v0;
	_ =	sdelay $0x1  }
0x73: {  	v4 =	vadd.s32 v1, v4;
	_ =	sdelay $0x4  }
0x74: {  	[tilespmem:s5], [sflag:$0x2] =	stream.indirect_vreg.gather [hbm4b:s3+s2], $0x80, v4, vm0, $0xb8;
	[tilespmem:$0x18200] =	vst v63  }
0x75: {  	v3 =	vperm.xlane v3, v2  }
0x76: {  	[tilespmem:s29], [sflag:$0x2] =	stream.indirect_vreg.gather [hbm4b:s8+s2], $0x80, v4, vm0, $0xb8;
	[tilespmem:$0x18200] =	vst v63  }
0x77: {  	v3 =	vadd.s32 v1, v3  }
0x78: {  	[tilespmem:s6], [sflag:$0x2] =	stream.indirect_vreg.gather [hbm4b:s10+s2], $0x80, v4, vm0, $0xb8;
	[tilespmem:$0x18200] =	vst v63  }
0x79: {  	_ = 	snop  }
0x7a: {  	[tilespmem:s30], [sflag:$0x2] =	stream.indirect_vreg.gather [hbm4b:s11+s2], $0x80, v4, vm0, $0xb8;
	[tilespmem:$0x18200] =	vst v63  }
0x7b: {  	_ = 	snop  }
0x7c: {  	[tilespmem:s31], [sflag:$0x2] =	stream.indirect_vreg.gather [hbm4b:s3+s2], $0x80, v3, vm0, $0xb8;
	[tilespmem:$0x18200] =	vst v63  }
0x7d: {  	_ = 	snop  }
0x7e: {  	[tilespmem:s7], [sflag:$0x2] =	stream.indirect_vreg.gather [hbm4b:s8+s2], $0x80, v3, vm0, $0xb8;
	[tilespmem:$0x18200] =	vst v63  }
0x7f: {  	_ = 	snop  }
0x80: {  	[tilespmem:s1], [sflag:$0x2] =	stream.indirect_vreg.gather [hbm4b:s10+s2], $0x80, v3, vm0, $0xb8;
	[tilespmem:$0x18200] =	vst v63  }
0x81: {  	_ = 	snop  }
0x82: {  	[tilespmem:s0], [sflag:$0x2] =	stream.indirect_vreg.gather [hbm4b:s11+s2], $0x80, v3, vm0, $0xb8;
	[tilespmem:$0x18200] =	vst v63  }
0x83: {  	s22 =	sand.u32 $0x70, s2;
	s23 =	sand.u32 $0x1C00, s2;
	v21 =	vld [tilespmem:$0x100]  }
0x84: {  	s21 =	sor.u32 s22, s23;
	v22 =	vld [tilespmem:$0x180]  }
0x85: {  	v17 =	vld [tilespmem:s21+$0x400]  }
0x86: {  	v18 =	vld [tilespmem:s21+$0x4300]  }
0x87: {  	v19 =	vld [tilespmem:s21+$0x4500]  }
0x88: {  	v20 =	vld [tilespmem:s21+$0x4400]  }
0x89: {  	v23 =	vld [tilespmem:s21+$0x280]  }
0x8a: {  	v24 =	vld [tilespmem:s21+$0x500];
	v3 =	vbroadcast v21, $0x0;
	v4 =	vbroadcast v22, $0x0  }
0x8b: {  	v25 =	vld [tilespmem:s21+$0x300];
	v5 =	vbroadcast v21, $0x1;
	v6 =	vbroadcast v22, $0x1  }
0x8c: {  	v26 =	vld [tilespmem:s21+$0x4200];
	v7 =	vbroadcast v21, $0x2;
	v8 =	vbroadcast v22, $0x2  }
0x8d: {  	v27 =	vld [tilespmem:s21+$0x4280];
	v9 =	vbroadcast v21, $0x3;
	v10 =	vbroadcast v22, $0x3  }
0x8e: {  	v28 =	vld [tilespmem:s21+$0x380];
	v11 =	vbroadcast v21, $0x4;
	v12 =	vbroadcast v22, $0x4  }
0x8f: {  	v29 =	vld [tilespmem:s21+$0x200];
	v13 =	vbroadcast v21, $0x6;
	v14 =	vbroadcast v22, $0x6  }
0x90: {  	v30 =	vld [tilespmem:s21+$0x4480];
	v15 =	vbroadcast v21, $0x5;
	v16 =	vbroadcast v22, $0x5  }
0x91: {  	v31 =	vld [tilespmem:s21+$0x480];
	v19 =	vmul.f32 v19, v14;
	v24 =	vmul.f32 v24, v13  }
0x92: {  	v32 =	vld [tilespmem:s21+$0x4380];
	v18 =	vmul.f32 v18, v8;
	v25 =	vmul.f32 v25, v7  }
0x93: {  	v20 =	vmul.f32 v20, v12;
	v17 =	vmul.f32 v17, v11;
	v19 =	vadd.f32 v19, v24  }
0x94: {  	v23 =	vmul.f32 v23, v5;
	v24 =	vmul.f32 v27, v6;
	v18 =	vadd.f32 v18, v25  }
0x95: {  	v25 =	vmul.f32 v26, v4;
	v26 =	vmul.f32 v29, v3;
	v17 =	vadd.f32 v20, v17;
	[tilespmem:s21+$0x10500] =	vst v19  }
0x96: {  	v20 =	vmul.f32 v30, v16;
	v19 =	vadd.f32 v24, v23;
	[tilespmem:s21+$0x10300] =	vst v18;
	v18 =	vmul.f32 v31, v15  }
0x97: {  	v23 =	vmul.f32 v28, v9;
	v24 =	vadd.f32 v25, v26;
	v25 =	vmul.f32 v32, v10;
	[tilespmem:s21+$0x10400] =	vst v17  }
0x98: {  	[tilespmem:s21+$0x10280] =	vst v19;
	v17 =	vadd.f32 v20, v18  }
0x99: {  	v18 =	vadd.f32 v25, v23;
	[tilespmem:s21+$0x10200] =	vst v24  }
0x9a: {  	s15 =	sor.u32 s2, s2;
	[tilespmem:s21+$0x10480] =	vst v17  }
0x9b: {  	s24 =	sor.u32 $0x380, s15;
	[tilespmem:s21+$0x10380] =	vst v18  }
0x9c: {  	v17 =	vld [tilespmem:s24+$0x200]  }
0x9d: {  	v18 =	vld [tilespmem:s24+$0x4200];
	_ =	sdelay $0x2  }
0x9e: {  	v29 =	vbroadcast v21, $0x7;
	v32 =	vbroadcast v22, $0x7;
	_ =	sdelay $0x1  }
0x9f: {  	v17 =	vmul.f32 v17, v29;
	v18 =	vmul.f32 v18, v32  }
0xa0: {  	v33 =	vbroadcast v21, $0xE;
	v34 =	vbroadcast v22, $0xE  }
0xa1: {  	v30 =	vbroadcast v21, $0x8;
	v27 =	vbroadcast v21, $0xD;
	v25 =	vadd.f32 v18, v17  }
0xa2: {  	v31 =	vbroadcast v22, $0x8;
	v26 =	vbroadcast v22, $0xC  }
0xa3: {  	v28 =	vbroadcast v22, $0xD;
	v20 =	vbroadcast v21, $0x9;
	[tilespmem:s24+$0x10200] =	vst v25  }
0xa4: {  	v19 =	vbroadcast v22, $0x9;
	v23 =	vbroadcast v21, $0xB;
	v37 =	vld [tilespmem:s21+$0x2200]  }
0xa5: {  	v24 =	vbroadcast v22, $0xB;
	v17 =	vbroadcast v21, $0xA;
	v38 =	vld [tilespmem:s21+$0x6200]  }
0xa6: {  	v18 =	vbroadcast v22, $0xA;
	v22 =	vbroadcast v22, $0xF;
	v35 =	vld [tilespmem:s21+$0x2480]  }
0xa7: {  	s14 =	simm.s32 $0x10;
	s22 =	simm.s32 $0x0;
	v25 =	vbroadcast v21, $0xC;
	v21 =	vbroadcast v21, $0xF;
	v36 =	vld [tilespmem:s21+$0x6400]  }
.LBB2_2:
0xa8: {  	p0 =	sne.s32 s14, $0x3F0  }
0xa9: {  	v39 =	vld [tilespmem:s21+$0x6500];
	s22 =	sadd.s32 $0x80, s22;
	s23 =	smov.u32 s14;
	s14 =	sadd.s32 $0x10, s14  }
0xaa: {  	v40 =	vld [tilespmem:s21+$0x2500]  }
0xab: {  	v37 =	vmul.f32 v37, v30;
	v38 =	vmul.f32 v38, v31;
	v41 =	vld [tilespmem:s21+$0x6480]  }
0xac: {  	v42 =	vld [tilespmem:s21+$0x2400]  }
0xad: {  	v37 =	vadd.f32 v38, v37;
	v38 =	vld [tilespmem:s21+$0x6300]  }
0xae: {  	v43 =	vld [tilespmem:s21+$0x6380];
	v39 =	vmul.f32 v39, v34  }
0xaf: {  	[tilespmem:s21+$0x12200] =	vst v37;
	v37 =	vld [tilespmem:s21+$0x2380];
	v40 =	vmul.f32 v40, v33  }
0xb0: {  	v44 =	vld [tilespmem:s21+$0x2280]  }
0xb1: {  	v45 =	vld [tilespmem:s21+$0x6280];
	v39 =	vadd.f32 v39, v40  }
0xb2: {  	v36 =	vmul.f32 v36, v26;
	v42 =	vmul.f32 v42, v25;
	v40 =	vld [tilespmem:s21+$0x2300]  }
0xb3: {  	v35 =	vmul.f32 v35, v27;
	v41 =	vmul.f32 v41, v28;
	[tilespmem:s21+$0x12500] =	vst v39  }
0xb4: {  	v39 =	vmul.f32 v43, v24;
	v36 =	vadd.f32 v36, v42;
	v37 =	vmul.f32 v37, v23  }
0xb5: {  	v35 =	vadd.f32 v41, v35;
	v42 =	vmul.f32 v44, v20  }
0xb6: {  	v41 =	vmul.f32 v45, v19;
	v37 =	vadd.f32 v39, v37;
	[tilespmem:s21+$0x12400] =	vst v36  }
0xb7: {  	v38 =	vmul.f32 v38, v18;
	v36 =	vmul.f32 v40, v17;
	[tilespmem:s21+$0x12480] =	vst v35  }
0xb8: {  	v35 =	vadd.f32 v41, v42;
	[tilespmem:s21+$0x12380] =	vst v37  }
0xb9: {  	v36 =	vadd.f32 v38, v36  }
0xba: {  	[tilespmem:s21+$0x12280] =	vst v35  }
0xbb: {  	s15 =	sor.u32 $0x2380, s15;
	[tilespmem:s21+$0x12300] =	vst v36  }
0xbc: {  	v35 =	vld [tilespmem:s15+$0x200]  }
0xbd: {  	v36 =	vld [tilespmem:s15+$0x4200];
	_ =	sdelay $0x3  }
0xbe: {  	v35 =	vmul.f32 v35, v21  }
0xbf: {  	v36 =	vmul.f32 v36, v22;
	_ =	sdelay $0x1  }
0xc0: {  	v35 =	vadd.f32 v36, v35  }
0xc1: {  	s24 =	sand.u32 $0x1C00, s22;
	s21 =	sand.u32 $0x70, s23  }
0xc2: {  	s21 =	sor.u32 s21, s24;
	[tilespmem:s15+$0x10200] =	vst v35  }
0xc3: {  	v35 =	vld [tilespmem:s21+$0x400]  }
0xc4: {  	v36 =	vld [tilespmem:s21+$0x4300]  }
0xc5: {  	v37 =	vld [tilespmem:s21+$0x4500]  }
0xc6: {  	v38 =	vld [tilespmem:s21+$0x4400]  }
0xc7: {  	v39 =	vld [tilespmem:s21+$0x280]  }
0xc8: {  	v40 =	vld [tilespmem:s21+$0x500]  }
0xc9: {  	v41 =	vld [tilespmem:s21+$0x300]  }
0xca: {  	v42 =	vld [tilespmem:s21+$0x4200]  }
0xcb: {  	v37 =	vmul.f32 v37, v14;
	v43 =	vld [tilespmem:s21+$0x4280]  }
0xcc: {  	v36 =	vmul.f32 v36, v8;
	v44 =	vld [tilespmem:s21+$0x380]  }
0xcd: {  	v39 =	vmul.f32 v39, v5;
	v45 =	vld [tilespmem:s21+$0x200];
	v40 =	vmul.f32 v40, v13  }
0xce: {  	v41 =	vmul.f32 v41, v7;
	v46 =	vld [tilespmem:s21+$0x4480]  }
0xcf: {  	v38 =	vmul.f32 v38, v12;
	v42 =	vmul.f32 v42, v4;
	v47 =	vld [tilespmem:s21+$0x4380];
	v37 =	vadd.f32 v37, v40  }
0xd0: {  	v35 =	vmul.f32 v35, v11;
	v40 =	vmul.f32 v43, v6;
	v36 =	vadd.f32 v36, v41;
	v41 =	vld [tilespmem:s21+$0x480]  }
0xd1: {  	v43 =	vmul.f32 v44, v9  }
0xd2: {  	v35 =	vadd.f32 v38, v35;
	v44 =	vmul.f32 v45, v3;
	v39 =	vadd.f32 v40, v39;
	_ =	sdelay $0x1  }
0xd3: {  	v38 =	vadd.f32 v42, v44;
	v40 =	vmul.f32 v47, v10;
	[tilespmem:s21+$0x10500] =	vst v37  }
0xd4: {  	v37 =	vmul.f32 v46, v16;
	[tilespmem:s21+$0x10300] =	vst v36;
	v36 =	vmul.f32 v41, v15  }
0xd5: {  	v40 =	vadd.f32 v40, v43;
	[tilespmem:s21+$0x10400] =	vst v35  }
0xd6: {  	[tilespmem:s21+$0x10280] =	vst v39;
	v35 =	vadd.f32 v37, v36  }
0xd7: {  	[tilespmem:s21+$0x10200] =	vst v38  }
0xd8: {  	s15 =	sor.u32 s23, s22;
	[tilespmem:s21+$0x10480] =	vst v35  }
0xd9: {  	s23 =	sor.u32 $0x380, s15;
	[tilespmem:s21+$0x10380] =	vst v40  }
0xda: {  	v35 =	vld [tilespmem:s23+$0x200]  }
0xdb: {  	v36 =	vld [tilespmem:s23+$0x4200];
	_ =	sdelay $0x4  }
0xdc: {  	v35 =	vmul.f32 v35, v29;
	v36 =	vmul.f32 v36, v32;
	_ =	sdelay $0x1  }
0xdd: {  	v35 =	vadd.f32 v36, v35;
	_ =	sdelay $0x1  }
.Ltmp0:
0xde: {  	[tilespmem:s23+$0x10200] =	vst v35;
	(pc) =	sbr.rel @p0 .LBB2_2-.Ltmp0, $4  }
0xdf: {  	v37 =	vld [tilespmem:s21+$0x2200]  }
0xe0: {  	v38 =	vld [tilespmem:s21+$0x6200]  }
0xe1: {  	v35 =	vld [tilespmem:s21+$0x2480]  }
0xe2: {  	v36 =	vld [tilespmem:s21+$0x6400]  }
0xe3: {  	v3 =	vld [tilespmem:s21+$0x6500]  }
0xe4: {  	v4 =	vld [tilespmem:s21+$0x2500]  }
0xe5: {  	v7 =	vld [tilespmem:s21+$0x6480]  }
0xe6: {  	v8 =	vld [tilespmem:s21+$0x2400]  }
0xe7: {  	v9 =	vld [tilespmem:s21+$0x6380]  }
0xe8: {  	v10 =	vld [tilespmem:s21+$0x2280];
	v5 =	vmul.f32 v37, v30;
	v6 =	vmul.f32 v38, v31  }
0xe9: {  	v11 =	vld [tilespmem:s21+$0x6280]  }
0xea: {  	v12 =	vld [tilespmem:s21+$0x2300];
	v5 =	vadd.f32 v6, v5  }
0xeb: {  	v6 =	vld [tilespmem:s21+$0x6300];
	v3 =	vmul.f32 v3, v34;
	v4 =	vmul.f32 v4, v33  }
0xec: {  	v13 =	vmul.f32 v36, v26;
	v8 =	vmul.f32 v8, v25;
	[tilespmem:s21+$0x12200] =	vst v5;
	v5 =	vld [tilespmem:s21+$0x2380]  }
0xed: {  	v7 =	vmul.f32 v7, v28;
	v3 =	vadd.f32 v3, v4;
	v4 =	vmul.f32 v35, v27  }
0xee: {  	v8 =	vadd.f32 v13, v8  }
0xef: {  	[tilespmem:s21+$0x12500] =	vst v3;
	v3 =	vmul.f32 v10, v20;
	v4 =	vadd.f32 v7, v4;
	v7 =	vmul.f32 v11, v19  }
0xf0: {  	[tilespmem:s21+$0x12400] =	vst v8;
	v8 =	vmul.f32 v12, v17;
	v6 =	vmul.f32 v6, v18  }
0xf1: {  	v9 =	vmul.f32 v9, v24;
	v5 =	vmul.f32 v5, v23;
	v3 =	vadd.f32 v7, v3  }
0xf2: {  	[tilespmem:s21+$0x12480] =	vst v4;
	v4 =	vadd.f32 v6, v8  }
0xf3: {  	v5 =	vadd.f32 v9, v5;
	[tilespmem:s21+$0x12280] =	vst v3  }
0xf4: {  	[tilespmem:s21+$0x12300] =	vst v4  }
0xf5: {  	s14 =	sor.u32 $0x2380, s15;
	[tilespmem:s21+$0x12380] =	vst v5  }
0xf6: {  	v3 =	vld [tilespmem:s14+$0x200]  }
0xf7: {  	v4 =	vld [tilespmem:s14+$0x4200];
	_ =	sdelay $0x4  }
0xf8: {  	v3 =	vmul.f32 v3, v21;
	v4 =	vmul.f32 v4, v22;
	_ =	sdelay $0x1  }
0xf9: {  	v3 =	vadd.f32 v4, v3;
	_ =	sdelay $0x1  }
0xfa: {  	s21 =	simm.s32 $0x0;
	[tilespmem:s14+$0x10200] =	vst v3  }
0xfb: {  	[hbm4b:s9+s21] =	stream.linear.scatter [tilespmem:s17], [sflag:$0x3], $0x4000, $0x38;
	[tilespmem:$0x18200] =	vst v63  }
0xfc: {  	_ =	swait.ge [sflag:s18], $0x4000  }
0xfd: {  	[sflag:s18] =	ssyncset.done $0x0  }
0xfe: {  	[sflag:s18] =	ssyncadd.s32 $0xFFFFC000  }
0xff: {  	_ =	swait.ge [sflag:s18], $0x4000  }
0x100: {  	[sflag:s18] =	ssyncset.done $0x0  }
0x101: {  	[sflag:s18] =	ssyncadd.s32 $0xFFFFC000  }
0x102: {  	v3 =	vld [tilespmem:$0x20];
	_ =	sdelay $0x4  }
0x103: {  	v4 =	vshll.u32 v3, $0x3  }
0x104: {  	v3 =	vand.u32 $0x7, v3;
	v4 =	vand.u32 $0xFFFFFFC0, v4  }
0x105: {  	v3 =	vor.u32 v3, v4  }
0x106: {  	v4 =	vperm.xlane v3, v0;
	_ =	sdelay $0x1  }
0x107: {  	v4 =	vadd.s32 v1, v4;
	_ =	sdelay $0x3  }
0x108: {  	s23 =	simm.s32 $0x200  }
0x109: {  	[tilespmem:s23], [sflag:$0x1] =	stream.indirect_vreg.gather [hbm4b:s3+s21], $0x80, v4, vm0, $0xb8;
	[tilespmem:$0x18200] =	vst v63  }
0x10a: {  	s24 =	simm.s32 $0xA00;
	v3 =	vperm.xlane v3, v2  }
0x10b: {  	[tilespmem:s24], [sflag:$0x1] =	stream.indirect_vreg.gather [hbm4b:s8+s21], $0x80, v4, vm0, $0xb8;
	[tilespmem:$0x18200] =	vst v63  }
0x10c: {  	s15 =	simm.s32 $0x1200;
	v3 =	vadd.s32 v1, v3  }
0x10d: {  	[tilespmem:s15], [sflag:$0x1] =	stream.indirect_vreg.gather [hbm4b:s10+s21], $0x80, v4, vm0, $0xb8;
	[tilespmem:$0x18200] =	vst v63  }
0x10e: {  	s22 =	simm.s32 $0x1A00  }
0x10f: {  	[tilespmem:s22], [sflag:$0x1] =	stream.indirect_vreg.gather [hbm4b:s11+s21], $0x80, v4, vm0, $0xb8;
	[tilespmem:$0x18200] =	vst v63  }
0x110: {  	s23 =	simm.s32 $0x2200  }
0x111: {  	[tilespmem:s23], [sflag:$0x1] =	stream.indirect_vreg.gather [hbm4b:s3+s21], $0x80, v3, vm0, $0xb8;
	[tilespmem:$0x18200] =	vst v63  }
0x112: {  	s24 =	simm.s32 $0x2A00  }
0x113: {  	[tilespmem:s24], [sflag:$0x1] =	stream.indirect_vreg.gather [hbm4b:s8+s21], $0x80, v3, vm0, $0xb8;
	[tilespmem:$0x18200] =	vst v63  }
0x114: {  	s15 =	simm.s32 $0x3200  }
0x115: {  	[tilespmem:s15], [sflag:$0x1] =	stream.indirect_vreg.gather [hbm4b:s10+s21], $0x80, v3, vm0, $0xb8;
	[tilespmem:$0x18200] =	vst v63  }
0x116: {  	s22 =	simm.s32 $0x3A00  }
0x117: {  	[tilespmem:s22], [sflag:$0x1] =	stream.indirect_vreg.gather [hbm4b:s11+s21], $0x80, v3, vm0, $0xb8;
	[tilespmem:$0x18200] =	vst v63  }
0x118: {  	v3 =	vld [tilespmem:$0xA0];
	_ =	sdelay $0x4  }
0x119: {  	v4 =	vshll.u32 v3, $0x3  }
0x11a: {  	v3 =	vand.u32 $0x7, v3;
	v4 =	vand.u32 $0xFFFFFFC0, v4  }
0x11b: {  	v3 =	vor.u32 v3, v4  }
0x11c: {  	v4 =	vperm.xlane v3, v0;
	_ =	sdelay $0x1  }
0x11d: {  	v4 =	vadd.s32 v1, v4;
	_ =	sdelay $0x3  }
0x11e: {  	s23 =	simm.s32 $0x4200  }
0x11f: {  	[tilespmem:s23], [sflag:$0x1] =	stream.indirect_vreg.gather [hbm4b:s3+s21], $0x80, v4, vm0, $0xb8;
	[tilespmem:$0x18200] =	vst v63  }
0x120: {  	s24 =	simm.s32 $0x4A00;
	v3 =	vperm.xlane v3, v2  }
0x121: {  	[tilespmem:s24], [sflag:$0x1] =	stream.indirect_vreg.gather [hbm4b:s8+s21], $0x80, v4, vm0, $0xb8;
	[tilespmem:$0x18200] =	vst v63  }
0x122: {  	s15 =	simm.s32 $0x5200;
	v3 =	vadd.s32 v1, v3  }
0x123: {  	[tilespmem:s15], [sflag:$0x1] =	stream.indirect_vreg.gather [hbm4b:s10+s21], $0x80, v4, vm0, $0xb8;
	[tilespmem:$0x18200] =	vst v63  }
0x124: {  	s22 =	simm.s32 $0x5A00  }
0x125: {  	[tilespmem:s22], [sflag:$0x1] =	stream.indirect_vreg.gather [hbm4b:s11+s21], $0x80, v4, vm0, $0xb8;
	[tilespmem:$0x18200] =	vst v63  }
0x126: {  	s23 =	simm.s32 $0x6200  }
0x127: {  	[tilespmem:s23], [sflag:$0x1] =	stream.indirect_vreg.gather [hbm4b:s3+s21], $0x80, v3, vm0, $0xb8;
	[tilespmem:$0x18200] =	vst v63  }
0x128: {  	s24 =	simm.s32 $0x6A00  }
0x129: {  	[tilespmem:s24], [sflag:$0x1] =	stream.indirect_vreg.gather [hbm4b:s8+s21], $0x80, v3, vm0, $0xb8;
	[tilespmem:$0x18200] =	vst v63  }
0x12a: {  	s15 =	simm.s32 $0x7200  }
0x12b: {  	[tilespmem:s15], [sflag:$0x1] =	stream.indirect_vreg.gather [hbm4b:s10+s21], $0x80, v3, vm0, $0xb8;
	[tilespmem:$0x18200] =	vst v63  }
0x12c: {  	s22 =	simm.s32 $0x7A00  }
0x12d: {  	[tilespmem:s22], [sflag:$0x1] =	stream.indirect_vreg.gather [hbm4b:s11+s21], $0x80, v3, vm0, $0xb8;
	[tilespmem:$0x18200] =	vst v63  }
0x12e: {  	s23 =	sand.u32 $0x70, s21;
	s24 =	sand.u32 $0x1C00, s21;
	v21 =	vld [tilespmem:$0x110]  }
0x12f: {  	s14 =	sor.u32 s23, s24;
	v22 =	vld [tilespmem:$0x190]  }
0x130: {  	v17 =	vld [tilespmem:s14+$0x8400]  }
0x131: {  	v18 =	vld [tilespmem:s14+$0xC300]  }
0x132: {  	v19 =	vld [tilespmem:s14+$0xC500]  }
0x133: {  	v20 =	vld [tilespmem:s14+$0xC400]  }
0x134: {  	v23 =	vld [tilespmem:s14+$0x8280]  }
0x135: {  	v24 =	vld [tilespmem:s14+$0x8500];
	v3 =	vbroadcast v21, $0x0;
	v4 =	vbroadcast v22, $0x0  }
0x136: {  	v25 =	vld [tilespmem:s14+$0x8300];
	v5 =	vbroadcast v21, $0x1;
	v6 =	vbroadcast v22, $0x1  }
0x137: {  	v26 =	vld [tilespmem:s14+$0xC200];
	v7 =	vbroadcast v21, $0x2;
	v8 =	vbroadcast v22, $0x2  }
0x138: {  	v27 =	vld [tilespmem:s14+$0xC280];
	v9 =	vbroadcast v21, $0x3;
	v10 =	vbroadcast v22, $0x3  }
0x139: {  	v28 =	vld [tilespmem:s14+$0x8380];
	v11 =	vbroadcast v21, $0x4;
	v12 =	vbroadcast v22, $0x4  }
0x13a: {  	v29 =	vld [tilespmem:s14+$0x8200];
	v13 =	vbroadcast v21, $0x6;
	v14 =	vbroadcast v22, $0x6  }
0x13b: {  	v30 =	vld [tilespmem:s14+$0xC480];
	v15 =	vbroadcast v21, $0x5;
	v16 =	vbroadcast v22, $0x5  }
0x13c: {  	v31 =	vld [tilespmem:s14+$0x8480];
	v19 =	vmul.f32 v19, v14;
	v24 =	vmul.f32 v24, v13  }
0x13d: {  	v32 =	vld [tilespmem:s14+$0xC380];
	v18 =	vmul.f32 v18, v8;
	v25 =	vmul.f32 v25, v7  }
0x13e: {  	v20 =	vmul.f32 v20, v12;
	v17 =	vmul.f32 v17, v11;
	v19 =	vadd.f32 v19, v24  }
0x13f: {  	v23 =	vmul.f32 v23, v5;
	v24 =	vmul.f32 v27, v6;
	v18 =	vadd.f32 v18, v25  }
0x140: {  	v25 =	vmul.f32 v26, v4;
	v26 =	vmul.f32 v29, v3;
	v17 =	vadd.f32 v20, v17;
	[tilespmem:s14+$0x14500] =	vst v19  }
0x141: {  	v20 =	vmul.f32 v30, v16;
	v19 =	vadd.f32 v24, v23;
	[tilespmem:s14+$0x14300] =	vst v18;
	v18 =	vmul.f32 v31, v15  }
0x142: {  	v23 =	vmul.f32 v28, v9;
	v24 =	vadd.f32 v25, v26;
	v25 =	vmul.f32 v32, v10;
	[tilespmem:s14+$0x14400] =	vst v17  }
0x143: {  	[tilespmem:s14+$0x14280] =	vst v19;
	v17 =	vadd.f32 v20, v18  }
0x144: {  	v18 =	vadd.f32 v25, v23;
	[tilespmem:s14+$0x14200] =	vst v24  }
0x145: {  	s15 =	sor.u32 s21, s21;
	[tilespmem:s14+$0x14480] =	vst v17  }
0x146: {  	s22 =	sor.u32 $0x380, s15;
	[tilespmem:s14+$0x14380] =	vst v18  }
0x147: {  	v17 =	vld [tilespmem:s22+$0x8200]  }
0x148: {  	v18 =	vld [tilespmem:s22+$0xC200];
	_ =	sdelay $0x2  }
0x149: {  	v29 =	vbroadcast v21, $0x7;
	v32 =	vbroadcast v22, $0x7;
	_ =	sdelay $0x1  }
0x14a: {  	v17 =	vmul.f32 v17, v29;
	v18 =	vmul.f32 v18, v32  }
0x14b: {  	v33 =	vbroadcast v21, $0xE;
	v34 =	vbroadcast v22, $0xE  }
0x14c: {  	v30 =	vbroadcast v21, $0x8;
	v27 =	vbroadcast v21, $0xD;
	v25 =	vadd.f32 v18, v17  }
0x14d: {  	v31 =	vbroadcast v22, $0x8;
	v26 =	vbroadcast v22, $0xC  }
0x14e: {  	v28 =	vbroadcast v22, $0xD;
	v20 =	vbroadcast v21, $0x9;
	[tilespmem:s22+$0x14200] =	vst v25  }
0x14f: {  	v19 =	vbroadcast v22, $0x9;
	v23 =	vbroadcast v21, $0xB;
	v37 =	vld [tilespmem:s14+$0xA200]  }
0x150: {  	v24 =	vbroadcast v22, $0xB;
	v17 =	vbroadcast v21, $0xA;
	v38 =	vld [tilespmem:s14+$0xE200]  }
0x151: {  	v18 =	vbroadcast v22, $0xA;
	v22 =	vbroadcast v22, $0xF;
	v35 =	vld [tilespmem:s14+$0xA480]  }
0x152: {  	v25 =	vbroadcast v21, $0xC;
	v21 =	vbroadcast v21, $0xF;
	s22 =	simm.s32 $0x10;
	v36 =	vld [tilespmem:s14+$0xE400]  }
.LBB2_4:
0x153: {  	p0 =	sne.s32 s22, $0x3F0  }
0x154: {  	v39 =	vld [tilespmem:s14+$0xE500];
	s21 =	sadd.s32 $0x80, s21;
	s23 =	smov.u32 s22;
	s22 =	sadd.s32 $0x10, s22  }
0x155: {  	v40 =	vld [tilespmem:s14+$0xA500]  }
0x156: {  	v37 =	vmul.f32 v37, v30;
	v38 =	vmul.f32 v38, v31;
	v41 =	vld [tilespmem:s14+$0xE480]  }
0x157: {  	v42 =	vld [tilespmem:s14+$0xA400]  }
0x158: {  	v37 =	vadd.f32 v38, v37;
	v38 =	vld [tilespmem:s14+$0xE300]  }
0x159: {  	v43 =	vld [tilespmem:s14+$0xE380];
	v39 =	vmul.f32 v39, v34  }
0x15a: {  	[tilespmem:s14+$0x16200] =	vst v37;
	v37 =	vld [tilespmem:s14+$0xA380];
	v40 =	vmul.f32 v40, v33  }
0x15b: {  	v44 =	vld [tilespmem:s14+$0xA280]  }
0x15c: {  	v45 =	vld [tilespmem:s14+$0xE280];
	v39 =	vadd.f32 v39, v40  }
0x15d: {  	v36 =	vmul.f32 v36, v26;
	v42 =	vmul.f32 v42, v25;
	v40 =	vld [tilespmem:s14+$0xA300]  }
0x15e: {  	v35 =	vmul.f32 v35, v27;
	v41 =	vmul.f32 v41, v28;
	[tilespmem:s14+$0x16500] =	vst v39  }
0x15f: {  	v39 =	vmul.f32 v43, v24;
	v36 =	vadd.f32 v36, v42;
	v37 =	vmul.f32 v37, v23  }
0x160: {  	v35 =	vadd.f32 v41, v35;
	v42 =	vmul.f32 v44, v20  }
0x161: {  	v41 =	vmul.f32 v45, v19;
	v37 =	vadd.f32 v39, v37;
	[tilespmem:s14+$0x16400] =	vst v36  }
0x162: {  	v38 =	vmul.f32 v38, v18;
	v36 =	vmul.f32 v40, v17;
	[tilespmem:s14+$0x16480] =	vst v35  }
0x163: {  	v35 =	vadd.f32 v41, v42;
	[tilespmem:s14+$0x16380] =	vst v37  }
0x164: {  	v36 =	vadd.f32 v38, v36  }
0x165: {  	[tilespmem:s14+$0x16280] =	vst v35  }
0x166: {  	s15 =	sor.u32 $0x2380, s15;
	[tilespmem:s14+$0x16300] =	vst v36  }
0x167: {  	v35 =	vld [tilespmem:s15+$0x8200]  }
0x168: {  	v36 =	vld [tilespmem:s15+$0xC200];
	_ =	sdelay $0x3  }
0x169: {  	v35 =	vmul.f32 v35, v21  }
0x16a: {  	v36 =	vmul.f32 v36, v22;
	_ =	sdelay $0x1  }
0x16b: {  	v35 =	vadd.f32 v36, v35  }
0x16c: {  	s24 =	sand.u32 $0x1C00, s21;
	s14 =	sand.u32 $0x70, s23  }
0x16d: {  	s14 =	sor.u32 s14, s24;
	[tilespmem:s15+$0x14200] =	vst v35  }
0x16e: {  	v35 =	vld [tilespmem:s14+$0x8400]  }
0x16f: {  	v36 =	vld [tilespmem:s14+$0xC300]  }
0x170: {  	v37 =	vld [tilespmem:s14+$0xC500]  }
0x171: {  	v38 =	vld [tilespmem:s14+$0xC400]  }
0x172: {  	v39 =	vld [tilespmem:s14+$0x8280]  }
0x173: {  	v40 =	vld [tilespmem:s14+$0x8500]  }
0x174: {  	v41 =	vld [tilespmem:s14+$0x8300]  }
0x175: {  	v42 =	vld [tilespmem:s14+$0xC200]  }
0x176: {  	v37 =	vmul.f32 v37, v14;
	v43 =	vld [tilespmem:s14+$0xC280]  }
0x177: {  	v36 =	vmul.f32 v36, v8;
	v44 =	vld [tilespmem:s14+$0x8380]  }
0x178: {  	v39 =	vmul.f32 v39, v5;
	v45 =	vld [tilespmem:s14+$0x8200];
	v40 =	vmul.f32 v40, v13  }
0x179: {  	v41 =	vmul.f32 v41, v7;
	v46 =	vld [tilespmem:s14+$0xC480]  }
0x17a: {  	v38 =	vmul.f32 v38, v12;
	v42 =	vmul.f32 v42, v4;
	v47 =	vld [tilespmem:s14+$0xC380];
	v37 =	vadd.f32 v37, v40  }
0x17b: {  	v35 =	vmul.f32 v35, v11;
	v40 =	vmul.f32 v43, v6;
	v36 =	vadd.f32 v36, v41;
	v41 =	vld [tilespmem:s14+$0x8480]  }
0x17c: {  	v43 =	vmul.f32 v44, v9  }
0x17d: {  	v35 =	vadd.f32 v38, v35;
	v44 =	vmul.f32 v45, v3;
	v39 =	vadd.f32 v40, v39;
	_ =	sdelay $0x1  }
0x17e: {  	v38 =	vadd.f32 v42, v44;
	v40 =	vmul.f32 v47, v10;
	[tilespmem:s14+$0x14500] =	vst v37  }
0x17f: {  	v37 =	vmul.f32 v46, v16;
	[tilespmem:s14+$0x14300] =	vst v36;
	v36 =	vmul.f32 v41, v15  }
0x180: {  	v40 =	vadd.f32 v40, v43;
	[tilespmem:s14+$0x14400] =	vst v35  }
0x181: {  	[tilespmem:s14+$0x14280] =	vst v39;
	v35 =	vadd.f32 v37, v36  }
0x182: {  	[tilespmem:s14+$0x14200] =	vst v38  }
0x183: {  	s15 =	sor.u32 s23, s21;
	[tilespmem:s14+$0x14480] =	vst v35  }
0x184: {  	s23 =	sor.u32 $0x380, s15;
	[tilespmem:s14+$0x14380] =	vst v40  }
0x185: {  	v35 =	vld [tilespmem:s23+$0x8200]  }
0x186: {  	v36 =	vld [tilespmem:s23+$0xC200];
	_ =	sdelay $0x4  }
0x187: {  	v35 =	vmul.f32 v35, v29;
	v36 =	vmul.f32 v36, v32;
	_ =	sdelay $0x1  }
0x188: {  	v35 =	vadd.f32 v36, v35;
	_ =	sdelay $0x1  }
.Ltmp1:
0x189: {  	[tilespmem:s23+$0x14200] =	vst v35;
	(pc) =	sbr.rel @p0 .LBB2_4-.Ltmp1, $4  }
0x18a: {  	v37 =	vld [tilespmem:s14+$0xA200]  }
0x18b: {  	v38 =	vld [tilespmem:s14+$0xE200]  }
0x18c: {  	v35 =	vld [tilespmem:s14+$0xA480]  }
0x18d: {  	v36 =	vld [tilespmem:s14+$0xE400]  }
0x18e: {  	v3 =	vld [tilespmem:s14+$0xE500]  }
0x18f: {  	v4 =	vld [tilespmem:s14+$0xA500]  }
0x190: {  	v7 =	vld [tilespmem:s14+$0xE480]  }
0x191: {  	v8 =	vld [tilespmem:s14+$0xA400]  }
0x192: {  	v9 =	vld [tilespmem:s14+$0xE380]  }
0x193: {  	v10 =	vld [tilespmem:s14+$0xA280];
	v5 =	vmul.f32 v37, v30;
	v6 =	vmul.f32 v38, v31  }
0x194: {  	v11 =	vld [tilespmem:s14+$0xE280]  }
0x195: {  	v12 =	vld [tilespmem:s14+$0xA300];
	v5 =	vadd.f32 v6, v5  }
0x196: {  	v6 =	vld [tilespmem:s14+$0xE300];
	v3 =	vmul.f32 v3, v34;
	v4 =	vmul.f32 v4, v33  }
0x197: {  	v13 =	vmul.f32 v36, v26;
	v8 =	vmul.f32 v8, v25;
	[tilespmem:s14+$0x16200] =	vst v5;
	v5 =	vld [tilespmem:s14+$0xA380]  }
0x198: {  	v7 =	vmul.f32 v7, v28;
	v3 =	vadd.f32 v3, v4;
	v4 =	vmul.f32 v35, v27  }
0x199: {  	v8 =	vadd.f32 v13, v8  }
0x19a: {  	[tilespmem:s14+$0x16500] =	vst v3;
	v3 =	vmul.f32 v10, v20;
	v4 =	vadd.f32 v7, v4;
	v7 =	vmul.f32 v11, v19  }
0x19b: {  	[tilespmem:s14+$0x16400] =	vst v8;
	v8 =	vmul.f32 v12, v17;
	v6 =	vmul.f32 v6, v18  }
0x19c: {  	v9 =	vmul.f32 v9, v24;
	v5 =	vmul.f32 v5, v23;
	v3 =	vadd.f32 v7, v3  }
0x19d: {  	[tilespmem:s14+$0x16480] =	vst v4;
	v4 =	vadd.f32 v6, v8  }
0x19e: {  	v5 =	vadd.f32 v9, v5;
	[tilespmem:s14+$0x16280] =	vst v3  }
0x19f: {  	[tilespmem:s14+$0x16300] =	vst v4  }
0x1a0: {  	s21 =	sor.u32 $0x2380, s15;
	[tilespmem:s14+$0x16380] =	vst v5  }
0x1a1: {  	v3 =	vld [tilespmem:s21+$0x8200]  }
0x1a2: {  	v4 =	vld [tilespmem:s21+$0xC200];
	_ =	sdelay $0x4  }
0x1a3: {  	v3 =	vmul.f32 v3, v21;
	v4 =	vmul.f32 v4, v22;
	_ =	sdelay $0x1  }
0x1a4: {  	v3 =	vadd.f32 v4, v3;
	_ =	sdelay $0x1  }
0x1a5: {  	s22 =	rddreg [dreg:$0x7];
	[tilespmem:s21+$0x14200] =	vst v3;
	s21 =	simm.s32 $0x0  }
0x1a6: {  	[hbm4b:s22+s21] =	stream.linear.scatter [tilespmem:s19], [sflag:$0x3], $0x4000, $0x38;
	[tilespmem:$0x18200] =	vst v63  }
0x1a7: {  	_ =	swait.ge [sflag:s20], $0x4000  }
0x1a8: {  	[sflag:s20] =	ssyncset.done $0x0  }
0x1a9: {  	[sflag:s20] =	ssyncadd.s32 $0xFFFFC000  }
0x1aa: {  	_ =	swait.ge [sflag:s20], $0x4000  }
0x1ab: {  	[sflag:s20] =	ssyncset.done $0x0  }
0x1ac: {  	[sflag:s20] =	ssyncadd.s32 $0xFFFFC000  }
0x1ad: {  	v3 =	vld [tilespmem:$0x30];
	_ =	sdelay $0x4  }
0x1ae: {  	v4 =	vshll.u32 v3, $0x3  }
0x1af: {  	v3 =	vand.u32 $0x7, v3;
	v4 =	vand.u32 $0xFFFFFFC0, v4  }
0x1b0: {  	v3 =	vor.u32 v3, v4  }
0x1b1: {  	v4 =	vperm.xlane v3, v0;
	_ =	sdelay $0x1  }
0x1b2: {  	v4 =	vadd.s32 v1, v4;
	_ =	sdelay $0x3  }
0x1b3: {  	s23 =	simm.s32 $0x8200  }
0x1b4: {  	[tilespmem:s23], [sflag:$0x2] =	stream.indirect_vreg.gather [hbm4b:s3+s21], $0x80, v4, vm0, $0xb8;
	[tilespmem:$0x18200] =	vst v63  }
0x1b5: {  	s24 =	simm.s32 $0x8A00;
	v3 =	vperm.xlane v3, v2  }
0x1b6: {  	[tilespmem:s24], [sflag:$0x2] =	stream.indirect_vreg.gather [hbm4b:s8+s21], $0x80, v4, vm0, $0xb8;
	[tilespmem:$0x18200] =	vst v63  }
0x1b7: {  	s15 =	simm.s32 $0x9200;
	v3 =	vadd.s32 v1, v3  }
0x1b8: {  	[tilespmem:s15], [sflag:$0x2] =	stream.indirect_vreg.gather [hbm4b:s10+s21], $0x80, v4, vm0, $0xb8;
	[tilespmem:$0x18200] =	vst v63  }
0x1b9: {  	s22 =	simm.s32 $0x9A00  }
0x1ba: {  	[tilespmem:s22], [sflag:$0x2] =	stream.indirect_vreg.gather [hbm4b:s11+s21], $0x80, v4, vm0, $0xb8;
	[tilespmem:$0x18200] =	vst v63  }
0x1bb: {  	_ = 	snop  }
0x1bc: {  	[tilespmem:s25], [sflag:$0x2] =	stream.indirect_vreg.gather [hbm4b:s3+s21], $0x80, v3, vm0, $0xb8;
	[tilespmem:$0x18200] =	vst v63  }
0x1bd: {  	_ = 	snop  }
0x1be: {  	[tilespmem:s26], [sflag:$0x2] =	stream.indirect_vreg.gather [hbm4b:s8+s21], $0x80, v3, vm0, $0xb8;
	[tilespmem:$0x18200] =	vst v63  }
0x1bf: {  	_ = 	snop  }
0x1c0: {  	[tilespmem:s4], [sflag:$0x2] =	stream.indirect_vreg.gather [hbm4b:s10+s21], $0x80, v3, vm0, $0xb8;
	[tilespmem:$0x18200] =	vst v63  }
0x1c1: {  	_ = 	snop  }
0x1c2: {  	[tilespmem:s28], [sflag:$0x2] =	stream.indirect_vreg.gather [hbm4b:s11+s21], $0x80, v3, vm0, $0xb8;
	[tilespmem:$0x18200] =	vst v63  }
0x1c3: {  	v3 =	vld [tilespmem:$0xB0];
	_ =	sdelay $0x4  }
0x1c4: {  	v4 =	vshll.u32 v3, $0x3  }
0x1c5: {  	v3 =	vand.u32 $0x7, v3;
	v4 =	vand.u32 $0xFFFFFFC0, v4  }
0x1c6: {  	v3 =	vor.u32 v3, v4  }
0x1c7: {  	v4 =	vperm.xlane v3, v0;
	_ =	sdelay $0x1  }
0x1c8: {  	v4 =	vadd.s32 v1, v4;
	_ =	sdelay $0x4  }
0x1c9: {  	[tilespmem:s5], [sflag:$0x2] =	stream.indirect_vreg.gather [hbm4b:s3+s21], $0x80, v4, vm0, $0xb8;
	[tilespmem:$0x18200] =	vst v63  }
0x1ca: {  	v3 =	vperm.xlane v3, v2  }
0x1cb: {  	[tilespmem:s29], [sflag:$0x2] =	stream.indirect_vreg.gather [hbm4b:s8+s21], $0x80, v4, vm0, $0xb8;
	[tilespmem:$0x18200] =	vst v63  }
0x1cc: {  	v3 =	vadd.s32 v1, v3  }
0x1cd: {  	[tilespmem:s6], [sflag:$0x2] =	stream.indirect_vreg.gather [hbm4b:s10+s21], $0x80, v4, vm0, $0xb8;
	[tilespmem:$0x18200] =	vst v63  }
0x1ce: {  	_ = 	snop  }
0x1cf: {  	[tilespmem:s30], [sflag:$0x2] =	stream.indirect_vreg.gather [hbm4b:s11+s21], $0x80, v4, vm0, $0xb8;
	[tilespmem:$0x18200] =	vst v63  }
0x1d0: {  	_ = 	snop  }
0x1d1: {  	[tilespmem:s31], [sflag:$0x2] =	stream.indirect_vreg.gather [hbm4b:s3+s21], $0x80, v3, vm0, $0xb8;
	[tilespmem:$0x18200] =	vst v63  }
0x1d2: {  	_ = 	snop  }
0x1d3: {  	[tilespmem:s7], [sflag:$0x2] =	stream.indirect_vreg.gather [hbm4b:s8+s21], $0x80, v3, vm0, $0xb8;
	[tilespmem:$0x18200] =	vst v63  }
0x1d4: {  	_ = 	snop  }
0x1d5: {  	[tilespmem:s1], [sflag:$0x2] =	stream.indirect_vreg.gather [hbm4b:s10+s21], $0x80, v3, vm0, $0xb8;
	[tilespmem:$0x18200] =	vst v63  }
0x1d6: {  	_ = 	snop  }
0x1d7: {  	[tilespmem:s0], [sflag:$0x2] =	stream.indirect_vreg.gather [hbm4b:s11+s21], $0x80, v3, vm0, $0xb8;
	[tilespmem:$0x18200] =	vst v63  }
0x1d8: {  	_ =	swait.ge [sflag:s12], $0x4000  }
0x1d9: {  	[sflag:s12] =	ssyncset.done $0x0  }
0x1da: {  	[sflag:s12] =	ssyncadd.s32 $0xFFFFC000  }
0x1db: {  	s23 =	sand.u32 $0x70, s21;
	s24 =	sand.u32 $0x1C00, s21;
	v21 =	vld [tilespmem:$0x120]  }
0x1dc: {  	s14 =	sor.u32 s23, s24;
	v22 =	vld [tilespmem:$0x1A0]  }
0x1dd: {  	v17 =	vld [tilespmem:s14+$0x400]  }
0x1de: {  	v18 =	vld [tilespmem:s14+$0x4300]  }
0x1df: {  	v19 =	vld [tilespmem:s14+$0x4500]  }
0x1e0: {  	v20 =	vld [tilespmem:s14+$0x4400]  }
0x1e1: {  	v23 =	vld [tilespmem:s14+$0x280]  }
0x1e2: {  	v24 =	vld [tilespmem:s14+$0x500];
	v3 =	vbroadcast v21, $0x0;
	v4 =	vbroadcast v22, $0x0  }
0x1e3: {  	v25 =	vld [tilespmem:s14+$0x300];
	v5 =	vbroadcast v21, $0x1;
	v6 =	vbroadcast v22, $0x1  }
0x1e4: {  	v26 =	vld [tilespmem:s14+$0x4200];
	v7 =	vbroadcast v21, $0x2;
	v8 =	vbroadcast v22, $0x2  }
0x1e5: {  	v27 =	vld [tilespmem:s14+$0x4280];
	v9 =	vbroadcast v21, $0x3;
	v10 =	vbroadcast v22, $0x3  }
0x1e6: {  	v28 =	vld [tilespmem:s14+$0x380];
	v11 =	vbroadcast v21, $0x4;
	v12 =	vbroadcast v22, $0x4  }
0x1e7: {  	v29 =	vld [tilespmem:s14+$0x200];
	v13 =	vbroadcast v21, $0x6;
	v14 =	vbroadcast v22, $0x6  }
0x1e8: {  	v30 =	vld [tilespmem:s14+$0x4480];
	v15 =	vbroadcast v21, $0x5;
	v16 =	vbroadcast v22, $0x5  }
0x1e9: {  	v31 =	vld [tilespmem:s14+$0x480];
	v19 =	vmul.f32 v19, v14;
	v24 =	vmul.f32 v24, v13  }
0x1ea: {  	v32 =	vld [tilespmem:s14+$0x4380];
	v18 =	vmul.f32 v18, v8;
	v25 =	vmul.f32 v25, v7  }
0x1eb: {  	v20 =	vmul.f32 v20, v12;
	v17 =	vmul.f32 v17, v11;
	v19 =	vadd.f32 v19, v24  }
0x1ec: {  	v23 =	vmul.f32 v23, v5;
	v24 =	vmul.f32 v27, v6;
	v18 =	vadd.f32 v18, v25  }
0x1ed: {  	v25 =	vmul.f32 v26, v4;
	v26 =	vmul.f32 v29, v3;
	v17 =	vadd.f32 v20, v17;
	[tilespmem:s14+$0x10500] =	vst v19  }
0x1ee: {  	v20 =	vmul.f32 v30, v16;
	v19 =	vadd.f32 v24, v23;
	[tilespmem:s14+$0x10300] =	vst v18;
	v18 =	vmul.f32 v31, v15  }
0x1ef: {  	v23 =	vmul.f32 v28, v9;
	v24 =	vadd.f32 v25, v26;
	v25 =	vmul.f32 v32, v10;
	[tilespmem:s14+$0x10400] =	vst v17  }
0x1f0: {  	[tilespmem:s14+$0x10280] =	vst v19;
	v17 =	vadd.f32 v20, v18  }
0x1f1: {  	v18 =	vadd.f32 v25, v23;
	[tilespmem:s14+$0x10200] =	vst v24  }
0x1f2: {  	s15 =	sor.u32 s21, s21;
	[tilespmem:s14+$0x10480] =	vst v17  }
0x1f3: {  	s22 =	sor.u32 $0x380, s15;
	[tilespmem:s14+$0x10380] =	vst v18  }
0x1f4: {  	v17 =	vld [tilespmem:s22+$0x200]  }
0x1f5: {  	v18 =	vld [tilespmem:s22+$0x4200];
	_ =	sdelay $0x2  }
0x1f6: {  	v29 =	vbroadcast v21, $0x7;
	v32 =	vbroadcast v22, $0x7;
	_ =	sdelay $0x1  }
0x1f7: {  	v17 =	vmul.f32 v17, v29;
	v18 =	vmul.f32 v18, v32  }
0x1f8: {  	v33 =	vbroadcast v21, $0xE;
	v34 =	vbroadcast v22, $0xE  }
0x1f9: {  	v30 =	vbroadcast v21, $0x8;
	v27 =	vbroadcast v21, $0xD;
	v25 =	vadd.f32 v18, v17  }
0x1fa: {  	v31 =	vbroadcast v22, $0x8;
	v26 =	vbroadcast v22, $0xC  }
0x1fb: {  	v28 =	vbroadcast v22, $0xD;
	v20 =	vbroadcast v21, $0x9;
	[tilespmem:s22+$0x10200] =	vst v25  }
0x1fc: {  	v19 =	vbroadcast v22, $0x9;
	v23 =	vbroadcast v21, $0xB;
	v37 =	vld [tilespmem:s14+$0x2200]  }
0x1fd: {  	v24 =	vbroadcast v22, $0xB;
	v17 =	vbroadcast v21, $0xA;
	v38 =	vld [tilespmem:s14+$0x6200]  }
0x1fe: {  	v18 =	vbroadcast v22, $0xA;
	v22 =	vbroadcast v22, $0xF;
	v35 =	vld [tilespmem:s14+$0x2480]  }
0x1ff: {  	v25 =	vbroadcast v21, $0xC;
	v21 =	vbroadcast v21, $0xF;
	s22 =	simm.s32 $0x10;
	v36 =	vld [tilespmem:s14+$0x6400]  }
.LBB2_6:
0x200: {  	p0 =	sne.s32 s22, $0x3F0  }
0x201: {  	v39 =	vld [tilespmem:s14+$0x6500];
	s21 =	sadd.s32 $0x80, s21;
	s23 =	smov.u32 s22;
	s22 =	sadd.s32 $0x10, s22  }
0x202: {  	v40 =	vld [tilespmem:s14+$0x2500]  }
0x203: {  	v37 =	vmul.f32 v37, v30;
	v38 =	vmul.f32 v38, v31;
	v41 =	vld [tilespmem:s14+$0x6480]  }
0x204: {  	v42 =	vld [tilespmem:s14+$0x2400]  }
0x205: {  	v37 =	vadd.f32 v38, v37;
	v38 =	vld [tilespmem:s14+$0x6300]  }
0x206: {  	v43 =	vld [tilespmem:s14+$0x6380];
	v39 =	vmul.f32 v39, v34  }
0x207: {  	[tilespmem:s14+$0x12200] =	vst v37;
	v37 =	vld [tilespmem:s14+$0x2380];
	v40 =	vmul.f32 v40, v33  }
0x208: {  	v44 =	vld [tilespmem:s14+$0x2280]  }
0x209: {  	v45 =	vld [tilespmem:s14+$0x6280];
	v39 =	vadd.f32 v39, v40  }
0x20a: {  	v36 =	vmul.f32 v36, v26;
	v42 =	vmul.f32 v42, v25;
	v40 =	vld [tilespmem:s14+$0x2300]  }
0x20b: {  	v35 =	vmul.f32 v35, v27;
	v41 =	vmul.f32 v41, v28;
	[tilespmem:s14+$0x12500] =	vst v39  }
0x20c: {  	v39 =	vmul.f32 v43, v24;
	v36 =	vadd.f32 v36, v42;
	v37 =	vmul.f32 v37, v23  }
0x20d: {  	v35 =	vadd.f32 v41, v35;
	v42 =	vmul.f32 v44, v20  }
0x20e: {  	v41 =	vmul.f32 v45, v19;
	v37 =	vadd.f32 v39, v37;
	[tilespmem:s14+$0x12400] =	vst v36  }
0x20f: {  	v38 =	vmul.f32 v38, v18;
	v36 =	vmul.f32 v40, v17;
	[tilespmem:s14+$0x12480] =	vst v35  }
0x210: {  	v35 =	vadd.f32 v41, v42;
	[tilespmem:s14+$0x12380] =	vst v37  }
0x211: {  	v36 =	vadd.f32 v38, v36  }
0x212: {  	[tilespmem:s14+$0x12280] =	vst v35  }
0x213: {  	s15 =	sor.u32 $0x2380, s15;
	[tilespmem:s14+$0x12300] =	vst v36  }
0x214: {  	v35 =	vld [tilespmem:s15+$0x200]  }
0x215: {  	v36 =	vld [tilespmem:s15+$0x4200];
	_ =	sdelay $0x3  }
0x216: {  	v35 =	vmul.f32 v35, v21  }
0x217: {  	v36 =	vmul.f32 v36, v22;
	_ =	sdelay $0x1  }
0x218: {  	v35 =	vadd.f32 v36, v35  }
0x219: {  	s24 =	sand.u32 $0x1C00, s21;
	s14 =	sand.u32 $0x70, s23  }
0x21a: {  	s14 =	sor.u32 s14, s24;
	[tilespmem:s15+$0x10200] =	vst v35  }
0x21b: {  	v35 =	vld [tilespmem:s14+$0x400]  }
0x21c: {  	v36 =	vld [tilespmem:s14+$0x4300]  }
0x21d: {  	v37 =	vld [tilespmem:s14+$0x4500]  }
0x21e: {  	v38 =	vld [tilespmem:s14+$0x4400]  }
0x21f: {  	v39 =	vld [tilespmem:s14+$0x280]  }
0x220: {  	v40 =	vld [tilespmem:s14+$0x500]  }
0x221: {  	v41 =	vld [tilespmem:s14+$0x300]  }
0x222: {  	v42 =	vld [tilespmem:s14+$0x4200]  }
0x223: {  	v37 =	vmul.f32 v37, v14;
	v43 =	vld [tilespmem:s14+$0x4280]  }
0x224: {  	v36 =	vmul.f32 v36, v8;
	v44 =	vld [tilespmem:s14+$0x380]  }
0x225: {  	v39 =	vmul.f32 v39, v5;
	v45 =	vld [tilespmem:s14+$0x200];
	v40 =	vmul.f32 v40, v13  }
0x226: {  	v41 =	vmul.f32 v41, v7;
	v46 =	vld [tilespmem:s14+$0x4480]  }
0x227: {  	v38 =	vmul.f32 v38, v12;
	v42 =	vmul.f32 v42, v4;
	v47 =	vld [tilespmem:s14+$0x4380];
	v37 =	vadd.f32 v37, v40  }
0x228: {  	v35 =	vmul.f32 v35, v11;
	v40 =	vmul.f32 v43, v6;
	v36 =	vadd.f32 v36, v41;
	v41 =	vld [tilespmem:s14+$0x480]  }
0x229: {  	v43 =	vmul.f32 v44, v9  }
0x22a: {  	v35 =	vadd.f32 v38, v35;
	v44 =	vmul.f32 v45, v3;
	v39 =	vadd.f32 v40, v39;
	_ =	sdelay $0x1  }
0x22b: {  	v38 =	vadd.f32 v42, v44;
	v40 =	vmul.f32 v47, v10;
	[tilespmem:s14+$0x10500] =	vst v37  }
0x22c: {  	v37 =	vmul.f32 v46, v16;
	[tilespmem:s14+$0x10300] =	vst v36;
	v36 =	vmul.f32 v41, v15  }
0x22d: {  	v40 =	vadd.f32 v40, v43;
	[tilespmem:s14+$0x10400] =	vst v35  }
0x22e: {  	[tilespmem:s14+$0x10280] =	vst v39;
	v35 =	vadd.f32 v37, v36  }
0x22f: {  	[tilespmem:s14+$0x10200] =	vst v38  }
0x230: {  	s15 =	sor.u32 s23, s21;
	[tilespmem:s14+$0x10480] =	vst v35  }
0x231: {  	s23 =	sor.u32 $0x380, s15;
	[tilespmem:s14+$0x10380] =	vst v40  }
0x232: {  	v35 =	vld [tilespmem:s23+$0x200]  }
0x233: {  	v36 =	vld [tilespmem:s23+$0x4200];
	_ =	sdelay $0x4  }
0x234: {  	v35 =	vmul.f32 v35, v29;
	v36 =	vmul.f32 v36, v32;
	_ =	sdelay $0x1  }
0x235: {  	v35 =	vadd.f32 v36, v35;
	_ =	sdelay $0x1  }
.Ltmp2:
0x236: {  	[tilespmem:s23+$0x10200] =	vst v35;
	(pc) =	sbr.rel @p0 .LBB2_6-.Ltmp2, $4  }
0x237: {  	v37 =	vld [tilespmem:s14+$0x2200]  }
0x238: {  	v38 =	vld [tilespmem:s14+$0x6200]  }
0x239: {  	v35 =	vld [tilespmem:s14+$0x2480]  }
0x23a: {  	v36 =	vld [tilespmem:s14+$0x6400]  }
0x23b: {  	v3 =	vld [tilespmem:s14+$0x6500]  }
0x23c: {  	v4 =	vld [tilespmem:s14+$0x2500]  }
0x23d: {  	v7 =	vld [tilespmem:s14+$0x6480]  }
0x23e: {  	v8 =	vld [tilespmem:s14+$0x2400]  }
0x23f: {  	v9 =	vld [tilespmem:s14+$0x6380]  }
0x240: {  	v10 =	vld [tilespmem:s14+$0x2280];
	v5 =	vmul.f32 v37, v30;
	v6 =	vmul.f32 v38, v31  }
0x241: {  	v11 =	vld [tilespmem:s14+$0x6280]  }
0x242: {  	v12 =	vld [tilespmem:s14+$0x2300];
	v5 =	vadd.f32 v6, v5  }
0x243: {  	v6 =	vld [tilespmem:s14+$0x6300];
	v3 =	vmul.f32 v3, v34;
	v4 =	vmul.f32 v4, v33  }
0x244: {  	v13 =	vmul.f32 v36, v26;
	v8 =	vmul.f32 v8, v25;
	[tilespmem:s14+$0x12200] =	vst v5;
	v5 =	vld [tilespmem:s14+$0x2380]  }
0x245: {  	v7 =	vmul.f32 v7, v28;
	v3 =	vadd.f32 v3, v4;
	v4 =	vmul.f32 v35, v27  }
0x246: {  	v8 =	vadd.f32 v13, v8  }
0x247: {  	[tilespmem:s14+$0x12500] =	vst v3;
	v3 =	vmul.f32 v10, v20;
	v4 =	vadd.f32 v7, v4;
	v7 =	vmul.f32 v11, v19  }
0x248: {  	[tilespmem:s14+$0x12400] =	vst v8;
	v8 =	vmul.f32 v12, v17;
	v6 =	vmul.f32 v6, v18  }
0x249: {  	v9 =	vmul.f32 v9, v24;
	v5 =	vmul.f32 v5, v23;
	v3 =	vadd.f32 v7, v3  }
0x24a: {  	[tilespmem:s14+$0x12480] =	vst v4;
	v4 =	vadd.f32 v6, v8  }
0x24b: {  	v5 =	vadd.f32 v9, v5;
	[tilespmem:s14+$0x12280] =	vst v3  }
0x24c: {  	[tilespmem:s14+$0x12300] =	vst v4  }
0x24d: {  	s21 =	sor.u32 $0x2380, s15;
	[tilespmem:s14+$0x12380] =	vst v5  }
0x24e: {  	v3 =	vld [tilespmem:s21+$0x200]  }
0x24f: {  	v4 =	vld [tilespmem:s21+$0x4200];
	_ =	sdelay $0x4  }
0x250: {  	v3 =	vmul.f32 v3, v21;
	v4 =	vmul.f32 v4, v22;
	_ =	sdelay $0x1  }
0x251: {  	v3 =	vadd.f32 v4, v3;
	_ =	sdelay $0x1  }
0x252: {  	s22 =	rddreg [dreg:$0x8];
	[tilespmem:s21+$0x10200] =	vst v3;
	s21 =	simm.s32 $0x0  }
0x253: {  	[hbm4b:s22+s21] =	stream.linear.scatter [tilespmem:s17], [sflag:$0x3], $0x4000, $0x38;
	[tilespmem:$0x18200] =	vst v63  }
0x254: {  	_ =	swait.ge [sflag:s18], $0x4000  }
0x255: {  	[sflag:s18] =	ssyncset.done $0x0  }
0x256: {  	[sflag:s18] =	ssyncadd.s32 $0xFFFFC000  }
0x257: {  	_ =	swait.ge [sflag:s18], $0x4000  }
0x258: {  	[sflag:s18] =	ssyncset.done $0x0  }
0x259: {  	[sflag:s18] =	ssyncadd.s32 $0xFFFFC000  }
0x25a: {  	_ =	swait.ge [sflag:s12], $0x4000  }
0x25b: {  	[sflag:s12] =	ssyncset.done $0x0  }
0x25c: {  	[sflag:s12] =	ssyncadd.s32 $0xFFFFC000  }
0x25d: {  	s23 =	sand.u32 $0x70, s21;
	s24 =	sand.u32 $0x1C00, s21;
	v21 =	vld [tilespmem:$0x130]  }
0x25e: {  	s14 =	sor.u32 s23, s24;
	v22 =	vld [tilespmem:$0x1B0]  }
0x25f: {  	v17 =	vld [tilespmem:s14+$0x8400]  }
0x260: {  	v18 =	vld [tilespmem:s14+$0xC300]  }
0x261: {  	v19 =	vld [tilespmem:s14+$0xC500]  }
0x262: {  	v20 =	vld [tilespmem:s14+$0xC400]  }
0x263: {  	v23 =	vld [tilespmem:s14+$0x8280]  }
0x264: {  	v24 =	vld [tilespmem:s14+$0x8500];
	v3 =	vbroadcast v21, $0x0;
	v4 =	vbroadcast v22, $0x0  }
0x265: {  	v25 =	vld [tilespmem:s14+$0x8300];
	v5 =	vbroadcast v21, $0x1;
	v6 =	vbroadcast v22, $0x1  }
0x266: {  	v26 =	vld [tilespmem:s14+$0xC200];
	v7 =	vbroadcast v21, $0x2;
	v8 =	vbroadcast v22, $0x2  }
0x267: {  	v27 =	vld [tilespmem:s14+$0xC280];
	v9 =	vbroadcast v21, $0x3;
	v10 =	vbroadcast v22, $0x3  }
0x268: {  	v28 =	vld [tilespmem:s14+$0x8380];
	v11 =	vbroadcast v21, $0x4;
	v12 =	vbroadcast v22, $0x4  }
0x269: {  	v29 =	vld [tilespmem:s14+$0x8200];
	v13 =	vbroadcast v21, $0x6;
	v14 =	vbroadcast v22, $0x6  }
0x26a: {  	v30 =	vld [tilespmem:s14+$0xC480];
	v15 =	vbroadcast v21, $0x5;
	v16 =	vbroadcast v22, $0x5  }
0x26b: {  	v31 =	vld [tilespmem:s14+$0x8480];
	v19 =	vmul.f32 v19, v14;
	v24 =	vmul.f32 v24, v13  }
0x26c: {  	v32 =	vld [tilespmem:s14+$0xC380];
	v18 =	vmul.f32 v18, v8;
	v25 =	vmul.f32 v25, v7  }
0x26d: {  	v20 =	vmul.f32 v20, v12;
	v17 =	vmul.f32 v17, v11;
	v19 =	vadd.f32 v19, v24  }
0x26e: {  	v23 =	vmul.f32 v23, v5;
	v24 =	vmul.f32 v27, v6;
	v18 =	vadd.f32 v18, v25  }
0x26f: {  	v25 =	vmul.f32 v26, v4;
	v26 =	vmul.f32 v29, v3;
	v17 =	vadd.f32 v20, v17;
	[tilespmem:s14+$0x14500] =	vst v19  }
0x270: {  	v20 =	vmul.f32 v30, v16;
	v19 =	vadd.f32 v24, v23;
	[tilespmem:s14+$0x14300] =	vst v18;
	v18 =	vmul.f32 v31, v15  }
0x271: {  	v23 =	vmul.f32 v28, v9;
	v24 =	vadd.f32 v25, v26;
	v25 =	vmul.f32 v32, v10;
	[tilespmem:s14+$0x14400] =	vst v17  }
0x272: {  	[tilespmem:s14+$0x14280] =	vst v19;
	v17 =	vadd.f32 v20, v18  }
0x273: {  	v18 =	vadd.f32 v25, v23;
	[tilespmem:s14+$0x14200] =	vst v24  }
0x274: {  	s15 =	sor.u32 s21, s21;
	[tilespmem:s14+$0x14480] =	vst v17  }
0x275: {  	s22 =	sor.u32 $0x380, s15;
	[tilespmem:s14+$0x14380] =	vst v18  }
0x276: {  	v17 =	vld [tilespmem:s22+$0x8200]  }
0x277: {  	v18 =	vld [tilespmem:s22+$0xC200];
	_ =	sdelay $0x2  }
0x278: {  	v29 =	vbroadcast v21, $0x7;
	v32 =	vbroadcast v22, $0x7;
	_ =	sdelay $0x1  }
0x279: {  	v17 =	vmul.f32 v17, v29;
	v18 =	vmul.f32 v18, v32  }
0x27a: {  	v33 =	vbroadcast v21, $0xE;
	v34 =	vbroadcast v22, $0xE  }
0x27b: {  	v30 =	vbroadcast v21, $0x8;
	v27 =	vbroadcast v21, $0xD;
	v25 =	vadd.f32 v18, v17  }
0x27c: {  	v31 =	vbroadcast v22, $0x8;
	v26 =	vbroadcast v22, $0xC  }
0x27d: {  	v28 =	vbroadcast v22, $0xD;
	v20 =	vbroadcast v21, $0x9;
	[tilespmem:s22+$0x14200] =	vst v25  }
0x27e: {  	v19 =	vbroadcast v22, $0x9;
	v23 =	vbroadcast v21, $0xB;
	v37 =	vld [tilespmem:s14+$0xA200]  }
0x27f: {  	v24 =	vbroadcast v22, $0xB;
	v17 =	vbroadcast v21, $0xA;
	v38 =	vld [tilespmem:s14+$0xE200]  }
0x280: {  	v18 =	vbroadcast v22, $0xA;
	v22 =	vbroadcast v22, $0xF;
	v35 =	vld [tilespmem:s14+$0xA480]  }
0x281: {  	v25 =	vbroadcast v21, $0xC;
	v21 =	vbroadcast v21, $0xF;
	s22 =	simm.s32 $0x10;
	v36 =	vld [tilespmem:s14+$0xE400]  }
.LBB2_8:
0x282: {  	p0 =	sne.s32 s22, $0x3F0  }
0x283: {  	v39 =	vld [tilespmem:s14+$0xE500];
	s21 =	sadd.s32 $0x80, s21;
	s23 =	smov.u32 s22;
	s22 =	sadd.s32 $0x10, s22  }
0x284: {  	v40 =	vld [tilespmem:s14+$0xA500]  }
0x285: {  	v37 =	vmul.f32 v37, v30;
	v38 =	vmul.f32 v38, v31;
	v41 =	vld [tilespmem:s14+$0xE480]  }
0x286: {  	v42 =	vld [tilespmem:s14+$0xA400]  }
0x287: {  	v37 =	vadd.f32 v38, v37;
	v38 =	vld [tilespmem:s14+$0xE300]  }
0x288: {  	v43 =	vld [tilespmem:s14+$0xE380];
	v39 =	vmul.f32 v39, v34  }
0x289: {  	[tilespmem:s14+$0x16200] =	vst v37;
	v37 =	vld [tilespmem:s14+$0xA380];
	v40 =	vmul.f32 v40, v33  }
0x28a: {  	v44 =	vld [tilespmem:s14+$0xA280]  }
0x28b: {  	v45 =	vld [tilespmem:s14+$0xE280];
	v39 =	vadd.f32 v39, v40  }
0x28c: {  	v36 =	vmul.f32 v36, v26;
	v42 =	vmul.f32 v42, v25;
	v40 =	vld [tilespmem:s14+$0xA300]  }
0x28d: {  	v35 =	vmul.f32 v35, v27;
	v41 =	vmul.f32 v41, v28;
	[tilespmem:s14+$0x16500] =	vst v39  }
0x28e: {  	v39 =	vmul.f32 v43, v24;
	v36 =	vadd.f32 v36, v42;
	v37 =	vmul.f32 v37, v23  }
0x28f: {  	v35 =	vadd.f32 v41, v35;
	v42 =	vmul.f32 v44, v20  }
0x290: {  	v41 =	vmul.f32 v45, v19;
	v37 =	vadd.f32 v39, v37;
	[tilespmem:s14+$0x16400] =	vst v36  }
0x291: {  	v38 =	vmul.f32 v38, v18;
	v36 =	vmul.f32 v40, v17;
	[tilespmem:s14+$0x16480] =	vst v35  }
0x292: {  	v35 =	vadd.f32 v41, v42;
	[tilespmem:s14+$0x16380] =	vst v37  }
0x293: {  	v36 =	vadd.f32 v38, v36  }
0x294: {  	[tilespmem:s14+$0x16280] =	vst v35  }
0x295: {  	s15 =	sor.u32 $0x2380, s15;
	[tilespmem:s14+$0x16300] =	vst v36  }
0x296: {  	v35 =	vld [tilespmem:s15+$0x8200]  }
0x297: {  	v36 =	vld [tilespmem:s15+$0xC200];
	_ =	sdelay $0x3  }
0x298: {  	v35 =	vmul.f32 v35, v21  }
0x299: {  	v36 =	vmul.f32 v36, v22;
	_ =	sdelay $0x1  }
0x29a: {  	v35 =	vadd.f32 v36, v35  }
0x29b: {  	s24 =	sand.u32 $0x1C00, s21;
	s14 =	sand.u32 $0x70, s23  }
0x29c: {  	s14 =	sor.u32 s14, s24;
	[tilespmem:s15+$0x14200] =	vst v35  }
0x29d: {  	v35 =	vld [tilespmem:s14+$0x8400]  }
0x29e: {  	v36 =	vld [tilespmem:s14+$0xC300]  }
0x29f: {  	v37 =	vld [tilespmem:s14+$0xC500]  }
0x2a0: {  	v38 =	vld [tilespmem:s14+$0xC400]  }
0x2a1: {  	v39 =	vld [tilespmem:s14+$0x8280]  }
0x2a2: {  	v40 =	vld [tilespmem:s14+$0x8500]  }
0x2a3: {  	v41 =	vld [tilespmem:s14+$0x8300]  }
0x2a4: {  	v42 =	vld [tilespmem:s14+$0xC200]  }
0x2a5: {  	v37 =	vmul.f32 v37, v14;
	v43 =	vld [tilespmem:s14+$0xC280]  }
0x2a6: {  	v36 =	vmul.f32 v36, v8;
	v44 =	vld [tilespmem:s14+$0x8380]  }
0x2a7: {  	v39 =	vmul.f32 v39, v5;
	v45 =	vld [tilespmem:s14+$0x8200];
	v40 =	vmul.f32 v40, v13  }
0x2a8: {  	v41 =	vmul.f32 v41, v7;
	v46 =	vld [tilespmem:s14+$0xC480]  }
0x2a9: {  	v38 =	vmul.f32 v38, v12;
	v42 =	vmul.f32 v42, v4;
	v47 =	vld [tilespmem:s14+$0xC380];
	v37 =	vadd.f32 v37, v40  }
0x2aa: {  	v35 =	vmul.f32 v35, v11;
	v40 =	vmul.f32 v43, v6;
	v36 =	vadd.f32 v36, v41;
	v41 =	vld [tilespmem:s14+$0x8480]  }
0x2ab: {  	v43 =	vmul.f32 v44, v9  }
0x2ac: {  	v35 =	vadd.f32 v38, v35;
	v44 =	vmul.f32 v45, v3;
	v39 =	vadd.f32 v40, v39;
	_ =	sdelay $0x1  }
0x2ad: {  	v38 =	vadd.f32 v42, v44;
	v40 =	vmul.f32 v47, v10;
	[tilespmem:s14+$0x14500] =	vst v37  }
0x2ae: {  	v37 =	vmul.f32 v46, v16;
	[tilespmem:s14+$0x14300] =	vst v36;
	v36 =	vmul.f32 v41, v15  }
0x2af: {  	v40 =	vadd.f32 v40, v43;
	[tilespmem:s14+$0x14400] =	vst v35  }
0x2b0: {  	[tilespmem:s14+$0x14280] =	vst v39;
	v35 =	vadd.f32 v37, v36  }
0x2b1: {  	[tilespmem:s14+$0x14200] =	vst v38  }
0x2b2: {  	s15 =	sor.u32 s23, s21;
	[tilespmem:s14+$0x14480] =	vst v35  }
0x2b3: {  	s23 =	sor.u32 $0x380, s15;
	[tilespmem:s14+$0x14380] =	vst v40  }
0x2b4: {  	v35 =	vld [tilespmem:s23+$0x8200]  }
0x2b5: {  	v36 =	vld [tilespmem:s23+$0xC200];
	_ =	sdelay $0x4  }
0x2b6: {  	v35 =	vmul.f32 v35, v29;
	v36 =	vmul.f32 v36, v32;
	_ =	sdelay $0x1  }
0x2b7: {  	v35 =	vadd.f32 v36, v35;
	_ =	sdelay $0x1  }
.Ltmp3:
0x2b8: {  	[tilespmem:s23+$0x14200] =	vst v35;
	(pc) =	sbr.rel @p0 .LBB2_8-.Ltmp3, $4  }
0x2b9: {  	v37 =	vld [tilespmem:s14+$0xA200]  }
0x2ba: {  	v38 =	vld [tilespmem:s14+$0xE200]  }
0x2bb: {  	v35 =	vld [tilespmem:s14+$0xA480]  }
0x2bc: {  	v36 =	vld [tilespmem:s14+$0xE400]  }
0x2bd: {  	v3 =	vld [tilespmem:s14+$0xE500]  }
0x2be: {  	v4 =	vld [tilespmem:s14+$0xA500]  }
0x2bf: {  	v7 =	vld [tilespmem:s14+$0xE480]  }
0x2c0: {  	v8 =	vld [tilespmem:s14+$0xA400]  }
0x2c1: {  	v58 =	vld [tilespmem:s14+$0xE300]  }
0x2c2: {  	v9 =	vld [tilespmem:s14+$0xE380]  }
0x2c3: {  	v59 =	vld [tilespmem:s14+$0xA380]  }
0x2c4: {  	v12 =	vld [tilespmem:s14+$0xA300]  }
0x2c5: {  	v10 =	vld [tilespmem:s14+$0xA280];
	v5 =	vmul.f32 v37, v30;
	v6 =	vmul.f32 v38, v31  }
0x2c6: {  	v11 =	vld [tilespmem:s14+$0xE280];
	v3 =	vmul.f32 v3, v34;
	v4 =	vmul.f32 v4, v33  }
0x2c7: {  	v5 =	vadd.f32 v6, v5;
	v13 =	vmul.f32 v36, v26;
	v8 =	vmul.f32 v8, v25  }
0x2c8: {  	v60 =	vmul.f32 v35, v27;
	v7 =	vmul.f32 v7, v28;
	v3 =	vadd.f32 v3, v4  }
0x2c9: {  	v62 =	vmul.f32 v12, v17;
	v6 =	vmul.f32 v58, v18;
	[tilespmem:s14+$0x16200] =	vst v5;
	v8 =	vadd.f32 v13, v8  }
0x2ca: {  	v9 =	vmul.f32 v9, v24;
	v5 =	vmul.f32 v59, v23;
	v4 =	vadd.f32 v7, v60;
	[tilespmem:s14+$0x16500] =	vst v3  }
0x2cb: {  	v61 =	vmul.f32 v11, v19;
	v63 =	vadd.f32 v6, v62;
	v3 =	vmul.f32 v10, v20;
	[tilespmem:s14+$0x16400] =	vst v8  }
0x2cc: {  	v5 =	vadd.f32 v9, v5;
	[tilespmem:s14+$0x16480] =	vst v4  }
0x2cd: {  	[tilespmem:s14+$0x16300] =	vst v63;
	v3 =	vadd.f32 v61, v3  }
0x2ce: {  	[tilespmem:s14+$0x16380] =	vst v5  }
0x2cf: {  	s22 =	sor.u32 $0x2380, s15;
	[tilespmem:s14+$0x16280] =	vst v3  }
0x2d0: {  	v3 =	vld [tilespmem:s22+$0x8200]  }
0x2d1: {  	v4 =	vld [tilespmem:s22+$0xC200];
	_ =	sdelay $0x4  }
0x2d2: {  	v3 =	vmul.f32 v3, v21;
	v4 =	vmul.f32 v4, v22;
	_ =	sdelay $0x1  }
0x2d3: {  	v3 =	vadd.f32 v4, v3;
	_ =	sdelay $0x1  }
0x2d4: {  	s23 =	rddreg [dreg:$0x9];
	[tilespmem:s22+$0x14200] =	vst v3  }
0x2d5: {  	[hbm4b:s23+s2] =	stream.linear.scatter [tilespmem:s19], [sflag:$0x3], $0x4000, $0x38;
	[tilespmem:$0x18200] =	vst v63  }
0x2d6: {  	_ =	swait.ge [sflag:s12], $0x4000  }
0x2d7: {  	[sflag:s12] =	ssyncset.done $0x0  }
0x2d8: {  	[sflag:s12] =	ssyncadd.s32 $0xFFFFC000  }
0x2d9: {  	_ =	swait.ge [sflag:s12], $0x4000  }
0x2da: {  	s13 =	sadd.s32 $0x1, s13;
	s24 =	rddreg [dreg:$0xa]  }
0x2db: {  	p0 =	sne.s32 s13, s24  }
.Ltmp4:
0x2dc: {  	_ = 	snop;
	(pc) =	sbr.rel @p0 .LBB2_1-.Ltmp4, $3  }
0x2dd: {  	_ =	sdelay $0x1  }
0x2de: {  	[sflag:s12] =	ssyncset.done $0x0  }
0x2df: {  	[sflag:s12] =	ssyncadd.s32 $0xFFFFC000  }
0x2e0: {  	_ =	sfence.sel $0x180000  }
0x2e1: {  	[bflag:$0x0] =	sbarrier.arrive $0xFFFF  }
0x2e2: {  	_ =	strace $0x9000004A  }
0x2e3: {  	s0 =	stileid.u32;
	[bflag:$0x2] =	sbarrier.arrive $0xFFFF  }
0x2e4: {  	p0 =	sne.s32 s0, $0x0;
	s0 =	rddreg [dreg:$0x2]  }
0x2e5: {  	s0 =	sadd.s32 @!p0 $0x100000, s0  }
0x2e6: {  	[sflag:s0] =	ssyncadd.tile.s32 @!p0 $0x1;
	_ =	shalt  }
.Lfunc_end2:
_tile_overlayer_lowered:
.L_overlay_start_2:
0x2e7: {  	(tag) =	ssettag $0x2  }
0x2e8: {  	s0 =	rddreg [dreg:$0x0];
	s2 =	stileid.u32  }
0x2e9: {  	s1 =	rddreg [dreg:$0x1];
	p0 =	sne.s32 s2, $0x0  }
0x2ea: {  	s3 =	rddreg [dreg:$0x2];
	[bflag:$0x3] =	sbarrier.arrive $0xFFFF;
	s2 =	simm.s32 @!p0 $0x1C04  }
0x2eb: {  	[timem:s3], [sflag:s2] =	dma.local @!p0 [hbm:s0], s1  }
0x2ec: {  	s0 =	simm.s32 @!p0 $0x4  }
0x2ed: {  	_ =	swait.ge @!p0 [sflag:s0], s1  }
0x2ee: {  	s1 =	ssub.s32 @!p0 $0x0, s1;
	[sflag:s0] =	ssyncset.done @!p0 $0x0  }
0x2ef: {  	[sflag:s0] =	ssyncadd.s32 @!p0 s1  }
0x2f0: {  	[bflag:$0x3] =	sbarrier.arrive $0xFFFF  }
0x2f1: {  	_ =	shalt  }

</sc_bundles>
